<compile_context>
chip_gen: v7x
topology: tpu7x:2x2x1
jax: 0.10.2.dev20260603
libtpu: 0.0.44.dev20260713+nightly
codegen_flags: <defaults>
</compile_context>

<pallas_src>
import functools

import jax
import jax.numpy as jnp
from jax import lax
from jax.experimental import pallas as pl
from jax.experimental.pallas import tpu as pltpu
import jax.experimental.pallas.tpu_sc as plsc

N = 50000
E = 800000
D = 64
G = 256
NP = 51200
EP = 819200
MROWS = EP // 128
NBLK = NP // 512
EBLK = EP // 1024
TSL = NP // 16
WR = EP // 128 // 32
SROW = EP // 16 // 128
SUP = 2048
NSUP = EP // 16 // SUP
PASSES = ((0, 104), (104, 96))

_mesh = plsc.VectorSubcoreMesh(core_axis_name="c", subcore_axis_name="s")
_f32 = jnp.float32


def _prep_body(pos16, dst2, src2, pi_out, pj_out, deg_out,
               idx_d, idx_s, bufPi, bufPj, obuf, zbuf, degsp, sem):
    c = lax.axis_index("c")
    s = lax.axis_index("s")
    w = c * 16 + s

    @pl.loop(0, TSL // 16)
    def _z(i):
        zbuf[pl.ds(i * 16, 16)] = jnp.zeros((16,), _f32)

    pltpu.sync_copy(zbuf, degsp.at[pl.ds(s * TSL, TSL)])
    for i in range(8):
        obuf[pl.ds(i * 16, 16)] = jnp.ones((16,), _f32)
    plsc.subcore_barrier()

    for prow, pn in PASSES:
        row0 = w * WR + prow
        pltpu.sync_copy(dst2.at[pl.ds(row0, pn)], idx_d.at[pl.ds(0, pn)])
        pltpu.sync_copy(src2.at[pl.ds(row0, pn)], idx_s.at[pl.ds(0, pn)])

        @pl.loop(0, pn // 8)
        def _g(g):
            descs = []
            for j in range(8):
                descs.append(pltpu.async_copy(
                    pos16.at[idx_d.at[g * 8 + j]],
                    bufPi.at[pl.ds(j * 128, 128)], sem))
                descs.append(pltpu.async_copy(
                    pos16.at[idx_s.at[g * 8 + j]],
                    bufPj.at[pl.ds(j * 128, 128)], sem))
            for dd in descs:
                dd.wait()
            e0 = (row0 + g * 8) * 128
            pltpu.sync_copy(bufPi, pi_out.at[pl.ds(e0, 1024)])
            pltpu.sync_copy(bufPj, pj_out.at[pl.ds(e0, 1024)])
            for j in range(8):
                pltpu.sync_copy(obuf, degsp.at[idx_d.at[g * 8 + j]], add=True)

    plsc.subcore_barrier()
    pltpu.sync_copy(degsp.at[pl.ds(s * TSL, TSL)],
                    deg_out.at[pl.ds(c * NP + s * TSL, TSL)])


_prep = pl.kernel(
    _prep_body,
    out_type=[jax.ShapeDtypeStruct((EP, 16), _f32),
              jax.ShapeDtypeStruct((EP, 16), _f32),
              jax.ShapeDtypeStruct((2 * NP,), _f32)],
    mesh=_mesh,
    scratch_types=[pltpu.VMEM((104, 128), jnp.int32),
                   pltpu.VMEM((104, 128), jnp.int32),
                   pltpu.VMEM((1024, 16), _f32),
                   pltpu.VMEM((1024, 16), _f32),
                   pltpu.VMEM((128,), _f32),
                   pltpu.VMEM((TSL,), _f32),
                   pltpu.VMEM_SHARED((NP,), _f32),
                   pltpu.SemaphoreType.DMA],
    compiler_params=pltpu.CompilerParams(use_tc_tiling_on_sc=False, needs_layout_passes=False),
)


def _msg_body(a_tab, b_tab, c_all, dst1, src1, lsel, m_out,
              idx_d, idx_s, bufA, bufB, bufC, lbuf, sem):
    c = lax.axis_index("c")
    s = lax.axis_index("s")
    coff = c * NP
    pltpu.sync_copy(lsel, lbuf)
    lv = jnp.sum(lbuf[...])

    @pl.loop(0, NSUP)
    def _g(g):
        e0 = s * (EP // 16) + g * SUP
        cpd = pltpu.async_copy(c_all.at[c, lv, pl.ds(e0, SUP)], bufC, sem)
        pltpu.sync_copy(dst1.at[pl.ds(e0, SUP)], idx_d)
        pltpu.sync_copy(src1.at[pl.ds(e0, SUP)], idx_s)

        @pl.loop(0, SUP // 16)
        def _t(k):
            idx_d[pl.ds(k * 16, 16)] = idx_d[pl.ds(k * 16, 16)] + coff
            idx_s[pl.ds(k * 16, 16)] = idx_s[pl.ds(k * 16, 16)] + coff

        da = pltpu.async_copy(a_tab.at[idx_d], bufA, sem)
        db = pltpu.async_copy(b_tab.at[idx_s], bufB, sem)
        cpd.wait()
        da.wait()
        db.wait()

        @pl.loop(0, SUP // 8)
        def _r(rr):
            base = rr * 8
            for u in range(8):
                r = base + u
                v = (bufA[r, pl.ds(0, 32)] + bufB[r, pl.ds(0, 32)]
                     + bufC[r, pl.ds(0, 32)])
                bufA[r, pl.ds(0, 32)] = jnp.maximum(v, jnp.bfloat16(0.0))

        pltpu.sync_copy(bufA, m_out.at[c, pl.ds(e0, SUP)])


_msg = pl.kernel(
    _msg_body,
    out_type=[jax.ShapeDtypeStruct((2, EP, 32), jnp.bfloat16)],
    mesh=_mesh,
    scratch_types=[pltpu.VMEM((SUP,), jnp.int32),
                   pltpu.VMEM((SUP,), jnp.int32),
                   pltpu.VMEM((SUP, 32), jnp.bfloat16),
                   pltpu.VMEM((SUP, 32), jnp.bfloat16),
                   pltpu.VMEM((SUP, 32), jnp.bfloat16),
                   pltpu.VMEM((16,), jnp.int32),
                   pltpu.SemaphoreType.DMA],
    compiler_params=pltpu.CompilerParams(use_tc_tiling_on_sc=False, needs_layout_passes=False),
)


NP2 = NP // 2
ACC_R = NP2 + 128
DSL = NP2 // 16


def _agg_body(m, dst1, s_out, idx_d, idxl, bufM, zbuf, accsp, sem):
    c = lax.axis_index("c")
    s = lax.axis_index("s")
    for half in range(2):
        off = half * NP2

        @pl.loop(0, 800)
        def _z(r):
            zbuf[r, pl.ds(0, 32)] = jnp.zeros((32,), jnp.bfloat16)

        for q in range(2):
            pltpu.sync_copy(zbuf, accsp.at[pl.ds(s * DSL + q * 800, 800)])
        plsc.subcore_barrier()

        @pl.loop(0, NSUP)
        def _g(g):
            e0 = s * (EP // 16) + g * SUP
            cpm = pltpu.async_copy(m.at[c, pl.ds(e0, SUP)], bufM, sem)
            pltpu.sync_copy(dst1.at[pl.ds(e0, SUP)], idx_d)

            @pl.loop(0, SUP // 16)
            def _t(k):
                loc = idx_d[pl.ds(k * 16, 16)] - off
                bad = (loc < 0) | (loc >= NP2)
                idxl[pl.ds(k * 16, 16)] = jnp.where(bad, NP2, loc)

            cpm.wait()
            pltpu.sync_copy(bufM, accsp.at[idxl], add=True)

        plsc.subcore_barrier()
        pltpu.sync_copy(accsp.at[pl.ds(s * DSL, DSL)],
                        s_out.at[c, pl.ds(off + s * DSL, DSL)])


_agg = pl.kernel(
    _agg_body,
    out_type=[jax.ShapeDtypeStruct((2, NP, 32), jnp.bfloat16)],
    mesh=_mesh,
    scratch_types=[pltpu.VMEM((SUP,), jnp.int32),
                   pltpu.VMEM((SUP,), jnp.int32),
                   pltpu.VMEM((SUP, 32), jnp.bfloat16),
                   pltpu.VMEM((800, 32), jnp.bfloat16),
                   pltpu.VMEM_SHARED((ACC_R, 32), jnp.bfloat16),
                   pltpu.SemaphoreType.DMA],
    compiler_params=pltpu.CompilerParams(use_tc_tiling_on_sc=False, needs_layout_passes=False),
)


def _lin_in_body(x_ref, w_ref, b_ref, o_ref):
    o_ref[...] = jnp.dot(x_ref[...], w_ref[...],
                         preferred_element_type=_f32) + b_ref[...]


def _ab_body(h_ref, wi_ref, wj_ref, a_ref, b_ref):
    i = pl.program_id(0)
    h = h_ref[...]
    A = jnp.dot(h, wi_ref[...], preferred_element_type=_f32)
    B = jnp.dot(h, wj_ref[...], preferred_element_type=_f32)
    lo = i < NBLK
    a_ref[...] = jnp.where(lo, A[:, :32], A[:, 32:]).astype(jnp.bfloat16)
    b_ref[...] = jnp.where(lo, B[:, :32], B[:, 32:]).astype(jnp.bfloat16)


def _c_body(ea_ref, pi_ref, pj_ref, w_ref, wd_ref, b_ref, c_ref):
    dp = pi_ref[...] - pj_ref[...]
    d2 = jnp.sum(dp * dp, axis=1, keepdims=True)
    R = jnp.dot(ea_ref[...], w_ref[...], preferred_element_type=_f32)
    R = R + d2 * wd_ref[...] + b_ref[...]
    for cc in range(2):
        for l in range(4):
            c_ref[cc, l] = R[:, l * 64 + cc * 32:
                             l * 64 + (cc + 1) * 32].astype(jnp.bfloat16)


def _upd_body(h_ref, s2_ref, deg_ref, w2_ref, b2_ref,
              u1h_ref, u1a_ref, ub1_ref, u2_ref, ub2_ref, o_ref):
    S = jnp.concatenate([s2_ref[0], s2_ref[1]], axis=1).astype(_f32)
    degs = deg_ref[0] + deg_ref[1]
    agg = jnp.dot(S, w2_ref[...], preferred_element_type=_f32) \
        + degs * b2_ref[...]
    t = jnp.maximum(
        jnp.dot(h_ref[...], u1h_ref[...], preferred_element_type=_f32)
        + jnp.dot(agg, u1a_ref[...], preferred_element_type=_f32)
        + ub1_ref[...], 0.0)
    o_ref[...] = jnp.dot(t, u2_ref[...], preferred_element_type=_f32) \
        + ub2_ref[...]


def _pool_body(h_ref, b3_ref, hw_ref, hb_ref, o_ref, acc, cnt):
    i = pl.program_id(0)

    @pl.when(i == 0)
    def _():
        acc[...] = jnp.zeros_like(acc)
        cnt[...] = jnp.zeros_like(cnt)

    bv = b3_ref[0]
    iota = lax.broadcasted_iota(jnp.int32, (1, G), 1)
    oh = (bv == iota).astype(_f32)
    acc[...] += lax.dot_general(oh, h_ref[...], (((0,), (0,)), ((), ())),
                                preferred_element_type=_f32)
    cnt[...] += lax.dot_general(oh, jnp.ones((512, 1), _f32),
                                (((0,), (0,)), ((), ())),
                                preferred_element_type=_f32)

    @pl.when(i == NBLK - 1)
    def _():
        pooled = acc[...] / jnp.maximum(cnt[...], 1.0)
        o_ref[...] = jnp.dot(pooled, hw_ref[...],
                             preferred_element_type=_f32) + hb_ref[...]


_lin_in = pl.pallas_call(
    _lin_in_body,
    grid=(NBLK,),
    in_specs=[pl.BlockSpec((512, 16), lambda i: (i, 0)),
              pl.BlockSpec((16, 64), lambda i: (0, 0)),
              pl.BlockSpec((1, 64), lambda i: (0, 0))],
    out_specs=pl.BlockSpec((512, 64), lambda i: (i, 0)),
    out_shape=jax.ShapeDtypeStruct((NP, 64), _f32),
)

_ab = pl.pallas_call(
    _ab_body,
    grid=(2 * NBLK,),
    in_specs=[pl.BlockSpec((512, 64), lambda i: (i % NBLK, 0)),
              pl.BlockSpec((64, 64), lambda i: (0, 0)),
              pl.BlockSpec((64, 64), lambda i: (0, 0))],
    out_specs=[pl.BlockSpec((512, 32), lambda i: (i, 0)),
               pl.BlockSpec((512, 32), lambda i: (i, 0))],
    out_shape=[jax.ShapeDtypeStruct((2 * NP, 32), jnp.bfloat16),
               jax.ShapeDtypeStruct((2 * NP, 32), jnp.bfloat16)],
)

_cmat = pl.pallas_call(
    _c_body,
    grid=(EBLK,),
    in_specs=[pl.BlockSpec((1024, 16), lambda i: (i, 0)),
              pl.BlockSpec((1024, 16), lambda i: (i, 0)),
              pl.BlockSpec((1024, 16), lambda i: (i, 0)),
              pl.BlockSpec((16, 256), lambda i: (0, 0)),
              pl.BlockSpec((1, 256), lambda i: (0, 0)),
              pl.BlockSpec((1, 256), lambda i: (0, 0))],
    out_specs=pl.BlockSpec((2, 4, 1024, 32), lambda i: (0, 0, i, 0)),
    out_shape=jax.ShapeDtypeStruct((2, 4, EP, 32), jnp.bfloat16),
)

_upd = pl.pallas_call(
    _upd_body,
    grid=(NBLK,),
    in_specs=[pl.BlockSpec((512, 64), lambda i: (i, 0)),
              pl.BlockSpec((2, 512, 32), lambda i: (0, i, 0)),
              pl.BlockSpec((2, 512, 1), lambda i: (0, i, 0)),
              pl.BlockSpec((64, 64), lambda i: (0, 0)),
              pl.BlockSpec((1, 64), lambda i: (0, 0)),
              pl.BlockSpec((64, 64), lambda i: (0, 0)),
              pl.BlockSpec((64, 64), lambda i: (0, 0)),
              pl.BlockSpec((1, 64), lambda i: (0, 0)),
              pl.BlockSpec((64, 64), lambda i: (0, 0)),
              pl.BlockSpec((1, 64), lambda i: (0, 0))],
    out_specs=pl.BlockSpec((512, 64), lambda i: (i, 0)),
    out_shape=jax.ShapeDtypeStruct((NP, 64), _f32),
)

_pool = pl.pallas_call(
    _pool_body,
    grid=(NBLK,),
    in_specs=[pl.BlockSpec((512, 64), lambda i: (i, 0)),
              pl.BlockSpec((1, 512, 1), lambda i: (i, 0, 0)),
              pl.BlockSpec((64, 600), lambda i: (0, 0)),
              pl.BlockSpec((1, 600), lambda i: (0, 0))],
    out_specs=pl.BlockSpec((G, 600), lambda i: (0, 0)),
    out_shape=jax.ShapeDtypeStruct((G, 600), _f32),
    scratch_shapes=[pltpu.VMEM((G, 64), _f32), pltpu.VMEM((G, 1), _f32)],
    compiler_params=pltpu.CompilerParams(
        dimension_semantics=("arbitrary",)),
)



def kernel(x, pos, edge_index, edge_attr, batch, W_in, b_in,
           msg_W1, msg_b1, msg_W2, msg_b2,
           upd_W1, upd_b1, upd_W2, upd_b2,
           head_e_W, head_e_b, head_i_W, head_i_b):
    f32 = _f32
    xp = jnp.pad(x, ((0, NP - N), (0, 5)))
    pos16 = jnp.pad(pos, ((0, NP - N), (0, 13)))
    dst1 = jnp.concatenate(
        [edge_index[1], jnp.full((EP - E,), N, jnp.int32)])
    src1 = jnp.concatenate(
        [edge_index[0], jnp.full((EP - E,), N, jnp.int32)])
    dst2 = dst1.reshape(MROWS, 128)
    src2 = src1.reshape(MROWS, 128)
    eap = jnp.pad(edge_attr, ((0, EP - E), (0, 0)))
    W_inp = jnp.pad(W_in, ((0, 5), (0, 0)))
    W1e_cat = jnp.concatenate([msg_W1[l, 128:144] for l in range(4)], axis=1)
    w1d_cat = jnp.concatenate([msg_W1[l, 144:145] for l in range(4)], axis=1)
    b1_cat = msg_b1.reshape(1, 256)
    head_W = jnp.concatenate([head_e_W, head_i_W], axis=1)
    head_b = jnp.concatenate([head_e_b, head_i_b]).reshape(1, 600)
    batch3 = jnp.pad(batch, (0, NP - N),
                     constant_values=G).reshape(NBLK, 512, 1)

    pos_i, pos_j, deg2 = _prep(pos16, dst2, src2)
    deg3 = deg2.reshape(2, NP, 1)

    c_all = _cmat(eap, pos_i, pos_j, W1e_cat, w1d_cat, b1_cat)

    h = _lin_in(xp, W_inp, b_in.reshape(1, 64))
    lsel_all = jnp.concatenate(
        [jnp.arange(4, dtype=jnp.int32).reshape(4, 1),
         jnp.zeros((4, 15), jnp.int32)], axis=1)
    xs = (msg_W1[:, :64], msg_W1[:, 64:128], msg_W2,
          msg_b2.reshape(4, 1, 64), upd_W1[:, :64], upd_W1[:, 64:],
          upd_b1.reshape(4, 1, 64), upd_W2, upd_b2.reshape(4, 1, 64),
          lsel_all)

    def _layer(hc, x):
        w1i, w1j, w2p, b2, u1h, u1a, ub1, u2, ub2, lsel = x
        a_tab, b_tab = _ab(hc, w1i, w1j)
        (m,) = _msg(a_tab, b_tab, c_all, dst1, src1, lsel)
        (s2,) = _agg(m, dst1)
        hn = _upd(hc, s2, deg3, w2p, b2, u1h, u1a, ub1, u2, ub2)
        return hn, None

    h, _ = lax.scan(_layer, h, xs)

    return _pool(h, batch3, head_W, head_b)

# --- scband reference (transcript-rebuilt; emitter-appended) ---
"""Pipeline reference for scband-mpnn-16441134809230 (READ-ONLY COPY).

The authoritative reference and input builder live on the scoring server;
editing this copy changes nothing except your own understanding.
"""

import jax, jax.numpy as jnp
import numpy as np

N = 50000
E = 800000
D = 64
IN_DIM = 11
EDGE_DIM = 16
L = 4
G = 256
SPEC = 300


def setup_inputs(seed: int = 0) -> dict:
    key = jax.random.key(seed)
    ks = jax.random.split(key, 24)
    inp = {}
    inp["x"] = jax.random.normal(ks[0], (N, IN_DIM), dtype=jnp.float32)
    inp["pos"] = jax.random.normal(ks[1], (N, 3), dtype=jnp.float32)
    inp["edge_index"] = jax.random.randint(ks[2], (2, E), 0, N, dtype=jnp.int32)
    inp["edge_attr"] = jax.random.normal(ks[3], (E, EDGE_DIM), dtype=jnp.float32)
    inp["batch"] = jnp.sort(jax.random.randint(ks[4], (N,), 0, G, dtype=jnp.int32))
    s = 0.05
    inp["W_in"] = jax.random.normal(ks[5], (IN_DIM, D), dtype=jnp.float32) * s
    inp["b_in"] = jnp.zeros((D,), dtype=jnp.float32)
    m_in = 2 * D + EDGE_DIM + 1
    inp["msg_W1"] = jax.random.normal(ks[6], (L, m_in, D), dtype=jnp.float32) * s
    inp["msg_b1"] = jnp.zeros((L, D), dtype=jnp.float32)
    inp["msg_W2"] = jax.random.normal(ks[7], (L, D, D), dtype=jnp.float32) * s
    inp["msg_b2"] = jnp.zeros((L, D), dtype=jnp.float32)
    inp["upd_W1"] = jax.random.normal(ks[8], (L, 2 * D, D), dtype=jnp.float32) * s
    inp["upd_b1"] = jnp.zeros((L, D), dtype=jnp.float32)
    inp["upd_W2"] = jax.random.normal(ks[9], (L, D, D), dtype=jnp.float32) * s
    inp["upd_b2"] = jnp.zeros((L, D), dtype=jnp.float32)
    inp["head_e_W"] = jax.random.normal(ks[10], (D, SPEC), dtype=jnp.float32) * s
    inp["head_e_b"] = jnp.zeros((SPEC,), dtype=jnp.float32)
    inp["head_i_W"] = jax.random.normal(ks[11], (D, SPEC), dtype=jnp.float32) * s
    inp["head_i_b"] = jnp.zeros((SPEC,), dtype=jnp.float32)
    return inp


def reference(x, pos, edge_index, edge_attr, batch, W_in, b_in,
              msg_W1, msg_b1, msg_W2, msg_b2,
              upd_W1, upd_b1, upd_W2, upd_b2,
              head_e_W, head_e_b, head_i_W, head_i_b):
    # lin_in
    h = x @ W_in + b_in
    src = edge_index[0]  # j (source)
    dst = edge_index[1]  # i (target)
    for l in range(L):
        h_i = h[dst]
        h_j = h[src]
        diff = pos[dst] - pos[src]
        d = jnp.sqrt(jnp.sum(diff * diff, axis=-1, keepdims=True) + 0.0)
        d2 = d ** 2
        m_in = jnp.concatenate([h_i, h_j, edge_attr, d2], axis=-1)
        m = jnp.maximum(m_in @ msg_W1[l] + msg_b1[l], 0.0) @ msg_W2[l] + msg_b2[l]
        agg = jax.ops.segment_sum(m, dst, num_segments=N)  # aggr='add'
        u_in = jnp.concatenate([h, agg], axis=-1)
        h = jnp.maximum(u_in @ upd_W1[l] + upd_b1[l], 0.0) @ upd_W2[l] + upd_b2[l]
    # global mean pool over graphs in the batch
    sums = jax.ops.segment_sum(h, batch, num_segments=G)
    cnt = jax.ops.segment_sum(jnp.ones((N,), h.dtype), batch, num_segments=G)
    pooled = sums / jnp.clip(cnt, 1.0, None)[:, None]
    # stick spectrum: energy head + intensity head -> 2 * spectrum_dim
    out_e = pooled @ head_e_W + head_e_b
    out_i = pooled @ head_i_W + head_i_b
    return jnp.concatenate([out_e, out_i], axis=-1)

if __name__ == "__main__":
    import jax
    _d = setup_inputs()
    print(jax.jit(kernel)(*tuple(_d.values())))

</pallas_src>

<mosaic_0001>
#map = affine_map<(d0, d1) -> (0, 0)>
#map1 = affine_map<(d0, d1) -> (0, 0, 0, 0)>
#map2 = affine_map<(d0, d1) -> (0)>
#map3 = affine_map<(d0, d1) -> (0, 0, 0)>
module attributes {stable_mosaic.version = 14 : i64} {
  func.func @_msg_body(%arg0: i32, %arg1: i32, %arg2: memref<102400x32xbf16, #tpu.memory_space<hbm>>, %arg3: memref<102400x32xbf16, #tpu.memory_space<hbm>>, %arg4: memref<2x4x819200x32xbf16, #tpu.memory_space<hbm>>, %arg5: memref<819200xi32, #tpu.memory_space<hbm>>, %arg6: memref<819200xi32, #tpu.memory_space<hbm>>, %arg7: memref<16xi32, #tpu.memory_space<hbm>>, %arg8: memref<2x819200x32xbf16, #tpu.memory_space<hbm>>, %arg9: memref<2048xi32, #tpu.memory_space<vmem>>, %arg10: memref<2048xi32, #tpu.memory_space<vmem>>, %arg11: memref<2048x32xbf16, #tpu.memory_space<vmem>>, %arg12: memref<2048x32xbf16, #tpu.memory_space<vmem>>, %arg13: memref<2048x32xbf16, #tpu.memory_space<vmem>>, %arg14: memref<16xi32, #tpu.memory_space<vmem>>, %arg15: memref<!tpu.dma_semaphore, #tpu.memory_space<semaphore_mem>>) attributes {dimension_semantics = [#tpu.dimension_semantics<core_parallel>, #tpu.dimension_semantics<subcore_parallel>], iteration_bounds = array<i64: 2, 16>, scalar_prefetch = 0 : i64, scratch_operands = 7 : i64, tpu.core_type = #tpu.core_type<sc_vector_subcore>, window_params = [{transform_indices = #map}, {transform_indices = #map}, {transform_indices = #map1}, {transform_indices = #map2}, {transform_indices = #map2}, {transform_indices = #map2}, {transform_indices = #map3}]} {
    %mul3A = arith.constant 51200 : i32
    %mul3A_0 = arith.muli %arg0, %mul3A : i32
    "tpu.region"() ({
      %run_scoped3A = tpu.sem_alloc : memref<!tpu.dma_semaphore, #tpu.memory_space<semaphore_mem>>
      tpu.enqueue_dma source(%arg7 : memref<16xi32, #tpu.memory_space<hbm>>) target(%arg14 : memref<16xi32, #tpu.memory_space<vmem>>) target_semaphore(%run_scoped3A : memref<!tpu.dma_semaphore, #tpu.memory_space<semaphore_mem>>)
      tpu.wait_dma2 semaphore(%run_scoped3A : memref<!tpu.dma_semaphore, #tpu.memory_space<semaphore_mem>>) src(%arg7 : memref<16xi32, #tpu.memory_space<hbm>>) dst(%arg14 : memref<16xi32, #tpu.memory_space<vmem>>)
      tpu.yield
    }) : () -> ()
    %get3A = arith.constant 0 : index
    %get3A_1 = tpu.vector_load %arg14[%get3A] {strides = array<i32>} : memref<16xi32, #tpu.memory_space<vmem>>, vector<16xi32>,
    %reduce_sum3A = arith.constant true
    %reduce_sum3A_2 = vector.broadcast %reduce_sum3A : i1 to vector<16xi1>
    %reduce_sum3A_3 = tpu.scan <sum>, %get3A_1 masked %reduce_sum3A_2 : vector<16xi32>, vector<16xi1> -> vector<16xi32>
    %reduce_sum3A_4 = vector.extract %reduce_sum3A_3[15] : i32 from vector<16xi32>
    %scan3A = arith.constant 0 : i32
    %scan3A_5 = arith.constant 25 : i32
    %scan3A_6 = arith.addi %scan3A, %scan3A_5 : i32
    %scan3A_7 = arith.constant 1 : i32
    scf.for %scan3A_9 = %scan3A to %scan3A_6 step %scan3A_7  : i32 {
      %mul3A_10 = arith.constant 1 : i32
      %mul3A_11 = arith.muli %scan3A_9, %mul3A_10 : i32
      %add3A = arith.constant 0 : i32
      %add3A_12 = arith.addi %add3A, %mul3A_11 : i32
      %mul3A_13 = arith.constant 51200 : i32
      %mul3A_14 = arith.muli %arg1, %mul3A_13 : i32
      %mul3A_15 = arith.constant 2048 : i32
      %mul3A_16 = arith.muli %add3A_12, %mul3A_15 : i32
      %add3A_17 = arith.addi %mul3A_14, %mul3A_16 : i32
      %dma_start3A = arith.constant 0 : i32
      %dma_start3A_18 = tpu.memref_slice %arg4[%arg0, %reduce_sum3A_4, %add3A_17, %dma_start3A] : memref<2x4x819200x32xbf16, #tpu.memory_space<hbm>> -> memref<1x1x2048x32xbf16, #tpu.memory_space<hbm>>
      %dma_start3A_19 = tpu.memref_squeeze %dma_start3A_18 : memref<1x1x2048x32xbf16, #tpu.memory_space<hbm>> -> memref<2048x32xbf16, #tpu.memory_space<hbm>>
      %dma_start3A_20 = arith.constant 0 : i32
      %dma_start3A_21 = tpu.memref_slice %arg4[%arg0, %reduce_sum3A_4, %add3A_17, %dma_start3A_20] : memref<2x4x819200x32xbf16, #tpu.memory_space<hbm>> -> memref<1x1x2048x32xbf16, #tpu.memory_space<hbm>>
      %dma_start3A_22 = tpu.memref_squeeze %dma_start3A_21 : memref<1x1x2048x32xbf16, #tpu.memory_space<hbm>> -> memref<2048x32xbf16, #tpu.memory_space<hbm>>
      tpu.enqueue_dma source(%dma_start3A_22 : memref<2048x32xbf16, #tpu.memory_space<hbm>>) target(%arg13 : memref<2048x32xbf16, #tpu.memory_space<vmem>>) target_semaphore(%arg15 : memref<!tpu.dma_semaphore, #tpu.memory_space<semaphore_mem>>)
      "tpu.region"() ({
        %run_scoped3A = tpu.sem_alloc : memref<!tpu.dma_semaphore, #tpu.memory_space<semaphore_mem>>
        %dma_start3A_50 = tpu.memref_slice %arg5[%add3A_17] : memref<819200xi32, #tpu.memory_space<hbm>> -> memref<2048xi32, #tpu.memory_space<hbm>>
        %dma_start3A_51 = tpu.memref_slice %arg5[%add3A_17] : memref<819200xi32, #tpu.memory_space<hbm>> -> memref<2048xi32, #tpu.memory_space<hbm>>
        tpu.enqueue_dma source(%dma_start3A_51 : memref<2048xi32, #tpu.memory_space<hbm>>) target(%arg9 : memref<2048xi32, #tpu.memory_space<vmem>>) target_semaphore(%run_scoped3A : memref<!tpu.dma_semaphore, #tpu.memory_space<semaphore_mem>>)
        %dma_wait3A_52 = tpu.memref_slice %arg5[%add3A_17] : memref<819200xi32, #tpu.memory_space<hbm>> -> memref<2048xi32, #tpu.memory_space<hbm>>
        %dma_wait3A_53 = tpu.memref_slice %arg5[%add3A_17] : memref<819200xi32, #tpu.memory_space<hbm>> -> memref<2048xi32, #tpu.memory_space<hbm>>
        tpu.wait_dma2 semaphore(%run_scoped3A : memref<!tpu.dma_semaphore, #tpu.memory_space<semaphore_mem>>) src(%dma_wait3A_53 : memref<2048xi32, #tpu.memory_space<hbm>>) dst(%arg9 : memref<2048xi32, #tpu.memory_space<vmem>>)
        tpu.yield
      }) : () -> ()
      "tpu.region"() ({
        %run_scoped3A = tpu.sem_alloc : memref<!tpu.dma_semaphore, #tpu.memory_space<semaphore_mem>>
        %dma_start3A_50 = tpu.memref_slice %arg6[%add3A_17] : memref<819200xi32, #tpu.memory_space<hbm>> -> memref<2048xi32, #tpu.memory_space<hbm>>
        %dma_start3A_51 = tpu.memref_slice %arg6[%add3A_17] : memref<819200xi32, #tpu.memory_space<hbm>> -> memref<2048xi32, #tpu.memory_space<hbm>>
        tpu.enqueue_dma source(%dma_start3A_51 : memref<2048xi32, #tpu.memory_space<hbm>>) target(%arg10 : memref<2048xi32, #tpu.memory_space<vmem>>) target_semaphore(%run_scoped3A : memref<!tpu.dma_semaphore, #tpu.memory_space<semaphore_mem>>)
        %dma_wait3A_52 = tpu.memref_slice %arg6[%add3A_17] : memref<819200xi32, #tpu.memory_space<hbm>> -> memref<2048xi32, #tpu.memory_space<hbm>>
        %dma_wait3A_53 = tpu.memref_slice %arg6[%add3A_17] : memref<819200xi32, #tpu.memory_space<hbm>> -> memref<2048xi32, #tpu.memory_space<hbm>>
        tpu.wait_dma2 semaphore(%run_scoped3A : memref<!tpu.dma_semaphore, #tpu.memory_space<semaphore_mem>>) src(%dma_wait3A_53 : memref<2048xi32, #tpu.memory_space<hbm>>) dst(%arg10 : memref<2048xi32, #tpu.memory_space<vmem>>)
        tpu.yield
      }) : () -> ()
      %scan3A_23 = arith.constant 0 : i32
      %scan3A_24 = arith.constant 128 : i32
      %scan3A_25 = arith.addi %scan3A_23, %scan3A_24 : i32
      %scan3A_26 = arith.constant 1 : i32
      scf.for %scan3A_50 = %scan3A_23 to %scan3A_25 step %scan3A_26  : i32 {
        %mul3A_51 = arith.constant 1 : i32
        %mul3A_52 = arith.muli %scan3A_50, %mul3A_51 : i32
        %add3A_53 = arith.constant 0 : i32
        %add3A_54 = arith.addi %add3A_53, %mul3A_52 : i32
        %mul3A_55 = arith.constant 16 : i32
        %mul3A_56 = arith.muli %add3A_54, %mul3A_55 : i32
        %get3A_57 = arith.index_cast %mul3A_56 : i32 to index
        %get3A_58 = tpu.vector_load %arg9[%get3A_57] {strides = array<i32>} : memref<2048xi32, #tpu.memory_space<vmem>>, vector<16xi32>,
        %add3A_59 = vector.broadcast %mul3A_0 : i32 to vector<16xi32>
        %add3A_60 = arith.addi %get3A_58, %add3A_59 : vector<16xi32>
        %mul3A_61 = arith.constant 16 : i32
        %mul3A_62 = arith.muli %add3A_54, %mul3A_61 : i32
        %swap3A = arith.index_cast %mul3A_62 : i32 to index
        %swap3A_63 = tpu.vector_load %arg9[%swap3A] {strides = array<i32>} : memref<2048xi32, #tpu.memory_space<vmem>>, vector<16xi32>,
        tpu.vector_store %arg9[%swap3A], %add3A_60 {strides = array<i32>} : memref<2048xi32, #tpu.memory_space<vmem>>, vector<16xi32>,
        %mul3A_64 = arith.constant 16 : i32
        %mul3A_65 = arith.muli %add3A_54, %mul3A_64 : i32
        %get3A_66 = arith.index_cast %mul3A_65 : i32 to index
        %get3A_67 = tpu.vector_load %arg10[%get3A_66] {strides = array<i32>} : memref<2048xi32, #tpu.memory_space<vmem>>, vector<16xi32>,
        %add3A_68 = vector.broadcast %mul3A_0 : i32 to vector<16xi32>
        %add3A_69 = arith.addi %get3A_67, %add3A_68 : vector<16xi32>
        %mul3A_70 = arith.constant 16 : i32
        %mul3A_71 = arith.muli %add3A_54, %mul3A_70 : i32
        %swap3A_72 = arith.index_cast %mul3A_71 : i32 to index
        %swap3A_73 = tpu.vector_load %arg10[%swap3A_72] {strides = array<i32>} : memref<2048xi32, #tpu.memory_space<vmem>>, vector<16xi32>,
        tpu.vector_store %arg10[%swap3A_72], %add3A_69 {strides = array<i32>} : memref<2048xi32, #tpu.memory_space<vmem>>, vector<16xi32>,
      }
      %scan3A_27 = arith.constant 128 : i32
      %dma_start3A_28 = arith.constant 0 : i32
      %dma_start3A_29 = arith.constant 0 : i32
      %dma_start3A_30 = tpu.memref_slice %arg2[%dma_start3A_28, %dma_start3A_29] : memref<102400x32xbf16, #tpu.memory_space<hbm>> -> memref<102400x32xbf16, #tpu.memory_space<hbm>>
      tpu.enqueue_indirect_dma source(%dma_start3A_30 : memref<102400x32xbf16, #tpu.memory_space<hbm>>) target(%arg11 : memref<2048x32xbf16, #tpu.memory_space<vmem>>) offsets(%arg9 : memref<2048xi32, #tpu.memory_space<vmem>>) semaphore(%arg15 : memref<!tpu.dma_semaphore, #tpu.memory_space<semaphore_mem>>)
      %dma_start3A_31 = arith.constant 0 : i32
      %dma_start3A_32 = arith.constant 0 : i32
      %dma_start3A_33 = tpu.memref_slice %arg3[%dma_start3A_31, %dma_start3A_32] : memref<102400x32xbf16, #tpu.memory_space<hbm>> -> memref<102400x32xbf16, #tpu.memory_space<hbm>>
      tpu.enqueue_indirect_dma source(%dma_start3A_33 : memref<102400x32xbf16, #tpu.memory_space<hbm>>) target(%arg12 : memref<2048x32xbf16, #tpu.memory_space<vmem>>) offsets(%arg10 : memref<2048xi32, #tpu.memory_space<vmem>>) semaphore(%arg15 : memref<!tpu.dma_semaphore, #tpu.memory_space<semaphore_mem>>)
      %dma_wait3A = arith.constant 0 : i32
      %dma_wait3A_34 = tpu.memref_slice %arg4[%arg0, %reduce_sum3A_4, %add3A_17, %dma_wait3A] : memref<2x4x819200x32xbf16, #tpu.memory_space<hbm>> -> memref<1x1x2048x32xbf16, #tpu.memory_space<hbm>>
      %dma_wait3A_35 = tpu.memref_squeeze %dma_wait3A_34 : memref<1x1x2048x32xbf16, #tpu.memory_space<hbm>> -> memref<2048x32xbf16, #tpu.memory_space<hbm>>
      %dma_wait3A_36 = arith.constant 0 : i32
      %dma_wait3A_37 = tpu.memref_slice %arg4[%arg0, %reduce_sum3A_4, %add3A_17, %dma_wait3A_36] : memref<2x4x819200x32xbf16, #tpu.memory_space<hbm>> -> memref<1x1x2048x32xbf16, #tpu.memory_space<hbm>>
      %dma_wait3A_38 = tpu.memref_squeeze %dma_wait3A_37 : memref<1x1x2048x32xbf16, #tpu.memory_space<hbm>> -> memref<2048x32xbf16, #tpu.memory_space<hbm>>
      tpu.wait_dma2 semaphore(%arg15 : memref<!tpu.dma_semaphore, #tpu.memory_space<semaphore_mem>>) src(%dma_wait3A_38 : memref<2048x32xbf16, #tpu.memory_space<hbm>>) dst(%arg13 : memref<2048x32xbf16, #tpu.memory_space<vmem>>)
      %dma_wait3A_39 = arith.constant 0 : i32
      %dma_wait3A_40 = arith.constant 0 : i32
      %dma_wait3A_41 = tpu.memref_slice %arg2[%dma_wait3A_39, %dma_wait3A_40] : memref<102400x32xbf16, #tpu.memory_space<hbm>> -> memref<102400x32xbf16, #tpu.memory_space<hbm>>
      tpu.wait_indirect_dma semaphore(%arg15 : memref<!tpu.dma_semaphore, #tpu.memory_space<semaphore_mem>>) src(%dma_wait3A_41 : memref<102400x32xbf16, #tpu.memory_space<hbm>>) dst(%arg11 : memref<2048x32xbf16, #tpu.memory_space<vmem>>)
      %dma_wait3A_42 = arith.constant 0 : i32
      %dma_wait3A_43 = arith.constant 0 : i32
      %dma_wait3A_44 = tpu.memref_slice %arg3[%dma_wait3A_42, %dma_wait3A_43] : memref<102400x32xbf16, #tpu.memory_space<hbm>> -> memref<102400x32xbf16, #tpu.memory_space<hbm>>
      tpu.wait_indirect_dma semaphore(%arg15 : memref<!tpu.dma_semaphore, #tpu.memory_space<semaphore_mem>>) src(%dma_wait3A_44 : memref<102400x32xbf16, #tpu.memory_space<hbm>>) dst(%arg12 : memref<2048x32xbf16, #tpu.memory_space<vmem>>)
      %scan3A_45 = arith.constant 0 : i32
      %scan3A_46 = arith.constant 256 : i32
      %scan3A_47 = arith.addi %scan3A_45, %scan3A_46 : i32
      %scan3A_48 = arith.constant 1 : i32
      scf.for %scan3A_50 = %scan3A_45 to %scan3A_47 step %scan3A_48  : i32 {
        %mul3A_51 = arith.constant 1 : i32
        %mul3A_52 = arith.muli %scan3A_50, %mul3A_51 : i32
        %add3A_53 = arith.constant 0 : i32
        %add3A_54 = arith.addi %add3A_53, %mul3A_52 : i32
        %mul3A_55 = arith.constant 8 : i32
        %mul3A_56 = arith.muli %add3A_54, %mul3A_55 : i32
        %add3A_57 = arith.constant 0 : i32
        %add3A_58 = arith.addi %mul3A_56, %add3A_57 : i32
        %get3A_59 = arith.index_cast %add3A_58 : i32 to index
        %get3A_60 = arith.constant 0 : index
        %get3A_61 = tpu.vector_load %arg11[%get3A_59, %get3A_60] {strides = array<i32>} : memref<2048x32xbf16, #tpu.memory_space<vmem>>, vector<32xbf16>,
        %get3A_62 = arith.index_cast %add3A_58 : i32 to index
        %get3A_63 = arith.constant 0 : index
        %get3A_64 = tpu.vector_load %arg12[%get3A_62, %get3A_63] {strides = array<i32>} : memref<2048x32xbf16, #tpu.memory_space<vmem>>, vector<32xbf16>,
        %add3A_65 = arith.addf %get3A_61, %get3A_64 : vector<32xbf16>
        %get3A_66 = arith.index_cast %add3A_58 : i32 to index
        %get3A_67 = arith.constant 0 : index
        %get3A_68 = tpu.vector_load %arg13[%get3A_66, %get3A_67] {strides = array<i32>} : memref<2048x32xbf16, #tpu.memory_space<vmem>>, vector<32xbf16>,
        %add3A_69 = arith.addf %add3A_65, %get3A_68 : vector<32xbf16>
        %max3A = arith.constant 0.000000e+00 : bf16
        %max3A_70 = vector.broadcast %max3A : bf16 to vector<32xbf16>
        %max3A_71 = arith.maximumf %add3A_69, %max3A_70 : vector<32xbf16>
        %swap3A = arith.index_cast %add3A_58 : i32 to index
        %swap3A_72 = arith.constant 0 : index
        %swap3A_73 = tpu.vector_load %arg11[%swap3A, %swap3A_72] {strides = array<i32>} : memref<2048x32xbf16, #tpu.memory_space<vmem>>, vector<32xbf16>,
        tpu.vector_store %arg11[%swap3A, %swap3A_72], %max3A_71 {strides = array<i32>} : memref<2048x32xbf16, #tpu.memory_space<vmem>>, vector<32xbf16>,
        %add3A_74 = arith.constant 1 : i32
        %add3A_75 = arith.addi %mul3A_56, %add3A_74 : i32
        %get3A_76 = arith.index_cast %add3A_75 : i32 to index
        %get3A_77 = arith.constant 0 : index
        %get3A_78 = tpu.vector_load %arg11[%get3A_76, %get3A_77] {strides = array<i32>} : memref<2048x32xbf16, #tpu.memory_space<vmem>>, vector<32xbf16>,
        %get3A_79 = arith.index_cast %add3A_75 : i32 to index
        %get3A_80 = arith.constant 0 : index
        %get3A_81 = tpu.vector_load %arg12[%get3A_79, %get3A_80] {strides = array<i32>} : memref<2048x32xbf16, #tpu.memory_space<vmem>>, vector<32xbf16>,
        %add3A_82 = arith.addf %get3A_78, %get3A_81 : vector<32xbf16>
        %get3A_83 = arith.index_cast %add3A_75 : i32 to index
        %get3A_84 = arith.constant 0 : index
        %get3A_85 = tpu.vector_load %arg13[%get3A_83, %get3A_84] {strides = array<i32>} : memref<2048x32xbf16, #tpu.memory_space<vmem>>, vector<32xbf16>,
        %add3A_86 = arith.addf %add3A_82, %get3A_85 : vector<32xbf16>
        %max3A_87 = arith.constant 0.000000e+00 : bf16
        %max3A_88 = vector.broadcast %max3A_87 : bf16 to vector<32xbf16>
        %max3A_89 = arith.maximumf %add3A_86, %max3A_88 : vector<32xbf16>
        %swap3A_90 = arith.index_cast %add3A_75 : i32 to index
        %swap3A_91 = arith.constant 0 : index
        %swap3A_92 = tpu.vector_load %arg11[%swap3A_90, %swap3A_91] {strides = array<i32>} : memref<2048x32xbf16, #tpu.memory_space<vmem>>, vector<32xbf16>,
        tpu.vector_store %arg11[%swap3A_90, %swap3A_91], %max3A_89 {strides = array<i32>} : memref<2048x32xbf16, #tpu.memory_space<vmem>>, vector<32xbf16>,
        %add3A_93 = arith.constant 2 : i32
        %add3A_94 = arith.addi %mul3A_56, %add3A_93 : i32
        %get3A_95 = arith.index_cast %add3A_94 : i32 to index
        %get3A_96 = arith.constant 0 : index
        %get3A_97 = tpu.vector_load %arg11[%get3A_95, %get3A_96] {strides = array<i32>} : memref<2048x32xbf16, #tpu.memory_space<vmem>>, vector<32xbf16>,
        %get3A_98 = arith.index_cast %add3A_94 : i32 to index
        %get3A_99 = arith.constant 0 : index
        %get3A_100 = tpu.vector_load %arg12[%get3A_98, %get3A_99] {strides = array<i32>} : memref<2048x32xbf16, #tpu.memory_space<vmem>>, vector<32xbf16>,
        %add3A_101 = arith.addf %get3A_97, %get3A_100 : vector<32xbf16>
        %get3A_102 = arith.index_cast %add3A_94 : i32 to index
        %get3A_103 = arith.constant 0 : index
        %get3A_104 = tpu.vector_load %arg13[%get3A_102, %get3A_103] {strides = array<i32>} : memref<2048x32xbf16, #tpu.memory_space<vmem>>, vector<32xbf16>,
        %add3A_105 = arith.addf %add3A_101, %get3A_104 : vector<32xbf16>
        %max3A_106 = arith.constant 0.000000e+00 : bf16
        %max3A_107 = vector.broadcast %max3A_106 : bf16 to vector<32xbf16>
        %max3A_108 = arith.maximumf %add3A_105, %max3A_107 : vector<32xbf16>
        %swap3A_109 = arith.index_cast %add3A_94 : i32 to index
        %swap3A_110 = arith.constant 0 : index
        %swap3A_111 = tpu.vector_load %arg11[%swap3A_109, %swap3A_110] {strides = array<i32>} : memref<2048x32xbf16, #tpu.memory_space<vmem>>, vector<32xbf16>,
        tpu.vector_store %arg11[%swap3A_109, %swap3A_110], %max3A_108 {strides = array<i32>} : memref<2048x32xbf16, #tpu.memory_space<vmem>>, vector<32xbf16>,
        %add3A_112 = arith.constant 3 : i32
        %add3A_113 = arith.addi %mul3A_56, %add3A_112 : i32
        %get3A_114 = arith.index_cast %add3A_113 : i32 to index
        %get3A_115 = arith.constant 0 : index
        %get3A_116 = tpu.vector_load %arg11[%get3A_114, %get3A_115] {strides = array<i32>} : memref<2048x32xbf16, #tpu.memory_space<vmem>>, vector<32xbf16>,
        %get3A_117 = arith.index_cast %add3A_113 : i32 to index
        %get3A_118 = arith.constant 0 : index
        %get3A_119 = tpu.vector_load %arg12[%get3A_117, %get3A_118] {strides = array<i32>} : memref<2048x32xbf16, #tpu.memory_space<vmem>>, vector<32xbf16>,
        %add3A_120 = arith.addf %get3A_116, %get3A_119 : vector<32xbf16>
        %get3A_121 = arith.index_cast %add3A_113 : i32 to index
        %get3A_122 = arith.constant 0 : index
        %get3A_123 = tpu.vector_load %arg13[%get3A_121, %get3A_122] {strides = array<i32>} : memref<2048x32xbf16, #tpu.memory_space<vmem>>, vector<32xbf16>,
        %add3A_124 = arith.addf %add3A_120, %get3A_123 : vector<32xbf16>
        %max3A_125 = arith.constant 0.000000e+00 : bf16
        %max3A_126 = vector.broadcast %max3A_125 : bf16 to vector<32xbf16>
        %max3A_127 = arith.maximumf %add3A_124, %max3A_126 : vector<32xbf16>
        %swap3A_128 = arith.index_cast %add3A_113 : i32 to index
        %swap3A_129 = arith.constant 0 : index
        %swap3A_130 = tpu.vector_load %arg11[%swap3A_128, %swap3A_129] {strides = array<i32>} : memref<2048x32xbf16, #tpu.memory_space<vmem>>, vector<32xbf16>,
        tpu.vector_store %arg11[%swap3A_128, %swap3A_129], %max3A_127 {strides = array<i32>} : memref<2048x32xbf16, #tpu.memory_space<vmem>>, vector<32xbf16>,
        %add3A_131 = arith.constant 4 : i32
        %add3A_132 = arith.addi %mul3A_56, %add3A_131 : i32
        %get3A_133 = arith.index_cast %add3A_132 : i32 to index
        %get3A_134 = arith.constant 0 : index
        %get3A_135 = tpu.vector_load %arg11[%get3A_133, %get3A_134] {strides = array<i32>} : memref<2048x32xbf16, #tpu.memory_space<vmem>>, vector<32xbf16>,
        %get3A_136 = arith.index_cast %add3A_132 : i32 to index
        %get3A_137 = arith.constant 0 : index
        %get3A_138 = tpu.vector_load %arg12[%get3A_136, %get3A_137] {strides = array<i32>} : memref<2048x32xbf16, #tpu.memory_space<vmem>>, vector<32xbf16>,
        %add3A_139 = arith.addf %get3A_135, %get3A_138 : vector<32xbf16>
        %get3A_140 = arith.index_cast %add3A_132 : i32 to index
        %get3A_141 = arith.constant 0 : index
        %get3A_142 = tpu.vector_load %arg13[%get3A_140, %get3A_141] {strides = array<i32>} : memref<2048x32xbf16, #tpu.memory_space<vmem>>, vector<32xbf16>,
        %add3A_143 = arith.addf %add3A_139, %get3A_142 : vector<32xbf16>
        %max3A_144 = arith.constant 0.000000e+00 : bf16
        %max3A_145 = vector.broadcast %max3A_144 : bf16 to vector<32xbf16>
        %max3A_146 = arith.maximumf %add3A_143, %max3A_145 : vector<32xbf16>
        %swap3A_147 = arith.index_cast %add3A_132 : i32 to index
        %swap3A_148 = arith.constant 0 : index
        %swap3A_149 = tpu.vector_load %arg11[%swap3A_147, %swap3A_148] {strides = array<i32>} : memref<2048x32xbf16, #tpu.memory_space<vmem>>, vector<32xbf16>,
        tpu.vector_store %arg11[%swap3A_147, %swap3A_148], %max3A_146 {strides = array<i32>} : memref<2048x32xbf16, #tpu.memory_space<vmem>>, vector<32xbf16>,
        %add3A_150 = arith.constant 5 : i32
        %add3A_151 = arith.addi %mul3A_56, %add3A_150 : i32
        %get3A_152 = arith.index_cast %add3A_151 : i32 to index
        %get3A_153 = arith.constant 0 : index
        %get3A_154 = tpu.vector_load %arg11[%get3A_152, %get3A_153] {strides = array<i32>} : memref<2048x32xbf16, #tpu.memory_space<vmem>>, vector<32xbf16>,
        %get3A_155 = arith.index_cast %add3A_151 : i32 to index
        %get3A_156 = arith.constant 0 : index
        %get3A_157 = tpu.vector_load %arg12[%get3A_155, %get3A_156] {strides = array<i32>} : memref<2048x32xbf16, #tpu.memory_space<vmem>>, vector<32xbf16>,
        %add3A_158 = arith.addf %get3A_154, %get3A_157 : vector<32xbf16>
        %get3A_159 = arith.index_cast %add3A_151 : i32 to index
        %get3A_160 = arith.constant 0 : index
        %get3A_161 = tpu.vector_load %arg13[%get3A_159, %get3A_160] {strides = array<i32>} : memref<2048x32xbf16, #tpu.memory_space<vmem>>, vector<32xbf16>,
        %add3A_162 = arith.addf %add3A_158, %get3A_161 : vector<32xbf16>
        %max3A_163 = arith.constant 0.000000e+00 : bf16
        %max3A_164 = vector.broadcast %max3A_163 : bf16 to vector<32xbf16>
        %max3A_165 = arith.maximumf %add3A_162, %max3A_164 : vector<32xbf16>
        %swap3A_166 = arith.index_cast %add3A_151 : i32 to index
        %swap3A_167 = arith.constant 0 : index
        %swap3A_168 = tpu.vector_load %arg11[%swap3A_166, %swap3A_167] {strides = array<i32>} : memref<2048x32xbf16, #tpu.memory_space<vmem>>, vector<32xbf16>,
        tpu.vector_store %arg11[%swap3A_166, %swap3A_167], %max3A_165 {strides = array<i32>} : memref<2048x32xbf16, #tpu.memory_space<vmem>>, vector<32xbf16>,
        %add3A_169 = arith.constant 6 : i32
        %add3A_170 = arith.addi %mul3A_56, %add3A_169 : i32
        %get3A_171 = arith.index_cast %add3A_170 : i32 to index
        %get3A_172 = arith.constant 0 : index
        %get3A_173 = tpu.vector_load %arg11[%get3A_171, %get3A_172] {strides = array<i32>} : memref<2048x32xbf16, #tpu.memory_space<vmem>>, vector<32xbf16>,
        %get3A_174 = arith.index_cast %add3A_170 : i32 to index
        %get3A_175 = arith.constant 0 : index
        %get3A_176 = tpu.vector_load %arg12[%get3A_174, %get3A_175] {strides = array<i32>} : memref<2048x32xbf16, #tpu.memory_space<vmem>>, vector<32xbf16>,
        %add3A_177 = arith.addf %get3A_173, %get3A_176 : vector<32xbf16>
        %get3A_178 = arith.index_cast %add3A_170 : i32 to index
        %get3A_179 = arith.constant 0 : index
        %get3A_180 = tpu.vector_load %arg13[%get3A_178, %get3A_179] {strides = array<i32>} : memref<2048x32xbf16, #tpu.memory_space<vmem>>, vector<32xbf16>,
        %add3A_181 = arith.addf %add3A_177, %get3A_180 : vector<32xbf16>
        %max3A_182 = arith.constant 0.000000e+00 : bf16
        %max3A_183 = vector.broadcast %max3A_182 : bf16 to vector<32xbf16>
        %max3A_184 = arith.maximumf %add3A_181, %max3A_183 : vector<32xbf16>
        %swap3A_185 = arith.index_cast %add3A_170 : i32 to index
        %swap3A_186 = arith.constant 0 : index
        %swap3A_187 = tpu.vector_load %arg11[%swap3A_185, %swap3A_186] {strides = array<i32>} : memref<2048x32xbf16, #tpu.memory_space<vmem>>, vector<32xbf16>,
        tpu.vector_store %arg11[%swap3A_185, %swap3A_186], %max3A_184 {strides = array<i32>} : memref<2048x32xbf16, #tpu.memory_space<vmem>>, vector<32xbf16>,
        %add3A_188 = arith.constant 7 : i32
        %add3A_189 = arith.addi %mul3A_56, %add3A_188 : i32
        %get3A_190 = arith.index_cast %add3A_189 : i32 to index
        %get3A_191 = arith.constant 0 : index
        %get3A_192 = tpu.vector_load %arg11[%get3A_190, %get3A_191] {strides = array<i32>} : memref<2048x32xbf16, #tpu.memory_space<vmem>>, vector<32xbf16>,
        %get3A_193 = arith.index_cast %add3A_189 : i32 to index
        %get3A_194 = arith.constant 0 : index
        %get3A_195 = tpu.vector_load %arg12[%get3A_193, %get3A_194] {strides = array<i32>} : memref<2048x32xbf16, #tpu.memory_space<vmem>>, vector<32xbf16>,
        %add3A_196 = arith.addf %get3A_192, %get3A_195 : vector<32xbf16>
        %get3A_197 = arith.index_cast %add3A_189 : i32 to index
        %get3A_198 = arith.constant 0 : index
        %get3A_199 = tpu.vector_load %arg13[%get3A_197, %get3A_198] {strides = array<i32>} : memref<2048x32xbf16, #tpu.memory_space<vmem>>, vector<32xbf16>,
        %add3A_200 = arith.addf %add3A_196, %get3A_199 : vector<32xbf16>
        %max3A_201 = arith.constant 0.000000e+00 : bf16
        %max3A_202 = vector.broadcast %max3A_201 : bf16 to vector<32xbf16>
        %max3A_203 = arith.maximumf %add3A_200, %max3A_202 : vector<32xbf16>
        %swap3A_204 = arith.index_cast %add3A_189 : i32 to index
        %swap3A_205 = arith.constant 0 : index
        %swap3A_206 = tpu.vector_load %arg11[%swap3A_204, %swap3A_205] {strides = array<i32>} : memref<2048x32xbf16, #tpu.memory_space<vmem>>, vector<32xbf16>,
        tpu.vector_store %arg11[%swap3A_204, %swap3A_205], %max3A_203 {strides = array<i32>} : memref<2048x32xbf16, #tpu.memory_space<vmem>>, vector<32xbf16>,
      }
      %scan3A_49 = arith.constant 256 : i32
      "tpu.region"() ({
        %run_scoped3A = tpu.sem_alloc : memref<!tpu.dma_semaphore, #tpu.memory_space<semaphore_mem>>
        %dma_start3A_50 = arith.constant 0 : i32
        %dma_start3A_51 = tpu.memref_slice %arg8[%arg0, %add3A_17, %dma_start3A_50] : memref<2x819200x32xbf16, #tpu.memory_space<hbm>> -> memref<1x2048x32xbf16, #tpu.memory_space<hbm>>
        %dma_start3A_52 = tpu.memref_squeeze %dma_start3A_51 : memref<1x2048x32xbf16, #tpu.memory_space<hbm>> -> memref<2048x32xbf16, #tpu.memory_space<hbm>>
        %dma_start3A_53 = arith.constant 0 : i32
        %dma_start3A_54 = tpu.memref_slice %arg8[%arg0, %add3A_17, %dma_start3A_53] : memref<2x819200x32xbf16, #tpu.memory_space<hbm>> -> memref<1x2048x32xbf16, #tpu.memory_space<hbm>>
        %dma_start3A_55 = tpu.memref_squeeze %dma_start3A_54 : memref<1x2048x32xbf16, #tpu.memory_space<hbm>> -> memref<2048x32xbf16, #tpu.memory_space<hbm>>
        tpu.enqueue_dma source(%arg11 : memref<2048x32xbf16, #tpu.memory_space<vmem>>) target(%dma_start3A_55 : memref<2048x32xbf16, #tpu.memory_space<hbm>>) target_semaphore(%run_scoped3A : memref<!tpu.dma_semaphore, #tpu.memory_space<semaphore_mem>>)
        %dma_wait3A_56 = arith.constant 0 : i32
        %dma_wait3A_57 = tpu.memref_slice %arg8[%arg0, %add3A_17, %dma_wait3A_56] : memref<2x819200x32xbf16, #tpu.memory_space<hbm>> -> memref<1x2048x32xbf16, #tpu.memory_space<hbm>>
        %dma_wait3A_58 = tpu.memref_squeeze %dma_wait3A_57 : memref<1x2048x32xbf16, #tpu.memory_space<hbm>> -> memref<2048x32xbf16, #tpu.memory_space<hbm>>
        %dma_wait3A_59 = arith.constant 0 : i32
        %dma_wait3A_60 = tpu.memref_slice %arg8[%arg0, %add3A_17, %dma_wait3A_59] : memref<2x819200x32xbf16, #tpu.memory_space<hbm>> -> memref<1x2048x32xbf16, #tpu.memory_space<hbm>>
        %dma_wait3A_61 = tpu.memref_squeeze %dma_wait3A_60 : memref<1x2048x32xbf16, #tpu.memory_space<hbm>> -> memref<2048x32xbf16, #tpu.memory_space<hbm>>
        tpu.wait_dma2 semaphore(%run_scoped3A : memref<!tpu.dma_semaphore, #tpu.memory_space<semaphore_mem>>) src(%arg11 : memref<2048x32xbf16, #tpu.memory_space<vmem>>) dst(%dma_wait3A_61 : memref<2048x32xbf16, #tpu.memory_space<hbm>>)
        tpu.yield
      }) : () -> ()
    }
    %scan3A_8 = arith.constant 25 : i32
    return
  }
}

#map = affine_map<(d0, d1) -> (0, 0, 0)>
#map1 = affine_map<(d0, d1) -> (0)>
module attributes {stable_mosaic.version = 14 : i64} {
  func.func @_agg_body(%arg0: i32, %arg1: i32, %arg2: memref<2x819200x32xbf16, #tpu.memory_space<hbm>>, %arg3: memref<819200xi32, #tpu.memory_space<hbm>>, %arg4: memref<2x51200x32xbf16, #tpu.memory_space<hbm>>, %arg5: memref<2048xi32, #tpu.memory_space<vmem>>, %arg6: memref<2048xi32, #tpu.memory_space<vmem>>, %arg7: memref<2048x32xbf16, #tpu.memory_space<vmem>>, %arg8: memref<800x32xbf16, #tpu.memory_space<vmem>>, %arg9: memref<25728x32xbf16, #tpu.memory_space<vmem_shared>>, %arg10: memref<!tpu.dma_semaphore, #tpu.memory_space<semaphore_mem>>) attributes {dimension_semantics = [#tpu.dimension_semantics<core_parallel>, #tpu.dimension_semantics<subcore_parallel>], iteration_bounds = array<i64: 2, 16>, scalar_prefetch = 0 : i64, scratch_operands = 6 : i64, tpu.core_type = #tpu.core_type<sc_vector_subcore>, window_params = [{transform_indices = #map}, {transform_indices = #map1}, {transform_indices = #map}]} {
    %scan3A = arith.constant 0 : i32
    %scan3A_0 = arith.constant 800 : i32
    %scan3A_1 = arith.addi %scan3A, %scan3A_0 : i32
    %scan3A_2 = arith.constant 1 : i32
    scf.for %scan3A_48 = %scan3A to %scan3A_1 step %scan3A_2  : i32 {
      %mul3A_49 = arith.constant 1 : i32
      %mul3A_50 = arith.muli %scan3A_48, %mul3A_49 : i32
      %add3A_51 = arith.constant 0 : i32
      %add3A_52 = arith.addi %add3A_51, %mul3A_50 : i32
      %broadcast_in_dim3A = arith.constant 0.000000e+00 : bf16
      %broadcast_in_dim3A_53 = vector.broadcast %broadcast_in_dim3A : bf16 to vector<32xbf16>
      %swap3A = arith.index_cast %add3A_52 : i32 to index
      %swap3A_54 = arith.constant 0 : index
      %swap3A_55 = tpu.vector_load %arg8[%swap3A, %swap3A_54] {strides = array<i32>} : memref<800x32xbf16, #tpu.memory_space<vmem>>, vector<32xbf16>,
      tpu.vector_store %arg8[%swap3A, %swap3A_54], %broadcast_in_dim3A_53 {strides = array<i32>} : memref<800x32xbf16, #tpu.memory_space<vmem>>, vector<32xbf16>,
    }
    %scan3A_3 = arith.constant 800 : i32
    %mul3A = arith.constant 1600 : i32
    %mul3A_4 = arith.muli %arg1, %mul3A : i32
    %add3A = arith.constant 0 : i32
    %add3A_5 = arith.addi %mul3A_4, %add3A : i32
    "tpu.region"() ({
      %run_scoped3A = tpu.sem_alloc : memref<!tpu.dma_semaphore, #tpu.memory_space<semaphore_mem>>
      %dma_start3A = arith.constant 0 : i32
      %dma_start3A_48 = tpu.memref_slice %arg9[%add3A_5, %dma_start3A] : memref<25728x32xbf16, #tpu.memory_space<vmem_shared>> -> memref<800x32xbf16, #tpu.memory_space<vmem_shared>>
      %dma_start3A_49 = arith.constant 0 : i32
      %dma_start3A_50 = tpu.memref_slice %arg9[%add3A_5, %dma_start3A_49] : memref<25728x32xbf16, #tpu.memory_space<vmem_shared>> -> memref<800x32xbf16, #tpu.memory_space<vmem_shared>>
      tpu.enqueue_dma source(%arg8 : memref<800x32xbf16, #tpu.memory_space<vmem>>) target(%dma_start3A_50 : memref<800x32xbf16, #tpu.memory_space<vmem_shared>>) target_semaphore(%run_scoped3A : memref<!tpu.dma_semaphore, #tpu.memory_space<semaphore_mem>>)
      %dma_wait3A = arith.constant 0 : i32
      %dma_wait3A_51 = tpu.memref_slice %arg9[%add3A_5, %dma_wait3A] : memref<25728x32xbf16, #tpu.memory_space<vmem_shared>> -> memref<800x32xbf16, #tpu.memory_space<vmem_shared>>
      %dma_wait3A_52 = arith.constant 0 : i32
      %dma_wait3A_53 = tpu.memref_slice %arg9[%add3A_5, %dma_wait3A_52] : memref<25728x32xbf16, #tpu.memory_space<vmem_shared>> -> memref<800x32xbf16, #tpu.memory_space<vmem_shared>>
      tpu.wait_dma2 semaphore(%run_scoped3A : memref<!tpu.dma_semaphore, #tpu.memory_space<semaphore_mem>>) src(%arg8 : memref<800x32xbf16, #tpu.memory_space<vmem>>) dst(%dma_wait3A_53 : memref<800x32xbf16, #tpu.memory_space<vmem_shared>>)
      tpu.yield
    }) : () -> ()
    %mul3A_6 = arith.constant 1600 : i32
    %mul3A_7 = arith.muli %arg1, %mul3A_6 : i32
    %add3A_8 = arith.constant 800 : i32
    %add3A_9 = arith.addi %mul3A_7, %add3A_8 : i32
    "tpu.region"() ({
      %run_scoped3A = tpu.sem_alloc : memref<!tpu.dma_semaphore, #tpu.memory_space<semaphore_mem>>
      %dma_start3A = arith.constant 0 : i32
      %dma_start3A_48 = tpu.memref_slice %arg9[%add3A_9, %dma_start3A] : memref<25728x32xbf16, #tpu.memory_space<vmem_shared>> -> memref<800x32xbf16, #tpu.memory_space<vmem_shared>>
      %dma_start3A_49 = arith.constant 0 : i32
      %dma_start3A_50 = tpu.memref_slice %arg9[%add3A_9, %dma_start3A_49] : memref<25728x32xbf16, #tpu.memory_space<vmem_shared>> -> memref<800x32xbf16, #tpu.memory_space<vmem_shared>>
      tpu.enqueue_dma source(%arg8 : memref<800x32xbf16, #tpu.memory_space<vmem>>) target(%dma_start3A_50 : memref<800x32xbf16, #tpu.memory_space<vmem_shared>>) target_semaphore(%run_scoped3A : memref<!tpu.dma_semaphore, #tpu.memory_space<semaphore_mem>>)
      %dma_wait3A = arith.constant 0 : i32
      %dma_wait3A_51 = tpu.memref_slice %arg9[%add3A_9, %dma_wait3A] : memref<25728x32xbf16, #tpu.memory_space<vmem_shared>> -> memref<800x32xbf16, #tpu.memory_space<vmem_shared>>
      %dma_wait3A_52 = arith.constant 0 : i32
      %dma_wait3A_53 = tpu.memref_slice %arg9[%add3A_9, %dma_wait3A_52] : memref<25728x32xbf16, #tpu.memory_space<vmem_shared>> -> memref<800x32xbf16, #tpu.memory_space<vmem_shared>>
      tpu.wait_dma2 semaphore(%run_scoped3A : memref<!tpu.dma_semaphore, #tpu.memory_space<semaphore_mem>>) src(%arg8 : memref<800x32xbf16, #tpu.memory_space<vmem>>) dst(%dma_wait3A_53 : memref<800x32xbf16, #tpu.memory_space<vmem_shared>>)
      tpu.yield
    }) : () -> ()
    %barrier3A = arith.constant 0 : index
    tpu.barrier barrier_id(%barrier3A)
    %scan3A_10 = arith.constant 0 : i32
    %scan3A_11 = arith.constant 25 : i32
    %scan3A_12 = arith.addi %scan3A_10, %scan3A_11 : i32
    %scan3A_13 = arith.constant 1 : i32
    scf.for %scan3A_48 = %scan3A_10 to %scan3A_12 step %scan3A_13  : i32 {
      %mul3A_49 = arith.constant 1 : i32
      %mul3A_50 = arith.muli %scan3A_48, %mul3A_49 : i32
      %add3A_51 = arith.constant 0 : i32
      %add3A_52 = arith.addi %add3A_51, %mul3A_50 : i32
      %mul3A_53 = arith.constant 51200 : i32
      %mul3A_54 = arith.muli %arg1, %mul3A_53 : i32
      %mul3A_55 = arith.constant 2048 : i32
      %mul3A_56 = arith.muli %add3A_52, %mul3A_55 : i32
      %add3A_57 = arith.addi %mul3A_54, %mul3A_56 : i32
      %dma_start3A = arith.constant 0 : i32
      %dma_start3A_58 = tpu.memref_slice %arg2[%arg0, %add3A_57, %dma_start3A] : memref<2x819200x32xbf16, #tpu.memory_space<hbm>> -> memref<1x2048x32xbf16, #tpu.memory_space<hbm>>
      %dma_start3A_59 = tpu.memref_squeeze %dma_start3A_58 : memref<1x2048x32xbf16, #tpu.memory_space<hbm>> -> memref<2048x32xbf16, #tpu.memory_space<hbm>>
      %dma_start3A_60 = arith.constant 0 : i32
      %dma_start3A_61 = tpu.memref_slice %arg2[%arg0, %add3A_57, %dma_start3A_60] : memref<2x819200x32xbf16, #tpu.memory_space<hbm>> -> memref<1x2048x32xbf16, #tpu.memory_space<hbm>>
      %dma_start3A_62 = tpu.memref_squeeze %dma_start3A_61 : memref<1x2048x32xbf16, #tpu.memory_space<hbm>> -> memref<2048x32xbf16, #tpu.memory_space<hbm>>
      tpu.enqueue_dma source(%dma_start3A_62 : memref<2048x32xbf16, #tpu.memory_space<hbm>>) target(%arg7 : memref<2048x32xbf16, #tpu.memory_space<vmem>>) target_semaphore(%arg10 : memref<!tpu.dma_semaphore, #tpu.memory_space<semaphore_mem>>)
      "tpu.region"() ({
        %run_scoped3A = tpu.sem_alloc : memref<!tpu.dma_semaphore, #tpu.memory_space<semaphore_mem>>
        %dma_start3A_73 = tpu.memref_slice %arg3[%add3A_57] : memref<819200xi32, #tpu.memory_space<hbm>> -> memref<2048xi32, #tpu.memory_space<hbm>>
        %dma_start3A_74 = tpu.memref_slice %arg3[%add3A_57] : memref<819200xi32, #tpu.memory_space<hbm>> -> memref<2048xi32, #tpu.memory_space<hbm>>
        tpu.enqueue_dma source(%dma_start3A_74 : memref<2048xi32, #tpu.memory_space<hbm>>) target(%arg5 : memref<2048xi32, #tpu.memory_space<vmem>>) target_semaphore(%run_scoped3A : memref<!tpu.dma_semaphore, #tpu.memory_space<semaphore_mem>>)
        %dma_wait3A_75 = tpu.memref_slice %arg3[%add3A_57] : memref<819200xi32, #tpu.memory_space<hbm>> -> memref<2048xi32, #tpu.memory_space<hbm>>
        %dma_wait3A_76 = tpu.memref_slice %arg3[%add3A_57] : memref<819200xi32, #tpu.memory_space<hbm>> -> memref<2048xi32, #tpu.memory_space<hbm>>
        tpu.wait_dma2 semaphore(%run_scoped3A : memref<!tpu.dma_semaphore, #tpu.memory_space<semaphore_mem>>) src(%dma_wait3A_76 : memref<2048xi32, #tpu.memory_space<hbm>>) dst(%arg5 : memref<2048xi32, #tpu.memory_space<vmem>>)
        tpu.yield
      }) : () -> ()
      %scan3A_63 = arith.constant 0 : i32
      %scan3A_64 = arith.constant 128 : i32
      %scan3A_65 = arith.addi %scan3A_63, %scan3A_64 : i32
      %scan3A_66 = arith.constant 1 : i32
      scf.for %scan3A_73 = %scan3A_63 to %scan3A_65 step %scan3A_66  : i32 {
        %mul3A_74 = arith.constant 1 : i32
        %mul3A_75 = arith.muli %scan3A_73, %mul3A_74 : i32
        %add3A_76 = arith.constant 0 : i32
        %add3A_77 = arith.addi %add3A_76, %mul3A_75 : i32
        %mul3A_78 = arith.constant 16 : i32
        %mul3A_79 = arith.muli %add3A_77, %mul3A_78 : i32
        %get3A = arith.index_cast %mul3A_79 : i32 to index
        %get3A_80 = tpu.vector_load %arg5[%get3A] {strides = array<i32>} : memref<2048xi32, #tpu.memory_space<vmem>>, vector<16xi32>,
        %sub3A = arith.constant 0 : i32
        %sub3A_81 = vector.broadcast %sub3A : i32 to vector<16xi32>
        %sub3A_82 = arith.subi %get3A_80, %sub3A_81 : vector<16xi32>
        %lt3A = arith.constant 0 : i32
        %lt3A_83 = vector.broadcast %lt3A : i32 to vector<16xi32>
        %lt3A_84 = arith.cmpi slt, %sub3A_82, %lt3A_83 : vector<16xi32>
        %ge3A = arith.constant 25600 : i32
        %ge3A_85 = vector.broadcast %ge3A : i32 to vector<16xi32>
        %ge3A_86 = arith.cmpi sge, %sub3A_82, %ge3A_85 : vector<16xi32>
        %or3A = arith.ori %lt3A_84, %ge3A_86 : vector<16xi1>
        %jit3A = arith.constant 25600 : i32
        %broadcast_in_dim3A = vector.broadcast %jit3A : i32 to vector<16xi32>
        %select_n3A = arith.select %or3A, %broadcast_in_dim3A, %sub3A_82 : vector<16xi1>, vector<16xi32>
        %mul3A_87 = arith.constant 16 : i32
        %mul3A_88 = arith.muli %add3A_77, %mul3A_87 : i32
        %swap3A = arith.index_cast %mul3A_88 : i32 to index
        %swap3A_89 = tpu.vector_load %arg6[%swap3A] {strides = array<i32>} : memref<2048xi32, #tpu.memory_space<vmem>>, vector<16xi32>,
        tpu.vector_store %arg6[%swap3A], %select_n3A {strides = array<i32>} : memref<2048xi32, #tpu.memory_space<vmem>>, vector<16xi32>,
      }
      %scan3A_67 = arith.constant 128 : i32
      %dma_wait3A = arith.constant 0 : i32
      %dma_wait3A_68 = tpu.memref_slice %arg2[%arg0, %add3A_57, %dma_wait3A] : memref<2x819200x32xbf16, #tpu.memory_space<hbm>> -> memref<1x2048x32xbf16, #tpu.memory_space<hbm>>
      %dma_wait3A_69 = tpu.memref_squeeze %dma_wait3A_68 : memref<1x2048x32xbf16, #tpu.memory_space<hbm>> -> memref<2048x32xbf16, #tpu.memory_space<hbm>>
      %dma_wait3A_70 = arith.constant 0 : i32
      %dma_wait3A_71 = tpu.memref_slice %arg2[%arg0, %add3A_57, %dma_wait3A_70] : memref<2x819200x32xbf16, #tpu.memory_space<hbm>> -> memref<1x2048x32xbf16, #tpu.memory_space<hbm>>
      %dma_wait3A_72 = tpu.memref_squeeze %dma_wait3A_71 : memref<1x2048x32xbf16, #tpu.memory_space<hbm>> -> memref<2048x32xbf16, #tpu.memory_space<hbm>>
      tpu.wait_dma2 semaphore(%arg10 : memref<!tpu.dma_semaphore, #tpu.memory_space<semaphore_mem>>) src(%dma_wait3A_72 : memref<2048x32xbf16, #tpu.memory_space<hbm>>) dst(%arg7 : memref<2048x32xbf16, #tpu.memory_space<vmem>>)
      "tpu.region"() ({
        %run_scoped3A = tpu.sem_alloc : memref<!tpu.dma_semaphore, #tpu.memory_space<semaphore_mem>>
        %dma_start3A_73 = arith.constant 0 : i32
        %dma_start3A_74 = arith.constant 0 : i32
        %dma_start3A_75 = tpu.memref_slice %arg9[%dma_start3A_73, %dma_start3A_74] : memref<25728x32xbf16, #tpu.memory_space<vmem_shared>> -> memref<25728x32xbf16, #tpu.memory_space<vmem_shared>>
        tpu.enqueue_indirect_dma source(%arg7 : memref<2048x32xbf16, #tpu.memory_space<vmem>>) target(%dma_start3A_75 : memref<25728x32xbf16, #tpu.memory_space<vmem_shared>>) offsets(%arg6 : memref<2048xi32, #tpu.memory_space<vmem>>) semaphore(%run_scoped3A : memref<!tpu.dma_semaphore, #tpu.memory_space<semaphore_mem>>) {add = true}
        %dma_wait3A_76 = arith.constant 0 : i32
        %dma_wait3A_77 = arith.constant 0 : i32
        %dma_wait3A_78 = tpu.memref_slice %arg9[%dma_wait3A_76, %dma_wait3A_77] : memref<25728x32xbf16, #tpu.memory_space<vmem_shared>> -> memref<25728x32xbf16, #tpu.memory_space<vmem_shared>>
        tpu.wait_indirect_dma semaphore(%run_scoped3A : memref<!tpu.dma_semaphore, #tpu.memory_space<semaphore_mem>>) src(%arg7 : memref<2048x32xbf16, #tpu.memory_space<vmem>>) dst(%dma_wait3A_78 : memref<25728x32xbf16, #tpu.memory_space<vmem_shared>>)
        tpu.yield
      }) : () -> ()
    }
    %scan3A_14 = arith.constant 25 : i32
    %barrier3A_15 = arith.constant 0 : index
    tpu.barrier barrier_id(%barrier3A_15)
    %mul3A_16 = arith.constant 1600 : i32
    %mul3A_17 = arith.muli %arg1, %mul3A_16 : i32
    %mul3A_18 = arith.constant 1600 : i32
    %mul3A_19 = arith.muli %arg1, %mul3A_18 : i32
    %add3A_20 = arith.constant 0 : i32
    %add3A_21 = arith.addi %add3A_20, %mul3A_19 : i32
    "tpu.region"() ({
      %run_scoped3A = tpu.sem_alloc : memref<!tpu.dma_semaphore, #tpu.memory_space<semaphore_mem>>
      %dma_start3A = arith.constant 0 : i32
      %dma_start3A_48 = tpu.memref_slice %arg4[%arg0, %add3A_21, %dma_start3A] : memref<2x51200x32xbf16, #tpu.memory_space<hbm>> -> memref<1x1600x32xbf16, #tpu.memory_space<hbm>>
      %dma_start3A_49 = tpu.memref_squeeze %dma_start3A_48 : memref<1x1600x32xbf16, #tpu.memory_space<hbm>> -> memref<1600x32xbf16, #tpu.memory_space<hbm>>
      %dma_start3A_50 = arith.constant 0 : i32
      %dma_start3A_51 = tpu.memref_slice %arg9[%mul3A_17, %dma_start3A_50] : memref<25728x32xbf16, #tpu.memory_space<vmem_shared>> -> memref<1600x32xbf16, #tpu.memory_space<vmem_shared>>
      tpu.enqueue_dma source(%dma_start3A_51 : memref<1600x32xbf16, #tpu.memory_space<vmem_shared>>) target(%dma_start3A_49 : memref<1600x32xbf16, #tpu.memory_space<hbm>>) target_semaphore(%run_scoped3A : memref<!tpu.dma_semaphore, #tpu.memory_space<semaphore_mem>>)
      %dma_wait3A = arith.constant 0 : i32
      %dma_wait3A_52 = tpu.memref_slice %arg4[%arg0, %add3A_21, %dma_wait3A] : memref<2x51200x32xbf16, #tpu.memory_space<hbm>> -> memref<1x1600x32xbf16, #tpu.memory_space<hbm>>
      %dma_wait3A_53 = tpu.memref_squeeze %dma_wait3A_52 : memref<1x1600x32xbf16, #tpu.memory_space<hbm>> -> memref<1600x32xbf16, #tpu.memory_space<hbm>>
      %dma_wait3A_54 = arith.constant 0 : i32
      %dma_wait3A_55 = tpu.memref_slice %arg9[%mul3A_17, %dma_wait3A_54] : memref<25728x32xbf16, #tpu.memory_space<vmem_shared>> -> memref<1600x32xbf16, #tpu.memory_space<vmem_shared>>
      tpu.wait_dma2 semaphore(%run_scoped3A : memref<!tpu.dma_semaphore, #tpu.memory_space<semaphore_mem>>) src(%dma_wait3A_55 : memref<1600x32xbf16, #tpu.memory_space<vmem_shared>>) dst(%dma_wait3A_53 : memref<1600x32xbf16, #tpu.memory_space<hbm>>)
      tpu.yield
    }) : () -> ()
    %scan3A_22 = arith.constant 0 : i32
    %scan3A_23 = arith.constant 800 : i32
    %scan3A_24 = arith.addi %scan3A_22, %scan3A_23 : i32
    %scan3A_25 = arith.constant 1 : i32
    scf.for %scan3A_48 = %scan3A_22 to %scan3A_24 step %scan3A_25  : i32 {
      %mul3A_49 = arith.constant 1 : i32
      %mul3A_50 = arith.muli %scan3A_48, %mul3A_49 : i32
      %add3A_51 = arith.constant 0 : i32
      %add3A_52 = arith.addi %add3A_51, %mul3A_50 : i32
      %broadcast_in_dim3A = arith.constant 0.000000e+00 : bf16
      %broadcast_in_dim3A_53 = vector.broadcast %broadcast_in_dim3A : bf16 to vector<32xbf16>
      %swap3A = arith.index_cast %add3A_52 : i32 to index
      %swap3A_54 = arith.constant 0 : index
      %swap3A_55 = tpu.vector_load %arg8[%swap3A, %swap3A_54] {strides = array<i32>} : memref<800x32xbf16, #tpu.memory_space<vmem>>, vector<32xbf16>,
      tpu.vector_store %arg8[%swap3A, %swap3A_54], %broadcast_in_dim3A_53 {strides = array<i32>} : memref<800x32xbf16, #tpu.memory_space<vmem>>, vector<32xbf16>,
    }
    %scan3A_26 = arith.constant 800 : i32
    %mul3A_27 = arith.constant 1600 : i32
    %mul3A_28 = arith.muli %arg1, %mul3A_27 : i32
    %add3A_29 = arith.constant 0 : i32
    %add3A_30 = arith.addi %mul3A_28, %add3A_29 : i32
    "tpu.region"() ({
      %run_scoped3A = tpu.sem_alloc : memref<!tpu.dma_semaphore, #tpu.memory_space<semaphore_mem>>
      %dma_start3A = arith.constant 0 : i32
      %dma_start3A_48 = tpu.memref_slice %arg9[%add3A_30, %dma_start3A] : memref<25728x32xbf16, #tpu.memory_space<vmem_shared>> -> memref<800x32xbf16, #tpu.memory_space<vmem_shared>>
      %dma_start3A_49 = arith.constant 0 : i32
      %dma_start3A_50 = tpu.memref_slice %arg9[%add3A_30, %dma_start3A_49] : memref<25728x32xbf16, #tpu.memory_space<vmem_shared>> -> memref<800x32xbf16, #tpu.memory_space<vmem_shared>>
      tpu.enqueue_dma source(%arg8 : memref<800x32xbf16, #tpu.memory_space<vmem>>) target(%dma_start3A_50 : memref<800x32xbf16, #tpu.memory_space<vmem_shared>>) target_semaphore(%run_scoped3A : memref<!tpu.dma_semaphore, #tpu.memory_space<semaphore_mem>>)
      %dma_wait3A = arith.constant 0 : i32
      %dma_wait3A_51 = tpu.memref_slice %arg9[%add3A_30, %dma_wait3A] : memref<25728x32xbf16, #tpu.memory_space<vmem_shared>> -> memref<800x32xbf16, #tpu.memory_space<vmem_shared>>
      %dma_wait3A_52 = arith.constant 0 : i32
      %dma_wait3A_53 = tpu.memref_slice %arg9[%add3A_30, %dma_wait3A_52] : memref<25728x32xbf16, #tpu.memory_space<vmem_shared>> -> memref<800x32xbf16, #tpu.memory_space<vmem_shared>>
      tpu.wait_dma2 semaphore(%run_scoped3A : memref<!tpu.dma_semaphore, #tpu.memory_space<semaphore_mem>>) src(%arg8 : memref<800x32xbf16, #tpu.memory_space<vmem>>) dst(%dma_wait3A_53 : memref<800x32xbf16, #tpu.memory_space<vmem_shared>>)
      tpu.yield
    }) : () -> ()
    %mul3A_31 = arith.constant 1600 : i32
    %mul3A_32 = arith.muli %arg1, %mul3A_31 : i32
    %add3A_33 = arith.constant 800 : i32
    %add3A_34 = arith.addi %mul3A_32, %add3A_33 : i32
    "tpu.region"() ({
      %run_scoped3A = tpu.sem_alloc : memref<!tpu.dma_semaphore, #tpu.memory_space<semaphore_mem>>
      %dma_start3A = arith.constant 0 : i32
      %dma_start3A_48 = tpu.memref_slice %arg9[%add3A_34, %dma_start3A] : memref<25728x32xbf16, #tpu.memory_space<vmem_shared>> -> memref<800x32xbf16, #tpu.memory_space<vmem_shared>>
      %dma_start3A_49 = arith.constant 0 : i32
      %dma_start3A_50 = tpu.memref_slice %arg9[%add3A_34, %dma_start3A_49] : memref<25728x32xbf16, #tpu.memory_space<vmem_shared>> -> memref<800x32xbf16, #tpu.memory_space<vmem_shared>>
      tpu.enqueue_dma source(%arg8 : memref<800x32xbf16, #tpu.memory_space<vmem>>) target(%dma_start3A_50 : memref<800x32xbf16, #tpu.memory_space<vmem_shared>>) target_semaphore(%run_scoped3A : memref<!tpu.dma_semaphore, #tpu.memory_space<semaphore_mem>>)
      %dma_wait3A = arith.constant 0 : i32
      %dma_wait3A_51 = tpu.memref_slice %arg9[%add3A_34, %dma_wait3A] : memref<25728x32xbf16, #tpu.memory_space<vmem_shared>> -> memref<800x32xbf16, #tpu.memory_space<vmem_shared>>
      %dma_wait3A_52 = arith.constant 0 : i32
      %dma_wait3A_53 = tpu.memref_slice %arg9[%add3A_34, %dma_wait3A_52] : memref<25728x32xbf16, #tpu.memory_space<vmem_shared>> -> memref<800x32xbf16, #tpu.memory_space<vmem_shared>>
      tpu.wait_dma2 semaphore(%run_scoped3A : memref<!tpu.dma_semaphore, #tpu.memory_space<semaphore_mem>>) src(%arg8 : memref<800x32xbf16, #tpu.memory_space<vmem>>) dst(%dma_wait3A_53 : memref<800x32xbf16, #tpu.memory_space<vmem_shared>>)
      tpu.yield
    }) : () -> ()
    %barrier3A_35 = arith.constant 0 : index
    tpu.barrier barrier_id(%barrier3A_35)
    %scan3A_36 = arith.constant 0 : i32
    %scan3A_37 = arith.constant 25 : i32
    %scan3A_38 = arith.addi %scan3A_36, %scan3A_37 : i32
    %scan3A_39 = arith.constant 1 : i32
    scf.for %scan3A_48 = %scan3A_36 to %scan3A_38 step %scan3A_39  : i32 {
      %mul3A_49 = arith.constant 1 : i32
      %mul3A_50 = arith.muli %scan3A_48, %mul3A_49 : i32
      %add3A_51 = arith.constant 0 : i32
      %add3A_52 = arith.addi %add3A_51, %mul3A_50 : i32
      %mul3A_53 = arith.constant 51200 : i32
      %mul3A_54 = arith.muli %arg1, %mul3A_53 : i32
      %mul3A_55 = arith.constant 2048 : i32
      %mul3A_56 = arith.muli %add3A_52, %mul3A_55 : i32
      %add3A_57 = arith.addi %mul3A_54, %mul3A_56 : i32
      %dma_start3A = arith.constant 0 : i32
      %dma_start3A_58 = tpu.memref_slice %arg2[%arg0, %add3A_57, %dma_start3A] : memref<2x819200x32xbf16, #tpu.memory_space<hbm>> -> memref<1x2048x32xbf16, #tpu.memory_space<hbm>>
      %dma_start3A_59 = tpu.memref_squeeze %dma_start3A_58 : memref<1x2048x32xbf16, #tpu.memory_space<hbm>> -> memref<2048x32xbf16, #tpu.memory_space<hbm>>
      %dma_start3A_60 = arith.constant 0 : i32
      %dma_start3A_61 = tpu.memref_slice %arg2[%arg0, %add3A_57, %dma_start3A_60] : memref<2x819200x32xbf16, #tpu.memory_space<hbm>> -> memref<1x2048x32xbf16, #tpu.memory_space<hbm>>
      %dma_start3A_62 = tpu.memref_squeeze %dma_start3A_61 : memref<1x2048x32xbf16, #tpu.memory_space<hbm>> -> memref<2048x32xbf16, #tpu.memory_space<hbm>>
      tpu.enqueue_dma source(%dma_start3A_62 : memref<2048x32xbf16, #tpu.memory_space<hbm>>) target(%arg7 : memref<2048x32xbf16, #tpu.memory_space<vmem>>) target_semaphore(%arg10 : memref<!tpu.dma_semaphore, #tpu.memory_space<semaphore_mem>>)
      "tpu.region"() ({
        %run_scoped3A = tpu.sem_alloc : memref<!tpu.dma_semaphore, #tpu.memory_space<semaphore_mem>>
        %dma_start3A_73 = tpu.memref_slice %arg3[%add3A_57] : memref<819200xi32, #tpu.memory_space<hbm>> -> memref<2048xi32, #tpu.memory_space<hbm>>
        %dma_start3A_74 = tpu.memref_slice %arg3[%add3A_57] : memref<819200xi32, #tpu.memory_space<hbm>> -> memref<2048xi32, #tpu.memory_space<hbm>>
        tpu.enqueue_dma source(%dma_start3A_74 : memref<2048xi32, #tpu.memory_space<hbm>>) target(%arg5 : memref<2048xi32, #tpu.memory_space<vmem>>) target_semaphore(%run_scoped3A : memref<!tpu.dma_semaphore, #tpu.memory_space<semaphore_mem>>)
        %dma_wait3A_75 = tpu.memref_slice %arg3[%add3A_57] : memref<819200xi32, #tpu.memory_space<hbm>> -> memref<2048xi32, #tpu.memory_space<hbm>>
        %dma_wait3A_76 = tpu.memref_slice %arg3[%add3A_57] : memref<819200xi32, #tpu.memory_space<hbm>> -> memref<2048xi32, #tpu.memory_space<hbm>>
        tpu.wait_dma2 semaphore(%run_scoped3A : memref<!tpu.dma_semaphore, #tpu.memory_space<semaphore_mem>>) src(%dma_wait3A_76 : memref<2048xi32, #tpu.memory_space<hbm>>) dst(%arg5 : memref<2048xi32, #tpu.memory_space<vmem>>)
        tpu.yield
      }) : () -> ()
      %scan3A_63 = arith.constant 0 : i32
      %scan3A_64 = arith.constant 128 : i32
      %scan3A_65 = arith.addi %scan3A_63, %scan3A_64 : i32
      %scan3A_66 = arith.constant 1 : i32
      scf.for %scan3A_73 = %scan3A_63 to %scan3A_65 step %scan3A_66  : i32 {
        %mul3A_74 = arith.constant 1 : i32
        %mul3A_75 = arith.muli %scan3A_73, %mul3A_74 : i32
        %add3A_76 = arith.constant 0 : i32
        %add3A_77 = arith.addi %add3A_76, %mul3A_75 : i32
        %mul3A_78 = arith.constant 16 : i32
        %mul3A_79 = arith.muli %add3A_77, %mul3A_78 : i32
        %get3A = arith.index_cast %mul3A_79 : i32 to index
        %get3A_80 = tpu.vector_load %arg5[%get3A] {strides = array<i32>} : memref<2048xi32, #tpu.memory_space<vmem>>, vector<16xi32>,
        %sub3A = arith.constant 25600 : i32
        %sub3A_81 = vector.broadcast %sub3A : i32 to vector<16xi32>
        %sub3A_82 = arith.subi %get3A_80, %sub3A_81 : vector<16xi32>
        %lt3A = arith.constant 0 : i32
        %lt3A_83 = vector.broadcast %lt3A : i32 to vector<16xi32>
        %lt3A_84 = arith.cmpi slt, %sub3A_82, %lt3A_83 : vector<16xi32>
        %ge3A = arith.constant 25600 : i32
        %ge3A_85 = vector.broadcast %ge3A : i32 to vector<16xi32>
        %ge3A_86 = arith.cmpi sge, %sub3A_82, %ge3A_85 : vector<16xi32>
        %or3A = arith.ori %lt3A_84, %ge3A_86 : vector<16xi1>
        %jit3A = arith.constant 25600 : i32
        %broadcast_in_dim3A = vector.broadcast %jit3A : i32 to vector<16xi32>
        %select_n3A = arith.select %or3A, %broadcast_in_dim3A, %sub3A_82 : vector<16xi1>, vector<16xi32>
        %mul3A_87 = arith.constant 16 : i32
        %mul3A_88 = arith.muli %add3A_77, %mul3A_87 : i32
        %swap3A = arith.index_cast %mul3A_88 : i32 to index
        %swap3A_89 = tpu.vector_load %arg6[%swap3A] {strides = array<i32>} : memref<2048xi32, #tpu.memory_space<vmem>>, vector<16xi32>,
        tpu.vector_store %arg6[%swap3A], %select_n3A {strides = array<i32>} : memref<2048xi32, #tpu.memory_space<vmem>>, vector<16xi32>,
      }
      %scan3A_67 = arith.constant 128 : i32
      %dma_wait3A = arith.constant 0 : i32
      %dma_wait3A_68 = tpu.memref_slice %arg2[%arg0, %add3A_57, %dma_wait3A] : memref<2x819200x32xbf16, #tpu.memory_space<hbm>> -> memref<1x2048x32xbf16, #tpu.memory_space<hbm>>
      %dma_wait3A_69 = tpu.memref_squeeze %dma_wait3A_68 : memref<1x2048x32xbf16, #tpu.memory_space<hbm>> -> memref<2048x32xbf16, #tpu.memory_space<hbm>>
      %dma_wait3A_70 = arith.constant 0 : i32
      %dma_wait3A_71 = tpu.memref_slice %arg2[%arg0, %add3A_57, %dma_wait3A_70] : memref<2x819200x32xbf16, #tpu.memory_space<hbm>> -> memref<1x2048x32xbf16, #tpu.memory_space<hbm>>
      %dma_wait3A_72 = tpu.memref_squeeze %dma_wait3A_71 : memref<1x2048x32xbf16, #tpu.memory_space<hbm>> -> memref<2048x32xbf16, #tpu.memory_space<hbm>>
      tpu.wait_dma2 semaphore(%arg10 : memref<!tpu.dma_semaphore, #tpu.memory_space<semaphore_mem>>) src(%dma_wait3A_72 : memref<2048x32xbf16, #tpu.memory_space<hbm>>) dst(%arg7 : memref<2048x32xbf16, #tpu.memory_space<vmem>>)
      "tpu.region"() ({
        %run_scoped3A = tpu.sem_alloc : memref<!tpu.dma_semaphore, #tpu.memory_space<semaphore_mem>>
        %dma_start3A_73 = arith.constant 0 : i32
        %dma_start3A_74 = arith.constant 0 : i32
        %dma_start3A_75 = tpu.memref_slice %arg9[%dma_start3A_73, %dma_start3A_74] : memref<25728x32xbf16, #tpu.memory_space<vmem_shared>> -> memref<25728x32xbf16, #tpu.memory_space<vmem_shared>>
        tpu.enqueue_indirect_dma source(%arg7 : memref<2048x32xbf16, #tpu.memory_space<vmem>>) target(%dma_start3A_75 : memref<25728x32xbf16, #tpu.memory_space<vmem_shared>>) offsets(%arg6 : memref<2048xi32, #tpu.memory_space<vmem>>) semaphore(%run_scoped3A : memref<!tpu.dma_semaphore, #tpu.memory_space<semaphore_mem>>) {add = true}
        %dma_wait3A_76 = arith.constant 0 : i32
        %dma_wait3A_77 = arith.constant 0 : i32
        %dma_wait3A_78 = tpu.memref_slice %arg9[%dma_wait3A_76, %dma_wait3A_77] : memref<25728x32xbf16, #tpu.memory_space<vmem_shared>> -> memref<25728x32xbf16, #tpu.memory_space<vmem_shared>>
        tpu.wait_indirect_dma semaphore(%run_scoped3A : memref<!tpu.dma_semaphore, #tpu.memory_space<semaphore_mem>>) src(%arg7 : memref<2048x32xbf16, #tpu.memory_space<vmem>>) dst(%dma_wait3A_78 : memref<25728x32xbf16, #tpu.memory_space<vmem_shared>>)
        tpu.yield
      }) : () -> ()
    }
    %scan3A_40 = arith.constant 25 : i32
    %barrier3A_41 = arith.constant 0 : index
    tpu.barrier barrier_id(%barrier3A_41)
    %mul3A_42 = arith.constant 1600 : i32
    %mul3A_43 = arith.muli %arg1, %mul3A_42 : i32
    %mul3A_44 = arith.constant 1600 : i32
    %mul3A_45 = arith.muli %arg1, %mul3A_44 : i32
    %add3A_46 = arith.constant 25600 : i32
    %add3A_47 = arith.addi %add3A_46, %mul3A_45 : i32
    "tpu.region"() ({
      %run_scoped3A = tpu.sem_alloc : memref<!tpu.dma_semaphore, #tpu.memory_space<semaphore_mem>>
      %dma_start3A = arith.constant 0 : i32
      %dma_start3A_48 = tpu.memref_slice %arg4[%arg0, %add3A_47, %dma_start3A] : memref<2x51200x32xbf16, #tpu.memory_space<hbm>> -> memref<1x1600x32xbf16, #tpu.memory_space<hbm>>
      %dma_start3A_49 = tpu.memref_squeeze %dma_start3A_48 : memref<1x1600x32xbf16, #tpu.memory_space<hbm>> -> memref<1600x32xbf16, #tpu.memory_space<hbm>>
      %dma_start3A_50 = arith.constant 0 : i32
      %dma_start3A_51 = tpu.memref_slice %arg9[%mul3A_43, %dma_start3A_50] : memref<25728x32xbf16, #tpu.memory_space<vmem_shared>> -> memref<1600x32xbf16, #tpu.memory_space<vmem_shared>>
      tpu.enqueue_dma source(%dma_start3A_51 : memref<1600x32xbf16, #tpu.memory_space<vmem_shared>>) target(%dma_start3A_49 : memref<1600x32xbf16, #tpu.memory_space<hbm>>) target_semaphore(%run_scoped3A : memref<!tpu.dma_semaphore, #tpu.memory_space<semaphore_mem>>)
      %dma_wait3A = arith.constant 0 : i32
      %dma_wait3A_52 = tpu.memref_slice %arg4[%arg0, %add3A_47, %dma_wait3A] : memref<2x51200x32xbf16, #tpu.memory_space<hbm>> -> memref<1x1600x32xbf16, #tpu.memory_space<hbm>>
      %dma_wait3A_53 = tpu.memref_squeeze %dma_wait3A_52 : memref<1x1600x32xbf16, #tpu.memory_space<hbm>> -> memref<1600x32xbf16, #tpu.memory_space<hbm>>
      %dma_wait3A_54 = arith.constant 0 : i32
      %dma_wait3A_55 = tpu.memref_slice %arg9[%mul3A_43, %dma_wait3A_54] : memref<25728x32xbf16, #tpu.memory_space<vmem_shared>> -> memref<1600x32xbf16, #tpu.memory_space<vmem_shared>>
      tpu.wait_dma2 semaphore(%run_scoped3A : memref<!tpu.dma_semaphore, #tpu.memory_space<semaphore_mem>>) src(%dma_wait3A_55 : memref<1600x32xbf16, #tpu.memory_space<vmem_shared>>) dst(%dma_wait3A_53 : memref<1600x32xbf16, #tpu.memory_space<hbm>>)
      tpu.yield
    }) : () -> ()
    return
  }
}

#map = affine_map<(d0, d1) -> (0, 0)>
#map1 = affine_map<(d0, d1) -> (0)>
module attributes {stable_mosaic.version = 14 : i64} {
  func.func @_prep_body(%arg0: i32, %arg1: i32, %arg2: memref<51200x16xf32, #tpu.memory_space<hbm>>, %arg3: memref<6400x128xi32, #tpu.memory_space<hbm>>, %arg4: memref<6400x128xi32, #tpu.memory_space<hbm>>, %arg5: memref<819200x16xf32, #tpu.memory_space<hbm>>, %arg6: memref<819200x16xf32, #tpu.memory_space<hbm>>, %arg7: memref<102400xf32, #tpu.memory_space<hbm>>, %arg8: memref<104x128xi32, #tpu.memory_space<vmem>>, %arg9: memref<104x128xi32, #tpu.memory_space<vmem>>, %arg10: memref<1024x16xf32, #tpu.memory_space<vmem>>, %arg11: memref<1024x16xf32, #tpu.memory_space<vmem>>, %arg12: memref<128xf32, #tpu.memory_space<vmem>>, %arg13: memref<3200xf32, #tpu.memory_space<vmem>>, %arg14: memref<51200xf32, #tpu.memory_space<vmem_shared>>, %arg15: memref<!tpu.dma_semaphore, #tpu.memory_space<semaphore_mem>>) attributes {dimension_semantics = [#tpu.dimension_semantics<core_parallel>, #tpu.dimension_semantics<subcore_parallel>], iteration_bounds = array<i64: 2, 16>, scalar_prefetch = 0 : i64, scratch_operands = 8 : i64, tpu.core_type = #tpu.core_type<sc_vector_subcore>, window_params = [{transform_indices = #map}, {transform_indices = #map}, {transform_indices = #map}, {transform_indices = #map}, {transform_indices = #map}, {transform_indices = #map1}]} {
    %mul3A = arith.constant 16 : i32
    %mul3A_0 = arith.muli %arg0, %mul3A : i32
    %add3A = arith.addi %mul3A_0, %arg1 : i32
    %scan3A = arith.constant 0 : i32
    %scan3A_1 = arith.constant 200 : i32
    %scan3A_2 = arith.addi %scan3A, %scan3A_1 : i32
    %scan3A_3 = arith.constant 1 : i32
    scf.for %scan3A_63 = %scan3A to %scan3A_2 step %scan3A_3  : i32 {
      %mul3A_64 = arith.constant 1 : i32
      %mul3A_65 = arith.muli %scan3A_63, %mul3A_64 : i32
      %add3A_66 = arith.constant 0 : i32
      %add3A_67 = arith.addi %add3A_66, %mul3A_65 : i32
      %broadcast_in_dim3A_68 = arith.constant 0.000000e+00 : f32
      %broadcast_in_dim3A_69 = vector.broadcast %broadcast_in_dim3A_68 : f32 to vector<16xf32>
      %mul3A_70 = arith.constant 16 : i32
      %mul3A_71 = arith.muli %add3A_67, %mul3A_70 : i32
      %swap3A_72 = arith.index_cast %mul3A_71 : i32 to index
      %swap3A_73 = tpu.vector_load %arg13[%swap3A_72] {strides = array<i32>} : memref<3200xf32, #tpu.memory_space<vmem>>, vector<16xf32>,
      tpu.vector_store %arg13[%swap3A_72], %broadcast_in_dim3A_69 {strides = array<i32>} : memref<3200xf32, #tpu.memory_space<vmem>>, vector<16xf32>,
    }
    %scan3A_4 = arith.constant 200 : i32
    %mul3A_5 = arith.constant 3200 : i32
    %mul3A_6 = arith.muli %arg1, %mul3A_5 : i32
    "tpu.region"() ({
      %run_scoped3A = tpu.sem_alloc : memref<!tpu.dma_semaphore, #tpu.memory_space<semaphore_mem>>
      %dma_start3A = tpu.memref_slice %arg14[%mul3A_6] : memref<51200xf32, #tpu.memory_space<vmem_shared>> -> memref<3200xf32, #tpu.memory_space<vmem_shared>>
      %dma_start3A_63 = tpu.memref_slice %arg14[%mul3A_6] : memref<51200xf32, #tpu.memory_space<vmem_shared>> -> memref<3200xf32, #tpu.memory_space<vmem_shared>>
      tpu.enqueue_dma source(%arg13 : memref<3200xf32, #tpu.memory_space<vmem>>) target(%dma_start3A_63 : memref<3200xf32, #tpu.memory_space<vmem_shared>>) target_semaphore(%run_scoped3A : memref<!tpu.dma_semaphore, #tpu.memory_space<semaphore_mem>>)
      %dma_wait3A = tpu.memref_slice %arg14[%mul3A_6] : memref<51200xf32, #tpu.memory_space<vmem_shared>> -> memref<3200xf32, #tpu.memory_space<vmem_shared>>
      %dma_wait3A_64 = tpu.memref_slice %arg14[%mul3A_6] : memref<51200xf32, #tpu.memory_space<vmem_shared>> -> memref<3200xf32, #tpu.memory_space<vmem_shared>>
      tpu.wait_dma2 semaphore(%run_scoped3A : memref<!tpu.dma_semaphore, #tpu.memory_space<semaphore_mem>>) src(%arg13 : memref<3200xf32, #tpu.memory_space<vmem>>) dst(%dma_wait3A_64 : memref<3200xf32, #tpu.memory_space<vmem_shared>>)
      tpu.yield
    }) : () -> ()
    %broadcast_in_dim3A = arith.constant 1.000000e+00 : f32
    %broadcast_in_dim3A_7 = vector.broadcast %broadcast_in_dim3A : f32 to vector<16xf32>
    %swap3A = arith.constant 0 : index
    %swap3A_8 = tpu.vector_load %arg12[%swap3A] {strides = array<i32>} : memref<128xf32, #tpu.memory_space<vmem>>, vector<16xf32>,
    tpu.vector_store %arg12[%swap3A], %broadcast_in_dim3A_7 {strides = array<i32>} : memref<128xf32, #tpu.memory_space<vmem>>, vector<16xf32>,
    %broadcast_in_dim3A_9 = arith.constant 1.000000e+00 : f32
    %broadcast_in_dim3A_10 = vector.broadcast %broadcast_in_dim3A_9 : f32 to vector<16xf32>
    %swap3A_11 = arith.constant 16 : index
    %swap3A_12 = tpu.vector_load %arg12[%swap3A_11] {strides = array<i32>} : memref<128xf32, #tpu.memory_space<vmem>>, vector<16xf32>,
    tpu.vector_store %arg12[%swap3A_11], %broadcast_in_dim3A_10 {strides = array<i32>} : memref<128xf32, #tpu.memory_space<vmem>>, vector<16xf32>,
    %broadcast_in_dim3A_13 = arith.constant 1.000000e+00 : f32
    %broadcast_in_dim3A_14 = vector.broadcast %broadcast_in_dim3A_13 : f32 to vector<16xf32>
    %swap3A_15 = arith.constant 32 : index
    %swap3A_16 = tpu.vector_load %arg12[%swap3A_15] {strides = array<i32>} : memref<128xf32, #tpu.memory_space<vmem>>, vector<16xf32>,
    tpu.vector_store %arg12[%swap3A_15], %broadcast_in_dim3A_14 {strides = array<i32>} : memref<128xf32, #tpu.memory_space<vmem>>, vector<16xf32>,
    %broadcast_in_dim3A_17 = arith.constant 1.000000e+00 : f32
    %broadcast_in_dim3A_18 = vector.broadcast %broadcast_in_dim3A_17 : f32 to vector<16xf32>
    %swap3A_19 = arith.constant 48 : index
    %swap3A_20 = tpu.vector_load %arg12[%swap3A_19] {strides = array<i32>} : memref<128xf32, #tpu.memory_space<vmem>>, vector<16xf32>,
    tpu.vector_store %arg12[%swap3A_19], %broadcast_in_dim3A_18 {strides = array<i32>} : memref<128xf32, #tpu.memory_space<vmem>>, vector<16xf32>,
    %broadcast_in_dim3A_21 = arith.constant 1.000000e+00 : f32
    %broadcast_in_dim3A_22 = vector.broadcast %broadcast_in_dim3A_21 : f32 to vector<16xf32>
    %swap3A_23 = arith.constant 64 : index
    %swap3A_24 = tpu.vector_load %arg12[%swap3A_23] {strides = array<i32>} : memref<128xf32, #tpu.memory_space<vmem>>, vector<16xf32>,
    tpu.vector_store %arg12[%swap3A_23], %broadcast_in_dim3A_22 {strides = array<i32>} : memref<128xf32, #tpu.memory_space<vmem>>, vector<16xf32>,
    %broadcast_in_dim3A_25 = arith.constant 1.000000e+00 : f32
    %broadcast_in_dim3A_26 = vector.broadcast %broadcast_in_dim3A_25 : f32 to vector<16xf32>
    %swap3A_27 = arith.constant 80 : index
    %swap3A_28 = tpu.vector_load %arg12[%swap3A_27] {strides = array<i32>} : memref<128xf32, #tpu.memory_space<vmem>>, vector<16xf32>,
    tpu.vector_store %arg12[%swap3A_27], %broadcast_in_dim3A_26 {strides = array<i32>} : memref<128xf32, #tpu.memory_space<vmem>>, vector<16xf32>,
    %broadcast_in_dim3A_29 = arith.constant 1.000000e+00 : f32
    %broadcast_in_dim3A_30 = vector.broadcast %broadcast_in_dim3A_29 : f32 to vector<16xf32>
    %swap3A_31 = arith.constant 96 : index
    %swap3A_32 = tpu.vector_load %arg12[%swap3A_31] {strides = array<i32>} : memref<128xf32, #tpu.memory_space<vmem>>, vector<16xf32>,
    tpu.vector_store %arg12[%swap3A_31], %broadcast_in_dim3A_30 {strides = array<i32>} : memref<128xf32, #tpu.memory_space<vmem>>, vector<16xf32>,
    %broadcast_in_dim3A_33 = arith.constant 1.000000e+00 : f32
    %broadcast_in_dim3A_34 = vector.broadcast %broadcast_in_dim3A_33 : f32 to vector<16xf32>
    %swap3A_35 = arith.constant 112 : index
    %swap3A_36 = tpu.vector_load %arg12[%swap3A_35] {strides = array<i32>} : memref<128xf32, #tpu.memory_space<vmem>>, vector<16xf32>,
    tpu.vector_store %arg12[%swap3A_35], %broadcast_in_dim3A_34 {strides = array<i32>} : memref<128xf32, #tpu.memory_space<vmem>>, vector<16xf32>,
    %barrier3A = arith.constant 0 : index
    tpu.barrier barrier_id(%barrier3A)
    %mul3A_37 = arith.constant 200 : i32
    %mul3A_38 = arith.muli %add3A, %mul3A_37 : i32
    %add3A_39 = arith.constant 0 : i32
    %add3A_40 = arith.addi %mul3A_38, %add3A_39 : i32
    "tpu.region"() ({
      %run_scoped3A = tpu.sem_alloc : memref<!tpu.dma_semaphore, #tpu.memory_space<semaphore_mem>>
      %dma_start3A = arith.constant 0 : i32
      %dma_start3A_63 = arith.constant 0 : i32
      %dma_start3A_64 = tpu.memref_slice %arg8[%dma_start3A, %dma_start3A_63] : memref<104x128xi32, #tpu.memory_space<vmem>> -> memref<104x128xi32, #tpu.memory_space<vmem>>
      %dma_start3A_65 = arith.constant 0 : i32
      %dma_start3A_66 = tpu.memref_slice %arg3[%add3A_40, %dma_start3A_65] : memref<6400x128xi32, #tpu.memory_space<hbm>> -> memref<104x128xi32, #tpu.memory_space<hbm>>
      %dma_start3A_67 = arith.constant 0 : i32
      %dma_start3A_68 = arith.constant 0 : i32
      %dma_start3A_69 = tpu.memref_slice %arg8[%dma_start3A_67, %dma_start3A_68] : memref<104x128xi32, #tpu.memory_space<vmem>> -> memref<104x128xi32, #tpu.memory_space<vmem>>
      %dma_start3A_70 = arith.constant 0 : i32
      %dma_start3A_71 = tpu.memref_slice %arg3[%add3A_40, %dma_start3A_70] : memref<6400x128xi32, #tpu.memory_space<hbm>> -> memref<104x128xi32, #tpu.memory_space<hbm>>
      tpu.enqueue_dma source(%dma_start3A_71 : memref<104x128xi32, #tpu.memory_space<hbm>>) target(%dma_start3A_69 : memref<104x128xi32, #tpu.memory_space<vmem>>) target_semaphore(%run_scoped3A : memref<!tpu.dma_semaphore, #tpu.memory_space<semaphore_mem>>)
      %dma_wait3A = arith.constant 0 : i32
      %dma_wait3A_72 = arith.constant 0 : i32
      %dma_wait3A_73 = tpu.memref_slice %arg8[%dma_wait3A, %dma_wait3A_72] : memref<104x128xi32, #tpu.memory_space<vmem>> -> memref<104x128xi32, #tpu.memory_space<vmem>>
      %dma_wait3A_74 = arith.constant 0 : i32
      %dma_wait3A_75 = tpu.memref_slice %arg3[%add3A_40, %dma_wait3A_74] : memref<6400x128xi32, #tpu.memory_space<hbm>> -> memref<104x128xi32, #tpu.memory_space<hbm>>
      %dma_wait3A_76 = arith.constant 0 : i32
      %dma_wait3A_77 = arith.constant 0 : i32
      %dma_wait3A_78 = tpu.memref_slice %arg8[%dma_wait3A_76, %dma_wait3A_77] : memref<104x128xi32, #tpu.memory_space<vmem>> -> memref<104x128xi32, #tpu.memory_space<vmem>>
      %dma_wait3A_79 = arith.constant 0 : i32
      %dma_wait3A_80 = tpu.memref_slice %arg3[%add3A_40, %dma_wait3A_79] : memref<6400x128xi32, #tpu.memory_space<hbm>> -> memref<104x128xi32, #tpu.memory_space<hbm>>
      tpu.wait_dma2 semaphore(%run_scoped3A : memref<!tpu.dma_semaphore, #tpu.memory_space<semaphore_mem>>) src(%dma_wait3A_80 : memref<104x128xi32, #tpu.memory_space<hbm>>) dst(%dma_wait3A_78 : memref<104x128xi32, #tpu.memory_space<vmem>>)
      tpu.yield
    }) : () -> ()
    "tpu.region"() ({
      %run_scoped3A = tpu.sem_alloc : memref<!tpu.dma_semaphore, #tpu.memory_space<semaphore_mem>>
      %dma_start3A = arith.constant 0 : i32
      %dma_start3A_63 = arith.constant 0 : i32
      %dma_start3A_64 = tpu.memref_slice %arg9[%dma_start3A, %dma_start3A_63] : memref<104x128xi32, #tpu.memory_space<vmem>> -> memref<104x128xi32, #tpu.memory_space<vmem>>
      %dma_start3A_65 = arith.constant 0 : i32
      %dma_start3A_66 = tpu.memref_slice %arg4[%add3A_40, %dma_start3A_65] : memref<6400x128xi32, #tpu.memory_space<hbm>> -> memref<104x128xi32, #tpu.memory_space<hbm>>
      %dma_start3A_67 = arith.constant 0 : i32
      %dma_start3A_68 = arith.constant 0 : i32
      %dma_start3A_69 = tpu.memref_slice %arg9[%dma_start3A_67, %dma_start3A_68] : memref<104x128xi32, #tpu.memory_space<vmem>> -> memref<104x128xi32, #tpu.memory_space<vmem>>
      %dma_start3A_70 = arith.constant 0 : i32
      %dma_start3A_71 = tpu.memref_slice %arg4[%add3A_40, %dma_start3A_70] : memref<6400x128xi32, #tpu.memory_space<hbm>> -> memref<104x128xi32, #tpu.memory_space<hbm>>
      tpu.enqueue_dma source(%dma_start3A_71 : memref<104x128xi32, #tpu.memory_space<hbm>>) target(%dma_start3A_69 : memref<104x128xi32, #tpu.memory_space<vmem>>) target_semaphore(%run_scoped3A : memref<!tpu.dma_semaphore, #tpu.memory_space<semaphore_mem>>)
      %dma_wait3A = arith.constant 0 : i32
      %dma_wait3A_72 = arith.constant 0 : i32
      %dma_wait3A_73 = tpu.memref_slice %arg9[%dma_wait3A, %dma_wait3A_72] : memref<104x128xi32, #tpu.memory_space<vmem>> -> memref<104x128xi32, #tpu.memory_space<vmem>>
      %dma_wait3A_74 = arith.constant 0 : i32
      %dma_wait3A_75 = tpu.memref_slice %arg4[%add3A_40, %dma_wait3A_74] : memref<6400x128xi32, #tpu.memory_space<hbm>> -> memref<104x128xi32, #tpu.memory_space<hbm>>
      %dma_wait3A_76 = arith.constant 0 : i32
      %dma_wait3A_77 = arith.constant 0 : i32
      %dma_wait3A_78 = tpu.memref_slice %arg9[%dma_wait3A_76, %dma_wait3A_77] : memref<104x128xi32, #tpu.memory_space<vmem>> -> memref<104x128xi32, #tpu.memory_space<vmem>>
      %dma_wait3A_79 = arith.constant 0 : i32
      %dma_wait3A_80 = tpu.memref_slice %arg4[%add3A_40, %dma_wait3A_79] : memref<6400x128xi32, #tpu.memory_space<hbm>> -> memref<104x128xi32, #tpu.memory_space<hbm>>
      tpu.wait_dma2 semaphore(%run_scoped3A : memref<!tpu.dma_semaphore, #tpu.memory_space<semaphore_mem>>) src(%dma_wait3A_80 : memref<104x128xi32, #tpu.memory_space<hbm>>) dst(%dma_wait3A_78 : memref<104x128xi32, #tpu.memory_space<vmem>>)
      tpu.yield
    }) : () -> ()
    %scan3A_41 = arith.constant 0 : i32
    %scan3A_42 = arith.constant 13 : i32
    %scan3A_43 = arith.addi %scan3A_41, %scan3A_42 : i32
    %scan3A_44 = arith.constant 1 : i32
    scf.for %scan3A_63 = %scan3A_41 to %scan3A_43 step %scan3A_44  : i32 {
      %mul3A_64 = arith.constant 1 : i32
      %mul3A_65 = arith.muli %scan3A_63, %mul3A_64 : i32
      %add3A_66 = arith.constant 0 : i32
      %add3A_67 = arith.addi %add3A_66, %mul3A_65 : i32
      %mul3A_68 = arith.constant 8 : i32
      %mul3A_69 = arith.muli %add3A_67, %mul3A_68 : i32
      %add3A_70 = arith.constant 0 : i32
      %add3A_71 = arith.addi %mul3A_69, %add3A_70 : i32
      %dma_start3A = arith.constant 0 : i32
      %dma_start3A_72 = arith.constant 0 : i32
      %dma_start3A_73 = tpu.memref_slice %arg10[%dma_start3A, %dma_start3A_72] : memref<1024x16xf32, #tpu.memory_space<vmem>> -> memref<128x16xf32, #tpu.memory_space<vmem>>
      %dma_start3A_74 = arith.constant 0 : i32
      %dma_start3A_75 = tpu.memref_slice %arg8[%add3A_71, %dma_start3A_74] : memref<104x128xi32, #tpu.memory_space<vmem>> -> memref<1x128xi32, #tpu.memory_space<vmem>>
      %dma_start3A_76 = tpu.memref_squeeze %dma_start3A_75 : memref<1x128xi32, #tpu.memory_space<vmem>> -> memref<128xi32, #tpu.memory_space<vmem>>
      %dma_start3A_77 = arith.constant 0 : i32
      %dma_start3A_78 = arith.constant 0 : i32
      %dma_start3A_79 = tpu.memref_slice %arg2[%dma_start3A_77, %dma_start3A_78] : memref<51200x16xf32, #tpu.memory_space<hbm>> -> memref<51200x16xf32, #tpu.memory_space<hbm>>
      tpu.enqueue_indirect_dma source(%dma_start3A_79 : memref<51200x16xf32, #tpu.memory_space<hbm>>) target(%dma_start3A_73 : memref<128x16xf32, #tpu.memory_space<vmem>>) offsets(%dma_start3A_76 : memref<128xi32, #tpu.memory_space<vmem>>) semaphore(%arg15 : memref<!tpu.dma_semaphore, #tpu.memory_space<semaphore_mem>>)
      %mul3A_80 = arith.constant 8 : i32
      %mul3A_81 = arith.muli %add3A_67, %mul3A_80 : i32
      %add3A_82 = arith.constant 0 : i32
      %add3A_83 = arith.addi %mul3A_81, %add3A_82 : i32
      %dma_start3A_84 = arith.constant 0 : i32
      %dma_start3A_85 = arith.constant 0 : i32
      %dma_start3A_86 = tpu.memref_slice %arg11[%dma_start3A_84, %dma_start3A_85] : memref<1024x16xf32, #tpu.memory_space<vmem>> -> memref<128x16xf32, #tpu.memory_space<vmem>>
      %dma_start3A_87 = arith.constant 0 : i32
      %dma_start3A_88 = tpu.memref_slice %arg9[%add3A_83, %dma_start3A_87] : memref<104x128xi32, #tpu.memory_space<vmem>> -> memref<1x128xi32, #tpu.memory_space<vmem>>
      %dma_start3A_89 = tpu.memref_squeeze %dma_start3A_88 : memref<1x128xi32, #tpu.memory_space<vmem>> -> memref<128xi32, #tpu.memory_space<vmem>>
      %dma_start3A_90 = arith.constant 0 : i32
      %dma_start3A_91 = arith.constant 0 : i32
      %dma_start3A_92 = tpu.memref_slice %arg2[%dma_start3A_90, %dma_start3A_91] : memref<51200x16xf32, #tpu.memory_space<hbm>> -> memref<51200x16xf32, #tpu.memory_space<hbm>>
      tpu.enqueue_indirect_dma source(%dma_start3A_92 : memref<51200x16xf32, #tpu.memory_space<hbm>>) target(%dma_start3A_86 : memref<128x16xf32, #tpu.memory_space<vmem>>) offsets(%dma_start3A_89 : memref<128xi32, #tpu.memory_space<vmem>>) semaphore(%arg15 : memref<!tpu.dma_semaphore, #tpu.memory_space<semaphore_mem>>)
      %mul3A_93 = arith.constant 8 : i32
      %mul3A_94 = arith.muli %add3A_67, %mul3A_93 : i32
      %add3A_95 = arith.constant 1 : i32
      %add3A_96 = arith.addi %mul3A_94, %add3A_95 : i32
      %dma_start3A_97 = arith.constant 128 : i32
      %dma_start3A_98 = arith.constant 0 : i32
      %dma_start3A_99 = tpu.memref_slice %arg10[%dma_start3A_97, %dma_start3A_98] : memref<1024x16xf32, #tpu.memory_space<vmem>> -> memref<128x16xf32, #tpu.memory_space<vmem>>
      %dma_start3A_100 = arith.constant 0 : i32
      %dma_start3A_101 = tpu.memref_slice %arg8[%add3A_96, %dma_start3A_100] : memref<104x128xi32, #tpu.memory_space<vmem>> -> memref<1x128xi32, #tpu.memory_space<vmem>>
      %dma_start3A_102 = tpu.memref_squeeze %dma_start3A_101 : memref<1x128xi32, #tpu.memory_space<vmem>> -> memref<128xi32, #tpu.memory_space<vmem>>
      %dma_start3A_103 = arith.constant 0 : i32
      %dma_start3A_104 = arith.constant 0 : i32
      %dma_start3A_105 = tpu.memref_slice %arg2[%dma_start3A_103, %dma_start3A_104] : memref<51200x16xf32, #tpu.memory_space<hbm>> -> memref<51200x16xf32, #tpu.memory_space<hbm>>
      tpu.enqueue_indirect_dma source(%dma_start3A_105 : memref<51200x16xf32, #tpu.memory_space<hbm>>) target(%dma_start3A_99 : memref<128x16xf32, #tpu.memory_space<vmem>>) offsets(%dma_start3A_102 : memref<128xi32, #tpu.memory_space<vmem>>) semaphore(%arg15 : memref<!tpu.dma_semaphore, #tpu.memory_space<semaphore_mem>>)
      %mul3A_106 = arith.constant 8 : i32
      %mul3A_107 = arith.muli %add3A_67, %mul3A_106 : i32
      %add3A_108 = arith.constant 1 : i32
      %add3A_109 = arith.addi %mul3A_107, %add3A_108 : i32
      %dma_start3A_110 = arith.constant 128 : i32
      %dma_start3A_111 = arith.constant 0 : i32
      %dma_start3A_112 = tpu.memref_slice %arg11[%dma_start3A_110, %dma_start3A_111] : memref<1024x16xf32, #tpu.memory_space<vmem>> -> memref<128x16xf32, #tpu.memory_space<vmem>>
      %dma_start3A_113 = arith.constant 0 : i32
      %dma_start3A_114 = tpu.memref_slice %arg9[%add3A_109, %dma_start3A_113] : memref<104x128xi32, #tpu.memory_space<vmem>> -> memref<1x128xi32, #tpu.memory_space<vmem>>
      %dma_start3A_115 = tpu.memref_squeeze %dma_start3A_114 : memref<1x128xi32, #tpu.memory_space<vmem>> -> memref<128xi32, #tpu.memory_space<vmem>>
      %dma_start3A_116 = arith.constant 0 : i32
      %dma_start3A_117 = arith.constant 0 : i32
      %dma_start3A_118 = tpu.memref_slice %arg2[%dma_start3A_116, %dma_start3A_117] : memref<51200x16xf32, #tpu.memory_space<hbm>> -> memref<51200x16xf32, #tpu.memory_space<hbm>>
      tpu.enqueue_indirect_dma source(%dma_start3A_118 : memref<51200x16xf32, #tpu.memory_space<hbm>>) target(%dma_start3A_112 : memref<128x16xf32, #tpu.memory_space<vmem>>) offsets(%dma_start3A_115 : memref<128xi32, #tpu.memory_space<vmem>>) semaphore(%arg15 : memref<!tpu.dma_semaphore, #tpu.memory_space<semaphore_mem>>)
      %mul3A_119 = arith.constant 8 : i32
      %mul3A_120 = arith.muli %add3A_67, %mul3A_119 : i32
      %add3A_121 = arith.constant 2 : i32
      %add3A_122 = arith.addi %mul3A_120, %add3A_121 : i32
      %dma_start3A_123 = arith.constant 256 : i32
      %dma_start3A_124 = arith.constant 0 : i32
      %dma_start3A_125 = tpu.memref_slice %arg10[%dma_start3A_123, %dma_start3A_124] : memref<1024x16xf32, #tpu.memory_space<vmem>> -> memref<128x16xf32, #tpu.memory_space<vmem>>
      %dma_start3A_126 = arith.constant 0 : i32
      %dma_start3A_127 = tpu.memref_slice %arg8[%add3A_122, %dma_start3A_126] : memref<104x128xi32, #tpu.memory_space<vmem>> -> memref<1x128xi32, #tpu.memory_space<vmem>>
      %dma_start3A_128 = tpu.memref_squeeze %dma_start3A_127 : memref<1x128xi32, #tpu.memory_space<vmem>> -> memref<128xi32, #tpu.memory_space<vmem>>
      %dma_start3A_129 = arith.constant 0 : i32
      %dma_start3A_130 = arith.constant 0 : i32
      %dma_start3A_131 = tpu.memref_slice %arg2[%dma_start3A_129, %dma_start3A_130] : memref<51200x16xf32, #tpu.memory_space<hbm>> -> memref<51200x16xf32, #tpu.memory_space<hbm>>
      tpu.enqueue_indirect_dma source(%dma_start3A_131 : memref<51200x16xf32, #tpu.memory_space<hbm>>) target(%dma_start3A_125 : memref<128x16xf32, #tpu.memory_space<vmem>>) offsets(%dma_start3A_128 : memref<128xi32, #tpu.memory_space<vmem>>) semaphore(%arg15 : memref<!tpu.dma_semaphore, #tpu.memory_space<semaphore_mem>>)
      %mul3A_132 = arith.constant 8 : i32
      %mul3A_133 = arith.muli %add3A_67, %mul3A_132 : i32
      %add3A_134 = arith.constant 2 : i32
      %add3A_135 = arith.addi %mul3A_133, %add3A_134 : i32
      %dma_start3A_136 = arith.constant 256 : i32
      %dma_start3A_137 = arith.constant 0 : i32
      %dma_start3A_138 = tpu.memref_slice %arg11[%dma_start3A_136, %dma_start3A_137] : memref<1024x16xf32, #tpu.memory_space<vmem>> -> memref<128x16xf32, #tpu.memory_space<vmem>>
      %dma_start3A_139 = arith.constant 0 : i32
      %dma_start3A_140 = tpu.memref_slice %arg9[%add3A_135, %dma_start3A_139] : memref<104x128xi32, #tpu.memory_space<vmem>> -> memref<1x128xi32, #tpu.memory_space<vmem>>
      %dma_start3A_141 = tpu.memref_squeeze %dma_start3A_140 : memref<1x128xi32, #tpu.memory_space<vmem>> -> memref<128xi32, #tpu.memory_space<vmem>>
      %dma_start3A_142 = arith.constant 0 : i32
      %dma_start3A_143 = arith.constant 0 : i32
      %dma_start3A_144 = tpu.memref_slice %arg2[%dma_start3A_142, %dma_start3A_143] : memref<51200x16xf32, #tpu.memory_space<hbm>> -> memref<51200x16xf32, #tpu.memory_space<hbm>>
      tpu.enqueue_indirect_dma source(%dma_start3A_144 : memref<51200x16xf32, #tpu.memory_space<hbm>>) target(%dma_start3A_138 : memref<128x16xf32, #tpu.memory_space<vmem>>) offsets(%dma_start3A_141 : memref<128xi32, #tpu.memory_space<vmem>>) semaphore(%arg15 : memref<!tpu.dma_semaphore, #tpu.memory_space<semaphore_mem>>)
      %mul3A_145 = arith.constant 8 : i32
      %mul3A_146 = arith.muli %add3A_67, %mul3A_145 : i32
      %add3A_147 = arith.constant 3 : i32
      %add3A_148 = arith.addi %mul3A_146, %add3A_147 : i32
      %dma_start3A_149 = arith.constant 384 : i32
      %dma_start3A_150 = arith.constant 0 : i32
      %dma_start3A_151 = tpu.memref_slice %arg10[%dma_start3A_149, %dma_start3A_150] : memref<1024x16xf32, #tpu.memory_space<vmem>> -> memref<128x16xf32, #tpu.memory_space<vmem>>
      %dma_start3A_152 = arith.constant 0 : i32
      %dma_start3A_153 = tpu.memref_slice %arg8[%add3A_148, %dma_start3A_152] : memref<104x128xi32, #tpu.memory_space<vmem>> -> memref<1x128xi32, #tpu.memory_space<vmem>>
      %dma_start3A_154 = tpu.memref_squeeze %dma_start3A_153 : memref<1x128xi32, #tpu.memory_space<vmem>> -> memref<128xi32, #tpu.memory_space<vmem>>
      %dma_start3A_155 = arith.constant 0 : i32
      %dma_start3A_156 = arith.constant 0 : i32
      %dma_start3A_157 = tpu.memref_slice %arg2[%dma_start3A_155, %dma_start3A_156] : memref<51200x16xf32, #tpu.memory_space<hbm>> -> memref<51200x16xf32, #tpu.memory_space<hbm>>
      tpu.enqueue_indirect_dma source(%dma_start3A_157 : memref<51200x16xf32, #tpu.memory_space<hbm>>) target(%dma_start3A_151 : memref<128x16xf32, #tpu.memory_space<vmem>>) offsets(%dma_start3A_154 : memref<128xi32, #tpu.memory_space<vmem>>) semaphore(%arg15 : memref<!tpu.dma_semaphore, #tpu.memory_space<semaphore_mem>>)
      %mul3A_158 = arith.constant 8 : i32
      %mul3A_159 = arith.muli %add3A_67, %mul3A_158 : i32
      %add3A_160 = arith.constant 3 : i32
      %add3A_161 = arith.addi %mul3A_159, %add3A_160 : i32
      %dma_start3A_162 = arith.constant 384 : i32
      %dma_start3A_163 = arith.constant 0 : i32
      %dma_start3A_164 = tpu.memref_slice %arg11[%dma_start3A_162, %dma_start3A_163] : memref<1024x16xf32, #tpu.memory_space<vmem>> -> memref<128x16xf32, #tpu.memory_space<vmem>>
      %dma_start3A_165 = arith.constant 0 : i32
      %dma_start3A_166 = tpu.memref_slice %arg9[%add3A_161, %dma_start3A_165] : memref<104x128xi32, #tpu.memory_space<vmem>> -> memref<1x128xi32, #tpu.memory_space<vmem>>
      %dma_start3A_167 = tpu.memref_squeeze %dma_start3A_166 : memref<1x128xi32, #tpu.memory_space<vmem>> -> memref<128xi32, #tpu.memory_space<vmem>>
      %dma_start3A_168 = arith.constant 0 : i32
      %dma_start3A_169 = arith.constant 0 : i32
      %dma_start3A_170 = tpu.memref_slice %arg2[%dma_start3A_168, %dma_start3A_169] : memref<51200x16xf32, #tpu.memory_space<hbm>> -> memref<51200x16xf32, #tpu.memory_space<hbm>>
      tpu.enqueue_indirect_dma source(%dma_start3A_170 : memref<51200x16xf32, #tpu.memory_space<hbm>>) target(%dma_start3A_164 : memref<128x16xf32, #tpu.memory_space<vmem>>) offsets(%dma_start3A_167 : memref<128xi32, #tpu.memory_space<vmem>>) semaphore(%arg15 : memref<!tpu.dma_semaphore, #tpu.memory_space<semaphore_mem>>)
      %mul3A_171 = arith.constant 8 : i32
      %mul3A_172 = arith.muli %add3A_67, %mul3A_171 : i32
      %add3A_173 = arith.constant 4 : i32
      %add3A_174 = arith.addi %mul3A_172, %add3A_173 : i32
      %dma_start3A_175 = arith.constant 512 : i32
      %dma_start3A_176 = arith.constant 0 : i32
      %dma_start3A_177 = tpu.memref_slice %arg10[%dma_start3A_175, %dma_start3A_176] : memref<1024x16xf32, #tpu.memory_space<vmem>> -> memref<128x16xf32, #tpu.memory_space<vmem>>
      %dma_start3A_178 = arith.constant 0 : i32
      %dma_start3A_179 = tpu.memref_slice %arg8[%add3A_174, %dma_start3A_178] : memref<104x128xi32, #tpu.memory_space<vmem>> -> memref<1x128xi32, #tpu.memory_space<vmem>>
      %dma_start3A_180 = tpu.memref_squeeze %dma_start3A_179 : memref<1x128xi32, #tpu.memory_space<vmem>> -> memref<128xi32, #tpu.memory_space<vmem>>
      %dma_start3A_181 = arith.constant 0 : i32
      %dma_start3A_182 = arith.constant 0 : i32
      %dma_start3A_183 = tpu.memref_slice %arg2[%dma_start3A_181, %dma_start3A_182] : memref<51200x16xf32, #tpu.memory_space<hbm>> -> memref<51200x16xf32, #tpu.memory_space<hbm>>
      tpu.enqueue_indirect_dma source(%dma_start3A_183 : memref<51200x16xf32, #tpu.memory_space<hbm>>) target(%dma_start3A_177 : memref<128x16xf32, #tpu.memory_space<vmem>>) offsets(%dma_start3A_180 : memref<128xi32, #tpu.memory_space<vmem>>) semaphore(%arg15 : memref<!tpu.dma_semaphore, #tpu.memory_space<semaphore_mem>>)
      %mul3A_184 = arith.constant 8 : i32
      %mul3A_185 = arith.muli %add3A_67, %mul3A_184 : i32
      %add3A_186 = arith.constant 4 : i32
      %add3A_187 = arith.addi %mul3A_185, %add3A_186 : i32
      %dma_start3A_188 = arith.constant 512 : i32
      %dma_start3A_189 = arith.constant 0 : i32
      %dma_start3A_190 = tpu.memref_slice %arg11[%dma_start3A_188, %dma_start3A_189] : memref<1024x16xf32, #tpu.memory_space<vmem>> -> memref<128x16xf32, #tpu.memory_space<vmem>>
      %dma_start3A_191 = arith.constant 0 : i32
      %dma_start3A_192 = tpu.memref_slice %arg9[%add3A_187, %dma_start3A_191] : memref<104x128xi32, #tpu.memory_space<vmem>> -> memref<1x128xi32, #tpu.memory_space<vmem>>
      %dma_start3A_193 = tpu.memref_squeeze %dma_start3A_192 : memref<1x128xi32, #tpu.memory_space<vmem>> -> memref<128xi32, #tpu.memory_space<vmem>>
      %dma_start3A_194 = arith.constant 0 : i32
      %dma_start3A_195 = arith.constant 0 : i32
      %dma_start3A_196 = tpu.memref_slice %arg2[%dma_start3A_194, %dma_start3A_195] : memref<51200x16xf32, #tpu.memory_space<hbm>> -> memref<51200x16xf32, #tpu.memory_space<hbm>>
      tpu.enqueue_indirect_dma source(%dma_start3A_196 : memref<51200x16xf32, #tpu.memory_space<hbm>>) target(%dma_start3A_190 : memref<128x16xf32, #tpu.memory_space<vmem>>) offsets(%dma_start3A_193 : memref<128xi32, #tpu.memory_space<vmem>>) semaphore(%arg15 : memref<!tpu.dma_semaphore, #tpu.memory_space<semaphore_mem>>)
      %mul3A_197 = arith.constant 8 : i32
      %mul3A_198 = arith.muli %add3A_67, %mul3A_197 : i32
      %add3A_199 = arith.constant 5 : i32
      %add3A_200 = arith.addi %mul3A_198, %add3A_199 : i32
      %dma_start3A_201 = arith.constant 640 : i32
      %dma_start3A_202 = arith.constant 0 : i32
      %dma_start3A_203 = tpu.memref_slice %arg10[%dma_start3A_201, %dma_start3A_202] : memref<1024x16xf32, #tpu.memory_space<vmem>> -> memref<128x16xf32, #tpu.memory_space<vmem>>
      %dma_start3A_204 = arith.constant 0 : i32
      %dma_start3A_205 = tpu.memref_slice %arg8[%add3A_200, %dma_start3A_204] : memref<104x128xi32, #tpu.memory_space<vmem>> -> memref<1x128xi32, #tpu.memory_space<vmem>>
      %dma_start3A_206 = tpu.memref_squeeze %dma_start3A_205 : memref<1x128xi32, #tpu.memory_space<vmem>> -> memref<128xi32, #tpu.memory_space<vmem>>
      %dma_start3A_207 = arith.constant 0 : i32
      %dma_start3A_208 = arith.constant 0 : i32
      %dma_start3A_209 = tpu.memref_slice %arg2[%dma_start3A_207, %dma_start3A_208] : memref<51200x16xf32, #tpu.memory_space<hbm>> -> memref<51200x16xf32, #tpu.memory_space<hbm>>
      tpu.enqueue_indirect_dma source(%dma_start3A_209 : memref<51200x16xf32, #tpu.memory_space<hbm>>) target(%dma_start3A_203 : memref<128x16xf32, #tpu.memory_space<vmem>>) offsets(%dma_start3A_206 : memref<128xi32, #tpu.memory_space<vmem>>) semaphore(%arg15 : memref<!tpu.dma_semaphore, #tpu.memory_space<semaphore_mem>>)
      %mul3A_210 = arith.constant 8 : i32
      %mul3A_211 = arith.muli %add3A_67, %mul3A_210 : i32
      %add3A_212 = arith.constant 5 : i32
      %add3A_213 = arith.addi %mul3A_211, %add3A_212 : i32
      %dma_start3A_214 = arith.constant 640 : i32
      %dma_start3A_215 = arith.constant 0 : i32
      %dma_start3A_216 = tpu.memref_slice %arg11[%dma_start3A_214, %dma_start3A_215] : memref<1024x16xf32, #tpu.memory_space<vmem>> -> memref<128x16xf32, #tpu.memory_space<vmem>>
      %dma_start3A_217 = arith.constant 0 : i32
      %dma_start3A_218 = tpu.memref_slice %arg9[%add3A_213, %dma_start3A_217] : memref<104x128xi32, #tpu.memory_space<vmem>> -> memref<1x128xi32, #tpu.memory_space<vmem>>
      %dma_start3A_219 = tpu.memref_squeeze %dma_start3A_218 : memref<1x128xi32, #tpu.memory_space<vmem>> -> memref<128xi32, #tpu.memory_space<vmem>>
      %dma_start3A_220 = arith.constant 0 : i32
      %dma_start3A_221 = arith.constant 0 : i32
      %dma_start3A_222 = tpu.memref_slice %arg2[%dma_start3A_220, %dma_start3A_221] : memref<51200x16xf32, #tpu.memory_space<hbm>> -> memref<51200x16xf32, #tpu.memory_space<hbm>>
      tpu.enqueue_indirect_dma source(%dma_start3A_222 : memref<51200x16xf32, #tpu.memory_space<hbm>>) target(%dma_start3A_216 : memref<128x16xf32, #tpu.memory_space<vmem>>) offsets(%dma_start3A_219 : memref<128xi32, #tpu.memory_space<vmem>>) semaphore(%arg15 : memref<!tpu.dma_semaphore, #tpu.memory_space<semaphore_mem>>)
      %mul3A_223 = arith.constant 8 : i32
      %mul3A_224 = arith.muli %add3A_67, %mul3A_223 : i32
      %add3A_225 = arith.constant 6 : i32
      %add3A_226 = arith.addi %mul3A_224, %add3A_225 : i32
      %dma_start3A_227 = arith.constant 768 : i32
      %dma_start3A_228 = arith.constant 0 : i32
      %dma_start3A_229 = tpu.memref_slice %arg10[%dma_start3A_227, %dma_start3A_228] : memref<1024x16xf32, #tpu.memory_space<vmem>> -> memref<128x16xf32, #tpu.memory_space<vmem>>
      %dma_start3A_230 = arith.constant 0 : i32
      %dma_start3A_231 = tpu.memref_slice %arg8[%add3A_226, %dma_start3A_230] : memref<104x128xi32, #tpu.memory_space<vmem>> -> memref<1x128xi32, #tpu.memory_space<vmem>>
      %dma_start3A_232 = tpu.memref_squeeze %dma_start3A_231 : memref<1x128xi32, #tpu.memory_space<vmem>> -> memref<128xi32, #tpu.memory_space<vmem>>
      %dma_start3A_233 = arith.constant 0 : i32
      %dma_start3A_234 = arith.constant 0 : i32
      %dma_start3A_235 = tpu.memref_slice %arg2[%dma_start3A_233, %dma_start3A_234] : memref<51200x16xf32, #tpu.memory_space<hbm>> -> memref<51200x16xf32, #tpu.memory_space<hbm>>
      tpu.enqueue_indirect_dma source(%dma_start3A_235 : memref<51200x16xf32, #tpu.memory_space<hbm>>) target(%dma_start3A_229 : memref<128x16xf32, #tpu.memory_space<vmem>>) offsets(%dma_start3A_232 : memref<128xi32, #tpu.memory_space<vmem>>) semaphore(%arg15 : memref<!tpu.dma_semaphore, #tpu.memory_space<semaphore_mem>>)
      %mul3A_236 = arith.constant 8 : i32
      %mul3A_237 = arith.muli %add3A_67, %mul3A_236 : i32
      %add3A_238 = arith.constant 6 : i32
      %add3A_239 = arith.addi %mul3A_237, %add3A_238 : i32
      %dma_start3A_240 = arith.constant 768 : i32
      %dma_start3A_241 = arith.constant 0 : i32
      %dma_start3A_242 = tpu.memref_slice %arg11[%dma_start3A_240, %dma_start3A_241] : memref<1024x16xf32, #tpu.memory_space<vmem>> -> memref<128x16xf32, #tpu.memory_space<vmem>>
      %dma_start3A_243 = arith.constant 0 : i32
      %dma_start3A_244 = tpu.memref_slice %arg9[%add3A_239, %dma_start3A_243] : memref<104x128xi32, #tpu.memory_space<vmem>> -> memref<1x128xi32, #tpu.memory_space<vmem>>
      %dma_start3A_245 = tpu.memref_squeeze %dma_start3A_244 : memref<1x128xi32, #tpu.memory_space<vmem>> -> memref<128xi32, #tpu.memory_space<vmem>>
      %dma_start3A_246 = arith.constant 0 : i32
      %dma_start3A_247 = arith.constant 0 : i32
      %dma_start3A_248 = tpu.memref_slice %arg2[%dma_start3A_246, %dma_start3A_247] : memref<51200x16xf32, #tpu.memory_space<hbm>> -> memref<51200x16xf32, #tpu.memory_space<hbm>>
      tpu.enqueue_indirect_dma source(%dma_start3A_248 : memref<51200x16xf32, #tpu.memory_space<hbm>>) target(%dma_start3A_242 : memref<128x16xf32, #tpu.memory_space<vmem>>) offsets(%dma_start3A_245 : memref<128xi32, #tpu.memory_space<vmem>>) semaphore(%arg15 : memref<!tpu.dma_semaphore, #tpu.memory_space<semaphore_mem>>)
      %mul3A_249 = arith.constant 8 : i32
      %mul3A_250 = arith.muli %add3A_67, %mul3A_249 : i32
      %add3A_251 = arith.constant 7 : i32
      %add3A_252 = arith.addi %mul3A_250, %add3A_251 : i32
      %dma_start3A_253 = arith.constant 896 : i32
      %dma_start3A_254 = arith.constant 0 : i32
      %dma_start3A_255 = tpu.memref_slice %arg10[%dma_start3A_253, %dma_start3A_254] : memref<1024x16xf32, #tpu.memory_space<vmem>> -> memref<128x16xf32, #tpu.memory_space<vmem>>
      %dma_start3A_256 = arith.constant 0 : i32
      %dma_start3A_257 = tpu.memref_slice %arg8[%add3A_252, %dma_start3A_256] : memref<104x128xi32, #tpu.memory_space<vmem>> -> memref<1x128xi32, #tpu.memory_space<vmem>>
      %dma_start3A_258 = tpu.memref_squeeze %dma_start3A_257 : memref<1x128xi32, #tpu.memory_space<vmem>> -> memref<128xi32, #tpu.memory_space<vmem>>
      %dma_start3A_259 = arith.constant 0 : i32
      %dma_start3A_260 = arith.constant 0 : i32
      %dma_start3A_261 = tpu.memref_slice %arg2[%dma_start3A_259, %dma_start3A_260] : memref<51200x16xf32, #tpu.memory_space<hbm>> -> memref<51200x16xf32, #tpu.memory_space<hbm>>
      tpu.enqueue_indirect_dma source(%dma_start3A_261 : memref<51200x16xf32, #tpu.memory_space<hbm>>) target(%dma_start3A_255 : memref<128x16xf32, #tpu.memory_space<vmem>>) offsets(%dma_start3A_258 : memref<128xi32, #tpu.memory_space<vmem>>) semaphore(%arg15 : memref<!tpu.dma_semaphore, #tpu.memory_space<semaphore_mem>>)
      %mul3A_262 = arith.constant 8 : i32
      %mul3A_263 = arith.muli %add3A_67, %mul3A_262 : i32
      %add3A_264 = arith.constant 7 : i32
      %add3A_265 = arith.addi %mul3A_263, %add3A_264 : i32
      %dma_start3A_266 = arith.constant 896 : i32
      %dma_start3A_267 = arith.constant 0 : i32
      %dma_start3A_268 = tpu.memref_slice %arg11[%dma_start3A_266, %dma_start3A_267] : memref<1024x16xf32, #tpu.memory_space<vmem>> -> memref<128x16xf32, #tpu.memory_space<vmem>>
      %dma_start3A_269 = arith.constant 0 : i32
      %dma_start3A_270 = tpu.memref_slice %arg9[%add3A_265, %dma_start3A_269] : memref<104x128xi32, #tpu.memory_space<vmem>> -> memref<1x128xi32, #tpu.memory_space<vmem>>
      %dma_start3A_271 = tpu.memref_squeeze %dma_start3A_270 : memref<1x128xi32, #tpu.memory_space<vmem>> -> memref<128xi32, #tpu.memory_space<vmem>>
      %dma_start3A_272 = arith.constant 0 : i32
      %dma_start3A_273 = arith.constant 0 : i32
      %dma_start3A_274 = tpu.memref_slice %arg2[%dma_start3A_272, %dma_start3A_273] : memref<51200x16xf32, #tpu.memory_space<hbm>> -> memref<51200x16xf32, #tpu.memory_space<hbm>>
      tpu.enqueue_indirect_dma source(%dma_start3A_274 : memref<51200x16xf32, #tpu.memory_space<hbm>>) target(%dma_start3A_268 : memref<128x16xf32, #tpu.memory_space<vmem>>) offsets(%dma_start3A_271 : memref<128xi32, #tpu.memory_space<vmem>>) semaphore(%arg15 : memref<!tpu.dma_semaphore, #tpu.memory_space<semaphore_mem>>)
      %dma_wait3A = arith.constant 0 : i32
      %dma_wait3A_275 = arith.constant 0 : i32
      %dma_wait3A_276 = tpu.memref_slice %arg10[%dma_wait3A, %dma_wait3A_275] : memref<1024x16xf32, #tpu.memory_space<vmem>> -> memref<128x16xf32, #tpu.memory_space<vmem>>
      %dma_wait3A_277 = arith.constant 0 : i32
      %dma_wait3A_278 = tpu.memref_slice %arg8[%add3A_71, %dma_wait3A_277] : memref<104x128xi32, #tpu.memory_space<vmem>> -> memref<1x128xi32, #tpu.memory_space<vmem>>
      %dma_wait3A_279 = tpu.memref_squeeze %dma_wait3A_278 : memref<1x128xi32, #tpu.memory_space<vmem>> -> memref<128xi32, #tpu.memory_space<vmem>>
      %dma_wait3A_280 = arith.constant 0 : i32
      %dma_wait3A_281 = arith.constant 0 : i32
      %dma_wait3A_282 = tpu.memref_slice %arg2[%dma_wait3A_280, %dma_wait3A_281] : memref<51200x16xf32, #tpu.memory_space<hbm>> -> memref<51200x16xf32, #tpu.memory_space<hbm>>
      tpu.wait_indirect_dma semaphore(%arg15 : memref<!tpu.dma_semaphore, #tpu.memory_space<semaphore_mem>>) src(%dma_wait3A_282 : memref<51200x16xf32, #tpu.memory_space<hbm>>) dst(%dma_wait3A_276 : memref<128x16xf32, #tpu.memory_space<vmem>>)
      %dma_wait3A_283 = arith.constant 0 : i32
      %dma_wait3A_284 = arith.constant 0 : i32
      %dma_wait3A_285 = tpu.memref_slice %arg11[%dma_wait3A_283, %dma_wait3A_284] : memref<1024x16xf32, #tpu.memory_space<vmem>> -> memref<128x16xf32, #tpu.memory_space<vmem>>
      %dma_wait3A_286 = arith.constant 0 : i32
      %dma_wait3A_287 = tpu.memref_slice %arg9[%add3A_83, %dma_wait3A_286] : memref<104x128xi32, #tpu.memory_space<vmem>> -> memref<1x128xi32, #tpu.memory_space<vmem>>
      %dma_wait3A_288 = tpu.memref_squeeze %dma_wait3A_287 : memref<1x128xi32, #tpu.memory_space<vmem>> -> memref<128xi32, #tpu.memory_space<vmem>>
      %dma_wait3A_289 = arith.constant 0 : i32
      %dma_wait3A_290 = arith.constant 0 : i32
      %dma_wait3A_291 = tpu.memref_slice %arg2[%dma_wait3A_289, %dma_wait3A_290] : memref<51200x16xf32, #tpu.memory_space<hbm>> -> memref<51200x16xf32, #tpu.memory_space<hbm>>
      tpu.wait_indirect_dma semaphore(%arg15 : memref<!tpu.dma_semaphore, #tpu.memory_space<semaphore_mem>>) src(%dma_wait3A_291 : memref<51200x16xf32, #tpu.memory_space<hbm>>) dst(%dma_wait3A_285 : memref<128x16xf32, #tpu.memory_space<vmem>>)
      %dma_wait3A_292 = arith.constant 128 : i32
      %dma_wait3A_293 = arith.constant 0 : i32
      %dma_wait3A_294 = tpu.memref_slice %arg10[%dma_wait3A_292, %dma_wait3A_293] : memref<1024x16xf32, #tpu.memory_space<vmem>> -> memref<128x16xf32, #tpu.memory_space<vmem>>
      %dma_wait3A_295 = arith.constant 0 : i32
      %dma_wait3A_296 = tpu.memref_slice %arg8[%add3A_96, %dma_wait3A_295] : memref<104x128xi32, #tpu.memory_space<vmem>> -> memref<1x128xi32, #tpu.memory_space<vmem>>
      %dma_wait3A_297 = tpu.memref_squeeze %dma_wait3A_296 : memref<1x128xi32, #tpu.memory_space<vmem>> -> memref<128xi32, #tpu.memory_space<vmem>>
      %dma_wait3A_298 = arith.constant 0 : i32
      %dma_wait3A_299 = arith.constant 0 : i32
      %dma_wait3A_300 = tpu.memref_slice %arg2[%dma_wait3A_298, %dma_wait3A_299] : memref<51200x16xf32, #tpu.memory_space<hbm>> -> memref<51200x16xf32, #tpu.memory_space<hbm>>
      tpu.wait_indirect_dma semaphore(%arg15 : memref<!tpu.dma_semaphore, #tpu.memory_space<semaphore_mem>>) src(%dma_wait3A_300 : memref<51200x16xf32, #tpu.memory_space<hbm>>) dst(%dma_wait3A_294 : memref<128x16xf32, #tpu.memory_space<vmem>>)
      %dma_wait3A_301 = arith.constant 128 : i32
      %dma_wait3A_302 = arith.constant 0 : i32
      %dma_wait3A_303 = tpu.memref_slice %arg11[%dma_wait3A_301, %dma_wait3A_302] : memref<1024x16xf32, #tpu.memory_space<vmem>> -> memref<128x16xf32, #tpu.memory_space<vmem>>
      %dma_wait3A_304 = arith.constant 0 : i32
      %dma_wait3A_305 = tpu.memref_slice %arg9[%add3A_109, %dma_wait3A_304] : memref<104x128xi32, #tpu.memory_space<vmem>> -> memref<1x128xi32, #tpu.memory_space<vmem>>
      %dma_wait3A_306 = tpu.memref_squeeze %dma_wait3A_305 : memref<1x128xi32, #tpu.memory_space<vmem>> -> memref<128xi32, #tpu.memory_space<vmem>>
      %dma_wait3A_307 = arith.constant 0 : i32
      %dma_wait3A_308 = arith.constant 0 : i32
      %dma_wait3A_309 = tpu.memref_slice %arg2[%dma_wait3A_307, %dma_wait3A_308] : memref<51200x16xf32, #tpu.memory_space<hbm>> -> memref<51200x16xf32, #tpu.memory_space<hbm>>
      tpu.wait_indirect_dma semaphore(%arg15 : memref<!tpu.dma_semaphore, #tpu.memory_space<semaphore_mem>>) src(%dma_wait3A_309 : memref<51200x16xf32, #tpu.memory_space<hbm>>) dst(%dma_wait3A_303 : memref<128x16xf32, #tpu.memory_space<vmem>>)
      %dma_wait3A_310 = arith.constant 256 : i32
      %dma_wait3A_311 = arith.constant 0 : i32
      %dma_wait3A_312 = tpu.memref_slice %arg10[%dma_wait3A_310, %dma_wait3A_311] : memref<1024x16xf32, #tpu.memory_space<vmem>> -> memref<128x16xf32, #tpu.memory_space<vmem>>
      %dma_wait3A_313 = arith.constant 0 : i32
      %dma_wait3A_314 = tpu.memref_slice %arg8[%add3A_122, %dma_wait3A_313] : memref<104x128xi32, #tpu.memory_space<vmem>> -> memref<1x128xi32, #tpu.memory_space<vmem>>
      %dma_wait3A_315 = tpu.memref_squeeze %dma_wait3A_314 : memref<1x128xi32, #tpu.memory_space<vmem>> -> memref<128xi32, #tpu.memory_space<vmem>>
      %dma_wait3A_316 = arith.constant 0 : i32
      %dma_wait3A_317 = arith.constant 0 : i32
      %dma_wait3A_318 = tpu.memref_slice %arg2[%dma_wait3A_316, %dma_wait3A_317] : memref<51200x16xf32, #tpu.memory_space<hbm>> -> memref<51200x16xf32, #tpu.memory_space<hbm>>
      tpu.wait_indirect_dma semaphore(%arg15 : memref<!tpu.dma_semaphore, #tpu.memory_space<semaphore_mem>>) src(%dma_wait3A_318 : memref<51200x16xf32, #tpu.memory_space<hbm>>) dst(%dma_wait3A_312 : memref<128x16xf32, #tpu.memory_space<vmem>>)
      %dma_wait3A_319 = arith.constant 256 : i32
      %dma_wait3A_320 = arith.constant 0 : i32
      %dma_wait3A_321 = tpu.memref_slice %arg11[%dma_wait3A_319, %dma_wait3A_320] : memref<1024x16xf32, #tpu.memory_space<vmem>> -> memref<128x16xf32, #tpu.memory_space<vmem>>
      %dma_wait3A_322 = arith.constant 0 : i32
      %dma_wait3A_323 = tpu.memref_slice %arg9[%add3A_135, %dma_wait3A_322] : memref<104x128xi32, #tpu.memory_space<vmem>> -> memref<1x128xi32, #tpu.memory_space<vmem>>
      %dma_wait3A_324 = tpu.memref_squeeze %dma_wait3A_323 : memref<1x128xi32, #tpu.memory_space<vmem>> -> memref<128xi32, #tpu.memory_space<vmem>>
      %dma_wait3A_325 = arith.constant 0 : i32
      %dma_wait3A_326 = arith.constant 0 : i32
      %dma_wait3A_327 = tpu.memref_slice %arg2[%dma_wait3A_325, %dma_wait3A_326] : memref<51200x16xf32, #tpu.memory_space<hbm>> -> memref<51200x16xf32, #tpu.memory_space<hbm>>
      tpu.wait_indirect_dma semaphore(%arg15 : memref<!tpu.dma_semaphore, #tpu.memory_space<semaphore_mem>>) src(%dma_wait3A_327 : memref<51200x16xf32, #tpu.memory_space<hbm>>) dst(%dma_wait3A_321 : memref<128x16xf32, #tpu.memory_space<vmem>>)
      %dma_wait3A_328 = arith.constant 384 : i32
      %dma_wait3A_329 = arith.constant 0 : i32
      %dma_wait3A_330 = tpu.memref_slice %arg10[%dma_wait3A_328, %dma_wait3A_329] : memref<1024x16xf32, #tpu.memory_space<vmem>> -> memref<128x16xf32, #tpu.memory_space<vmem>>
      %dma_wait3A_331 = arith.constant 0 : i32
      %dma_wait3A_332 = tpu.memref_slice %arg8[%add3A_148, %dma_wait3A_331] : memref<104x128xi32, #tpu.memory_space<vmem>> -> memref<1x128xi32, #tpu.memory_space<vmem>>
      %dma_wait3A_333 = tpu.memref_squeeze %dma_wait3A_332 : memref<1x128xi32, #tpu.memory_space<vmem>> -> memref<128xi32, #tpu.memory_space<vmem>>
      %dma_wait3A_334 = arith.constant 0 : i32
      %dma_wait3A_335 = arith.constant 0 : i32
      %dma_wait3A_336 = tpu.memref_slice %arg2[%dma_wait3A_334, %dma_wait3A_335] : memref<51200x16xf32, #tpu.memory_space<hbm>> -> memref<51200x16xf32, #tpu.memory_space<hbm>>
      tpu.wait_indirect_dma semaphore(%arg15 : memref<!tpu.dma_semaphore, #tpu.memory_space<semaphore_mem>>) src(%dma_wait3A_336 : memref<51200x16xf32, #tpu.memory_space<hbm>>) dst(%dma_wait3A_330 : memref<128x16xf32, #tpu.memory_space<vmem>>)
      %dma_wait3A_337 = arith.constant 384 : i32
      %dma_wait3A_338 = arith.constant 0 : i32
      %dma_wait3A_339 = tpu.memref_slice %arg11[%dma_wait3A_337, %dma_wait3A_338] : memref<1024x16xf32, #tpu.memory_space<vmem>> -> memref<128x16xf32, #tpu.memory_space<vmem>>
      %dma_wait3A_340 = arith.constant 0 : i32
      %dma_wait3A_341 = tpu.memref_slice %arg9[%add3A_161, %dma_wait3A_340] : memref<104x128xi32, #tpu.memory_space<vmem>> -> memref<1x128xi32, #tpu.memory_space<vmem>>
      %dma_wait3A_342 = tpu.memref_squeeze %dma_wait3A_341 : memref<1x128xi32, #tpu.memory_space<vmem>> -> memref<128xi32, #tpu.memory_space<vmem>>
      %dma_wait3A_343 = arith.constant 0 : i32
      %dma_wait3A_344 = arith.constant 0 : i32
      %dma_wait3A_345 = tpu.memref_slice %arg2[%dma_wait3A_343, %dma_wait3A_344] : memref<51200x16xf32, #tpu.memory_space<hbm>> -> memref<51200x16xf32, #tpu.memory_space<hbm>>
      tpu.wait_indirect_dma semaphore(%arg15 : memref<!tpu.dma_semaphore, #tpu.memory_space<semaphore_mem>>) src(%dma_wait3A_345 : memref<51200x16xf32, #tpu.memory_space<hbm>>) dst(%dma_wait3A_339 : memref<128x16xf32, #tpu.memory_space<vmem>>)
      %dma_wait3A_346 = arith.constant 512 : i32
      %dma_wait3A_347 = arith.constant 0 : i32
      %dma_wait3A_348 = tpu.memref_slice %arg10[%dma_wait3A_346, %dma_wait3A_347] : memref<1024x16xf32, #tpu.memory_space<vmem>> -> memref<128x16xf32, #tpu.memory_space<vmem>>
      %dma_wait3A_349 = arith.constant 0 : i32
      %dma_wait3A_350 = tpu.memref_slice %arg8[%add3A_174, %dma_wait3A_349] : memref<104x128xi32, #tpu.memory_space<vmem>> -> memref<1x128xi32, #tpu.memory_space<vmem>>
      %dma_wait3A_351 = tpu.memref_squeeze %dma_wait3A_350 : memref<1x128xi32, #tpu.memory_space<vmem>> -> memref<128xi32, #tpu.memory_space<vmem>>
      %dma_wait3A_352 = arith.constant 0 : i32
      %dma_wait3A_353 = arith.constant 0 : i32
      %dma_wait3A_354 = tpu.memref_slice %arg2[%dma_wait3A_352, %dma_wait3A_353] : memref<51200x16xf32, #tpu.memory_space<hbm>> -> memref<51200x16xf32, #tpu.memory_space<hbm>>
      tpu.wait_indirect_dma semaphore(%arg15 : memref<!tpu.dma_semaphore, #tpu.memory_space<semaphore_mem>>) src(%dma_wait3A_354 : memref<51200x16xf32, #tpu.memory_space<hbm>>) dst(%dma_wait3A_348 : memref<128x16xf32, #tpu.memory_space<vmem>>)
      %dma_wait3A_355 = arith.constant 512 : i32
      %dma_wait3A_356 = arith.constant 0 : i32
      %dma_wait3A_357 = tpu.memref_slice %arg11[%dma_wait3A_355, %dma_wait3A_356] : memref<1024x16xf32, #tpu.memory_space<vmem>> -> memref<128x16xf32, #tpu.memory_space<vmem>>
      %dma_wait3A_358 = arith.constant 0 : i32
      %dma_wait3A_359 = tpu.memref_slice %arg9[%add3A_187, %dma_wait3A_358] : memref<104x128xi32, #tpu.memory_space<vmem>> -> memref<1x128xi32, #tpu.memory_space<vmem>>
      %dma_wait3A_360 = tpu.memref_squeeze %dma_wait3A_359 : memref<1x128xi32, #tpu.memory_space<vmem>> -> memref<128xi32, #tpu.memory_space<vmem>>
      %dma_wait3A_361 = arith.constant 0 : i32
      %dma_wait3A_362 = arith.constant 0 : i32
      %dma_wait3A_363 = tpu.memref_slice %arg2[%dma_wait3A_361, %dma_wait3A_362] : memref<51200x16xf32, #tpu.memory_space<hbm>> -> memref<51200x16xf32, #tpu.memory_space<hbm>>
      tpu.wait_indirect_dma semaphore(%arg15 : memref<!tpu.dma_semaphore, #tpu.memory_space<semaphore_mem>>) src(%dma_wait3A_363 : memref<51200x16xf32, #tpu.memory_space<hbm>>) dst(%dma_wait3A_357 : memref<128x16xf32, #tpu.memory_space<vmem>>)
      %dma_wait3A_364 = arith.constant 640 : i32
      %dma_wait3A_365 = arith.constant 0 : i32
      %dma_wait3A_366 = tpu.memref_slice %arg10[%dma_wait3A_364, %dma_wait3A_365] : memref<1024x16xf32, #tpu.memory_space<vmem>> -> memref<128x16xf32, #tpu.memory_space<vmem>>
      %dma_wait3A_367 = arith.constant 0 : i32
      %dma_wait3A_368 = tpu.memref_slice %arg8[%add3A_200, %dma_wait3A_367] : memref<104x128xi32, #tpu.memory_space<vmem>> -> memref<1x128xi32, #tpu.memory_space<vmem>>
      %dma_wait3A_369 = tpu.memref_squeeze %dma_wait3A_368 : memref<1x128xi32, #tpu.memory_space<vmem>> -> memref<128xi32, #tpu.memory_space<vmem>>
      %dma_wait3A_370 = arith.constant 0 : i32
      %dma_wait3A_371 = arith.constant 0 : i32
      %dma_wait3A_372 = tpu.memref_slice %arg2[%dma_wait3A_370, %dma_wait3A_371] : memref<51200x16xf32, #tpu.memory_space<hbm>> -> memref<51200x16xf32, #tpu.memory_space<hbm>>
      tpu.wait_indirect_dma semaphore(%arg15 : memref<!tpu.dma_semaphore, #tpu.memory_space<semaphore_mem>>) src(%dma_wait3A_372 : memref<51200x16xf32, #tpu.memory_space<hbm>>) dst(%dma_wait3A_366 : memref<128x16xf32, #tpu.memory_space<vmem>>)
      %dma_wait3A_373 = arith.constant 640 : i32
      %dma_wait3A_374 = arith.constant 0 : i32
      %dma_wait3A_375 = tpu.memref_slice %arg11[%dma_wait3A_373, %dma_wait3A_374] : memref<1024x16xf32, #tpu.memory_space<vmem>> -> memref<128x16xf32, #tpu.memory_space<vmem>>
      %dma_wait3A_376 = arith.constant 0 : i32
      %dma_wait3A_377 = tpu.memref_slice %arg9[%add3A_213, %dma_wait3A_376] : memref<104x128xi32, #tpu.memory_space<vmem>> -> memref<1x128xi32, #tpu.memory_space<vmem>>
      %dma_wait3A_378 = tpu.memref_squeeze %dma_wait3A_377 : memref<1x128xi32, #tpu.memory_space<vmem>> -> memref<128xi32, #tpu.memory_space<vmem>>
      %dma_wait3A_379 = arith.constant 0 : i32
      %dma_wait3A_380 = arith.constant 0 : i32
      %dma_wait3A_381 = tpu.memref_slice %arg2[%dma_wait3A_379, %dma_wait3A_380] : memref<51200x16xf32, #tpu.memory_space<hbm>> -> memref<51200x16xf32, #tpu.memory_space<hbm>>
      tpu.wait_indirect_dma semaphore(%arg15 : memref<!tpu.dma_semaphore, #tpu.memory_space<semaphore_mem>>) src(%dma_wait3A_381 : memref<51200x16xf32, #tpu.memory_space<hbm>>) dst(%dma_wait3A_375 : memref<128x16xf32, #tpu.memory_space<vmem>>)
      %dma_wait3A_382 = arith.constant 768 : i32
      %dma_wait3A_383 = arith.constant 0 : i32
      %dma_wait3A_384 = tpu.memref_slice %arg10[%dma_wait3A_382, %dma_wait3A_383] : memref<1024x16xf32, #tpu.memory_space<vmem>> -> memref<128x16xf32, #tpu.memory_space<vmem>>
      %dma_wait3A_385 = arith.constant 0 : i32
      %dma_wait3A_386 = tpu.memref_slice %arg8[%add3A_226, %dma_wait3A_385] : memref<104x128xi32, #tpu.memory_space<vmem>> -> memref<1x128xi32, #tpu.memory_space<vmem>>
      %dma_wait3A_387 = tpu.memref_squeeze %dma_wait3A_386 : memref<1x128xi32, #tpu.memory_space<vmem>> -> memref<128xi32, #tpu.memory_space<vmem>>
      %dma_wait3A_388 = arith.constant 0 : i32
      %dma_wait3A_389 = arith.constant 0 : i32
      %dma_wait3A_390 = tpu.memref_slice %arg2[%dma_wait3A_388, %dma_wait3A_389] : memref<51200x16xf32, #tpu.memory_space<hbm>> -> memref<51200x16xf32, #tpu.memory_space<hbm>>
      tpu.wait_indirect_dma semaphore(%arg15 : memref<!tpu.dma_semaphore, #tpu.memory_space<semaphore_mem>>) src(%dma_wait3A_390 : memref<51200x16xf32, #tpu.memory_space<hbm>>) dst(%dma_wait3A_384 : memref<128x16xf32, #tpu.memory_space<vmem>>)
      %dma_wait3A_391 = arith.constant 768 : i32
      %dma_wait3A_392 = arith.constant 0 : i32
      %dma_wait3A_393 = tpu.memref_slice %arg11[%dma_wait3A_391, %dma_wait3A_392] : memref<1024x16xf32, #tpu.memory_space<vmem>> -> memref<128x16xf32, #tpu.memory_space<vmem>>
      %dma_wait3A_394 = arith.constant 0 : i32
      %dma_wait3A_395 = tpu.memref_slice %arg9[%add3A_239, %dma_wait3A_394] : memref<104x128xi32, #tpu.memory_space<vmem>> -> memref<1x128xi32, #tpu.memory_space<vmem>>
      %dma_wait3A_396 = tpu.memref_squeeze %dma_wait3A_395 : memref<1x128xi32, #tpu.memory_space<vmem>> -> memref<128xi32, #tpu.memory_space<vmem>>
      %dma_wait3A_397 = arith.constant 0 : i32
      %dma_wait3A_398 = arith.constant 0 : i32
      %dma_wait3A_399 = tpu.memref_slice %arg2[%dma_wait3A_397, %dma_wait3A_398] : memref<51200x16xf32, #tpu.memory_space<hbm>> -> memref<51200x16xf32, #tpu.memory_space<hbm>>
      tpu.wait_indirect_dma semaphore(%arg15 : memref<!tpu.dma_semaphore, #tpu.memory_space<semaphore_mem>>) src(%dma_wait3A_399 : memref<51200x16xf32, #tpu.memory_space<hbm>>) dst(%dma_wait3A_393 : memref<128x16xf32, #tpu.memory_space<vmem>>)
      %dma_wait3A_400 = arith.constant 896 : i32
      %dma_wait3A_401 = arith.constant 0 : i32
      %dma_wait3A_402 = tpu.memref_slice %arg10[%dma_wait3A_400, %dma_wait3A_401] : memref<1024x16xf32, #tpu.memory_space<vmem>> -> memref<128x16xf32, #tpu.memory_space<vmem>>
      %dma_wait3A_403 = arith.constant 0 : i32
      %dma_wait3A_404 = tpu.memref_slice %arg8[%add3A_252, %dma_wait3A_403] : memref<104x128xi32, #tpu.memory_space<vmem>> -> memref<1x128xi32, #tpu.memory_space<vmem>>
      %dma_wait3A_405 = tpu.memref_squeeze %dma_wait3A_404 : memref<1x128xi32, #tpu.memory_space<vmem>> -> memref<128xi32, #tpu.memory_space<vmem>>
      %dma_wait3A_406 = arith.constant 0 : i32
      %dma_wait3A_407 = arith.constant 0 : i32
      %dma_wait3A_408 = tpu.memref_slice %arg2[%dma_wait3A_406, %dma_wait3A_407] : memref<51200x16xf32, #tpu.memory_space<hbm>> -> memref<51200x16xf32, #tpu.memory_space<hbm>>
      tpu.wait_indirect_dma semaphore(%arg15 : memref<!tpu.dma_semaphore, #tpu.memory_space<semaphore_mem>>) src(%dma_wait3A_408 : memref<51200x16xf32, #tpu.memory_space<hbm>>) dst(%dma_wait3A_402 : memref<128x16xf32, #tpu.memory_space<vmem>>)
      %dma_wait3A_409 = arith.constant 896 : i32
      %dma_wait3A_410 = arith.constant 0 : i32
      %dma_wait3A_411 = tpu.memref_slice %arg11[%dma_wait3A_409, %dma_wait3A_410] : memref<1024x16xf32, #tpu.memory_space<vmem>> -> memref<128x16xf32, #tpu.memory_space<vmem>>
      %dma_wait3A_412 = arith.constant 0 : i32
      %dma_wait3A_413 = tpu.memref_slice %arg9[%add3A_265, %dma_wait3A_412] : memref<104x128xi32, #tpu.memory_space<vmem>> -> memref<1x128xi32, #tpu.memory_space<vmem>>
      %dma_wait3A_414 = tpu.memref_squeeze %dma_wait3A_413 : memref<1x128xi32, #tpu.memory_space<vmem>> -> memref<128xi32, #tpu.memory_space<vmem>>
      %dma_wait3A_415 = arith.constant 0 : i32
      %dma_wait3A_416 = arith.constant 0 : i32
      %dma_wait3A_417 = tpu.memref_slice %arg2[%dma_wait3A_415, %dma_wait3A_416] : memref<51200x16xf32, #tpu.memory_space<hbm>> -> memref<51200x16xf32, #tpu.memory_space<hbm>>
      tpu.wait_indirect_dma semaphore(%arg15 : memref<!tpu.dma_semaphore, #tpu.memory_space<semaphore_mem>>) src(%dma_wait3A_417 : memref<51200x16xf32, #tpu.memory_space<hbm>>) dst(%dma_wait3A_411 : memref<128x16xf32, #tpu.memory_space<vmem>>)
      %mul3A_418 = arith.constant 8 : i32
      %mul3A_419 = arith.muli %add3A_67, %mul3A_418 : i32
      %add3A_420 = arith.addi %add3A_40, %mul3A_419 : i32
      %mul3A_421 = arith.constant 128 : i32
      %mul3A_422 = arith.muli %add3A_420, %mul3A_421 : i32
      "tpu.region"() ({
        %run_scoped3A = tpu.sem_alloc : memref<!tpu.dma_semaphore, #tpu.memory_space<semaphore_mem>>
        %dma_start3A_455 = arith.constant 0 : i32
        %dma_start3A_456 = tpu.memref_slice %arg5[%mul3A_422, %dma_start3A_455] : memref<819200x16xf32, #tpu.memory_space<hbm>> -> memref<1024x16xf32, #tpu.memory_space<hbm>>
        %dma_start3A_457 = arith.constant 0 : i32
        %dma_start3A_458 = tpu.memref_slice %arg5[%mul3A_422, %dma_start3A_457] : memref<819200x16xf32, #tpu.memory_space<hbm>> -> memref<1024x16xf32, #tpu.memory_space<hbm>>
        tpu.enqueue_dma source(%arg10 : memref<1024x16xf32, #tpu.memory_space<vmem>>) target(%dma_start3A_458 : memref<1024x16xf32, #tpu.memory_space<hbm>>) target_semaphore(%run_scoped3A : memref<!tpu.dma_semaphore, #tpu.memory_space<semaphore_mem>>)
        %dma_wait3A_459 = arith.constant 0 : i32
        %dma_wait3A_460 = tpu.memref_slice %arg5[%mul3A_422, %dma_wait3A_459] : memref<819200x16xf32, #tpu.memory_space<hbm>> -> memref<1024x16xf32, #tpu.memory_space<hbm>>
        %dma_wait3A_461 = arith.constant 0 : i32
        %dma_wait3A_462 = tpu.memref_slice %arg5[%mul3A_422, %dma_wait3A_461] : memref<819200x16xf32, #tpu.memory_space<hbm>> -> memref<1024x16xf32, #tpu.memory_space<hbm>>
        tpu.wait_dma2 semaphore(%run_scoped3A : memref<!tpu.dma_semaphore, #tpu.memory_space<semaphore_mem>>) src(%arg10 : memref<1024x16xf32, #tpu.memory_space<vmem>>) dst(%dma_wait3A_462 : memref<1024x16xf32, #tpu.memory_space<hbm>>)
        tpu.yield
      }) : () -> ()
      "tpu.region"() ({
        %run_scoped3A = tpu.sem_alloc : memref<!tpu.dma_semaphore, #tpu.memory_space<semaphore_mem>>
        %dma_start3A_455 = arith.constant 0 : i32
        %dma_start3A_456 = tpu.memref_slice %arg6[%mul3A_422, %dma_start3A_455] : memref<819200x16xf32, #tpu.memory_space<hbm>> -> memref<1024x16xf32, #tpu.memory_space<hbm>>
        %dma_start3A_457 = arith.constant 0 : i32
        %dma_start3A_458 = tpu.memref_slice %arg6[%mul3A_422, %dma_start3A_457] : memref<819200x16xf32, #tpu.memory_space<hbm>> -> memref<1024x16xf32, #tpu.memory_space<hbm>>
        tpu.enqueue_dma source(%arg11 : memref<1024x16xf32, #tpu.memory_space<vmem>>) target(%dma_start3A_458 : memref<1024x16xf32, #tpu.memory_space<hbm>>) target_semaphore(%run_scoped3A : memref<!tpu.dma_semaphore, #tpu.memory_space<semaphore_mem>>)
        %dma_wait3A_459 = arith.constant 0 : i32
        %dma_wait3A_460 = tpu.memref_slice %arg6[%mul3A_422, %dma_wait3A_459] : memref<819200x16xf32, #tpu.memory_space<hbm>> -> memref<1024x16xf32, #tpu.memory_space<hbm>>
        %dma_wait3A_461 = arith.constant 0 : i32
        %dma_wait3A_462 = tpu.memref_slice %arg6[%mul3A_422, %dma_wait3A_461] : memref<819200x16xf32, #tpu.memory_space<hbm>> -> memref<1024x16xf32, #tpu.memory_space<hbm>>
        tpu.wait_dma2 semaphore(%run_scoped3A : memref<!tpu.dma_semaphore, #tpu.memory_space<semaphore_mem>>) src(%arg11 : memref<1024x16xf32, #tpu.memory_space<vmem>>) dst(%dma_wait3A_462 : memref<1024x16xf32, #tpu.memory_space<hbm>>)
        tpu.yield
      }) : () -> ()
      %mul3A_423 = arith.constant 8 : i32
      %mul3A_424 = arith.muli %add3A_67, %mul3A_423 : i32
      %add3A_425 = arith.constant 0 : i32
      %add3A_426 = arith.addi %mul3A_424, %add3A_425 : i32
      "tpu.region"() ({
        %run_scoped3A = tpu.sem_alloc : memref<!tpu.dma_semaphore, #tpu.memory_space<semaphore_mem>>
        %dma_start3A_455 = arith.constant 0 : i32
        %dma_start3A_456 = tpu.memref_slice %arg8[%add3A_426, %dma_start3A_455] : memref<104x128xi32, #tpu.memory_space<vmem>> -> memref<1x128xi32, #tpu.memory_space<vmem>>
        %dma_start3A_457 = tpu.memref_squeeze %dma_start3A_456 : memref<1x128xi32, #tpu.memory_space<vmem>> -> memref<128xi32, #tpu.memory_space<vmem>>
        %dma_start3A_458 = arith.constant 0 : i32
        %dma_start3A_459 = tpu.memref_slice %arg14[%dma_start3A_458] : memref<51200xf32, #tpu.memory_space<vmem_shared>> -> memref<51200xf32, #tpu.memory_space<vmem_shared>>
        tpu.enqueue_indirect_dma source(%arg12 : memref<128xf32, #tpu.memory_space<vmem>>) target(%dma_start3A_459 : memref<51200xf32, #tpu.memory_space<vmem_shared>>) offsets(%dma_start3A_457 : memref<128xi32, #tpu.memory_space<vmem>>) semaphore(%run_scoped3A : memref<!tpu.dma_semaphore, #tpu.memory_space<semaphore_mem>>) {add = true}
        %dma_wait3A_460 = arith.constant 0 : i32
        %dma_wait3A_461 = tpu.memref_slice %arg8[%add3A_426, %dma_wait3A_460] : memref<104x128xi32, #tpu.memory_space<vmem>> -> memref<1x128xi32, #tpu.memory_space<vmem>>
        %dma_wait3A_462 = tpu.memref_squeeze %dma_wait3A_461 : memref<1x128xi32, #tpu.memory_space<vmem>> -> memref<128xi32, #tpu.memory_space<vmem>>
        %dma_wait3A_463 = arith.constant 0 : i32
        %dma_wait3A_464 = tpu.memref_slice %arg14[%dma_wait3A_463] : memref<51200xf32, #tpu.memory_space<vmem_shared>> -> memref<51200xf32, #tpu.memory_space<vmem_shared>>
        tpu.wait_indirect_dma semaphore(%run_scoped3A : memref<!tpu.dma_semaphore, #tpu.memory_space<semaphore_mem>>) src(%arg12 : memref<128xf32, #tpu.memory_space<vmem>>) dst(%dma_wait3A_464 : memref<51200xf32, #tpu.memory_space<vmem_shared>>)
        tpu.yield
      }) : () -> ()
      %mul3A_427 = arith.constant 8 : i32
      %mul3A_428 = arith.muli %add3A_67, %mul3A_427 : i32
      %add3A_429 = arith.constant 1 : i32
      %add3A_430 = arith.addi %mul3A_428, %add3A_429 : i32
      "tpu.region"() ({
        %run_scoped3A = tpu.sem_alloc : memref<!tpu.dma_semaphore, #tpu.memory_space<semaphore_mem>>
        %dma_start3A_455 = arith.constant 0 : i32
        %dma_start3A_456 = tpu.memref_slice %arg8[%add3A_430, %dma_start3A_455] : memref<104x128xi32, #tpu.memory_space<vmem>> -> memref<1x128xi32, #tpu.memory_space<vmem>>
        %dma_start3A_457 = tpu.memref_squeeze %dma_start3A_456 : memref<1x128xi32, #tpu.memory_space<vmem>> -> memref<128xi32, #tpu.memory_space<vmem>>
        %dma_start3A_458 = arith.constant 0 : i32
        %dma_start3A_459 = tpu.memref_slice %arg14[%dma_start3A_458] : memref<51200xf32, #tpu.memory_space<vmem_shared>> -> memref<51200xf32, #tpu.memory_space<vmem_shared>>
        tpu.enqueue_indirect_dma source(%arg12 : memref<128xf32, #tpu.memory_space<vmem>>) target(%dma_start3A_459 : memref<51200xf32, #tpu.memory_space<vmem_shared>>) offsets(%dma_start3A_457 : memref<128xi32, #tpu.memory_space<vmem>>) semaphore(%run_scoped3A : memref<!tpu.dma_semaphore, #tpu.memory_space<semaphore_mem>>) {add = true}
        %dma_wait3A_460 = arith.constant 0 : i32
        %dma_wait3A_461 = tpu.memref_slice %arg8[%add3A_430, %dma_wait3A_460] : memref<104x128xi32, #tpu.memory_space<vmem>> -> memref<1x128xi32, #tpu.memory_space<vmem>>
        %dma_wait3A_462 = tpu.memref_squeeze %dma_wait3A_461 : memref<1x128xi32, #tpu.memory_space<vmem>> -> memref<128xi32, #tpu.memory_space<vmem>>
        %dma_wait3A_463 = arith.constant 0 : i32
        %dma_wait3A_464 = tpu.memref_slice %arg14[%dma_wait3A_463] : memref<51200xf32, #tpu.memory_space<vmem_shared>> -> memref<51200xf32, #tpu.memory_space<vmem_shared>>
        tpu.wait_indirect_dma semaphore(%run_scoped3A : memref<!tpu.dma_semaphore, #tpu.memory_space<semaphore_mem>>) src(%arg12 : memref<128xf32, #tpu.memory_space<vmem>>) dst(%dma_wait3A_464 : memref<51200xf32, #tpu.memory_space<vmem_shared>>)
        tpu.yield
      }) : () -> ()
      %mul3A_431 = arith.constant 8 : i32
      %mul3A_432 = arith.muli %add3A_67, %mul3A_431 : i32
      %add3A_433 = arith.constant 2 : i32
      %add3A_434 = arith.addi %mul3A_432, %add3A_433 : i32
      "tpu.region"() ({
        %run_scoped3A = tpu.sem_alloc : memref<!tpu.dma_semaphore, #tpu.memory_space<semaphore_mem>>
        %dma_start3A_455 = arith.constant 0 : i32
        %dma_start3A_456 = tpu.memref_slice %arg8[%add3A_434, %dma_start3A_455] : memref<104x128xi32, #tpu.memory_space<vmem>> -> memref<1x128xi32, #tpu.memory_space<vmem>>
        %dma_start3A_457 = tpu.memref_squeeze %dma_start3A_456 : memref<1x128xi32, #tpu.memory_space<vmem>> -> memref<128xi32, #tpu.memory_space<vmem>>
        %dma_start3A_458 = arith.constant 0 : i32
        %dma_start3A_459 = tpu.memref_slice %arg14[%dma_start3A_458] : memref<51200xf32, #tpu.memory_space<vmem_shared>> -> memref<51200xf32, #tpu.memory_space<vmem_shared>>
        tpu.enqueue_indirect_dma source(%arg12 : memref<128xf32, #tpu.memory_space<vmem>>) target(%dma_start3A_459 : memref<51200xf32, #tpu.memory_space<vmem_shared>>) offsets(%dma_start3A_457 : memref<128xi32, #tpu.memory_space<vmem>>) semaphore(%run_scoped3A : memref<!tpu.dma_semaphore, #tpu.memory_space<semaphore_mem>>) {add = true}
        %dma_wait3A_460 = arith.constant 0 : i32
        %dma_wait3A_461 = tpu.memref_slice %arg8[%add3A_434, %dma_wait3A_460] : memref<104x128xi32, #tpu.memory_space<vmem>> -> memref<1x128xi32, #tpu.memory_space<vmem>>
        %dma_wait3A_462 = tpu.memref_squeeze %dma_wait3A_461 : memref<1x128xi32, #tpu.memory_space<vmem>> -> memref<128xi32, #tpu.memory_space<vmem>>
        %dma_wait3A_463 = arith.constant 0 : i32
        %dma_wait3A_464 = tpu.memref_slice %arg14[%dma_wait3A_463] : memref<51200xf32, #tpu.memory_space<vmem_shared>> -> memref<51200xf32, #tpu.memory_space<vmem_shared>>
        tpu.wait_indirect_dma semaphore(%run_scoped3A : memref<!tpu.dma_semaphore, #tpu.memory_space<semaphore_mem>>) src(%arg12 : memref<128xf32, #tpu.memory_space<vmem>>) dst(%dma_wait3A_464 : memref<51200xf32, #tpu.memory_space<vmem_shared>>)
        tpu.yield
      }) : () -> ()
      %mul3A_435 = arith.constant 8 : i32
      %mul3A_436 = arith.muli %add3A_67, %mul3A_435 : i32
      %add3A_437 = arith.constant 3 : i32
      %add3A_438 = arith.addi %mul3A_436, %add3A_437 : i32
      "tpu.region"() ({
        %run_scoped3A = tpu.sem_alloc : memref<!tpu.dma_semaphore, #tpu.memory_space<semaphore_mem>>
        %dma_start3A_455 = arith.constant 0 : i32
        %dma_start3A_456 = tpu.memref_slice %arg8[%add3A_438, %dma_start3A_455] : memref<104x128xi32, #tpu.memory_space<vmem>> -> memref<1x128xi32, #tpu.memory_space<vmem>>
        %dma_start3A_457 = tpu.memref_squeeze %dma_start3A_456 : memref<1x128xi32, #tpu.memory_space<vmem>> -> memref<128xi32, #tpu.memory_space<vmem>>
        %dma_start3A_458 = arith.constant 0 : i32
        %dma_start3A_459 = tpu.memref_slice %arg14[%dma_start3A_458] : memref<51200xf32, #tpu.memory_space<vmem_shared>> -> memref<51200xf32, #tpu.memory_space<vmem_shared>>
        tpu.enqueue_indirect_dma source(%arg12 : memref<128xf32, #tpu.memory_space<vmem>>) target(%dma_start3A_459 : memref<51200xf32, #tpu.memory_space<vmem_shared>>) offsets(%dma_start3A_457 : memref<128xi32, #tpu.memory_space<vmem>>) semaphore(%run_scoped3A : memref<!tpu.dma_semaphore, #tpu.memory_space<semaphore_mem>>) {add = true}
        %dma_wait3A_460 = arith.constant 0 : i32
        %dma_wait3A_461 = tpu.memref_slice %arg8[%add3A_438, %dma_wait3A_460] : memref<104x128xi32, #tpu.memory_space<vmem>> -> memref<1x128xi32, #tpu.memory_space<vmem>>
        %dma_wait3A_462 = tpu.memref_squeeze %dma_wait3A_461 : memref<1x128xi32, #tpu.memory_space<vmem>> -> memref<128xi32, #tpu.memory_space<vmem>>
        %dma_wait3A_463 = arith.constant 0 : i32
        %dma_wait3A_464 = tpu.memref_slice %arg14[%dma_wait3A_463] : memref<51200xf32, #tpu.memory_space<vmem_shared>> -> memref<51200xf32, #tpu.memory_space<vmem_shared>>
        tpu.wait_indirect_dma semaphore(%run_scoped3A : memref<!tpu.dma_semaphore, #tpu.memory_space<semaphore_mem>>) src(%arg12 : memref<128xf32, #tpu.memory_space<vmem>>) dst(%dma_wait3A_464 : memref<51200xf32, #tpu.memory_space<vmem_shared>>)
        tpu.yield
      }) : () -> ()
      %mul3A_439 = arith.constant 8 : i32
      %mul3A_440 = arith.muli %add3A_67, %mul3A_439 : i32
      %add3A_441 = arith.constant 4 : i32
      %add3A_442 = arith.addi %mul3A_440, %add3A_441 : i32
      "tpu.region"() ({
        %run_scoped3A = tpu.sem_alloc : memref<!tpu.dma_semaphore, #tpu.memory_space<semaphore_mem>>
        %dma_start3A_455 = arith.constant 0 : i32
        %dma_start3A_456 = tpu.memref_slice %arg8[%add3A_442, %dma_start3A_455] : memref<104x128xi32, #tpu.memory_space<vmem>> -> memref<1x128xi32, #tpu.memory_space<vmem>>
        %dma_start3A_457 = tpu.memref_squeeze %dma_start3A_456 : memref<1x128xi32, #tpu.memory_space<vmem>> -> memref<128xi32, #tpu.memory_space<vmem>>
        %dma_start3A_458 = arith.constant 0 : i32
        %dma_start3A_459 = tpu.memref_slice %arg14[%dma_start3A_458] : memref<51200xf32, #tpu.memory_space<vmem_shared>> -> memref<51200xf32, #tpu.memory_space<vmem_shared>>
        tpu.enqueue_indirect_dma source(%arg12 : memref<128xf32, #tpu.memory_space<vmem>>) target(%dma_start3A_459 : memref<51200xf32, #tpu.memory_space<vmem_shared>>) offsets(%dma_start3A_457 : memref<128xi32, #tpu.memory_space<vmem>>) semaphore(%run_scoped3A : memref<!tpu.dma_semaphore, #tpu.memory_space<semaphore_mem>>) {add = true}
        %dma_wait3A_460 = arith.constant 0 : i32
        %dma_wait3A_461 = tpu.memref_slice %arg8[%add3A_442, %dma_wait3A_460] : memref<104x128xi32, #tpu.memory_space<vmem>> -> memref<1x128xi32, #tpu.memory_space<vmem>>
        %dma_wait3A_462 = tpu.memref_squeeze %dma_wait3A_461 : memref<1x128xi32, #tpu.memory_space<vmem>> -> memref<128xi32, #tpu.memory_space<vmem>>
        %dma_wait3A_463 = arith.constant 0 : i32
        %dma_wait3A_464 = tpu.memref_slice %arg14[%dma_wait3A_463] : memref<51200xf32, #tpu.memory_space<vmem_shared>> -> memref<51200xf32, #tpu.memory_space<vmem_shared>>
        tpu.wait_indirect_dma semaphore(%run_scoped3A : memref<!tpu.dma_semaphore, #tpu.memory_space<semaphore_mem>>) src(%arg12 : memref<128xf32, #tpu.memory_space<vmem>>) dst(%dma_wait3A_464 : memref<51200xf32, #tpu.memory_space<vmem_shared>>)
        tpu.yield
      }) : () -> ()
      %mul3A_443 = arith.constant 8 : i32
      %mul3A_444 = arith.muli %add3A_67, %mul3A_443 : i32
      %add3A_445 = arith.constant 5 : i32
      %add3A_446 = arith.addi %mul3A_444, %add3A_445 : i32
      "tpu.region"() ({
        %run_scoped3A = tpu.sem_alloc : memref<!tpu.dma_semaphore, #tpu.memory_space<semaphore_mem>>
        %dma_start3A_455 = arith.constant 0 : i32
        %dma_start3A_456 = tpu.memref_slice %arg8[%add3A_446, %dma_start3A_455] : memref<104x128xi32, #tpu.memory_space<vmem>> -> memref<1x128xi32, #tpu.memory_space<vmem>>
        %dma_start3A_457 = tpu.memref_squeeze %dma_start3A_456 : memref<1x128xi32, #tpu.memory_space<vmem>> -> memref<128xi32, #tpu.memory_space<vmem>>
        %dma_start3A_458 = arith.constant 0 : i32
        %dma_start3A_459 = tpu.memref_slice %arg14[%dma_start3A_458] : memref<51200xf32, #tpu.memory_space<vmem_shared>> -> memref<51200xf32, #tpu.memory_space<vmem_shared>>
        tpu.enqueue_indirect_dma source(%arg12 : memref<128xf32, #tpu.memory_space<vmem>>) target(%dma_start3A_459 : memref<51200xf32, #tpu.memory_space<vmem_shared>>) offsets(%dma_start3A_457 : memref<128xi32, #tpu.memory_space<vmem>>) semaphore(%run_scoped3A : memref<!tpu.dma_semaphore, #tpu.memory_space<semaphore_mem>>) {add = true}
        %dma_wait3A_460 = arith.constant 0 : i32
        %dma_wait3A_461 = tpu.memref_slice %arg8[%add3A_446, %dma_wait3A_460] : memref<104x128xi32, #tpu.memory_space<vmem>> -> memref<1x128xi32, #tpu.memory_space<vmem>>
        %dma_wait3A_462 = tpu.memref_squeeze %dma_wait3A_461 : memref<1x128xi32, #tpu.memory_space<vmem>> -> memref<128xi32, #tpu.memory_space<vmem>>
        %dma_wait3A_463 = arith.constant 0 : i32
        %dma_wait3A_464 = tpu.memref_slice %arg14[%dma_wait3A_463] : memref<51200xf32, #tpu.memory_space<vmem_shared>> -> memref<51200xf32, #tpu.memory_space<vmem_shared>>
        tpu.wait_indirect_dma semaphore(%run_scoped3A : memref<!tpu.dma_semaphore, #tpu.memory_space<semaphore_mem>>) src(%arg12 : memref<128xf32, #tpu.memory_space<vmem>>) dst(%dma_wait3A_464 : memref<51200xf32, #tpu.memory_space<vmem_shared>>)
        tpu.yield
      }) : () -> ()
      %mul3A_447 = arith.constant 8 : i32
      %mul3A_448 = arith.muli %add3A_67, %mul3A_447 : i32
      %add3A_449 = arith.constant 6 : i32
      %add3A_450 = arith.addi %mul3A_448, %add3A_449 : i32
      "tpu.region"() ({
        %run_scoped3A = tpu.sem_alloc : memref<!tpu.dma_semaphore, #tpu.memory_space<semaphore_mem>>
        %dma_start3A_455 = arith.constant 0 : i32
        %dma_start3A_456 = tpu.memref_slice %arg8[%add3A_450, %dma_start3A_455] : memref<104x128xi32, #tpu.memory_space<vmem>> -> memref<1x128xi32, #tpu.memory_space<vmem>>
        %dma_start3A_457 = tpu.memref_squeeze %dma_start3A_456 : memref<1x128xi32, #tpu.memory_space<vmem>> -> memref<128xi32, #tpu.memory_space<vmem>>
        %dma_start3A_458 = arith.constant 0 : i32
        %dma_start3A_459 = tpu.memref_slice %arg14[%dma_start3A_458] : memref<51200xf32, #tpu.memory_space<vmem_shared>> -> memref<51200xf32, #tpu.memory_space<vmem_shared>>
        tpu.enqueue_indirect_dma source(%arg12 : memref<128xf32, #tpu.memory_space<vmem>>) target(%dma_start3A_459 : memref<51200xf32, #tpu.memory_space<vmem_shared>>) offsets(%dma_start3A_457 : memref<128xi32, #tpu.memory_space<vmem>>) semaphore(%run_scoped3A : memref<!tpu.dma_semaphore, #tpu.memory_space<semaphore_mem>>) {add = true}
        %dma_wait3A_460 = arith.constant 0 : i32
        %dma_wait3A_461 = tpu.memref_slice %arg8[%add3A_450, %dma_wait3A_460] : memref<104x128xi32, #tpu.memory_space<vmem>> -> memref<1x128xi32, #tpu.memory_space<vmem>>
        %dma_wait3A_462 = tpu.memref_squeeze %dma_wait3A_461 : memref<1x128xi32, #tpu.memory_space<vmem>> -> memref<128xi32, #tpu.memory_space<vmem>>
        %dma_wait3A_463 = arith.constant 0 : i32
        %dma_wait3A_464 = tpu.memref_slice %arg14[%dma_wait3A_463] : memref<51200xf32, #tpu.memory_space<vmem_shared>> -> memref<51200xf32, #tpu.memory_space<vmem_shared>>
        tpu.wait_indirect_dma semaphore(%run_scoped3A : memref<!tpu.dma_semaphore, #tpu.memory_space<semaphore_mem>>) src(%arg12 : memref<128xf32, #tpu.memory_space<vmem>>) dst(%dma_wait3A_464 : memref<51200xf32, #tpu.memory_space<vmem_shared>>)
        tpu.yield
      }) : () -> ()
      %mul3A_451 = arith.constant 8 : i32
      %mul3A_452 = arith.muli %add3A_67, %mul3A_451 : i32
      %add3A_453 = arith.constant 7 : i32
      %add3A_454 = arith.addi %mul3A_452, %add3A_453 : i32
      "tpu.region"() ({
        %run_scoped3A = tpu.sem_alloc : memref<!tpu.dma_semaphore, #tpu.memory_space<semaphore_mem>>
        %dma_start3A_455 = arith.constant 0 : i32
        %dma_start3A_456 = tpu.memref_slice %arg8[%add3A_454, %dma_start3A_455] : memref<104x128xi32, #tpu.memory_space<vmem>> -> memref<1x128xi32, #tpu.memory_space<vmem>>
        %dma_start3A_457 = tpu.memref_squeeze %dma_start3A_456 : memref<1x128xi32, #tpu.memory_space<vmem>> -> memref<128xi32, #tpu.memory_space<vmem>>
        %dma_start3A_458 = arith.constant 0 : i32
        %dma_start3A_459 = tpu.memref_slice %arg14[%dma_start3A_458] : memref<51200xf32, #tpu.memory_space<vmem_shared>> -> memref<51200xf32, #tpu.memory_space<vmem_shared>>
        tpu.enqueue_indirect_dma source(%arg12 : memref<128xf32, #tpu.memory_space<vmem>>) target(%dma_start3A_459 : memref<51200xf32, #tpu.memory_space<vmem_shared>>) offsets(%dma_start3A_457 : memref<128xi32, #tpu.memory_space<vmem>>) semaphore(%run_scoped3A : memref<!tpu.dma_semaphore, #tpu.memory_space<semaphore_mem>>) {add = true}
        %dma_wait3A_460 = arith.constant 0 : i32
        %dma_wait3A_461 = tpu.memref_slice %arg8[%add3A_454, %dma_wait3A_460] : memref<104x128xi32, #tpu.memory_space<vmem>> -> memref<1x128xi32, #tpu.memory_space<vmem>>
        %dma_wait3A_462 = tpu.memref_squeeze %dma_wait3A_461 : memref<1x128xi32, #tpu.memory_space<vmem>> -> memref<128xi32, #tpu.memory_space<vmem>>
        %dma_wait3A_463 = arith.constant 0 : i32
        %dma_wait3A_464 = tpu.memref_slice %arg14[%dma_wait3A_463] : memref<51200xf32, #tpu.memory_space<vmem_shared>> -> memref<51200xf32, #tpu.memory_space<vmem_shared>>
        tpu.wait_indirect_dma semaphore(%run_scoped3A : memref<!tpu.dma_semaphore, #tpu.memory_space<semaphore_mem>>) src(%arg12 : memref<128xf32, #tpu.memory_space<vmem>>) dst(%dma_wait3A_464 : memref<51200xf32, #tpu.memory_space<vmem_shared>>)
        tpu.yield
      }) : () -> ()
    }
    %scan3A_45 = arith.constant 13 : i32
    %mul3A_46 = arith.constant 200 : i32
    %mul3A_47 = arith.muli %add3A, %mul3A_46 : i32
    %add3A_48 = arith.constant 104 : i32
    %add3A_49 = arith.addi %mul3A_47, %add3A_48 : i32
    "tpu.region"() ({
      %run_scoped3A = tpu.sem_alloc : memref<!tpu.dma_semaphore, #tpu.memory_space<semaphore_mem>>
      %dma_start3A = arith.constant 0 : i32
      %dma_start3A_63 = arith.constant 0 : i32
      %dma_start3A_64 = tpu.memref_slice %arg8[%dma_start3A, %dma_start3A_63] : memref<104x128xi32, #tpu.memory_space<vmem>> -> memref<96x128xi32, #tpu.memory_space<vmem>>
      %dma_start3A_65 = arith.constant 0 : i32
      %dma_start3A_66 = tpu.memref_slice %arg3[%add3A_49, %dma_start3A_65] : memref<6400x128xi32, #tpu.memory_space<hbm>> -> memref<96x128xi32, #tpu.memory_space<hbm>>
      %dma_start3A_67 = arith.constant 0 : i32
      %dma_start3A_68 = arith.constant 0 : i32
      %dma_start3A_69 = tpu.memref_slice %arg8[%dma_start3A_67, %dma_start3A_68] : memref<104x128xi32, #tpu.memory_space<vmem>> -> memref<96x128xi32, #tpu.memory_space<vmem>>
      %dma_start3A_70 = arith.constant 0 : i32
      %dma_start3A_71 = tpu.memref_slice %arg3[%add3A_49, %dma_start3A_70] : memref<6400x128xi32, #tpu.memory_space<hbm>> -> memref<96x128xi32, #tpu.memory_space<hbm>>
      tpu.enqueue_dma source(%dma_start3A_71 : memref<96x128xi32, #tpu.memory_space<hbm>>) target(%dma_start3A_69 : memref<96x128xi32, #tpu.memory_space<vmem>>) target_semaphore(%run_scoped3A : memref<!tpu.dma_semaphore, #tpu.memory_space<semaphore_mem>>)
      %dma_wait3A = arith.constant 0 : i32
      %dma_wait3A_72 = arith.constant 0 : i32
      %dma_wait3A_73 = tpu.memref_slice %arg8[%dma_wait3A, %dma_wait3A_72] : memref<104x128xi32, #tpu.memory_space<vmem>> -> memref<96x128xi32, #tpu.memory_space<vmem>>
      %dma_wait3A_74 = arith.constant 0 : i32
      %dma_wait3A_75 = tpu.memref_slice %arg3[%add3A_49, %dma_wait3A_74] : memref<6400x128xi32, #tpu.memory_space<hbm>> -> memref<96x128xi32, #tpu.memory_space<hbm>>
      %dma_wait3A_76 = arith.constant 0 : i32
      %dma_wait3A_77 = arith.constant 0 : i32
      %dma_wait3A_78 = tpu.memref_slice %arg8[%dma_wait3A_76, %dma_wait3A_77] : memref<104x128xi32, #tpu.memory_space<vmem>> -> memref<96x128xi32, #tpu.memory_space<vmem>>
      %dma_wait3A_79 = arith.constant 0 : i32
      %dma_wait3A_80 = tpu.memref_slice %arg3[%add3A_49, %dma_wait3A_79] : memref<6400x128xi32, #tpu.memory_space<hbm>> -> memref<96x128xi32, #tpu.memory_space<hbm>>
      tpu.wait_dma2 semaphore(%run_scoped3A : memref<!tpu.dma_semaphore, #tpu.memory_space<semaphore_mem>>) src(%dma_wait3A_80 : memref<96x128xi32, #tpu.memory_space<hbm>>) dst(%dma_wait3A_78 : memref<96x128xi32, #tpu.memory_space<vmem>>)
      tpu.yield
    }) : () -> ()
    "tpu.region"() ({
      %run_scoped3A = tpu.sem_alloc : memref<!tpu.dma_semaphore, #tpu.memory_space<semaphore_mem>>
      %dma_start3A = arith.constant 0 : i32
      %dma_start3A_63 = arith.constant 0 : i32
      %dma_start3A_64 = tpu.memref_slice %arg9[%dma_start3A, %dma_start3A_63] : memref<104x128xi32, #tpu.memory_space<vmem>> -> memref<96x128xi32, #tpu.memory_space<vmem>>
      %dma_start3A_65 = arith.constant 0 : i32
      %dma_start3A_66 = tpu.memref_slice %arg4[%add3A_49, %dma_start3A_65] : memref<6400x128xi32, #tpu.memory_space<hbm>> -> memref<96x128xi32, #tpu.memory_space<hbm>>
      %dma_start3A_67 = arith.constant 0 : i32
      %dma_start3A_68 = arith.constant 0 : i32
      %dma_start3A_69 = tpu.memref_slice %arg9[%dma_start3A_67, %dma_start3A_68] : memref<104x128xi32, #tpu.memory_space<vmem>> -> memref<96x128xi32, #tpu.memory_space<vmem>>
      %dma_start3A_70 = arith.constant 0 : i32
      %dma_start3A_71 = tpu.memref_slice %arg4[%add3A_49, %dma_start3A_70] : memref<6400x128xi32, #tpu.memory_space<hbm>> -> memref<96x128xi32, #tpu.memory_space<hbm>>
      tpu.enqueue_dma source(%dma_start3A_71 : memref<96x128xi32, #tpu.memory_space<hbm>>) target(%dma_start3A_69 : memref<96x128xi32, #tpu.memory_space<vmem>>) target_semaphore(%run_scoped3A : memref<!tpu.dma_semaphore, #tpu.memory_space<semaphore_mem>>)
      %dma_wait3A = arith.constant 0 : i32
      %dma_wait3A_72 = arith.constant 0 : i32
      %dma_wait3A_73 = tpu.memref_slice %arg9[%dma_wait3A, %dma_wait3A_72] : memref<104x128xi32, #tpu.memory_space<vmem>> -> memref<96x128xi32, #tpu.memory_space<vmem>>
      %dma_wait3A_74 = arith.constant 0 : i32
      %dma_wait3A_75 = tpu.memref_slice %arg4[%add3A_49, %dma_wait3A_74] : memref<6400x128xi32, #tpu.memory_space<hbm>> -> memref<96x128xi32, #tpu.memory_space<hbm>>
      %dma_wait3A_76 = arith.constant 0 : i32
      %dma_wait3A_77 = arith.constant 0 : i32
      %dma_wait3A_78 = tpu.memref_slice %arg9[%dma_wait3A_76, %dma_wait3A_77] : memref<104x128xi32, #tpu.memory_space<vmem>> -> memref<96x128xi32, #tpu.memory_space<vmem>>
      %dma_wait3A_79 = arith.constant 0 : i32
      %dma_wait3A_80 = tpu.memref_slice %arg4[%add3A_49, %dma_wait3A_79] : memref<6400x128xi32, #tpu.memory_space<hbm>> -> memref<96x128xi32, #tpu.memory_space<hbm>>
      tpu.wait_dma2 semaphore(%run_scoped3A : memref<!tpu.dma_semaphore, #tpu.memory_space<semaphore_mem>>) src(%dma_wait3A_80 : memref<96x128xi32, #tpu.memory_space<hbm>>) dst(%dma_wait3A_78 : memref<96x128xi32, #tpu.memory_space<vmem>>)
      tpu.yield
    }) : () -> ()
    %scan3A_50 = arith.constant 0 : i32
    %scan3A_51 = arith.constant 12 : i32
    %scan3A_52 = arith.addi %scan3A_50, %scan3A_51 : i32
    %scan3A_53 = arith.constant 1 : i32
    scf.for %scan3A_63 = %scan3A_50 to %scan3A_52 step %scan3A_53  : i32 {
      %mul3A_64 = arith.constant 1 : i32
      %mul3A_65 = arith.muli %scan3A_63, %mul3A_64 : i32
      %add3A_66 = arith.constant 0 : i32
      %add3A_67 = arith.addi %add3A_66, %mul3A_65 : i32
      %mul3A_68 = arith.constant 8 : i32
      %mul3A_69 = arith.muli %add3A_67, %mul3A_68 : i32
      %add3A_70 = arith.constant 0 : i32
      %add3A_71 = arith.addi %mul3A_69, %add3A_70 : i32
      %dma_start3A = arith.constant 0 : i32
      %dma_start3A_72 = arith.constant 0 : i32
      %dma_start3A_73 = tpu.memref_slice %arg10[%dma_start3A, %dma_start3A_72] : memref<1024x16xf32, #tpu.memory_space<vmem>> -> memref<128x16xf32, #tpu.memory_space<vmem>>
      %dma_start3A_74 = arith.constant 0 : i32
      %dma_start3A_75 = tpu.memref_slice %arg8[%add3A_71, %dma_start3A_74] : memref<104x128xi32, #tpu.memory_space<vmem>> -> memref<1x128xi32, #tpu.memory_space<vmem>>
      %dma_start3A_76 = tpu.memref_squeeze %dma_start3A_75 : memref<1x128xi32, #tpu.memory_space<vmem>> -> memref<128xi32, #tpu.memory_space<vmem>>
      %dma_start3A_77 = arith.constant 0 : i32
      %dma_start3A_78 = arith.constant 0 : i32
      %dma_start3A_79 = tpu.memref_slice %arg2[%dma_start3A_77, %dma_start3A_78] : memref<51200x16xf32, #tpu.memory_space<hbm>> -> memref<51200x16xf32, #tpu.memory_space<hbm>>
      tpu.enqueue_indirect_dma source(%dma_start3A_79 : memref<51200x16xf32, #tpu.memory_space<hbm>>) target(%dma_start3A_73 : memref<128x16xf32, #tpu.memory_space<vmem>>) offsets(%dma_start3A_76 : memref<128xi32, #tpu.memory_space<vmem>>) semaphore(%arg15 : memref<!tpu.dma_semaphore, #tpu.memory_space<semaphore_mem>>)
      %mul3A_80 = arith.constant 8 : i32
      %mul3A_81 = arith.muli %add3A_67, %mul3A_80 : i32
      %add3A_82 = arith.constant 0 : i32
      %add3A_83 = arith.addi %mul3A_81, %add3A_82 : i32
      %dma_start3A_84 = arith.constant 0 : i32
      %dma_start3A_85 = arith.constant 0 : i32
      %dma_start3A_86 = tpu.memref_slice %arg11[%dma_start3A_84, %dma_start3A_85] : memref<1024x16xf32, #tpu.memory_space<vmem>> -> memref<128x16xf32, #tpu.memory_space<vmem>>
      %dma_start3A_87 = arith.constant 0 : i32
      %dma_start3A_88 = tpu.memref_slice %arg9[%add3A_83, %dma_start3A_87] : memref<104x128xi32, #tpu.memory_space<vmem>> -> memref<1x128xi32, #tpu.memory_space<vmem>>
      %dma_start3A_89 = tpu.memref_squeeze %dma_start3A_88 : memref<1x128xi32, #tpu.memory_space<vmem>> -> memref<128xi32, #tpu.memory_space<vmem>>
      %dma_start3A_90 = arith.constant 0 : i32
      %dma_start3A_91 = arith.constant 0 : i32
      %dma_start3A_92 = tpu.memref_slice %arg2[%dma_start3A_90, %dma_start3A_91] : memref<51200x16xf32, #tpu.memory_space<hbm>> -> memref<51200x16xf32, #tpu.memory_space<hbm>>
      tpu.enqueue_indirect_dma source(%dma_start3A_92 : memref<51200x16xf32, #tpu.memory_space<hbm>>) target(%dma_start3A_86 : memref<128x16xf32, #tpu.memory_space<vmem>>) offsets(%dma_start3A_89 : memref<128xi32, #tpu.memory_space<vmem>>) semaphore(%arg15 : memref<!tpu.dma_semaphore, #tpu.memory_space<semaphore_mem>>)
      %mul3A_93 = arith.constant 8 : i32
      %mul3A_94 = arith.muli %add3A_67, %mul3A_93 : i32
      %add3A_95 = arith.constant 1 : i32
      %add3A_96 = arith.addi %mul3A_94, %add3A_95 : i32
      %dma_start3A_97 = arith.constant 128 : i32
      %dma_start3A_98 = arith.constant 0 : i32
      %dma_start3A_99 = tpu.memref_slice %arg10[%dma_start3A_97, %dma_start3A_98] : memref<1024x16xf32, #tpu.memory_space<vmem>> -> memref<128x16xf32, #tpu.memory_space<vmem>>
      %dma_start3A_100 = arith.constant 0 : i32
      %dma_start3A_101 = tpu.memref_slice %arg8[%add3A_96, %dma_start3A_100] : memref<104x128xi32, #tpu.memory_space<vmem>> -> memref<1x128xi32, #tpu.memory_space<vmem>>
      %dma_start3A_102 = tpu.memref_squeeze %dma_start3A_101 : memref<1x128xi32, #tpu.memory_space<vmem>> -> memref<128xi32, #tpu.memory_space<vmem>>
      %dma_start3A_103 = arith.constant 0 : i32
      %dma_start3A_104 = arith.constant 0 : i32
      %dma_start3A_105 = tpu.memref_slice %arg2[%dma_start3A_103, %dma_start3A_104] : memref<51200x16xf32, #tpu.memory_space<hbm>> -> memref<51200x16xf32, #tpu.memory_space<hbm>>
      tpu.enqueue_indirect_dma source(%dma_start3A_105 : memref<51200x16xf32, #tpu.memory_space<hbm>>) target(%dma_start3A_99 : memref<128x16xf32, #tpu.memory_space<vmem>>) offsets(%dma_start3A_102 : memref<128xi32, #tpu.memory_space<vmem>>) semaphore(%arg15 : memref<!tpu.dma_semaphore, #tpu.memory_space<semaphore_mem>>)
      %mul3A_106 = arith.constant 8 : i32
      %mul3A_107 = arith.muli %add3A_67, %mul3A_106 : i32
      %add3A_108 = arith.constant 1 : i32
      %add3A_109 = arith.addi %mul3A_107, %add3A_108 : i32
      %dma_start3A_110 = arith.constant 128 : i32
      %dma_start3A_111 = arith.constant 0 : i32
      %dma_start3A_112 = tpu.memref_slice %arg11[%dma_start3A_110, %dma_start3A_111] : memref<1024x16xf32, #tpu.memory_space<vmem>> -> memref<128x16xf32, #tpu.memory_space<vmem>>
      %dma_start3A_113 = arith.constant 0 : i32
      %dma_start3A_114 = tpu.memref_slice %arg9[%add3A_109, %dma_start3A_113] : memref<104x128xi32, #tpu.memory_space<vmem>> -> memref<1x128xi32, #tpu.memory_space<vmem>>
      %dma_start3A_115 = tpu.memref_squeeze %dma_start3A_114 : memref<1x128xi32, #tpu.memory_space<vmem>> -> memref<128xi32, #tpu.memory_space<vmem>>
      %dma_start3A_116 = arith.constant 0 : i32
      %dma_start3A_117 = arith.constant 0 : i32
      %dma_start3A_118 = tpu.memref_slice %arg2[%dma_start3A_116, %dma_start3A_117] : memref<51200x16xf32, #tpu.memory_space<hbm>> -> memref<51200x16xf32, #tpu.memory_space<hbm>>
      tpu.enqueue_indirect_dma source(%dma_start3A_118 : memref<51200x16xf32, #tpu.memory_space<hbm>>) target(%dma_start3A_112 : memref<128x16xf32, #tpu.memory_space<vmem>>) offsets(%dma_start3A_115 : memref<128xi32, #tpu.memory_space<vmem>>) semaphore(%arg15 : memref<!tpu.dma_semaphore, #tpu.memory_space<semaphore_mem>>)
      %mul3A_119 = arith.constant 8 : i32
      %mul3A_120 = arith.muli %add3A_67, %mul3A_119 : i32
      %add3A_121 = arith.constant 2 : i32
      %add3A_122 = arith.addi %mul3A_120, %add3A_121 : i32
      %dma_start3A_123 = arith.constant 256 : i32
      %dma_start3A_124 = arith.constant 0 : i32
      %dma_start3A_125 = tpu.memref_slice %arg10[%dma_start3A_123, %dma_start3A_124] : memref<1024x16xf32, #tpu.memory_space<vmem>> -> memref<128x16xf32, #tpu.memory_space<vmem>>
      %dma_start3A_126 = arith.constant 0 : i32
      %dma_start3A_127 = tpu.memref_slice %arg8[%add3A_122, %dma_start3A_126] : memref<104x128xi32, #tpu.memory_space<vmem>> -> memref<1x128xi32, #tpu.memory_space<vmem>>
      %dma_start3A_128 = tpu.memref_squeeze %dma_start3A_127 : memref<1x128xi32, #tpu.memory_space<vmem>> -> memref<128xi32, #tpu.memory_space<vmem>>
      %dma_start3A_129 = arith.constant 0 : i32
      %dma_start3A_130 = arith.constant 0 : i32
      %dma_start3A_131 = tpu.memref_slice %arg2[%dma_start3A_129, %dma_start3A_130] : memref<51200x16xf32, #tpu.memory_space<hbm>> -> memref<51200x16xf32, #tpu.memory_space<hbm>>
      tpu.enqueue_indirect_dma source(%dma_start3A_131 : memref<51200x16xf32, #tpu.memory_space<hbm>>) target(%dma_start3A_125 : memref<128x16xf32, #tpu.memory_space<vmem>>) offsets(%dma_start3A_128 : memref<128xi32, #tpu.memory_space<vmem>>) semaphore(%arg15 : memref<!tpu.dma_semaphore, #tpu.memory_space<semaphore_mem>>)
      %mul3A_132 = arith.constant 8 : i32
      %mul3A_133 = arith.muli %add3A_67, %mul3A_132 : i32
      %add3A_134 = arith.constant 2 : i32
      %add3A_135 = arith.addi %mul3A_133, %add3A_134 : i32
      %dma_start3A_136 = arith.constant 256 : i32
      %dma_start3A_137 = arith.constant 0 : i32
      %dma_start3A_138 = tpu.memref_slice %arg11[%dma_start3A_136, %dma_start3A_137] : memref<1024x16xf32, #tpu.memory_space<vmem>> -> memref<128x16xf32, #tpu.memory_space<vmem>>
      %dma_start3A_139 = arith.constant 0 : i32
      %dma_start3A_140 = tpu.memref_slice %arg9[%add3A_135, %dma_start3A_139] : memref<104x128xi32, #tpu.memory_space<vmem>> -> memref<1x128xi32, #tpu.memory_space<vmem>>
      %dma_start3A_141 = tpu.memref_squeeze %dma_start3A_140 : memref<1x128xi32, #tpu.memory_space<vmem>> -> memref<128xi32, #tpu.memory_space<vmem>>
      %dma_start3A_142 = arith.constant 0 : i32
      %dma_start3A_143 = arith.constant 0 : i32
      %dma_start3A_144 = tpu.memref_slice %arg2[%dma_start3A_142, %dma_start3A_143] : memref<51200x16xf32, #tpu.memory_space<hbm>> -> memref<51200x16xf32, #tpu.memory_space<hbm>>
      tpu.enqueue_indirect_dma source(%dma_start3A_144 : memref<51200x16xf32, #tpu.memory_space<hbm>>) target(%dma_start3A_138 : memref<128x16xf32, #tpu.memory_space<vmem>>) offsets(%dma_start3A_141 : memref<128xi32, #tpu.memory_space<vmem>>) semaphore(%arg15 : memref<!tpu.dma_semaphore, #tpu.memory_space<semaphore_mem>>)
      %mul3A_145 = arith.constant 8 : i32
      %mul3A_146 = arith.muli %add3A_67, %mul3A_145 : i32
      %add3A_147 = arith.constant 3 : i32
      %add3A_148 = arith.addi %mul3A_146, %add3A_147 : i32
      %dma_start3A_149 = arith.constant 384 : i32
      %dma_start3A_150 = arith.constant 0 : i32
      %dma_start3A_151 = tpu.memref_slice %arg10[%dma_start3A_149, %dma_start3A_150] : memref<1024x16xf32, #tpu.memory_space<vmem>> -> memref<128x16xf32, #tpu.memory_space<vmem>>
      %dma_start3A_152 = arith.constant 0 : i32
      %dma_start3A_153 = tpu.memref_slice %arg8[%add3A_148, %dma_start3A_152] : memref<104x128xi32, #tpu.memory_space<vmem>> -> memref<1x128xi32, #tpu.memory_space<vmem>>
      %dma_start3A_154 = tpu.memref_squeeze %dma_start3A_153 : memref<1x128xi32, #tpu.memory_space<vmem>> -> memref<128xi32, #tpu.memory_space<vmem>>
      %dma_start3A_155 = arith.constant 0 : i32
      %dma_start3A_156 = arith.constant 0 : i32
      %dma_start3A_157 = tpu.memref_slice %arg2[%dma_start3A_155, %dma_start3A_156] : memref<51200x16xf32, #tpu.memory_space<hbm>> -> memref<51200x16xf32, #tpu.memory_space<hbm>>
      tpu.enqueue_indirect_dma source(%dma_start3A_157 : memref<51200x16xf32, #tpu.memory_space<hbm>>) target(%dma_start3A_151 : memref<128x16xf32, #tpu.memory_space<vmem>>) offsets(%dma_start3A_154 : memref<128xi32, #tpu.memory_space<vmem>>) semaphore(%arg15 : memref<!tpu.dma_semaphore, #tpu.memory_space<semaphore_mem>>)
      %mul3A_158 = arith.constant 8 : i32
      %mul3A_159 = arith.muli %add3A_67, %mul3A_158 : i32
      %add3A_160 = arith.constant 3 : i32
      %add3A_161 = arith.addi %mul3A_159, %add3A_160 : i32
      %dma_start3A_162 = arith.constant 384 : i32
      %dma_start3A_163 = arith.constant 0 : i32
      %dma_start3A_164 = tpu.memref_slice %arg11[%dma_start3A_162, %dma_start3A_163] : memref<1024x16xf32, #tpu.memory_space<vmem>> -> memref<128x16xf32, #tpu.memory_space<vmem>>
      %dma_start3A_165 = arith.constant 0 : i32
      %dma_start3A_166 = tpu.memref_slice %arg9[%add3A_161, %dma_start3A_165] : memref<104x128xi32, #tpu.memory_space<vmem>> -> memref<1x128xi32, #tpu.memory_space<vmem>>
      %dma_start3A_167 = tpu.memref_squeeze %dma_start3A_166 : memref<1x128xi32, #tpu.memory_space<vmem>> -> memref<128xi32, #tpu.memory_space<vmem>>
      %dma_start3A_168 = arith.constant 0 : i32
      %dma_start3A_169 = arith.constant 0 : i32
      %dma_start3A_170 = tpu.memref_slice %arg2[%dma_start3A_168, %dma_start3A_169] : memref<51200x16xf32, #tpu.memory_space<hbm>> -> memref<51200x16xf32, #tpu.memory_space<hbm>>
      tpu.enqueue_indirect_dma source(%dma_start3A_170 : memref<51200x16xf32, #tpu.memory_space<hbm>>) target(%dma_start3A_164 : memref<128x16xf32, #tpu.memory_space<vmem>>) offsets(%dma_start3A_167 : memref<128xi32, #tpu.memory_space<vmem>>) semaphore(%arg15 : memref<!tpu.dma_semaphore, #tpu.memory_space<semaphore_mem>>)
      %mul3A_171 = arith.constant 8 : i32
      %mul3A_172 = arith.muli %add3A_67, %mul3A_171 : i32
      %add3A_173 = arith.constant 4 : i32
      %add3A_174 = arith.addi %mul3A_172, %add3A_173 : i32
      %dma_start3A_175 = arith.constant 512 : i32
      %dma_start3A_176 = arith.constant 0 : i32
      %dma_start3A_177 = tpu.memref_slice %arg10[%dma_start3A_175, %dma_start3A_176] : memref<1024x16xf32, #tpu.memory_space<vmem>> -> memref<128x16xf32, #tpu.memory_space<vmem>>
      %dma_start3A_178 = arith.constant 0 : i32
      %dma_start3A_179 = tpu.memref_slice %arg8[%add3A_174, %dma_start3A_178] : memref<104x128xi32, #tpu.memory_space<vmem>> -> memref<1x128xi32, #tpu.memory_space<vmem>>
      %dma_start3A_180 = tpu.memref_squeeze %dma_start3A_179 : memref<1x128xi32, #tpu.memory_space<vmem>> -> memref<128xi32, #tpu.memory_space<vmem>>
      %dma_start3A_181 = arith.constant 0 : i32
      %dma_start3A_182 = arith.constant 0 : i32
      %dma_start3A_183 = tpu.memref_slice %arg2[%dma_start3A_181, %dma_start3A_182] : memref<51200x16xf32, #tpu.memory_space<hbm>> -> memref<51200x16xf32, #tpu.memory_space<hbm>>
      tpu.enqueue_indirect_dma source(%dma_start3A_183 : memref<51200x16xf32, #tpu.memory_space<hbm>>) target(%dma_start3A_177 : memref<128x16xf32, #tpu.memory_space<vmem>>) offsets(%dma_start3A_180 : memref<128xi32, #tpu.memory_space<vmem>>) semaphore(%arg15 : memref<!tpu.dma_semaphore, #tpu.memory_space<semaphore_mem>>)
      %mul3A_184 = arith.constant 8 : i32
      %mul3A_185 = arith.muli %add3A_67, %mul3A_184 : i32
      %add3A_186 = arith.constant 4 : i32
      %add3A_187 = arith.addi %mul3A_185, %add3A_186 : i32
      %dma_start3A_188 = arith.constant 512 : i32
      %dma_start3A_189 = arith.constant 0 : i32
      %dma_start3A_190 = tpu.memref_slice %arg11[%dma_start3A_188, %dma_start3A_189] : memref<1024x16xf32, #tpu.memory_space<vmem>> -> memref<128x16xf32, #tpu.memory_space<vmem>>
      %dma_start3A_191 = arith.constant 0 : i32
      %dma_start3A_192 = tpu.memref_slice %arg9[%add3A_187, %dma_start3A_191] : memref<104x128xi32, #tpu.memory_space<vmem>> -> memref<1x128xi32, #tpu.memory_space<vmem>>
      %dma_start3A_193 = tpu.memref_squeeze %dma_start3A_192 : memref<1x128xi32, #tpu.memory_space<vmem>> -> memref<128xi32, #tpu.memory_space<vmem>>
      %dma_start3A_194 = arith.constant 0 : i32
      %dma_start3A_195 = arith.constant 0 : i32
      %dma_start3A_196 = tpu.memref_slice %arg2[%dma_start3A_194, %dma_start3A_195] : memref<51200x16xf32, #tpu.memory_space<hbm>> -> memref<51200x16xf32, #tpu.memory_space<hbm>>
      tpu.enqueue_indirect_dma source(%dma_start3A_196 : memref<51200x16xf32, #tpu.memory_space<hbm>>) target(%dma_start3A_190 : memref<128x16xf32, #tpu.memory_space<vmem>>) offsets(%dma_start3A_193 : memref<128xi32, #tpu.memory_space<vmem>>) semaphore(%arg15 : memref<!tpu.dma_semaphore, #tpu.memory_space<semaphore_mem>>)
      %mul3A_197 = arith.constant 8 : i32
      %mul3A_198 = arith.muli %add3A_67, %mul3A_197 : i32
      %add3A_199 = arith.constant 5 : i32
      %add3A_200 = arith.addi %mul3A_198, %add3A_199 : i32
      %dma_start3A_201 = arith.constant 640 : i32
      %dma_start3A_202 = arith.constant 0 : i32
      %dma_start3A_203 = tpu.memref_slice %arg10[%dma_start3A_201, %dma_start3A_202] : memref<1024x16xf32, #tpu.memory_space<vmem>> -> memref<128x16xf32, #tpu.memory_space<vmem>>
      %dma_start3A_204 = arith.constant 0 : i32
      %dma_start3A_205 = tpu.memref_slice %arg8[%add3A_200, %dma_start3A_204] : memref<104x128xi32, #tpu.memory_space<vmem>> -> memref<1x128xi32, #tpu.memory_space<vmem>>
      %dma_start3A_206 = tpu.memref_squeeze %dma_start3A_205 : memref<1x128xi32, #tpu.memory_space<vmem>> -> memref<128xi32, #tpu.memory_space<vmem>>
      %dma_start3A_207 = arith.constant 0 : i32
      %dma_start3A_208 = arith.constant 0 : i32
      %dma_start3A_209 = tpu.memref_slice %arg2[%dma_start3A_207, %dma_start3A_208] : memref<51200x16xf32, #tpu.memory_space<hbm>> -> memref<51200x16xf32, #tpu.memory_space<hbm>>
      tpu.enqueue_indirect_dma source(%dma_start3A_209 : memref<51200x16xf32, #tpu.memory_space<hbm>>) target(%dma_start3A_203 : memref<128x16xf32, #tpu.memory_space<vmem>>) offsets(%dma_start3A_206 : memref<128xi32, #tpu.memory_space<vmem>>) semaphore(%arg15 : memref<!tpu.dma_semaphore, #tpu.memory_space<semaphore_mem>>)
      %mul3A_210 = arith.constant 8 : i32
      %mul3A_211 = arith.muli %add3A_67, %mul3A_210 : i32
      %add3A_212 = arith.constant 5 : i32
      %add3A_213 = arith.addi %mul3A_211, %add3A_212 : i32
      %dma_start3A_214 = arith.constant 640 : i32
      %dma_start3A_215 = arith.constant 0 : i32
      %dma_start3A_216 = tpu.memref_slice %arg11[%dma_start3A_214, %dma_start3A_215] : memref<1024x16xf32, #tpu.memory_space<vmem>> -> memref<128x16xf32, #tpu.memory_space<vmem>>
      %dma_start3A_217 = arith.constant 0 : i32
      %dma_start3A_218 = tpu.memref_slice %arg9[%add3A_213, %dma_start3A_217] : memref<104x128xi32, #tpu.memory_space<vmem>> -> memref<1x128xi32, #tpu.memory_space<vmem>>
      %dma_start3A_219 = tpu.memref_squeeze %dma_start3A_218 : memref<1x128xi32, #tpu.memory_space<vmem>> -> memref<128xi32, #tpu.memory_space<vmem>>
      %dma_start3A_220 = arith.constant 0 : i32
      %dma_start3A_221 = arith.constant 0 : i32
      %dma_start3A_222 = tpu.memref_slice %arg2[%dma_start3A_220, %dma_start3A_221] : memref<51200x16xf32, #tpu.memory_space<hbm>> -> memref<51200x16xf32, #tpu.memory_space<hbm>>
      tpu.enqueue_indirect_dma source(%dma_start3A_222 : memref<51200x16xf32, #tpu.memory_space<hbm>>) target(%dma_start3A_216 : memref<128x16xf32, #tpu.memory_space<vmem>>) offsets(%dma_start3A_219 : memref<128xi32, #tpu.memory_space<vmem>>) semaphore(%arg15 : memref<!tpu.dma_semaphore, #tpu.memory_space<semaphore_mem>>)
      %mul3A_223 = arith.constant 8 : i32
      %mul3A_224 = arith.muli %add3A_67, %mul3A_223 : i32
      %add3A_225 = arith.constant 6 : i32
      %add3A_226 = arith.addi %mul3A_224, %add3A_225 : i32
      %dma_start3A_227 = arith.constant 768 : i32
      %dma_start3A_228 = arith.constant 0 : i32
      %dma_start3A_229 = tpu.memref_slice %arg10[%dma_start3A_227, %dma_start3A_228] : memref<1024x16xf32, #tpu.memory_space<vmem>> -> memref<128x16xf32, #tpu.memory_space<vmem>>
      %dma_start3A_230 = arith.constant 0 : i32
      %dma_start3A_231 = tpu.memref_slice %arg8[%add3A_226, %dma_start3A_230] : memref<104x128xi32, #tpu.memory_space<vmem>> -> memref<1x128xi32, #tpu.memory_space<vmem>>
      %dma_start3A_232 = tpu.memref_squeeze %dma_start3A_231 : memref<1x128xi32, #tpu.memory_space<vmem>> -> memref<128xi32, #tpu.memory_space<vmem>>
      %dma_start3A_233 = arith.constant 0 : i32
      %dma_start3A_234 = arith.constant 0 : i32
      %dma_start3A_235 = tpu.memref_slice %arg2[%dma_start3A_233, %dma_start3A_234] : memref<51200x16xf32, #tpu.memory_space<hbm>> -> memref<51200x16xf32, #tpu.memory_space<hbm>>
      tpu.enqueue_indirect_dma source(%dma_start3A_235 : memref<51200x16xf32, #tpu.memory_space<hbm>>) target(%dma_start3A_229 : memref<128x16xf32, #tpu.memory_space<vmem>>) offsets(%dma_start3A_232 : memref<128xi32, #tpu.memory_space<vmem>>) semaphore(%arg15 : memref<!tpu.dma_semaphore, #tpu.memory_space<semaphore_mem>>)
      %mul3A_236 = arith.constant 8 : i32
      %mul3A_237 = arith.muli %add3A_67, %mul3A_236 : i32
      %add3A_238 = arith.constant 6 : i32
      %add3A_239 = arith.addi %mul3A_237, %add3A_238 : i32
      %dma_start3A_240 = arith.constant 768 : i32
      %dma_start3A_241 = arith.constant 0 : i32
      %dma_start3A_242 = tpu.memref_slice %arg11[%dma_start3A_240, %dma_start3A_241] : memref<1024x16xf32, #tpu.memory_space<vmem>> -> memref<128x16xf32, #tpu.memory_space<vmem>>
      %dma_start3A_243 = arith.constant 0 : i32
      %dma_start3A_244 = tpu.memref_slice %arg9[%add3A_239, %dma_start3A_243] : memref<104x128xi32, #tpu.memory_space<vmem>> -> memref<1x128xi32, #tpu.memory_space<vmem>>
      %dma_start3A_245 = tpu.memref_squeeze %dma_start3A_244 : memref<1x128xi32, #tpu.memory_space<vmem>> -> memref<128xi32, #tpu.memory_space<vmem>>
      %dma_start3A_246 = arith.constant 0 : i32
      %dma_start3A_247 = arith.constant 0 : i32
      %dma_start3A_248 = tpu.memref_slice %arg2[%dma_start3A_246, %dma_start3A_247] : memref<51200x16xf32, #tpu.memory_space<hbm>> -> memref<51200x16xf32, #tpu.memory_space<hbm>>
      tpu.enqueue_indirect_dma source(%dma_start3A_248 : memref<51200x16xf32, #tpu.memory_space<hbm>>) target(%dma_start3A_242 : memref<128x16xf32, #tpu.memory_space<vmem>>) offsets(%dma_start3A_245 : memref<128xi32, #tpu.memory_space<vmem>>) semaphore(%arg15 : memref<!tpu.dma_semaphore, #tpu.memory_space<semaphore_mem>>)
      %mul3A_249 = arith.constant 8 : i32
      %mul3A_250 = arith.muli %add3A_67, %mul3A_249 : i32
      %add3A_251 = arith.constant 7 : i32
      %add3A_252 = arith.addi %mul3A_250, %add3A_251 : i32
      %dma_start3A_253 = arith.constant 896 : i32
      %dma_start3A_254 = arith.constant 0 : i32
      %dma_start3A_255 = tpu.memref_slice %arg10[%dma_start3A_253, %dma_start3A_254] : memref<1024x16xf32, #tpu.memory_space<vmem>> -> memref<128x16xf32, #tpu.memory_space<vmem>>
      %dma_start3A_256 = arith.constant 0 : i32
      %dma_start3A_257 = tpu.memref_slice %arg8[%add3A_252, %dma_start3A_256] : memref<104x128xi32, #tpu.memory_space<vmem>> -> memref<1x128xi32, #tpu.memory_space<vmem>>
      %dma_start3A_258 = tpu.memref_squeeze %dma_start3A_257 : memref<1x128xi32, #tpu.memory_space<vmem>> -> memref<128xi32, #tpu.memory_space<vmem>>
      %dma_start3A_259 = arith.constant 0 : i32
      %dma_start3A_260 = arith.constant 0 : i32
      %dma_start3A_261 = tpu.memref_slice %arg2[%dma_start3A_259, %dma_start3A_260] : memref<51200x16xf32, #tpu.memory_space<hbm>> -> memref<51200x16xf32, #tpu.memory_space<hbm>>
      tpu.enqueue_indirect_dma source(%dma_start3A_261 : memref<51200x16xf32, #tpu.memory_space<hbm>>) target(%dma_start3A_255 : memref<128x16xf32, #tpu.memory_space<vmem>>) offsets(%dma_start3A_258 : memref<128xi32, #tpu.memory_space<vmem>>) semaphore(%arg15 : memref<!tpu.dma_semaphore, #tpu.memory_space<semaphore_mem>>)
      %mul3A_262 = arith.constant 8 : i32
      %mul3A_263 = arith.muli %add3A_67, %mul3A_262 : i32
      %add3A_264 = arith.constant 7 : i32
      %add3A_265 = arith.addi %mul3A_263, %add3A_264 : i32
      %dma_start3A_266 = arith.constant 896 : i32
      %dma_start3A_267 = arith.constant 0 : i32
      %dma_start3A_268 = tpu.memref_slice %arg11[%dma_start3A_266, %dma_start3A_267] : memref<1024x16xf32, #tpu.memory_space<vmem>> -> memref<128x16xf32, #tpu.memory_space<vmem>>
      %dma_start3A_269 = arith.constant 0 : i32
      %dma_start3A_270 = tpu.memref_slice %arg9[%add3A_265, %dma_start3A_269] : memref<104x128xi32, #tpu.memory_space<vmem>> -> memref<1x128xi32, #tpu.memory_space<vmem>>
      %dma_start3A_271 = tpu.memref_squeeze %dma_start3A_270 : memref<1x128xi32, #tpu.memory_space<vmem>> -> memref<128xi32, #tpu.memory_space<vmem>>
      %dma_start3A_272 = arith.constant 0 : i32
      %dma_start3A_273 = arith.constant 0 : i32
      %dma_start3A_274 = tpu.memref_slice %arg2[%dma_start3A_272, %dma_start3A_273] : memref<51200x16xf32, #tpu.memory_space<hbm>> -> memref<51200x16xf32, #tpu.memory_space<hbm>>
      tpu.enqueue_indirect_dma source(%dma_start3A_274 : memref<51200x16xf32, #tpu.memory_space<hbm>>) target(%dma_start3A_268 : memref<128x16xf32, #tpu.memory_space<vmem>>) offsets(%dma_start3A_271 : memref<128xi32, #tpu.memory_space<vmem>>) semaphore(%arg15 : memref<!tpu.dma_semaphore, #tpu.memory_space<semaphore_mem>>)
      %dma_wait3A = arith.constant 0 : i32
      %dma_wait3A_275 = arith.constant 0 : i32
      %dma_wait3A_276 = tpu.memref_slice %arg10[%dma_wait3A, %dma_wait3A_275] : memref<1024x16xf32, #tpu.memory_space<vmem>> -> memref<128x16xf32, #tpu.memory_space<vmem>>
      %dma_wait3A_277 = arith.constant 0 : i32
      %dma_wait3A_278 = tpu.memref_slice %arg8[%add3A_71, %dma_wait3A_277] : memref<104x128xi32, #tpu.memory_space<vmem>> -> memref<1x128xi32, #tpu.memory_space<vmem>>
      %dma_wait3A_279 = tpu.memref_squeeze %dma_wait3A_278 : memref<1x128xi32, #tpu.memory_space<vmem>> -> memref<128xi32, #tpu.memory_space<vmem>>
      %dma_wait3A_280 = arith.constant 0 : i32
      %dma_wait3A_281 = arith.constant 0 : i32
      %dma_wait3A_282 = tpu.memref_slice %arg2[%dma_wait3A_280, %dma_wait3A_281] : memref<51200x16xf32, #tpu.memory_space<hbm>> -> memref<51200x16xf32, #tpu.memory_space<hbm>>
      tpu.wait_indirect_dma semaphore(%arg15 : memref<!tpu.dma_semaphore, #tpu.memory_space<semaphore_mem>>) src(%dma_wait3A_282 : memref<51200x16xf32, #tpu.memory_space<hbm>>) dst(%dma_wait3A_276 : memref<128x16xf32, #tpu.memory_space<vmem>>)
      %dma_wait3A_283 = arith.constant 0 : i32
      %dma_wait3A_284 = arith.constant 0 : i32
      %dma_wait3A_285 = tpu.memref_slice %arg11[%dma_wait3A_283, %dma_wait3A_284] : memref<1024x16xf32, #tpu.memory_space<vmem>> -> memref<128x16xf32, #tpu.memory_space<vmem>>
      %dma_wait3A_286 = arith.constant 0 : i32
      %dma_wait3A_287 = tpu.memref_slice %arg9[%add3A_83, %dma_wait3A_286] : memref<104x128xi32, #tpu.memory_space<vmem>> -> memref<1x128xi32, #tpu.memory_space<vmem>>
      %dma_wait3A_288 = tpu.memref_squeeze %dma_wait3A_287 : memref<1x128xi32, #tpu.memory_space<vmem>> -> memref<128xi32, #tpu.memory_space<vmem>>
      %dma_wait3A_289 = arith.constant 0 : i32
      %dma_wait3A_290 = arith.constant 0 : i32
      %dma_wait3A_291 = tpu.memref_slice %arg2[%dma_wait3A_289, %dma_wait3A_290] : memref<51200x16xf32, #tpu.memory_space<hbm>> -> memref<51200x16xf32, #tpu.memory_space<hbm>>
      tpu.wait_indirect_dma semaphore(%arg15 : memref<!tpu.dma_semaphore, #tpu.memory_space<semaphore_mem>>) src(%dma_wait3A_291 : memref<51200x16xf32, #tpu.memory_space<hbm>>) dst(%dma_wait3A_285 : memref<128x16xf32, #tpu.memory_space<vmem>>)
      %dma_wait3A_292 = arith.constant 128 : i32
      %dma_wait3A_293 = arith.constant 0 : i32
      %dma_wait3A_294 = tpu.memref_slice %arg10[%dma_wait3A_292, %dma_wait3A_293] : memref<1024x16xf32, #tpu.memory_space<vmem>> -> memref<128x16xf32, #tpu.memory_space<vmem>>
      %dma_wait3A_295 = arith.constant 0 : i32
      %dma_wait3A_296 = tpu.memref_slice %arg8[%add3A_96, %dma_wait3A_295] : memref<104x128xi32, #tpu.memory_space<vmem>> -> memref<1x128xi32, #tpu.memory_space<vmem>>
      %dma_wait3A_297 = tpu.memref_squeeze %dma_wait3A_296 : memref<1x128xi32, #tpu.memory_space<vmem>> -> memref<128xi32, #tpu.memory_space<vmem>>
      %dma_wait3A_298 = arith.constant 0 : i32
      %dma_wait3A_299 = arith.constant 0 : i32
      %dma_wait3A_300 = tpu.memref_slice %arg2[%dma_wait3A_298, %dma_wait3A_299] : memref<51200x16xf32, #tpu.memory_space<hbm>> -> memref<51200x16xf32, #tpu.memory_space<hbm>>
      tpu.wait_indirect_dma semaphore(%arg15 : memref<!tpu.dma_semaphore, #tpu.memory_space<semaphore_mem>>) src(%dma_wait3A_300 : memref<51200x16xf32, #tpu.memory_space<hbm>>) dst(%dma_wait3A_294 : memref<128x16xf32, #tpu.memory_space<vmem>>)
      %dma_wait3A_301 = arith.constant 128 : i32
      %dma_wait3A_302 = arith.constant 0 : i32
      %dma_wait3A_303 = tpu.memref_slice %arg11[%dma_wait3A_301, %dma_wait3A_302] : memref<1024x16xf32, #tpu.memory_space<vmem>> -> memref<128x16xf32, #tpu.memory_space<vmem>>
      %dma_wait3A_304 = arith.constant 0 : i32
      %dma_wait3A_305 = tpu.memref_slice %arg9[%add3A_109, %dma_wait3A_304] : memref<104x128xi32, #tpu.memory_space<vmem>> -> memref<1x128xi32, #tpu.memory_space<vmem>>
      %dma_wait3A_306 = tpu.memref_squeeze %dma_wait3A_305 : memref<1x128xi32, #tpu.memory_space<vmem>> -> memref<128xi32, #tpu.memory_space<vmem>>
      %dma_wait3A_307 = arith.constant 0 : i32
      %dma_wait3A_308 = arith.constant 0 : i32
      %dma_wait3A_309 = tpu.memref_slice %arg2[%dma_wait3A_307, %dma_wait3A_308] : memref<51200x16xf32, #tpu.memory_space<hbm>> -> memref<51200x16xf32, #tpu.memory_space<hbm>>
      tpu.wait_indirect_dma semaphore(%arg15 : memref<!tpu.dma_semaphore, #tpu.memory_space<semaphore_mem>>) src(%dma_wait3A_309 : memref<51200x16xf32, #tpu.memory_space<hbm>>) dst(%dma_wait3A_303 : memref<128x16xf32, #tpu.memory_space<vmem>>)
      %dma_wait3A_310 = arith.constant 256 : i32
      %dma_wait3A_311 = arith.constant 0 : i32
      %dma_wait3A_312 = tpu.memref_slice %arg10[%dma_wait3A_310, %dma_wait3A_311] : memref<1024x16xf32, #tpu.memory_space<vmem>> -> memref<128x16xf32, #tpu.memory_space<vmem>>
      %dma_wait3A_313 = arith.constant 0 : i32
      %dma_wait3A_314 = tpu.memref_slice %arg8[%add3A_122, %dma_wait3A_313] : memref<104x128xi32, #tpu.memory_space<vmem>> -> memref<1x128xi32, #tpu.memory_space<vmem>>
      %dma_wait3A_315 = tpu.memref_squeeze %dma_wait3A_314 : memref<1x128xi32, #tpu.memory_space<vmem>> -> memref<128xi32, #tpu.memory_space<vmem>>
      %dma_wait3A_316 = arith.constant 0 : i32
      %dma_wait3A_317 = arith.constant 0 : i32
      %dma_wait3A_318 = tpu.memref_slice %arg2[%dma_wait3A_316, %dma_wait3A_317] : memref<51200x16xf32, #tpu.memory_space<hbm>> -> memref<51200x16xf32, #tpu.memory_space<hbm>>
      tpu.wait_indirect_dma semaphore(%arg15 : memref<!tpu.dma_semaphore, #tpu.memory_space<semaphore_mem>>) src(%dma_wait3A_318 : memref<51200x16xf32, #tpu.memory_space<hbm>>) dst(%dma_wait3A_312 : memref<128x16xf32, #tpu.memory_space<vmem>>)
      %dma_wait3A_319 = arith.constant 256 : i32
      %dma_wait3A_320 = arith.constant 0 : i32
      %dma_wait3A_321 = tpu.memref_slice %arg11[%dma_wait3A_319, %dma_wait3A_320] : memref<1024x16xf32, #tpu.memory_space<vmem>> -> memref<128x16xf32, #tpu.memory_space<vmem>>
      %dma_wait3A_322 = arith.constant 0 : i32
      %dma_wait3A_323 = tpu.memref_slice %arg9[%add3A_135, %dma_wait3A_322] : memref<104x128xi32, #tpu.memory_space<vmem>> -> memref<1x128xi32, #tpu.memory_space<vmem>>
      %dma_wait3A_324 = tpu.memref_squeeze %dma_wait3A_323 : memref<1x128xi32, #tpu.memory_space<vmem>> -> memref<128xi32, #tpu.memory_space<vmem>>
      %dma_wait3A_325 = arith.constant 0 : i32
      %dma_wait3A_326 = arith.constant 0 : i32
      %dma_wait3A_327 = tpu.memref_slice %arg2[%dma_wait3A_325, %dma_wait3A_326] : memref<51200x16xf32, #tpu.memory_space<hbm>> -> memref<51200x16xf32, #tpu.memory_space<hbm>>
      tpu.wait_indirect_dma semaphore(%arg15 : memref<!tpu.dma_semaphore, #tpu.memory_space<semaphore_mem>>) src(%dma_wait3A_327 : memref<51200x16xf32, #tpu.memory_space<hbm>>) dst(%dma_wait3A_321 : memref<128x16xf32, #tpu.memory_space<vmem>>)
      %dma_wait3A_328 = arith.constant 384 : i32
      %dma_wait3A_329 = arith.constant 0 : i32
      %dma_wait3A_330 = tpu.memref_slice %arg10[%dma_wait3A_328, %dma_wait3A_329] : memref<1024x16xf32, #tpu.memory_space<vmem>> -> memref<128x16xf32, #tpu.memory_space<vmem>>
      %dma_wait3A_331 = arith.constant 0 : i32
      %dma_wait3A_332 = tpu.memref_slice %arg8[%add3A_148, %dma_wait3A_331] : memref<104x128xi32, #tpu.memory_space<vmem>> -> memref<1x128xi32, #tpu.memory_space<vmem>>
      %dma_wait3A_333 = tpu.memref_squeeze %dma_wait3A_332 : memref<1x128xi32, #tpu.memory_space<vmem>> -> memref<128xi32, #tpu.memory_space<vmem>>
      %dma_wait3A_334 = arith.constant 0 : i32
      %dma_wait3A_335 = arith.constant 0 : i32
      %dma_wait3A_336 = tpu.memref_slice %arg2[%dma_wait3A_334, %dma_wait3A_335] : memref<51200x16xf32, #tpu.memory_space<hbm>> -> memref<51200x16xf32, #tpu.memory_space<hbm>>
      tpu.wait_indirect_dma semaphore(%arg15 : memref<!tpu.dma_semaphore, #tpu.memory_space<semaphore_mem>>) src(%dma_wait3A_336 : memref<51200x16xf32, #tpu.memory_space<hbm>>) dst(%dma_wait3A_330 : memref<128x16xf32, #tpu.memory_space<vmem>>)
      %dma_wait3A_337 = arith.constant 384 : i32
      %dma_wait3A_338 = arith.constant 0 : i32
      %dma_wait3A_339 = tpu.memref_slice %arg11[%dma_wait3A_337, %dma_wait3A_338] : memref<1024x16xf32, #tpu.memory_space<vmem>> -> memref<128x16xf32, #tpu.memory_space<vmem>>
      %dma_wait3A_340 = arith.constant 0 : i32
      %dma_wait3A_341 = tpu.memref_slice %arg9[%add3A_161, %dma_wait3A_340] : memref<104x128xi32, #tpu.memory_space<vmem>> -> memref<1x128xi32, #tpu.memory_space<vmem>>
      %dma_wait3A_342 = tpu.memref_squeeze %dma_wait3A_341 : memref<1x128xi32, #tpu.memory_space<vmem>> -> memref<128xi32, #tpu.memory_space<vmem>>
      %dma_wait3A_343 = arith.constant 0 : i32
      %dma_wait3A_344 = arith.constant 0 : i32
      %dma_wait3A_345 = tpu.memref_slice %arg2[%dma_wait3A_343, %dma_wait3A_344] : memref<51200x16xf32, #tpu.memory_space<hbm>> -> memref<51200x16xf32, #tpu.memory_space<hbm>>
      tpu.wait_indirect_dma semaphore(%arg15 : memref<!tpu.dma_semaphore, #tpu.memory_space<semaphore_mem>>) src(%dma_wait3A_345 : memref<51200x16xf32, #tpu.memory_space<hbm>>) dst(%dma_wait3A_339 : memref<128x16xf32, #tpu.memory_space<vmem>>)
      %dma_wait3A_346 = arith.constant 512 : i32
      %dma_wait3A_347 = arith.constant 0 : i32
      %dma_wait3A_348 = tpu.memref_slice %arg10[%dma_wait3A_346, %dma_wait3A_347] : memref<1024x16xf32, #tpu.memory_space<vmem>> -> memref<128x16xf32, #tpu.memory_space<vmem>>
      %dma_wait3A_349 = arith.constant 0 : i32
      %dma_wait3A_350 = tpu.memref_slice %arg8[%add3A_174, %dma_wait3A_349] : memref<104x128xi32, #tpu.memory_space<vmem>> -> memref<1x128xi32, #tpu.memory_space<vmem>>
      %dma_wait3A_351 = tpu.memref_squeeze %dma_wait3A_350 : memref<1x128xi32, #tpu.memory_space<vmem>> -> memref<128xi32, #tpu.memory_space<vmem>>
      %dma_wait3A_352 = arith.constant 0 : i32
      %dma_wait3A_353 = arith.constant 0 : i32
      %dma_wait3A_354 = tpu.memref_slice %arg2[%dma_wait3A_352, %dma_wait3A_353] : memref<51200x16xf32, #tpu.memory_space<hbm>> -> memref<51200x16xf32, #tpu.memory_space<hbm>>
      tpu.wait_indirect_dma semaphore(%arg15 : memref<!tpu.dma_semaphore, #tpu.memory_space<semaphore_mem>>) src(%dma_wait3A_354 : memref<51200x16xf32, #tpu.memory_space<hbm>>) dst(%dma_wait3A_348 : memref<128x16xf32, #tpu.memory_space<vmem>>)
      %dma_wait3A_355 = arith.constant 512 : i32
      %dma_wait3A_356 = arith.constant 0 : i32
      %dma_wait3A_357 = tpu.memref_slice %arg11[%dma_wait3A_355, %dma_wait3A_356] : memref<1024x16xf32, #tpu.memory_space<vmem>> -> memref<128x16xf32, #tpu.memory_space<vmem>>
      %dma_wait3A_358 = arith.constant 0 : i32
      %dma_wait3A_359 = tpu.memref_slice %arg9[%add3A_187, %dma_wait3A_358] : memref<104x128xi32, #tpu.memory_space<vmem>> -> memref<1x128xi32, #tpu.memory_space<vmem>>
      %dma_wait3A_360 = tpu.memref_squeeze %dma_wait3A_359 : memref<1x128xi32, #tpu.memory_space<vmem>> -> memref<128xi32, #tpu.memory_space<vmem>>
      %dma_wait3A_361 = arith.constant 0 : i32
      %dma_wait3A_362 = arith.constant 0 : i32
      %dma_wait3A_363 = tpu.memref_slice %arg2[%dma_wait3A_361, %dma_wait3A_362] : memref<51200x16xf32, #tpu.memory_space<hbm>> -> memref<51200x16xf32, #tpu.memory_space<hbm>>
      tpu.wait_indirect_dma semaphore(%arg15 : memref<!tpu.dma_semaphore, #tpu.memory_space<semaphore_mem>>) src(%dma_wait3A_363 : memref<51200x16xf32, #tpu.memory_space<hbm>>) dst(%dma_wait3A_357 : memref<128x16xf32, #tpu.memory_space<vmem>>)
      %dma_wait3A_364 = arith.constant 640 : i32
      %dma_wait3A_365 = arith.constant 0 : i32
      %dma_wait3A_366 = tpu.memref_slice %arg10[%dma_wait3A_364, %dma_wait3A_365] : memref<1024x16xf32, #tpu.memory_space<vmem>> -> memref<128x16xf32, #tpu.memory_space<vmem>>
      %dma_wait3A_367 = arith.constant 0 : i32
      %dma_wait3A_368 = tpu.memref_slice %arg8[%add3A_200, %dma_wait3A_367] : memref<104x128xi32, #tpu.memory_space<vmem>> -> memref<1x128xi32, #tpu.memory_space<vmem>>
      %dma_wait3A_369 = tpu.memref_squeeze %dma_wait3A_368 : memref<1x128xi32, #tpu.memory_space<vmem>> -> memref<128xi32, #tpu.memory_space<vmem>>
      %dma_wait3A_370 = arith.constant 0 : i32
      %dma_wait3A_371 = arith.constant 0 : i32
      %dma_wait3A_372 = tpu.memref_slice %arg2[%dma_wait3A_370, %dma_wait3A_371] : memref<51200x16xf32, #tpu.memory_space<hbm>> -> memref<51200x16xf32, #tpu.memory_space<hbm>>
      tpu.wait_indirect_dma semaphore(%arg15 : memref<!tpu.dma_semaphore, #tpu.memory_space<semaphore_mem>>) src(%dma_wait3A_372 : memref<51200x16xf32, #tpu.memory_space<hbm>>) dst(%dma_wait3A_366 : memref<128x16xf32, #tpu.memory_space<vmem>>)
      %dma_wait3A_373 = arith.constant 640 : i32
      %dma_wait3A_374 = arith.constant 0 : i32
      %dma_wait3A_375 = tpu.memref_slice %arg11[%dma_wait3A_373, %dma_wait3A_374] : memref<1024x16xf32, #tpu.memory_space<vmem>> -> memref<128x16xf32, #tpu.memory_space<vmem>>
      %dma_wait3A_376 = arith.constant 0 : i32
      %dma_wait3A_377 = tpu.memref_slice %arg9[%add3A_213, %dma_wait3A_376] : memref<104x128xi32, #tpu.memory_space<vmem>> -> memref<1x128xi32, #tpu.memory_space<vmem>>
      %dma_wait3A_378 = tpu.memref_squeeze %dma_wait3A_377 : memref<1x128xi32, #tpu.memory_space<vmem>> -> memref<128xi32, #tpu.memory_space<vmem>>
      %dma_wait3A_379 = arith.constant 0 : i32
      %dma_wait3A_380 = arith.constant 0 : i32
      %dma_wait3A_381 = tpu.memref_slice %arg2[%dma_wait3A_379, %dma_wait3A_380] : memref<51200x16xf32, #tpu.memory_space<hbm>> -> memref<51200x16xf32, #tpu.memory_space<hbm>>
      tpu.wait_indirect_dma semaphore(%arg15 : memref<!tpu.dma_semaphore, #tpu.memory_space<semaphore_mem>>) src(%dma_wait3A_381 : memref<51200x16xf32, #tpu.memory_space<hbm>>) dst(%dma_wait3A_375 : memref<128x16xf32, #tpu.memory_space<vmem>>)
      %dma_wait3A_382 = arith.constant 768 : i32
      %dma_wait3A_383 = arith.constant 0 : i32
      %dma_wait3A_384 = tpu.memref_slice %arg10[%dma_wait3A_382, %dma_wait3A_383] : memref<1024x16xf32, #tpu.memory_space<vmem>> -> memref<128x16xf32, #tpu.memory_space<vmem>>
      %dma_wait3A_385 = arith.constant 0 : i32
      %dma_wait3A_386 = tpu.memref_slice %arg8[%add3A_226, %dma_wait3A_385] : memref<104x128xi32, #tpu.memory_space<vmem>> -> memref<1x128xi32, #tpu.memory_space<vmem>>
      %dma_wait3A_387 = tpu.memref_squeeze %dma_wait3A_386 : memref<1x128xi32, #tpu.memory_space<vmem>> -> memref<128xi32, #tpu.memory_space<vmem>>
      %dma_wait3A_388 = arith.constant 0 : i32
      %dma_wait3A_389 = arith.constant 0 : i32
      %dma_wait3A_390 = tpu.memref_slice %arg2[%dma_wait3A_388, %dma_wait3A_389] : memref<51200x16xf32, #tpu.memory_space<hbm>> -> memref<51200x16xf32, #tpu.memory_space<hbm>>
      tpu.wait_indirect_dma semaphore(%arg15 : memref<!tpu.dma_semaphore, #tpu.memory_space<semaphore_mem>>) src(%dma_wait3A_390 : memref<51200x16xf32, #tpu.memory_space<hbm>>) dst(%dma_wait3A_384 : memref<128x16xf32, #tpu.memory_space<vmem>>)
      %dma_wait3A_391 = arith.constant 768 : i32
      %dma_wait3A_392 = arith.constant 0 : i32
      %dma_wait3A_393 = tpu.memref_slice %arg11[%dma_wait3A_391, %dma_wait3A_392] : memref<1024x16xf32, #tpu.memory_space<vmem>> -> memref<128x16xf32, #tpu.memory_space<vmem>>
      %dma_wait3A_394 = arith.constant 0 : i32
      %dma_wait3A_395 = tpu.memref_slice %arg9[%add3A_239, %dma_wait3A_394] : memref<104x128xi32, #tpu.memory_space<vmem>> -> memref<1x128xi32, #tpu.memory_space<vmem>>
      %dma_wait3A_396 = tpu.memref_squeeze %dma_wait3A_395 : memref<1x128xi32, #tpu.memory_space<vmem>> -> memref<128xi32, #tpu.memory_space<vmem>>
      %dma_wait3A_397 = arith.constant 0 : i32
      %dma_wait3A_398 = arith.constant 0 : i32
      %dma_wait3A_399 = tpu.memref_slice %arg2[%dma_wait3A_397, %dma_wait3A_398] : memref<51200x16xf32, #tpu.memory_space<hbm>> -> memref<51200x16xf32, #tpu.memory_space<hbm>>
      tpu.wait_indirect_dma semaphore(%arg15 : memref<!tpu.dma_semaphore, #tpu.memory_space<semaphore_mem>>) src(%dma_wait3A_399 : memref<51200x16xf32, #tpu.memory_space<hbm>>) dst(%dma_wait3A_393 : memref<128x16xf32, #tpu.memory_space<vmem>>)
      %dma_wait3A_400 = arith.constant 896 : i32
      %dma_wait3A_401 = arith.constant 0 : i32
      %dma_wait3A_402 = tpu.memref_slice %arg10[%dma_wait3A_400, %dma_wait3A_401] : memref<1024x16xf32, #tpu.memory_space<vmem>> -> memref<128x16xf32, #tpu.memory_space<vmem>>
      %dma_wait3A_403 = arith.constant 0 : i32
      %dma_wait3A_404 = tpu.memref_slice %arg8[%add3A_252, %dma_wait3A_403] : memref<104x128xi32, #tpu.memory_space<vmem>> -> memref<1x128xi32, #tpu.memory_space<vmem>>
      %dma_wait3A_405 = tpu.memref_squeeze %dma_wait3A_404 : memref<1x128xi32, #tpu.memory_space<vmem>> -> memref<128xi32, #tpu.memory_space<vmem>>
      %dma_wait3A_406 = arith.constant 0 : i32
      %dma_wait3A_407 = arith.constant 0 : i32
      %dma_wait3A_408 = tpu.memref_slice %arg2[%dma_wait3A_406, %dma_wait3A_407] : memref<51200x16xf32, #tpu.memory_space<hbm>> -> memref<51200x16xf32, #tpu.memory_space<hbm>>
      tpu.wait_indirect_dma semaphore(%arg15 : memref<!tpu.dma_semaphore, #tpu.memory_space<semaphore_mem>>) src(%dma_wait3A_408 : memref<51200x16xf32, #tpu.memory_space<hbm>>) dst(%dma_wait3A_402 : memref<128x16xf32, #tpu.memory_space<vmem>>)
      %dma_wait3A_409 = arith.constant 896 : i32
      %dma_wait3A_410 = arith.constant 0 : i32
      %dma_wait3A_411 = tpu.memref_slice %arg11[%dma_wait3A_409, %dma_wait3A_410] : memref<1024x16xf32, #tpu.memory_space<vmem>> -> memref<128x16xf32, #tpu.memory_space<vmem>>
      %dma_wait3A_412 = arith.constant 0 : i32
      %dma_wait3A_413 = tpu.memref_slice %arg9[%add3A_265, %dma_wait3A_412] : memref<104x128xi32, #tpu.memory_space<vmem>> -> memref<1x128xi32, #tpu.memory_space<vmem>>
      %dma_wait3A_414 = tpu.memref_squeeze %dma_wait3A_413 : memref<1x128xi32, #tpu.memory_space<vmem>> -> memref<128xi32, #tpu.memory_space<vmem>>
      %dma_wait3A_415 = arith.constant 0 : i32
      %dma_wait3A_416 = arith.constant 0 : i32
      %dma_wait3A_417 = tpu.memref_slice %arg2[%dma_wait3A_415, %dma_wait3A_416] : memref<51200x16xf32, #tpu.memory_space<hbm>> -> memref<51200x16xf32, #tpu.memory_space<hbm>>
      tpu.wait_indirect_dma semaphore(%arg15 : memref<!tpu.dma_semaphore, #tpu.memory_space<semaphore_mem>>) src(%dma_wait3A_417 : memref<51200x16xf32, #tpu.memory_space<hbm>>) dst(%dma_wait3A_411 : memref<128x16xf32, #tpu.memory_space<vmem>>)
      %mul3A_418 = arith.constant 8 : i32
      %mul3A_419 = arith.muli %add3A_67, %mul3A_418 : i32
      %add3A_420 = arith.addi %add3A_49, %mul3A_419 : i32
      %mul3A_421 = arith.constant 128 : i32
      %mul3A_422 = arith.muli %add3A_420, %mul3A_421 : i32
      "tpu.region"() ({
        %run_scoped3A = tpu.sem_alloc : memref<!tpu.dma_semaphore, #tpu.memory_space<semaphore_mem>>
        %dma_start3A_455 = arith.constant 0 : i32
        %dma_start3A_456 = tpu.memref_slice %arg5[%mul3A_422, %dma_start3A_455] : memref<819200x16xf32, #tpu.memory_space<hbm>> -> memref<1024x16xf32, #tpu.memory_space<hbm>>
        %dma_start3A_457 = arith.constant 0 : i32
        %dma_start3A_458 = tpu.memref_slice %arg5[%mul3A_422, %dma_start3A_457] : memref<819200x16xf32, #tpu.memory_space<hbm>> -> memref<1024x16xf32, #tpu.memory_space<hbm>>
        tpu.enqueue_dma source(%arg10 : memref<1024x16xf32, #tpu.memory_space<vmem>>) target(%dma_start3A_458 : memref<1024x16xf32, #tpu.memory_space<hbm>>) target_semaphore(%run_scoped3A : memref<!tpu.dma_semaphore, #tpu.memory_space<semaphore_mem>>)
        %dma_wait3A_459 = arith.constant 0 : i32
        %dma_wait3A_460 = tpu.memref_slice %arg5[%mul3A_422, %dma_wait3A_459] : memref<819200x16xf32, #tpu.memory_space<hbm>> -> memref<1024x16xf32, #tpu.memory_space<hbm>>
        %dma_wait3A_461 = arith.constant 0 : i32
        %dma_wait3A_462 = tpu.memref_slice %arg5[%mul3A_422, %dma_wait3A_461] : memref<819200x16xf32, #tpu.memory_space<hbm>> -> memref<1024x16xf32, #tpu.memory_space<hbm>>
        tpu.wait_dma2 semaphore(%run_scoped3A : memref<!tpu.dma_semaphore, #tpu.memory_space<semaphore_mem>>) src(%arg10 : memref<1024x16xf32, #tpu.memory_space<vmem>>) dst(%dma_wait3A_462 : memref<1024x16xf32, #tpu.memory_space<hbm>>)
        tpu.yield
      }) : () -> ()
      "tpu.region"() ({
        %run_scoped3A = tpu.sem_alloc : memref<!tpu.dma_semaphore, #tpu.memory_space<semaphore_mem>>
        %dma_start3A_455 = arith.constant 0 : i32
        %dma_start3A_456 = tpu.memref_slice %arg6[%mul3A_422, %dma_start3A_455] : memref<819200x16xf32, #tpu.memory_space<hbm>> -> memref<1024x16xf32, #tpu.memory_space<hbm>>
        %dma_start3A_457 = arith.constant 0 : i32
        %dma_start3A_458 = tpu.memref_slice %arg6[%mul3A_422, %dma_start3A_457] : memref<819200x16xf32, #tpu.memory_space<hbm>> -> memref<1024x16xf32, #tpu.memory_space<hbm>>
        tpu.enqueue_dma source(%arg11 : memref<1024x16xf32, #tpu.memory_space<vmem>>) target(%dma_start3A_458 : memref<1024x16xf32, #tpu.memory_space<hbm>>) target_semaphore(%run_scoped3A : memref<!tpu.dma_semaphore, #tpu.memory_space<semaphore_mem>>)
        %dma_wait3A_459 = arith.constant 0 : i32
        %dma_wait3A_460 = tpu.memref_slice %arg6[%mul3A_422, %dma_wait3A_459] : memref<819200x16xf32, #tpu.memory_space<hbm>> -> memref<1024x16xf32, #tpu.memory_space<hbm>>
        %dma_wait3A_461 = arith.constant 0 : i32
        %dma_wait3A_462 = tpu.memref_slice %arg6[%mul3A_422, %dma_wait3A_461] : memref<819200x16xf32, #tpu.memory_space<hbm>> -> memref<1024x16xf32, #tpu.memory_space<hbm>>
        tpu.wait_dma2 semaphore(%run_scoped3A : memref<!tpu.dma_semaphore, #tpu.memory_space<semaphore_mem>>) src(%arg11 : memref<1024x16xf32, #tpu.memory_space<vmem>>) dst(%dma_wait3A_462 : memref<1024x16xf32, #tpu.memory_space<hbm>>)
        tpu.yield
      }) : () -> ()
      %mul3A_423 = arith.constant 8 : i32
      %mul3A_424 = arith.muli %add3A_67, %mul3A_423 : i32
      %add3A_425 = arith.constant 0 : i32
      %add3A_426 = arith.addi %mul3A_424, %add3A_425 : i32
      "tpu.region"() ({
        %run_scoped3A = tpu.sem_alloc : memref<!tpu.dma_semaphore, #tpu.memory_space<semaphore_mem>>
        %dma_start3A_455 = arith.constant 0 : i32
        %dma_start3A_456 = tpu.memref_slice %arg8[%add3A_426, %dma_start3A_455] : memref<104x128xi32, #tpu.memory_space<vmem>> -> memref<1x128xi32, #tpu.memory_space<vmem>>
        %dma_start3A_457 = tpu.memref_squeeze %dma_start3A_456 : memref<1x128xi32, #tpu.memory_space<vmem>> -> memref<128xi32, #tpu.memory_space<vmem>>
        %dma_start3A_458 = arith.constant 0 : i32
        %dma_start3A_459 = tpu.memref_slice %arg14[%dma_start3A_458] : memref<51200xf32, #tpu.memory_space<vmem_shared>> -> memref<51200xf32, #tpu.memory_space<vmem_shared>>
        tpu.enqueue_indirect_dma source(%arg12 : memref<128xf32, #tpu.memory_space<vmem>>) target(%dma_start3A_459 : memref<51200xf32, #tpu.memory_space<vmem_shared>>) offsets(%dma_start3A_457 : memref<128xi32, #tpu.memory_space<vmem>>) semaphore(%run_scoped3A : memref<!tpu.dma_semaphore, #tpu.memory_space<semaphore_mem>>) {add = true}
        %dma_wait3A_460 = arith.constant 0 : i32
        %dma_wait3A_461 = tpu.memref_slice %arg8[%add3A_426, %dma_wait3A_460] : memref<104x128xi32, #tpu.memory_space<vmem>> -> memref<1x128xi32, #tpu.memory_space<vmem>>
        %dma_wait3A_462 = tpu.memref_squeeze %dma_wait3A_461 : memref<1x128xi32, #tpu.memory_space<vmem>> -> memref<128xi32, #tpu.memory_space<vmem>>
        %dma_wait3A_463 = arith.constant 0 : i32
        %dma_wait3A_464 = tpu.memref_slice %arg14[%dma_wait3A_463] : memref<51200xf32, #tpu.memory_space<vmem_shared>> -> memref<51200xf32, #tpu.memory_space<vmem_shared>>
        tpu.wait_indirect_dma semaphore(%run_scoped3A : memref<!tpu.dma_semaphore, #tpu.memory_space<semaphore_mem>>) src(%arg12 : memref<128xf32, #tpu.memory_space<vmem>>) dst(%dma_wait3A_464 : memref<51200xf32, #tpu.memory_space<vmem_shared>>)
        tpu.yield
      }) : () -> ()
      %mul3A_427 = arith.constant 8 : i32
      %mul3A_428 = arith.muli %add3A_67, %mul3A_427 : i32
      %add3A_429 = arith.constant 1 : i32
      %add3A_430 = arith.addi %mul3A_428, %add3A_429 : i32
      "tpu.region"() ({
        %run_scoped3A = tpu.sem_alloc : memref<!tpu.dma_semaphore, #tpu.memory_space<semaphore_mem>>
        %dma_start3A_455 = arith.constant 0 : i32
        %dma_start3A_456 = tpu.memref_slice %arg8[%add3A_430, %dma_start3A_455] : memref<104x128xi32, #tpu.memory_space<vmem>> -> memref<1x128xi32, #tpu.memory_space<vmem>>
        %dma_start3A_457 = tpu.memref_squeeze %dma_start3A_456 : memref<1x128xi32, #tpu.memory_space<vmem>> -> memref<128xi32, #tpu.memory_space<vmem>>
        %dma_start3A_458 = arith.constant 0 : i32
        %dma_start3A_459 = tpu.memref_slice %arg14[%dma_start3A_458] : memref<51200xf32, #tpu.memory_space<vmem_shared>> -> memref<51200xf32, #tpu.memory_space<vmem_shared>>
        tpu.enqueue_indirect_dma source(%arg12 : memref<128xf32, #tpu.memory_space<vmem>>) target(%dma_start3A_459 : memref<51200xf32, #tpu.memory_space<vmem_shared>>) offsets(%dma_start3A_457 : memref<128xi32, #tpu.memory_space<vmem>>) semaphore(%run_scoped3A : memref<!tpu.dma_semaphore, #tpu.memory_space<semaphore_mem>>) {add = true}
        %dma_wait3A_460 = arith.constant 0 : i32
        %dma_wait3A_461 = tpu.memref_slice %arg8[%add3A_430, %dma_wait3A_460] : memref<104x128xi32, #tpu.memory_space<vmem>> -> memref<1x128xi32, #tpu.memory_space<vmem>>
        %dma_wait3A_462 = tpu.memref_squeeze %dma_wait3A_461 : memref<1x128xi32, #tpu.memory_space<vmem>> -> memref<128xi32, #tpu.memory_space<vmem>>
        %dma_wait3A_463 = arith.constant 0 : i32
        %dma_wait3A_464 = tpu.memref_slice %arg14[%dma_wait3A_463] : memref<51200xf32, #tpu.memory_space<vmem_shared>> -> memref<51200xf32, #tpu.memory_space<vmem_shared>>
        tpu.wait_indirect_dma semaphore(%run_scoped3A : memref<!tpu.dma_semaphore, #tpu.memory_space<semaphore_mem>>) src(%arg12 : memref<128xf32, #tpu.memory_space<vmem>>) dst(%dma_wait3A_464 : memref<51200xf32, #tpu.memory_space<vmem_shared>>)
        tpu.yield
      }) : () -> ()
      %mul3A_431 = arith.constant 8 : i32
      %mul3A_432 = arith.muli %add3A_67, %mul3A_431 : i32
      %add3A_433 = arith.constant 2 : i32
      %add3A_434 = arith.addi %mul3A_432, %add3A_433 : i32
      "tpu.region"() ({
        %run_scoped3A = tpu.sem_alloc : memref<!tpu.dma_semaphore, #tpu.memory_space<semaphore_mem>>
        %dma_start3A_455 = arith.constant 0 : i32
        %dma_start3A_456 = tpu.memref_slice %arg8[%add3A_434, %dma_start3A_455] : memref<104x128xi32, #tpu.memory_space<vmem>> -> memref<1x128xi32, #tpu.memory_space<vmem>>
        %dma_start3A_457 = tpu.memref_squeeze %dma_start3A_456 : memref<1x128xi32, #tpu.memory_space<vmem>> -> memref<128xi32, #tpu.memory_space<vmem>>
        %dma_start3A_458 = arith.constant 0 : i32
        %dma_start3A_459 = tpu.memref_slice %arg14[%dma_start3A_458] : memref<51200xf32, #tpu.memory_space<vmem_shared>> -> memref<51200xf32, #tpu.memory_space<vmem_shared>>
        tpu.enqueue_indirect_dma source(%arg12 : memref<128xf32, #tpu.memory_space<vmem>>) target(%dma_start3A_459 : memref<51200xf32, #tpu.memory_space<vmem_shared>>) offsets(%dma_start3A_457 : memref<128xi32, #tpu.memory_space<vmem>>) semaphore(%run_scoped3A : memref<!tpu.dma_semaphore, #tpu.memory_space<semaphore_mem>>) {add = true}
        %dma_wait3A_460 = arith.constant 0 : i32
        %dma_wait3A_461 = tpu.memref_slice %arg8[%add3A_434, %dma_wait3A_460] : memref<104x128xi32, #tpu.memory_space<vmem>> -> memref<1x128xi32, #tpu.memory_space<vmem>>
        %dma_wait3A_462 = tpu.memref_squeeze %dma_wait3A_461 : memref<1x128xi32, #tpu.memory_space<vmem>> -> memref<128xi32, #tpu.memory_space<vmem>>
        %dma_wait3A_463 = arith.constant 0 : i32
        %dma_wait3A_464 = tpu.memref_slice %arg14[%dma_wait3A_463] : memref<51200xf32, #tpu.memory_space<vmem_shared>> -> memref<51200xf32, #tpu.memory_space<vmem_shared>>
        tpu.wait_indirect_dma semaphore(%run_scoped3A : memref<!tpu.dma_semaphore, #tpu.memory_space<semaphore_mem>>) src(%arg12 : memref<128xf32, #tpu.memory_space<vmem>>) dst(%dma_wait3A_464 : memref<51200xf32, #tpu.memory_space<vmem_shared>>)
        tpu.yield
      }) : () -> ()
      %mul3A_435 = arith.constant 8 : i32
      %mul3A_436 = arith.muli %add3A_67, %mul3A_435 : i32
      %add3A_437 = arith.constant 3 : i32
      %add3A_438 = arith.addi %mul3A_436, %add3A_437 : i32
      "tpu.region"() ({
        %run_scoped3A = tpu.sem_alloc : memref<!tpu.dma_semaphore, #tpu.memory_space<semaphore_mem>>
        %dma_start3A_455 = arith.constant 0 : i32
        %dma_start3A_456 = tpu.memref_slice %arg8[%add3A_438, %dma_start3A_455] : memref<104x128xi32, #tpu.memory_space<vmem>> -> memref<1x128xi32, #tpu.memory_space<vmem>>
        %dma_start3A_457 = tpu.memref_squeeze %dma_start3A_456 : memref<1x128xi32, #tpu.memory_space<vmem>> -> memref<128xi32, #tpu.memory_space<vmem>>
        %dma_start3A_458 = arith.constant 0 : i32
        %dma_start3A_459 = tpu.memref_slice %arg14[%dma_start3A_458] : memref<51200xf32, #tpu.memory_space<vmem_shared>> -> memref<51200xf32, #tpu.memory_space<vmem_shared>>
        tpu.enqueue_indirect_dma source(%arg12 : memref<128xf32, #tpu.memory_space<vmem>>) target(%dma_start3A_459 : memref<51200xf32, #tpu.memory_space<vmem_shared>>) offsets(%dma_start3A_457 : memref<128xi32, #tpu.memory_space<vmem>>) semaphore(%run_scoped3A : memref<!tpu.dma_semaphore, #tpu.memory_space<semaphore_mem>>) {add = true}
        %dma_wait3A_460 = arith.constant 0 : i32
        %dma_wait3A_461 = tpu.memref_slice %arg8[%add3A_438, %dma_wait3A_460] : memref<104x128xi32, #tpu.memory_space<vmem>> -> memref<1x128xi32, #tpu.memory_space<vmem>>
        %dma_wait3A_462 = tpu.memref_squeeze %dma_wait3A_461 : memref<1x128xi32, #tpu.memory_space<vmem>> -> memref<128xi32, #tpu.memory_space<vmem>>
        %dma_wait3A_463 = arith.constant 0 : i32
        %dma_wait3A_464 = tpu.memref_slice %arg14[%dma_wait3A_463] : memref<51200xf32, #tpu.memory_space<vmem_shared>> -> memref<51200xf32, #tpu.memory_space<vmem_shared>>
        tpu.wait_indirect_dma semaphore(%run_scoped3A : memref<!tpu.dma_semaphore, #tpu.memory_space<semaphore_mem>>) src(%arg12 : memref<128xf32, #tpu.memory_space<vmem>>) dst(%dma_wait3A_464 : memref<51200xf32, #tpu.memory_space<vmem_shared>>)
        tpu.yield
      }) : () -> ()
      %mul3A_439 = arith.constant 8 : i32
      %mul3A_440 = arith.muli %add3A_67, %mul3A_439 : i32
      %add3A_441 = arith.constant 4 : i32
      %add3A_442 = arith.addi %mul3A_440, %add3A_441 : i32
      "tpu.region"() ({
        %run_scoped3A = tpu.sem_alloc : memref<!tpu.dma_semaphore, #tpu.memory_space<semaphore_mem>>
        %dma_start3A_455 = arith.constant 0 : i32
        %dma_start3A_456 = tpu.memref_slice %arg8[%add3A_442, %dma_start3A_455] : memref<104x128xi32, #tpu.memory_space<vmem>> -> memref<1x128xi32, #tpu.memory_space<vmem>>
        %dma_start3A_457 = tpu.memref_squeeze %dma_start3A_456 : memref<1x128xi32, #tpu.memory_space<vmem>> -> memref<128xi32, #tpu.memory_space<vmem>>
        %dma_start3A_458 = arith.constant 0 : i32
        %dma_start3A_459 = tpu.memref_slice %arg14[%dma_start3A_458] : memref<51200xf32, #tpu.memory_space<vmem_shared>> -> memref<51200xf32, #tpu.memory_space<vmem_shared>>
        tpu.enqueue_indirect_dma source(%arg12 : memref<128xf32, #tpu.memory_space<vmem>>) target(%dma_start3A_459 : memref<51200xf32, #tpu.memory_space<vmem_shared>>) offsets(%dma_start3A_457 : memref<128xi32, #tpu.memory_space<vmem>>) semaphore(%run_scoped3A : memref<!tpu.dma_semaphore, #tpu.memory_space<semaphore_mem>>) {add = true}
        %dma_wait3A_460 = arith.constant 0 : i32
        %dma_wait3A_461 = tpu.memref_slice %arg8[%add3A_442, %dma_wait3A_460] : memref<104x128xi32, #tpu.memory_space<vmem>> -> memref<1x128xi32, #tpu.memory_space<vmem>>
        %dma_wait3A_462 = tpu.memref_squeeze %dma_wait3A_461 : memref<1x128xi32, #tpu.memory_space<vmem>> -> memref<128xi32, #tpu.memory_space<vmem>>
        %dma_wait3A_463 = arith.constant 0 : i32
        %dma_wait3A_464 = tpu.memref_slice %arg14[%dma_wait3A_463] : memref<51200xf32, #tpu.memory_space<vmem_shared>> -> memref<51200xf32, #tpu.memory_space<vmem_shared>>
        tpu.wait_indirect_dma semaphore(%run_scoped3A : memref<!tpu.dma_semaphore, #tpu.memory_space<semaphore_mem>>) src(%arg12 : memref<128xf32, #tpu.memory_space<vmem>>) dst(%dma_wait3A_464 : memref<51200xf32, #tpu.memory_space<vmem_shared>>)
        tpu.yield
      }) : () -> ()
      %mul3A_443 = arith.constant 8 : i32
      %mul3A_444 = arith.muli %add3A_67, %mul3A_443 : i32
      %add3A_445 = arith.constant 5 : i32
      %add3A_446 = arith.addi %mul3A_444, %add3A_445 : i32
      "tpu.region"() ({
        %run_scoped3A = tpu.sem_alloc : memref<!tpu.dma_semaphore, #tpu.memory_space<semaphore_mem>>
        %dma_start3A_455 = arith.constant 0 : i32
        %dma_start3A_456 = tpu.memref_slice %arg8[%add3A_446, %dma_start3A_455] : memref<104x128xi32, #tpu.memory_space<vmem>> -> memref<1x128xi32, #tpu.memory_space<vmem>>
        %dma_start3A_457 = tpu.memref_squeeze %dma_start3A_456 : memref<1x128xi32, #tpu.memory_space<vmem>> -> memref<128xi32, #tpu.memory_space<vmem>>
        %dma_start3A_458 = arith.constant 0 : i32
        %dma_start3A_459 = tpu.memref_slice %arg14[%dma_start3A_458] : memref<51200xf32, #tpu.memory_space<vmem_shared>> -> memref<51200xf32, #tpu.memory_space<vmem_shared>>
        tpu.enqueue_indirect_dma source(%arg12 : memref<128xf32, #tpu.memory_space<vmem>>) target(%dma_start3A_459 : memref<51200xf32, #tpu.memory_space<vmem_shared>>) offsets(%dma_start3A_457 : memref<128xi32, #tpu.memory_space<vmem>>) semaphore(%run_scoped3A : memref<!tpu.dma_semaphore, #tpu.memory_space<semaphore_mem>>) {add = true}
        %dma_wait3A_460 = arith.constant 0 : i32
        %dma_wait3A_461 = tpu.memref_slice %arg8[%add3A_446, %dma_wait3A_460] : memref<104x128xi32, #tpu.memory_space<vmem>> -> memref<1x128xi32, #tpu.memory_space<vmem>>
        %dma_wait3A_462 = tpu.memref_squeeze %dma_wait3A_461 : memref<1x128xi32, #tpu.memory_space<vmem>> -> memref<128xi32, #tpu.memory_space<vmem>>
        %dma_wait3A_463 = arith.constant 0 : i32
        %dma_wait3A_464 = tpu.memref_slice %arg14[%dma_wait3A_463] : memref<51200xf32, #tpu.memory_space<vmem_shared>> -> memref<51200xf32, #tpu.memory_space<vmem_shared>>
        tpu.wait_indirect_dma semaphore(%run_scoped3A : memref<!tpu.dma_semaphore, #tpu.memory_space<semaphore_mem>>) src(%arg12 : memref<128xf32, #tpu.memory_space<vmem>>) dst(%dma_wait3A_464 : memref<51200xf32, #tpu.memory_space<vmem_shared>>)
        tpu.yield
      }) : () -> ()
      %mul3A_447 = arith.constant 8 : i32
      %mul3A_448 = arith.muli %add3A_67, %mul3A_447 : i32
      %add3A_449 = arith.constant 6 : i32
      %add3A_450 = arith.addi %mul3A_448, %add3A_449 : i32
      "tpu.region"() ({
        %run_scoped3A = tpu.sem_alloc : memref<!tpu.dma_semaphore, #tpu.memory_space<semaphore_mem>>
        %dma_start3A_455 = arith.constant 0 : i32
        %dma_start3A_456 = tpu.memref_slice %arg8[%add3A_450, %dma_start3A_455] : memref<104x128xi32, #tpu.memory_space<vmem>> -> memref<1x128xi32, #tpu.memory_space<vmem>>
        %dma_start3A_457 = tpu.memref_squeeze %dma_start3A_456 : memref<1x128xi32, #tpu.memory_space<vmem>> -> memref<128xi32, #tpu.memory_space<vmem>>
        %dma_start3A_458 = arith.constant 0 : i32
        %dma_start3A_459 = tpu.memref_slice %arg14[%dma_start3A_458] : memref<51200xf32, #tpu.memory_space<vmem_shared>> -> memref<51200xf32, #tpu.memory_space<vmem_shared>>
        tpu.enqueue_indirect_dma source(%arg12 : memref<128xf32, #tpu.memory_space<vmem>>) target(%dma_start3A_459 : memref<51200xf32, #tpu.memory_space<vmem_shared>>) offsets(%dma_start3A_457 : memref<128xi32, #tpu.memory_space<vmem>>) semaphore(%run_scoped3A : memref<!tpu.dma_semaphore, #tpu.memory_space<semaphore_mem>>) {add = true}
        %dma_wait3A_460 = arith.constant 0 : i32
        %dma_wait3A_461 = tpu.memref_slice %arg8[%add3A_450, %dma_wait3A_460] : memref<104x128xi32, #tpu.memory_space<vmem>> -> memref<1x128xi32, #tpu.memory_space<vmem>>
        %dma_wait3A_462 = tpu.memref_squeeze %dma_wait3A_461 : memref<1x128xi32, #tpu.memory_space<vmem>> -> memref<128xi32, #tpu.memory_space<vmem>>
        %dma_wait3A_463 = arith.constant 0 : i32
        %dma_wait3A_464 = tpu.memref_slice %arg14[%dma_wait3A_463] : memref<51200xf32, #tpu.memory_space<vmem_shared>> -> memref<51200xf32, #tpu.memory_space<vmem_shared>>
        tpu.wait_indirect_dma semaphore(%run_scoped3A : memref<!tpu.dma_semaphore, #tpu.memory_space<semaphore_mem>>) src(%arg12 : memref<128xf32, #tpu.memory_space<vmem>>) dst(%dma_wait3A_464 : memref<51200xf32, #tpu.memory_space<vmem_shared>>)
        tpu.yield
      }) : () -> ()
      %mul3A_451 = arith.constant 8 : i32
      %mul3A_452 = arith.muli %add3A_67, %mul3A_451 : i32
      %add3A_453 = arith.constant 7 : i32
      %add3A_454 = arith.addi %mul3A_452, %add3A_453 : i32
      "tpu.region"() ({
        %run_scoped3A = tpu.sem_alloc : memref<!tpu.dma_semaphore, #tpu.memory_space<semaphore_mem>>
        %dma_start3A_455 = arith.constant 0 : i32
        %dma_start3A_456 = tpu.memref_slice %arg8[%add3A_454, %dma_start3A_455] : memref<104x128xi32, #tpu.memory_space<vmem>> -> memref<1x128xi32, #tpu.memory_space<vmem>>
        %dma_start3A_457 = tpu.memref_squeeze %dma_start3A_456 : memref<1x128xi32, #tpu.memory_space<vmem>> -> memref<128xi32, #tpu.memory_space<vmem>>
        %dma_start3A_458 = arith.constant 0 : i32
        %dma_start3A_459 = tpu.memref_slice %arg14[%dma_start3A_458] : memref<51200xf32, #tpu.memory_space<vmem_shared>> -> memref<51200xf32, #tpu.memory_space<vmem_shared>>
        tpu.enqueue_indirect_dma source(%arg12 : memref<128xf32, #tpu.memory_space<vmem>>) target(%dma_start3A_459 : memref<51200xf32, #tpu.memory_space<vmem_shared>>) offsets(%dma_start3A_457 : memref<128xi32, #tpu.memory_space<vmem>>) semaphore(%run_scoped3A : memref<!tpu.dma_semaphore, #tpu.memory_space<semaphore_mem>>) {add = true}
        %dma_wait3A_460 = arith.constant 0 : i32
        %dma_wait3A_461 = tpu.memref_slice %arg8[%add3A_454, %dma_wait3A_460] : memref<104x128xi32, #tpu.memory_space<vmem>> -> memref<1x128xi32, #tpu.memory_space<vmem>>
        %dma_wait3A_462 = tpu.memref_squeeze %dma_wait3A_461 : memref<1x128xi32, #tpu.memory_space<vmem>> -> memref<128xi32, #tpu.memory_space<vmem>>
        %dma_wait3A_463 = arith.constant 0 : i32
        %dma_wait3A_464 = tpu.memref_slice %arg14[%dma_wait3A_463] : memref<51200xf32, #tpu.memory_space<vmem_shared>> -> memref<51200xf32, #tpu.memory_space<vmem_shared>>
        tpu.wait_indirect_dma semaphore(%run_scoped3A : memref<!tpu.dma_semaphore, #tpu.memory_space<semaphore_mem>>) src(%arg12 : memref<128xf32, #tpu.memory_space<vmem>>) dst(%dma_wait3A_464 : memref<51200xf32, #tpu.memory_space<vmem_shared>>)
        tpu.yield
      }) : () -> ()
    }
    %scan3A_54 = arith.constant 12 : i32
    %barrier3A_55 = arith.constant 0 : index
    tpu.barrier barrier_id(%barrier3A_55)
    %mul3A_56 = arith.constant 3200 : i32
    %mul3A_57 = arith.muli %arg1, %mul3A_56 : i32
    %mul3A_58 = arith.constant 51200 : i32
    %mul3A_59 = arith.muli %arg0, %mul3A_58 : i32
    %mul3A_60 = arith.constant 3200 : i32
    %mul3A_61 = arith.muli %arg1, %mul3A_60 : i32
    %add3A_62 = arith.addi %mul3A_59, %mul3A_61 : i32
    "tpu.region"() ({
      %run_scoped3A = tpu.sem_alloc : memref<!tpu.dma_semaphore, #tpu.memory_space<semaphore_mem>>
      %dma_start3A = tpu.memref_slice %arg7[%add3A_62] : memref<102400xf32, #tpu.memory_space<hbm>> -> memref<3200xf32, #tpu.memory_space<hbm>>
      %dma_start3A_63 = tpu.memref_slice %arg14[%mul3A_57] : memref<51200xf32, #tpu.memory_space<vmem_shared>> -> memref<3200xf32, #tpu.memory_space<vmem_shared>>
      tpu.enqueue_dma source(%dma_start3A_63 : memref<3200xf32, #tpu.memory_space<vmem_shared>>) target(%dma_start3A : memref<3200xf32, #tpu.memory_space<hbm>>) target_semaphore(%run_scoped3A : memref<!tpu.dma_semaphore, #tpu.memory_space<semaphore_mem>>)
      %dma_wait3A = tpu.memref_slice %arg7[%add3A_62] : memref<102400xf32, #tpu.memory_space<hbm>> -> memref<3200xf32, #tpu.memory_space<hbm>>
      %dma_wait3A_64 = tpu.memref_slice %arg14[%mul3A_57] : memref<51200xf32, #tpu.memory_space<vmem_shared>> -> memref<3200xf32, #tpu.memory_space<vmem_shared>>
      tpu.wait_dma2 semaphore(%run_scoped3A : memref<!tpu.dma_semaphore, #tpu.memory_space<semaphore_mem>>) src(%dma_wait3A_64 : memref<3200xf32, #tpu.memory_space<vmem_shared>>) dst(%dma_wait3A : memref<3200xf32, #tpu.memory_space<hbm>>)
      tpu.yield
    }) : () -> ()
    return
  }
}

module attributes {stable_mosaic.version = 14 : i64} {
  func.func @_lin_in_body(%arg0: i32, %arg1: memref<512x16xf32, #tpu.memory_space<vmem>>, %arg2: memref<16x64xf32, #tpu.memory_space<vmem>>, %arg3: memref<1x64xf32, #tpu.memory_space<vmem>>, %arg4: memref<512x64xf32, #tpu.memory_space<vmem>>) attributes {dimension_semantics = [#tpu.dimension_semantics<arbitrary>], iteration_bounds = array<i64: 100>, scalar_prefetch = 0 : i64, scratch_operands = 0 : i64, tpu.core_type = #tpu.core_type<tc>, window_params = [{transform_indices = @transform_0, window_bounds = array<i64: 512, 16>}, {pipeline_mode = #tpu.pipeline_mode<synchronous>, transform_indices = @transform_1, window_bounds = array<i64: 16, 64>}, {pipeline_mode = #tpu.pipeline_mode<synchronous>, transform_indices = @transform_2, window_bounds = array<i64: 1, 64>}, {transform_indices = @transform_3, window_bounds = array<i64: 512, 64>}]} {
    %get3A = arith.constant 0 : index
    %get3A_0 = arith.constant 0 : index
    %get3A_1 = vector.load %arg1[%get3A, %get3A_0] : memref<512x16xf32, #tpu.memory_space<vmem>>, vector<512x16xf32>
    %get3A_2 = arith.constant 0 : index
    %get3A_3 = arith.constant 0 : index
    %get3A_4 = vector.load %arg2[%get3A_2, %get3A_3] : memref<16x64xf32, #tpu.memory_space<vmem>>, vector<16x64xf32>
    %dot_general3A = arith.constant dense<0.000000e+00> : vector<512x64xf32>
    %dot_general3A_5 = tpu.matmul %get3A_1, %get3A_4, %dot_general3A {dimension_numbers = #tpu.dot_dimension_numbers<[1], [0], [0], [1], [0, 0, 1, 1], [], []>, transpose_lhs_hint = false} : vector<512x16xf32>, vector<16x64xf32>, vector<512x64xf32> -> vector<512x64xf32>
    %get3A_6 = arith.constant 0 : index
    %get3A_7 = arith.constant 0 : index
    %get3A_8 = vector.load %arg3[%get3A_6, %get3A_7] : memref<1x64xf32, #tpu.memory_space<vmem>>, vector<1x64xf32>
    %add3A = vector.broadcast %get3A_8 : vector<1x64xf32> to vector<512x64xf32>
    %add3A_9 = arith.addf %dot_general3A_5, %add3A : vector<512x64xf32>
    %swap3A = arith.constant 0 : index
    %swap3A_10 = arith.constant 0 : index
    %swap3A_11 = vector.load %arg4[%swap3A, %swap3A_10] : memref<512x64xf32, #tpu.memory_space<vmem>>, vector<512x64xf32>
    tpu.vector_store %arg4[%swap3A, %swap3A_10], %add3A_9 {strides = array<i32>} : memref<512x64xf32, #tpu.memory_space<vmem>>, vector<512x64xf32>,
    return
  }
  func.func @transform_0(%arg0: i32) -> (i32, i32) {
    %c0_i32 = arith.constant 0 : i32
    %c0_i32_0 = arith.constant 0 : i32
    return %arg0, %c0_i32 : i32, i32
  }
  func.func @transform_1(%arg0: i32) -> (i32, i32) {
    %c0_i32 = arith.constant 0 : i32
    %c0_i32_0 = arith.constant 0 : i32
    %c0_i32_1 = arith.constant 0 : i32
    return %c0_i32, %c0_i32_0 : i32, i32
  }
  func.func @transform_2(%arg0: i32) -> (i32, i32) {
    %c0_i32 = arith.constant 0 : i32
    %c0_i32_0 = arith.constant 0 : i32
    %c0_i32_1 = arith.constant 0 : i32
    return %c0_i32, %c0_i32_0 : i32, i32
  }
  func.func @transform_3(%arg0: i32) -> (i32, i32) {
    %c0_i32 = arith.constant 0 : i32
    %c0_i32_0 = arith.constant 0 : i32
    return %arg0, %c0_i32 : i32, i32
  }
}

module attributes {stable_mosaic.version = 14 : i64} {
  func.func @_c_body(%arg0: i32, %arg1: memref<1024x16xf32, #tpu.memory_space<vmem>>, %arg2: memref<1024x16xf32, #tpu.memory_space<vmem>>, %arg3: memref<1024x16xf32, #tpu.memory_space<vmem>>, %arg4: memref<16x256xf32, #tpu.memory_space<vmem>>, %arg5: memref<1x256xf32, #tpu.memory_space<vmem>>, %arg6: memref<1x256xf32, #tpu.memory_space<vmem>>, %arg7: memref<2x4x1024x32xbf16, #tpu.memory_space<vmem>>) attributes {dimension_semantics = [#tpu.dimension_semantics<arbitrary>], iteration_bounds = array<i64: 800>, scalar_prefetch = 0 : i64, scratch_operands = 0 : i64, tpu.core_type = #tpu.core_type<tc>, window_params = [{transform_indices = @transform_0, window_bounds = array<i64: 1024, 16>}, {transform_indices = @transform_1, window_bounds = array<i64: 1024, 16>}, {transform_indices = @transform_2, window_bounds = array<i64: 1024, 16>}, {pipeline_mode = #tpu.pipeline_mode<synchronous>, transform_indices = @transform_3, window_bounds = array<i64: 16, 256>}, {pipeline_mode = #tpu.pipeline_mode<synchronous>, transform_indices = @transform_4, window_bounds = array<i64: 1, 256>}, {pipeline_mode = #tpu.pipeline_mode<synchronous>, transform_indices = @transform_5, window_bounds = array<i64: 1, 256>}, {transform_indices = @transform_6, window_bounds = array<i64: 2, 4, 1024, 32>}]} {
    %get3A = arith.constant 0 : index
    %get3A_0 = arith.constant 0 : index
    %get3A_1 = vector.load %arg2[%get3A, %get3A_0] : memref<1024x16xf32, #tpu.memory_space<vmem>>, vector<1024x16xf32>
    %get3A_2 = arith.constant 0 : index
    %get3A_3 = arith.constant 0 : index
    %get3A_4 = vector.load %arg3[%get3A_2, %get3A_3] : memref<1024x16xf32, #tpu.memory_space<vmem>>, vector<1024x16xf32>
    %sub3A = arith.subf %get3A_1, %get3A_4 : vector<1024x16xf32>
    %mul3A = arith.mulf %sub3A, %sub3A : vector<1024x16xf32>
    %reduce_sum3A = arith.constant dense<0.000000e+00> : vector<1024xf32>
    %reduce_sum3A_5 = vector.multi_reduction <add>, %mul3A, %reduce_sum3A [1] : vector<1024x16xf32> to vector<1024xf32>
    %broadcast_in_dim3A = vector.shape_cast %reduce_sum3A_5 : vector<1024xf32> to vector<1024x1xf32>
    %get3A_6 = arith.constant 0 : index
    %get3A_7 = arith.constant 0 : index
    %get3A_8 = vector.load %arg1[%get3A_6, %get3A_7] : memref<1024x16xf32, #tpu.memory_space<vmem>>, vector<1024x16xf32>
    %get3A_9 = arith.constant 0 : index
    %get3A_10 = arith.constant 0 : index
    %get3A_11 = vector.load %arg4[%get3A_9, %get3A_10] : memref<16x256xf32, #tpu.memory_space<vmem>>, vector<16x256xf32>
    %dot_general3A = arith.constant dense<0.000000e+00> : vector<1024x256xf32>
    %dot_general3A_12 = tpu.matmul %get3A_8, %get3A_11, %dot_general3A {dimension_numbers = #tpu.dot_dimension_numbers<[1], [0], [0], [1], [0, 0, 1, 1], [], []>, transpose_lhs_hint = false} : vector<1024x16xf32>, vector<16x256xf32>, vector<1024x256xf32> -> vector<1024x256xf32>
    %get3A_13 = arith.constant 0 : index
    %get3A_14 = arith.constant 0 : index
    %get3A_15 = vector.load %arg5[%get3A_13, %get3A_14] : memref<1x256xf32, #tpu.memory_space<vmem>>, vector<1x256xf32>
    %mul3A_16 = vector.broadcast %broadcast_in_dim3A : vector<1024x1xf32> to vector<1024x256xf32>
    %mul3A_17 = vector.broadcast %get3A_15 : vector<1x256xf32> to vector<1024x256xf32>
    %mul3A_18 = arith.mulf %mul3A_16, %mul3A_17 : vector<1024x256xf32>
    %add3A = arith.addf %dot_general3A_12, %mul3A_18 : vector<1024x256xf32>
    %get3A_19 = arith.constant 0 : index
    %get3A_20 = arith.constant 0 : index
    %get3A_21 = vector.load %arg6[%get3A_19, %get3A_20] : memref<1x256xf32, #tpu.memory_space<vmem>>, vector<1x256xf32>
    %add3A_22 = vector.broadcast %get3A_21 : vector<1x256xf32> to vector<1024x256xf32>
    %add3A_23 = arith.addf %add3A, %add3A_22 : vector<1024x256xf32>
    %slice3A = vector.extract_strided_slice %add3A_23 {offsets = [0, 0], sizes = [1024, 32], strides = [1, 1]} : vector<1024x256xf32> to vector<1024x32xf32>
    %convert_element_type3A = arith.truncf %slice3A : vector<1024x32xf32> to vector<1024x32xbf16>
    %swap3A = arith.constant 0 : index
    %swap3A_24 = arith.constant 0 : index
    %swap3A_25 = arith.constant 0 : index
    %swap3A_26 = arith.constant 0 : index
    %swap3A_27 = vector.load %arg7[%swap3A, %swap3A_24, %swap3A_25, %swap3A_26] : memref<2x4x1024x32xbf16, #tpu.memory_space<vmem>>, vector<1x1x1024x32xbf16>
    %swap3A_28 = vector.shape_cast %swap3A_27 : vector<1x1x1024x32xbf16> to vector<1024x32xbf16>
    %swap3A_29 = vector.shape_cast %convert_element_type3A : vector<1024x32xbf16> to vector<1x1x1024x32xbf16>
    tpu.vector_store %arg7[%swap3A, %swap3A_24, %swap3A_25, %swap3A_26], %swap3A_29 {strides = array<i32>} : memref<2x4x1024x32xbf16, #tpu.memory_space<vmem>>, vector<1x1x1024x32xbf16>,
    %slice3A_30 = vector.extract_strided_slice %add3A_23 {offsets = [0, 64], sizes = [1024, 32], strides = [1, 1]} : vector<1024x256xf32> to vector<1024x32xf32>
    %convert_element_type3A_31 = arith.truncf %slice3A_30 : vector<1024x32xf32> to vector<1024x32xbf16>
    %swap3A_32 = arith.constant 0 : index
    %swap3A_33 = arith.constant 1 : index
    %swap3A_34 = arith.constant 0 : index
    %swap3A_35 = arith.constant 0 : index
    %swap3A_36 = vector.load %arg7[%swap3A_32, %swap3A_33, %swap3A_34, %swap3A_35] : memref<2x4x1024x32xbf16, #tpu.memory_space<vmem>>, vector<1x1x1024x32xbf16>
    %swap3A_37 = vector.shape_cast %swap3A_36 : vector<1x1x1024x32xbf16> to vector<1024x32xbf16>
    %swap3A_38 = vector.shape_cast %convert_element_type3A_31 : vector<1024x32xbf16> to vector<1x1x1024x32xbf16>
    tpu.vector_store %arg7[%swap3A_32, %swap3A_33, %swap3A_34, %swap3A_35], %swap3A_38 {strides = array<i32>} : memref<2x4x1024x32xbf16, #tpu.memory_space<vmem>>, vector<1x1x1024x32xbf16>,
    %slice3A_39 = vector.extract_strided_slice %add3A_23 {offsets = [0, 128], sizes = [1024, 32], strides = [1, 1]} : vector<1024x256xf32> to vector<1024x32xf32>
    %convert_element_type3A_40 = arith.truncf %slice3A_39 : vector<1024x32xf32> to vector<1024x32xbf16>
    %swap3A_41 = arith.constant 0 : index
    %swap3A_42 = arith.constant 2 : index
    %swap3A_43 = arith.constant 0 : index
    %swap3A_44 = arith.constant 0 : index
    %swap3A_45 = vector.load %arg7[%swap3A_41, %swap3A_42, %swap3A_43, %swap3A_44] : memref<2x4x1024x32xbf16, #tpu.memory_space<vmem>>, vector<1x1x1024x32xbf16>
    %swap3A_46 = vector.shape_cast %swap3A_45 : vector<1x1x1024x32xbf16> to vector<1024x32xbf16>
    %swap3A_47 = vector.shape_cast %convert_element_type3A_40 : vector<1024x32xbf16> to vector<1x1x1024x32xbf16>
    tpu.vector_store %arg7[%swap3A_41, %swap3A_42, %swap3A_43, %swap3A_44], %swap3A_47 {strides = array<i32>} : memref<2x4x1024x32xbf16, #tpu.memory_space<vmem>>, vector<1x1x1024x32xbf16>,
    %slice3A_48 = vector.extract_strided_slice %add3A_23 {offsets = [0, 192], sizes = [1024, 32], strides = [1, 1]} : vector<1024x256xf32> to vector<1024x32xf32>
    %convert_element_type3A_49 = arith.truncf %slice3A_48 : vector<1024x32xf32> to vector<1024x32xbf16>
    %swap3A_50 = arith.constant 0 : index
    %swap3A_51 = arith.constant 3 : index
    %swap3A_52 = arith.constant 0 : index
    %swap3A_53 = arith.constant 0 : index
    %swap3A_54 = vector.load %arg7[%swap3A_50, %swap3A_51, %swap3A_52, %swap3A_53] : memref<2x4x1024x32xbf16, #tpu.memory_space<vmem>>, vector<1x1x1024x32xbf16>
    %swap3A_55 = vector.shape_cast %swap3A_54 : vector<1x1x1024x32xbf16> to vector<1024x32xbf16>
    %swap3A_56 = vector.shape_cast %convert_element_type3A_49 : vector<1024x32xbf16> to vector<1x1x1024x32xbf16>
    tpu.vector_store %arg7[%swap3A_50, %swap3A_51, %swap3A_52, %swap3A_53], %swap3A_56 {strides = array<i32>} : memref<2x4x1024x32xbf16, #tpu.memory_space<vmem>>, vector<1x1x1024x32xbf16>,
    %slice3A_57 = vector.extract_strided_slice %add3A_23 {offsets = [0, 32], sizes = [1024, 32], strides = [1, 1]} : vector<1024x256xf32> to vector<1024x32xf32>
    %convert_element_type3A_58 = arith.truncf %slice3A_57 : vector<1024x32xf32> to vector<1024x32xbf16>
    %swap3A_59 = arith.constant 1 : index
    %swap3A_60 = arith.constant 0 : index
    %swap3A_61 = arith.constant 0 : index
    %swap3A_62 = arith.constant 0 : index
    %swap3A_63 = vector.load %arg7[%swap3A_59, %swap3A_60, %swap3A_61, %swap3A_62] : memref<2x4x1024x32xbf16, #tpu.memory_space<vmem>>, vector<1x1x1024x32xbf16>
    %swap3A_64 = vector.shape_cast %swap3A_63 : vector<1x1x1024x32xbf16> to vector<1024x32xbf16>
    %swap3A_65 = vector.shape_cast %convert_element_type3A_58 : vector<1024x32xbf16> to vector<1x1x1024x32xbf16>
    tpu.vector_store %arg7[%swap3A_59, %swap3A_60, %swap3A_61, %swap3A_62], %swap3A_65 {strides = array<i32>} : memref<2x4x1024x32xbf16, #tpu.memory_space<vmem>>, vector<1x1x1024x32xbf16>,
    %slice3A_66 = vector.extract_strided_slice %add3A_23 {offsets = [0, 96], sizes = [1024, 32], strides = [1, 1]} : vector<1024x256xf32> to vector<1024x32xf32>
    %convert_element_type3A_67 = arith.truncf %slice3A_66 : vector<1024x32xf32> to vector<1024x32xbf16>
    %swap3A_68 = arith.constant 1 : index
    %swap3A_69 = arith.constant 1 : index
    %swap3A_70 = arith.constant 0 : index
    %swap3A_71 = arith.constant 0 : index
    %swap3A_72 = vector.load %arg7[%swap3A_68, %swap3A_69, %swap3A_70, %swap3A_71] : memref<2x4x1024x32xbf16, #tpu.memory_space<vmem>>, vector<1x1x1024x32xbf16>
    %swap3A_73 = vector.shape_cast %swap3A_72 : vector<1x1x1024x32xbf16> to vector<1024x32xbf16>
    %swap3A_74 = vector.shape_cast %convert_element_type3A_67 : vector<1024x32xbf16> to vector<1x1x1024x32xbf16>
    tpu.vector_store %arg7[%swap3A_68, %swap3A_69, %swap3A_70, %swap3A_71], %swap3A_74 {strides = array<i32>} : memref<2x4x1024x32xbf16, #tpu.memory_space<vmem>>, vector<1x1x1024x32xbf16>,
    %slice3A_75 = vector.extract_strided_slice %add3A_23 {offsets = [0, 160], sizes = [1024, 32], strides = [1, 1]} : vector<1024x256xf32> to vector<1024x32xf32>
    %convert_element_type3A_76 = arith.truncf %slice3A_75 : vector<1024x32xf32> to vector<1024x32xbf16>
    %swap3A_77 = arith.constant 1 : index
    %swap3A_78 = arith.constant 2 : index
    %swap3A_79 = arith.constant 0 : index
    %swap3A_80 = arith.constant 0 : index
    %swap3A_81 = vector.load %arg7[%swap3A_77, %swap3A_78, %swap3A_79, %swap3A_80] : memref<2x4x1024x32xbf16, #tpu.memory_space<vmem>>, vector<1x1x1024x32xbf16>
    %swap3A_82 = vector.shape_cast %swap3A_81 : vector<1x1x1024x32xbf16> to vector<1024x32xbf16>
    %swap3A_83 = vector.shape_cast %convert_element_type3A_76 : vector<1024x32xbf16> to vector<1x1x1024x32xbf16>
    tpu.vector_store %arg7[%swap3A_77, %swap3A_78, %swap3A_79, %swap3A_80], %swap3A_83 {strides = array<i32>} : memref<2x4x1024x32xbf16, #tpu.memory_space<vmem>>, vector<1x1x1024x32xbf16>,
    %slice3A_84 = vector.extract_strided_slice %add3A_23 {offsets = [0, 224], sizes = [1024, 32], strides = [1, 1]} : vector<1024x256xf32> to vector<1024x32xf32>
    %convert_element_type3A_85 = arith.truncf %slice3A_84 : vector<1024x32xf32> to vector<1024x32xbf16>
    %swap3A_86 = arith.constant 1 : index
    %swap3A_87 = arith.constant 3 : index
    %swap3A_88 = arith.constant 0 : index
    %swap3A_89 = arith.constant 0 : index
    %swap3A_90 = vector.load %arg7[%swap3A_86, %swap3A_87, %swap3A_88, %swap3A_89] : memref<2x4x1024x32xbf16, #tpu.memory_space<vmem>>, vector<1x1x1024x32xbf16>
    %swap3A_91 = vector.shape_cast %swap3A_90 : vector<1x1x1024x32xbf16> to vector<1024x32xbf16>
    %swap3A_92 = vector.shape_cast %convert_element_type3A_85 : vector<1024x32xbf16> to vector<1x1x1024x32xbf16>
    tpu.vector_store %arg7[%swap3A_86, %swap3A_87, %swap3A_88, %swap3A_89], %swap3A_92 {strides = array<i32>} : memref<2x4x1024x32xbf16, #tpu.memory_space<vmem>>, vector<1x1x1024x32xbf16>,
    return
  }
  func.func @transform_0(%arg0: i32) -> (i32, i32) {
    %c0_i32 = arith.constant 0 : i32
    %c0_i32_0 = arith.constant 0 : i32
    return %arg0, %c0_i32 : i32, i32
  }
  func.func @transform_1(%arg0: i32) -> (i32, i32) {
    %c0_i32 = arith.constant 0 : i32
    %c0_i32_0 = arith.constant 0 : i32
    return %arg0, %c0_i32 : i32, i32
  }
  func.func @transform_2(%arg0: i32) -> (i32, i32) {
    %c0_i32 = arith.constant 0 : i32
    %c0_i32_0 = arith.constant 0 : i32
    return %arg0, %c0_i32 : i32, i32
  }
  func.func @transform_3(%arg0: i32) -> (i32, i32) {
    %c0_i32 = arith.constant 0 : i32
    %c0_i32_0 = arith.constant 0 : i32
    %c0_i32_1 = arith.constant 0 : i32
    return %c0_i32, %c0_i32_0 : i32, i32
  }
  func.func @transform_4(%arg0: i32) -> (i32, i32) {
    %c0_i32 = arith.constant 0 : i32
    %c0_i32_0 = arith.constant 0 : i32
    %c0_i32_1 = arith.constant 0 : i32
    return %c0_i32, %c0_i32_0 : i32, i32
  }
  func.func @transform_5(%arg0: i32) -> (i32, i32) {
    %c0_i32 = arith.constant 0 : i32
    %c0_i32_0 = arith.constant 0 : i32
    %c0_i32_1 = arith.constant 0 : i32
    return %c0_i32, %c0_i32_0 : i32, i32
  }
  func.func @transform_6(%arg0: i32) -> (i32, i32, i32, i32) {
    %c0_i32 = arith.constant 0 : i32
    %c0_i32_0 = arith.constant 0 : i32
    %c0_i32_1 = arith.constant 0 : i32
    %c0_i32_2 = arith.constant 0 : i32
    return %c0_i32, %c0_i32_0, %arg0, %c0_i32_1 : i32, i32, i32, i32
  }
}

module attributes {stable_mosaic.version = 14 : i64} {
  func.func @_ab_body(%arg0: i32, %arg1: memref<512x64xf32, #tpu.memory_space<vmem>>, %arg2: memref<64x64xf32, #tpu.memory_space<vmem>>, %arg3: memref<64x64xf32, #tpu.memory_space<vmem>>, %arg4: memref<512x32xbf16, #tpu.memory_space<vmem>>, %arg5: memref<512x32xbf16, #tpu.memory_space<vmem>>) attributes {dimension_semantics = [#tpu.dimension_semantics<arbitrary>], iteration_bounds = array<i64: 200>, scalar_prefetch = 0 : i64, scratch_operands = 0 : i64, tpu.core_type = #tpu.core_type<tc>, window_params = [{transform_indices = @transform_0, window_bounds = array<i64: 512, 64>}, {pipeline_mode = #tpu.pipeline_mode<synchronous>, transform_indices = @transform_1, window_bounds = array<i64: 64, 64>}, {pipeline_mode = #tpu.pipeline_mode<synchronous>, transform_indices = @transform_2, window_bounds = array<i64: 64, 64>}, {transform_indices = @transform_3, window_bounds = array<i64: 512, 32>}, {transform_indices = @transform_4, window_bounds = array<i64: 512, 32>}]} {
    %get3A = arith.constant 0 : index
    %get3A_0 = arith.constant 0 : index
    %get3A_1 = vector.load %arg1[%get3A, %get3A_0] : memref<512x64xf32, #tpu.memory_space<vmem>>, vector<512x64xf32>
    %get3A_2 = arith.constant 0 : index
    %get3A_3 = arith.constant 0 : index
    %get3A_4 = vector.load %arg2[%get3A_2, %get3A_3] : memref<64x64xf32, #tpu.memory_space<vmem>>, vector<64x64xf32>
    %dot_general3A = arith.constant dense<0.000000e+00> : vector<512x64xf32>
    %dot_general3A_5 = tpu.matmul %get3A_1, %get3A_4, %dot_general3A {dimension_numbers = #tpu.dot_dimension_numbers<[1], [0], [0], [1], [0, 0, 1, 1], [], []>, transpose_lhs_hint = false} : vector<512x64xf32>, vector<64x64xf32>, vector<512x64xf32> -> vector<512x64xf32>
    %get3A_6 = arith.constant 0 : index
    %get3A_7 = arith.constant 0 : index
    %get3A_8 = vector.load %arg3[%get3A_6, %get3A_7] : memref<64x64xf32, #tpu.memory_space<vmem>>, vector<64x64xf32>
    %dot_general3A_9 = arith.constant dense<0.000000e+00> : vector<512x64xf32>
    %dot_general3A_10 = tpu.matmul %get3A_1, %get3A_8, %dot_general3A_9 {dimension_numbers = #tpu.dot_dimension_numbers<[1], [0], [0], [1], [0, 0, 1, 1], [], []>, transpose_lhs_hint = false} : vector<512x64xf32>, vector<64x64xf32>, vector<512x64xf32> -> vector<512x64xf32>
    %lt3A = arith.constant 100 : i32
    %lt3A_11 = arith.cmpi slt, %arg0, %lt3A : i32
    %slice3A = vector.extract_strided_slice %dot_general3A_5 {offsets = [0, 0], sizes = [512, 32], strides = [1, 1]} : vector<512x64xf32> to vector<512x32xf32>
    %slice3A_12 = vector.extract_strided_slice %dot_general3A_5 {offsets = [0, 32], sizes = [512, 32], strides = [1, 1]} : vector<512x64xf32> to vector<512x32xf32>
    %select_n3A = arith.select %lt3A_11, %slice3A, %slice3A_12 : vector<512x32xf32>
    %convert_element_type3A = arith.truncf %select_n3A : vector<512x32xf32> to vector<512x32xbf16>
    %swap3A = arith.constant 0 : index
    %swap3A_13 = arith.constant 0 : index
    %swap3A_14 = vector.load %arg4[%swap3A, %swap3A_13] : memref<512x32xbf16, #tpu.memory_space<vmem>>, vector<512x32xbf16>
    tpu.vector_store %arg4[%swap3A, %swap3A_13], %convert_element_type3A {strides = array<i32>} : memref<512x32xbf16, #tpu.memory_space<vmem>>, vector<512x32xbf16>,
    %slice3A_15 = vector.extract_strided_slice %dot_general3A_10 {offsets = [0, 0], sizes = [512, 32], strides = [1, 1]} : vector<512x64xf32> to vector<512x32xf32>
    %slice3A_16 = vector.extract_strided_slice %dot_general3A_10 {offsets = [0, 32], sizes = [512, 32], strides = [1, 1]} : vector<512x64xf32> to vector<512x32xf32>
    %select_n3A_17 = arith.select %lt3A_11, %slice3A_15, %slice3A_16 : vector<512x32xf32>
    %convert_element_type3A_18 = arith.truncf %select_n3A_17 : vector<512x32xf32> to vector<512x32xbf16>
    %swap3A_19 = arith.constant 0 : index
    %swap3A_20 = arith.constant 0 : index
    %swap3A_21 = vector.load %arg5[%swap3A_19, %swap3A_20] : memref<512x32xbf16, #tpu.memory_space<vmem>>, vector<512x32xbf16>
    tpu.vector_store %arg5[%swap3A_19, %swap3A_20], %convert_element_type3A_18 {strides = array<i32>} : memref<512x32xbf16, #tpu.memory_space<vmem>>, vector<512x32xbf16>,
    return
  }
  func.func @transform_0(%arg0: i32) -> (i32, i32) {
    %jit3A = arith.constant 100 : i32
    %eq3A = arith.constant 0 : i32
    %eq3A_0 = arith.cmpi eq, %jit3A, %eq3A : i32
    %jit3A_1 = arith.constant 1 : i32
    %select_n3A = arith.select %eq3A_0, %jit3A_1, %jit3A : i32
    %rem3A = arith.remsi %arg0, %select_n3A : i32
    %ne3A = arith.constant 0 : i32
    %ne3A_2 = arith.cmpi ne, %rem3A, %ne3A : i32
    %lt3A = arith.constant 0 : i32
    %lt3A_3 = arith.cmpi slt, %rem3A, %lt3A : i32
    %lt3A_4 = arith.constant 0 : i32
    %lt3A_5 = arith.cmpi slt, %select_n3A, %lt3A_4 : i32
    %ne3A_6 = arith.xori %lt3A_3, %lt3A_5 : i1
    %and3A = arith.andi %ne3A_6, %ne3A_2 : i1
    %add3A = arith.addi %rem3A, %select_n3A : i32
    %select_n3A_7 = arith.select %and3A, %add3A, %rem3A : i32
    %c0_i32 = arith.constant 0 : i32
    %c0_i32_8 = arith.constant 0 : i32
    return %select_n3A_7, %c0_i32 : i32, i32
  }
  func.func @transform_1(%arg0: i32) -> (i32, i32) {
    %c0_i32 = arith.constant 0 : i32
    %c0_i32_0 = arith.constant 0 : i32
    %c0_i32_1 = arith.constant 0 : i32
    return %c0_i32, %c0_i32_0 : i32, i32
  }
  func.func @transform_2(%arg0: i32) -> (i32, i32) {
    %c0_i32 = arith.constant 0 : i32
    %c0_i32_0 = arith.constant 0 : i32
    %c0_i32_1 = arith.constant 0 : i32
    return %c0_i32, %c0_i32_0 : i32, i32
  }
  func.func @transform_3(%arg0: i32) -> (i32, i32) {
    %c0_i32 = arith.constant 0 : i32
    %c0_i32_0 = arith.constant 0 : i32
    return %arg0, %c0_i32 : i32, i32
  }
  func.func @transform_4(%arg0: i32) -> (i32, i32) {
    %c0_i32 = arith.constant 0 : i32
    %c0_i32_0 = arith.constant 0 : i32
    return %arg0, %c0_i32 : i32, i32
  }
}

module attributes {stable_mosaic.version = 14 : i64} {
  func.func @_upd_body(%arg0: i32, %arg1: memref<512x64xf32, #tpu.memory_space<vmem>>, %arg2: memref<2x512x32xbf16, #tpu.memory_space<vmem>>, %arg3: memref<2x512x1xf32, #tpu.memory_space<vmem>>, %arg4: memref<64x64xf32, #tpu.memory_space<vmem>>, %arg5: memref<1x64xf32, #tpu.memory_space<vmem>>, %arg6: memref<64x64xf32, #tpu.memory_space<vmem>>, %arg7: memref<64x64xf32, #tpu.memory_space<vmem>>, %arg8: memref<1x64xf32, #tpu.memory_space<vmem>>, %arg9: memref<64x64xf32, #tpu.memory_space<vmem>>, %arg10: memref<1x64xf32, #tpu.memory_space<vmem>>, %arg11: memref<512x64xf32, #tpu.memory_space<vmem>>) attributes {dimension_semantics = [#tpu.dimension_semantics<arbitrary>], iteration_bounds = array<i64: 100>, scalar_prefetch = 0 : i64, scratch_operands = 0 : i64, tpu.core_type = #tpu.core_type<tc>, window_params = [{transform_indices = @transform_0, window_bounds = array<i64: 512, 64>}, {transform_indices = @transform_1, window_bounds = array<i64: 2, 512, 32>}, {transform_indices = @transform_2, window_bounds = array<i64: 2, 512, 1>}, {pipeline_mode = #tpu.pipeline_mode<synchronous>, transform_indices = @transform_3, window_bounds = array<i64: 64, 64>}, {pipeline_mode = #tpu.pipeline_mode<synchronous>, transform_indices = @transform_4, window_bounds = array<i64: 1, 64>}, {pipeline_mode = #tpu.pipeline_mode<synchronous>, transform_indices = @transform_5, window_bounds = array<i64: 64, 64>}, {pipeline_mode = #tpu.pipeline_mode<synchronous>, transform_indices = @transform_6, window_bounds = array<i64: 64, 64>}, {pipeline_mode = #tpu.pipeline_mode<synchronous>, transform_indices = @transform_7, window_bounds = array<i64: 1, 64>}, {pipeline_mode = #tpu.pipeline_mode<synchronous>, transform_indices = @transform_8, window_bounds = array<i64: 64, 64>}, {pipeline_mode = #tpu.pipeline_mode<synchronous>, transform_indices = @transform_9, window_bounds = array<i64: 1, 64>}, {transform_indices = @transform_10, window_bounds = array<i64: 512, 64>}]} {
    %get3A = arith.constant 0 : index
    %get3A_0 = arith.constant 0 : index
    %get3A_1 = arith.constant 0 : index
    %get3A_2 = vector.load %arg2[%get3A, %get3A_0, %get3A_1] : memref<2x512x32xbf16, #tpu.memory_space<vmem>>, vector<1x512x32xbf16>
    %get3A_3 = vector.shape_cast %get3A_2 : vector<1x512x32xbf16> to vector<512x32xbf16>
    %get3A_4 = arith.constant 1 : index
    %get3A_5 = arith.constant 0 : index
    %get3A_6 = arith.constant 0 : index
    %get3A_7 = vector.load %arg2[%get3A_4, %get3A_5, %get3A_6] : memref<2x512x32xbf16, #tpu.memory_space<vmem>>, vector<1x512x32xbf16>
    %get3A_8 = vector.shape_cast %get3A_7 : vector<1x512x32xbf16> to vector<512x32xbf16>
    %concatenate3A = tpu.concatenate %get3A_3, %get3A_8 in 1 : vector<512x32xbf16>, vector<512x32xbf16> -> vector<512x64xbf16>
    %convert_element_type3A = arith.extf %concatenate3A : vector<512x64xbf16> to vector<512x64xf32>
    %get3A_9 = arith.constant 0 : index
    %get3A_10 = arith.constant 0 : index
    %get3A_11 = arith.constant 0 : index
    %get3A_12 = vector.load %arg3[%get3A_9, %get3A_10, %get3A_11] : memref<2x512x1xf32, #tpu.memory_space<vmem>>, vector<1x512x1xf32>
    %get3A_13 = vector.shape_cast %get3A_12 : vector<1x512x1xf32> to vector<512x1xf32>
    %get3A_14 = arith.constant 1 : index
    %get3A_15 = arith.constant 0 : index
    %get3A_16 = arith.constant 0 : index
    %get3A_17 = vector.load %arg3[%get3A_14, %get3A_15, %get3A_16] : memref<2x512x1xf32, #tpu.memory_space<vmem>>, vector<1x512x1xf32>
    %get3A_18 = vector.shape_cast %get3A_17 : vector<1x512x1xf32> to vector<512x1xf32>
    %add3A = arith.addf %get3A_13, %get3A_18 : vector<512x1xf32>
    %get3A_19 = arith.constant 0 : index
    %get3A_20 = arith.constant 0 : index
    %get3A_21 = vector.load %arg4[%get3A_19, %get3A_20] : memref<64x64xf32, #tpu.memory_space<vmem>>, vector<64x64xf32>
    %dot_general3A = arith.constant dense<0.000000e+00> : vector<512x64xf32>
    %dot_general3A_22 = tpu.matmul %convert_element_type3A, %get3A_21, %dot_general3A {dimension_numbers = #tpu.dot_dimension_numbers<[1], [0], [0], [1], [0, 0, 1, 1], [], []>, transpose_lhs_hint = false} : vector<512x64xf32>, vector<64x64xf32>, vector<512x64xf32> -> vector<512x64xf32>
    %get3A_23 = arith.constant 0 : index
    %get3A_24 = arith.constant 0 : index
    %get3A_25 = vector.load %arg5[%get3A_23, %get3A_24] : memref<1x64xf32, #tpu.memory_space<vmem>>, vector<1x64xf32>
    %mul3A = vector.broadcast %add3A : vector<512x1xf32> to vector<512x64xf32>
    %mul3A_26 = vector.broadcast %get3A_25 : vector<1x64xf32> to vector<512x64xf32>
    %mul3A_27 = arith.mulf %mul3A, %mul3A_26 : vector<512x64xf32>
    %add3A_28 = arith.addf %dot_general3A_22, %mul3A_27 : vector<512x64xf32>
    %get3A_29 = arith.constant 0 : index
    %get3A_30 = arith.constant 0 : index
    %get3A_31 = vector.load %arg1[%get3A_29, %get3A_30] : memref<512x64xf32, #tpu.memory_space<vmem>>, vector<512x64xf32>
    %get3A_32 = arith.constant 0 : index
    %get3A_33 = arith.constant 0 : index
    %get3A_34 = vector.load %arg6[%get3A_32, %get3A_33] : memref<64x64xf32, #tpu.memory_space<vmem>>, vector<64x64xf32>
    %dot_general3A_35 = arith.constant dense<0.000000e+00> : vector<512x64xf32>
    %dot_general3A_36 = tpu.matmul %get3A_31, %get3A_34, %dot_general3A_35 {dimension_numbers = #tpu.dot_dimension_numbers<[1], [0], [0], [1], [0, 0, 1, 1], [], []>, transpose_lhs_hint = false} : vector<512x64xf32>, vector<64x64xf32>, vector<512x64xf32> -> vector<512x64xf32>
    %get3A_37 = arith.constant 0 : index
    %get3A_38 = arith.constant 0 : index
    %get3A_39 = vector.load %arg7[%get3A_37, %get3A_38] : memref<64x64xf32, #tpu.memory_space<vmem>>, vector<64x64xf32>
    %dot_general3A_40 = arith.constant dense<0.000000e+00> : vector<512x64xf32>
    %dot_general3A_41 = tpu.matmul %add3A_28, %get3A_39, %dot_general3A_40 {dimension_numbers = #tpu.dot_dimension_numbers<[1], [0], [0], [1], [0, 0, 1, 1], [], []>, transpose_lhs_hint = false} : vector<512x64xf32>, vector<64x64xf32>, vector<512x64xf32> -> vector<512x64xf32>
    %add3A_42 = arith.addf %dot_general3A_36, %dot_general3A_41 : vector<512x64xf32>
    %get3A_43 = arith.constant 0 : index
    %get3A_44 = arith.constant 0 : index
    %get3A_45 = vector.load %arg8[%get3A_43, %get3A_44] : memref<1x64xf32, #tpu.memory_space<vmem>>, vector<1x64xf32>
    %add3A_46 = vector.broadcast %get3A_45 : vector<1x64xf32> to vector<512x64xf32>
    %add3A_47 = arith.addf %add3A_42, %add3A_46 : vector<512x64xf32>
    %max3A = arith.constant 0.000000e+00 : f32
    %max3A_48 = vector.broadcast %max3A : f32 to vector<512x64xf32>
    %max3A_49 = arith.maximumf %add3A_47, %max3A_48 : vector<512x64xf32>
    %get3A_50 = arith.constant 0 : index
    %get3A_51 = arith.constant 0 : index
    %get3A_52 = vector.load %arg9[%get3A_50, %get3A_51] : memref<64x64xf32, #tpu.memory_space<vmem>>, vector<64x64xf32>
    %dot_general3A_53 = arith.constant dense<0.000000e+00> : vector<512x64xf32>
    %dot_general3A_54 = tpu.matmul %max3A_49, %get3A_52, %dot_general3A_53 {dimension_numbers = #tpu.dot_dimension_numbers<[1], [0], [0], [1], [0, 0, 1, 1], [], []>, transpose_lhs_hint = false} : vector<512x64xf32>, vector<64x64xf32>, vector<512x64xf32> -> vector<512x64xf32>
    %get3A_55 = arith.constant 0 : index
    %get3A_56 = arith.constant 0 : index
    %get3A_57 = vector.load %arg10[%get3A_55, %get3A_56] : memref<1x64xf32, #tpu.memory_space<vmem>>, vector<1x64xf32>
    %add3A_58 = vector.broadcast %get3A_57 : vector<1x64xf32> to vector<512x64xf32>
    %add3A_59 = arith.addf %dot_general3A_54, %add3A_58 : vector<512x64xf32>
    %swap3A = arith.constant 0 : index
    %swap3A_60 = arith.constant 0 : index
    %swap3A_61 = vector.load %arg11[%swap3A, %swap3A_60] : memref<512x64xf32, #tpu.memory_space<vmem>>, vector<512x64xf32>
    tpu.vector_store %arg11[%swap3A, %swap3A_60], %add3A_59 {strides = array<i32>} : memref<512x64xf32, #tpu.memory_space<vmem>>, vector<512x64xf32>,
    return
  }
  func.func @transform_0(%arg0: i32) -> (i32, i32) {
    %c0_i32 = arith.constant 0 : i32
    %c0_i32_0 = arith.constant 0 : i32
    return %arg0, %c0_i32 : i32, i32
  }
  func.func @transform_1(%arg0: i32) -> (i32, i32, i32) {
    %c0_i32 = arith.constant 0 : i32
    %c0_i32_0 = arith.constant 0 : i32
    %c0_i32_1 = arith.constant 0 : i32
    return %c0_i32, %arg0, %c0_i32_0 : i32, i32, i32
  }
  func.func @transform_2(%arg0: i32) -> (i32, i32, i32) {
    %c0_i32 = arith.constant 0 : i32
    %c0_i32_0 = arith.constant 0 : i32
    %c0_i32_1 = arith.constant 0 : i32
    return %c0_i32, %arg0, %c0_i32_0 : i32, i32, i32
  }
  func.func @transform_3(%arg0: i32) -> (i32, i32) {
    %c0_i32 = arith.constant 0 : i32
    %c0_i32_0 = arith.constant 0 : i32
    %c0_i32_1 = arith.constant 0 : i32
    return %c0_i32, %c0_i32_0 : i32, i32
  }
  func.func @transform_4(%arg0: i32) -> (i32, i32) {
    %c0_i32 = arith.constant 0 : i32
    %c0_i32_0 = arith.constant 0 : i32
    %c0_i32_1 = arith.constant 0 : i32
    return %c0_i32, %c0_i32_0 : i32, i32
  }
  func.func @transform_5(%arg0: i32) -> (i32, i32) {
    %c0_i32 = arith.constant 0 : i32
    %c0_i32_0 = arith.constant 0 : i32
    %c0_i32_1 = arith.constant 0 : i32
    return %c0_i32, %c0_i32_0 : i32, i32
  }
  func.func @transform_6(%arg0: i32) -> (i32, i32) {
    %c0_i32 = arith.constant 0 : i32
    %c0_i32_0 = arith.constant 0 : i32
    %c0_i32_1 = arith.constant 0 : i32
    return %c0_i32, %c0_i32_0 : i32, i32
  }
  func.func @transform_7(%arg0: i32) -> (i32, i32) {
    %c0_i32 = arith.constant 0 : i32
    %c0_i32_0 = arith.constant 0 : i32
    %c0_i32_1 = arith.constant 0 : i32
    return %c0_i32, %c0_i32_0 : i32, i32
  }
  func.func @transform_8(%arg0: i32) -> (i32, i32) {
    %c0_i32 = arith.constant 0 : i32
    %c0_i32_0 = arith.constant 0 : i32
    %c0_i32_1 = arith.constant 0 : i32
    return %c0_i32, %c0_i32_0 : i32, i32
  }
  func.func @transform_9(%arg0: i32) -> (i32, i32) {
    %c0_i32 = arith.constant 0 : i32
    %c0_i32_0 = arith.constant 0 : i32
    %c0_i32_1 = arith.constant 0 : i32
    return %c0_i32, %c0_i32_0 : i32, i32
  }
  func.func @transform_10(%arg0: i32) -> (i32, i32) {
    %c0_i32 = arith.constant 0 : i32
    %c0_i32_0 = arith.constant 0 : i32
    return %arg0, %c0_i32 : i32, i32
  }
}

module attributes {stable_mosaic.version = 14 : i64} {
  func.func @_pool_body(%arg0: i32, %arg1: memref<512x64xf32, #tpu.memory_space<vmem>>, %arg2: memref<1x512x1xi32, #tpu.memory_space<vmem>>, %arg3: memref<64x600xf32, #tpu.memory_space<vmem>>, %arg4: memref<1x600xf32, #tpu.memory_space<vmem>>, %arg5: memref<256x600xf32, #tpu.memory_space<vmem>>, %arg6: memref<256x64xf32, #tpu.memory_space<vmem>>, %arg7: memref<256x1xf32, #tpu.memory_space<vmem>>) attributes {dimension_semantics = [#tpu.dimension_semantics<arbitrary>], iteration_bounds = array<i64: 100>, scalar_prefetch = 0 : i64, scratch_operands = 2 : i64, tpu.core_type = #tpu.core_type<tc>, window_params = [{transform_indices = @transform_0, window_bounds = array<i64: 512, 64>}, {transform_indices = @transform_1, window_bounds = array<i64: 1, 512, 1>}, {pipeline_mode = #tpu.pipeline_mode<synchronous>, transform_indices = @transform_2, window_bounds = array<i64: 64, 600>}, {pipeline_mode = #tpu.pipeline_mode<synchronous>, transform_indices = @transform_3, window_bounds = array<i64: 1, 600>}, {pipeline_mode = #tpu.pipeline_mode<synchronous>, transform_indices = @transform_4, window_bounds = array<i64: 256, 600>}]} {
    %eq3A = arith.constant 0 : i32
    %eq3A_0 = arith.cmpi eq, %arg0, %eq3A : i32
    %convert_element_type3A = arith.extui %eq3A_0 : i1 to i32
    %cond3A = arith.constant 0 : i32
    %cond3A_1 = arith.cmpi ne, %convert_element_type3A, %cond3A : i32
    scf.if %cond3A_1 {
      %broadcast_in_dim3A_35 = arith.constant 0.000000e+00 : f32
      %broadcast_in_dim3A_36 = vector.broadcast %broadcast_in_dim3A_35 : f32 to vector<256x64xf32>
      %swap3A_37 = arith.constant 0 : index
      %swap3A_38 = arith.constant 0 : index
      %swap3A_39 = vector.load %arg6[%swap3A_37, %swap3A_38] : memref<256x64xf32, #tpu.memory_space<vmem>>, vector<256x64xf32>
      tpu.vector_store %arg6[%swap3A_37, %swap3A_38], %broadcast_in_dim3A_36 {strides = array<i32>} : memref<256x64xf32, #tpu.memory_space<vmem>>, vector<256x64xf32>,
      %broadcast_in_dim3A_40 = arith.constant 0.000000e+00 : f32
      %broadcast_in_dim3A_41 = vector.broadcast %broadcast_in_dim3A_40 : f32 to vector<256x1xf32>
      %swap3A_42 = arith.constant 0 : index
      %swap3A_43 = arith.constant 0 : index
      %swap3A_44 = vector.load %arg7[%swap3A_42, %swap3A_43] : memref<256x1xf32, #tpu.memory_space<vmem>>, vector<256x1xf32>
      tpu.vector_store %arg7[%swap3A_42, %swap3A_43], %broadcast_in_dim3A_41 {strides = array<i32>} : memref<256x1xf32, #tpu.memory_space<vmem>>, vector<256x1xf32>,
    } else {
    }
    %get3A = arith.constant 0 : index
    %get3A_2 = arith.constant 0 : index
    %get3A_3 = arith.constant 0 : index
    %get3A_4 = vector.load %arg2[%get3A, %get3A_2, %get3A_3] : memref<1x512x1xi32, #tpu.memory_space<vmem>>, vector<1x512x1xi32>
    %get3A_5 = vector.shape_cast %get3A_4 : vector<1x512x1xi32> to vector<512x1xi32>
    %iota3A = tpu.iota {dimensions = array<i32: 1>} : vector<1x256xi32>
    %eq3A_6 = vector.broadcast %get3A_5 : vector<512x1xi32> to vector<512x256xi32>
    %eq3A_7 = vector.broadcast %iota3A : vector<1x256xi32> to vector<512x256xi32>
    %eq3A_8 = arith.cmpi eq, %eq3A_6, %eq3A_7 : vector<512x256xi32>
    %convert_element_type3A_9 = arith.extui %eq3A_8 : vector<512x256xi1> to vector<512x256xi32>
    %convert_element_type3A_10 = arith.sitofp %convert_element_type3A_9 : vector<512x256xi32> to vector<512x256xf32>
    %get3A_11 = arith.constant 0 : index
    %get3A_12 = arith.constant 0 : index
    %get3A_13 = vector.load %arg6[%get3A_11, %get3A_12] : memref<256x64xf32, #tpu.memory_space<vmem>>, vector<256x64xf32>
    %get3A_14 = arith.constant 0 : index
    %get3A_15 = arith.constant 0 : index
    %get3A_16 = vector.load %arg1[%get3A_14, %get3A_15] : memref<512x64xf32, #tpu.memory_space<vmem>>, vector<512x64xf32>
    %dot_general3A = arith.constant dense<0.000000e+00> : vector<256x64xf32>
    %dot_general3A_17 = tpu.matmul %convert_element_type3A_10, %get3A_16, %dot_general3A {dimension_numbers = #tpu.dot_dimension_numbers<[0], [0], [1], [1], [0, 1, 1, 1], [], []>, transpose_lhs_hint = false} : vector<512x256xf32>, vector<512x64xf32>, vector<256x64xf32> -> vector<256x64xf32>
    %add3A = arith.addf %get3A_13, %dot_general3A_17 : vector<256x64xf32>
    %swap3A = arith.constant 0 : index
    %swap3A_18 = arith.constant 0 : index
    %swap3A_19 = vector.load %arg6[%swap3A, %swap3A_18] : memref<256x64xf32, #tpu.memory_space<vmem>>, vector<256x64xf32>
    tpu.vector_store %arg6[%swap3A, %swap3A_18], %add3A {strides = array<i32>} : memref<256x64xf32, #tpu.memory_space<vmem>>, vector<256x64xf32>,
    %get3A_20 = arith.constant 0 : index
    %get3A_21 = arith.constant 0 : index
    %get3A_22 = vector.load %arg7[%get3A_20, %get3A_21] : memref<256x1xf32, #tpu.memory_space<vmem>>, vector<256x1xf32>
    %broadcast_in_dim3A = arith.constant 1.000000e+00 : f32
    %broadcast_in_dim3A_23 = vector.broadcast %broadcast_in_dim3A : f32 to vector<512x1xf32>
    %dot_general3A_24 = arith.constant dense<0.000000e+00> : vector<256x1xf32>
    %dot_general3A_25 = tpu.matmul %convert_element_type3A_10, %broadcast_in_dim3A_23, %dot_general3A_24 {dimension_numbers = #tpu.dot_dimension_numbers<[0], [0], [1], [1], [0, 1, 1, 1], [], []>, transpose_lhs_hint = false} : vector<512x256xf32>, vector<512x1xf32>, vector<256x1xf32> -> vector<256x1xf32>
    %add3A_26 = arith.addf %get3A_22, %dot_general3A_25 : vector<256x1xf32>
    %swap3A_27 = arith.constant 0 : index
    %swap3A_28 = arith.constant 0 : index
    %swap3A_29 = vector.load %arg7[%swap3A_27, %swap3A_28] : memref<256x1xf32, #tpu.memory_space<vmem>>, vector<256x1xf32>
    tpu.vector_store %arg7[%swap3A_27, %swap3A_28], %add3A_26 {strides = array<i32>} : memref<256x1xf32, #tpu.memory_space<vmem>>, vector<256x1xf32>,
    %eq3A_30 = arith.constant 99 : i32
    %eq3A_31 = arith.cmpi eq, %arg0, %eq3A_30 : i32
    %convert_element_type3A_32 = arith.extui %eq3A_31 : i1 to i32
    %cond3A_33 = arith.constant 0 : i32
    %cond3A_34 = arith.cmpi ne, %convert_element_type3A_32, %cond3A_33 : i32
    scf.if %cond3A_34 {
      %get3A_35 = arith.constant 0 : index
      %get3A_36 = arith.constant 0 : index
      %get3A_37 = vector.load %arg6[%get3A_35, %get3A_36] : memref<256x64xf32, #tpu.memory_space<vmem>>, vector<256x64xf32>
      %get3A_38 = arith.constant 0 : index
      %get3A_39 = arith.constant 0 : index
      %get3A_40 = vector.load %arg7[%get3A_38, %get3A_39] : memref<256x1xf32, #tpu.memory_space<vmem>>, vector<256x1xf32>
      %max3A = arith.constant 1.000000e+00 : f32
      %max3A_41 = vector.broadcast %max3A : f32 to vector<256x1xf32>
      %max3A_42 = arith.maximumf %get3A_40, %max3A_41 : vector<256x1xf32>
      %div3A = vector.broadcast %max3A_42 : vector<256x1xf32> to vector<256x64xf32>
      %div3A_43 = arith.divf %get3A_37, %div3A : vector<256x64xf32>
      %get3A_44 = arith.constant 0 : index
      %get3A_45 = arith.constant 0 : index
      %get3A_46 = vector.load %arg3[%get3A_44, %get3A_45] : memref<64x600xf32, #tpu.memory_space<vmem>>, vector<64x600xf32>
      %dot_general3A_47 = arith.constant dense<0.000000e+00> : vector<256x600xf32>
      %dot_general3A_48 = tpu.matmul %div3A_43, %get3A_46, %dot_general3A_47 {dimension_numbers = #tpu.dot_dimension_numbers<[1], [0], [0], [1], [0, 0, 1, 1], [], []>, transpose_lhs_hint = false} : vector<256x64xf32>, vector<64x600xf32>, vector<256x600xf32> -> vector<256x600xf32>
      %get3A_49 = arith.constant 0 : index
      %get3A_50 = arith.constant 0 : index
      %get3A_51 = vector.load %arg4[%get3A_49, %get3A_50] : memref<1x600xf32, #tpu.memory_space<vmem>>, vector<1x600xf32>
      %add3A_52 = vector.broadcast %get3A_51 : vector<1x600xf32> to vector<256x600xf32>
      %add3A_53 = arith.addf %dot_general3A_48, %add3A_52 : vector<256x600xf32>
      %swap3A_54 = arith.constant 0 : index
      %swap3A_55 = arith.constant 0 : index
      %swap3A_56 = vector.load %arg5[%swap3A_54, %swap3A_55] : memref<256x600xf32, #tpu.memory_space<vmem>>, vector<256x600xf32>
      tpu.vector_store %arg5[%swap3A_54, %swap3A_55], %add3A_53 {strides = array<i32>} : memref<256x600xf32, #tpu.memory_space<vmem>>, vector<256x600xf32>,
    } else {
    }
    return
  }
  func.func @transform_0(%arg0: i32) -> (i32, i32) {
    %c0_i32 = arith.constant 0 : i32
    %c0_i32_0 = arith.constant 0 : i32
    return %arg0, %c0_i32 : i32, i32
  }
  func.func @transform_1(%arg0: i32) -> (i32, i32, i32) {
    %c0_i32 = arith.constant 0 : i32
    %c0_i32_0 = arith.constant 0 : i32
    %c0_i32_1 = arith.constant 0 : i32
    return %arg0, %c0_i32, %c0_i32_0 : i32, i32, i32
  }
  func.func @transform_2(%arg0: i32) -> (i32, i32) {
    %c0_i32 = arith.constant 0 : i32
    %c0_i32_0 = arith.constant 0 : i32
    %c0_i32_1 = arith.constant 0 : i32
    return %c0_i32, %c0_i32_0 : i32, i32
  }
  func.func @transform_3(%arg0: i32) -> (i32, i32) {
    %c0_i32 = arith.constant 0 : i32
    %c0_i32_0 = arith.constant 0 : i32
    %c0_i32_1 = arith.constant 0 : i32
    return %c0_i32, %c0_i32_0 : i32, i32
  }
  func.func @transform_4(%arg0: i32) -> (i32, i32) {
    %c0_i32 = arith.constant 0 : i32
    %c0_i32_0 = arith.constant 0 : i32
    %c0_i32_1 = arith.constant 0 : i32
    return %c0_i32, %c0_i32_0 : i32, i32
  }
}

</mosaic_0001>

<sc_bundles>
// kernel: closed_call.27.cloned.1.call-start
scs
__scs_entry_jumppad:
0x0: {  	(pc) =	sbr.rel $0x88, $3  }
0x1: {  	(tag) =	ssettag $0x0;
	lr =	simm.s32 $0x1  }
0x2: {  	[smem:$0x3F8E] =	sst lr;
	_ =	strace $0xD0000000  }
0x3: {  	_ = 	snop  }
0x4: {  	_ = 	snop  }
0x5: {  	_ = 	snop  }
0x6: {  	_ = 	snop  }
0x7: {  	_ = 	snop  }
__scs_overlays_trampoline_lowered:
0x8: {  	[smem:$0x3F9D] =	sst s0  }
0x9: {  	[smem:$0x3F9E] =	sst s1  }
0xa: {  	[smem:$0x3F9F] =	sst s2  }
0xb: {  	[smem:$0x3FA0] =	sst s3  }
0xc: {  	[smem:$0x3FA1] =	sst s4  }
0xd: {  	[smem:$0x3FA2] =	sst s5  }
0xe: {  	[smem:$0x3FA3] =	sst s6  }
0xf: {  	[smem:$0x3FA4] =	sst s7  }
0x10: {  	[smem:$0x3FA5] =	sst s8  }
0x11: {  	[smem:$0x3FA6] =	sst s9;
	s0 =	simm.s32 @!p0 $0x0  }
0x12: {  	s1 =	sld [smem:$0x3F8C];
	s0 =	simm.s32 @p0 $0x1  }
0x13: {  	[smem:$0x3FA7] =	sst s0;
	s0 =	simm.s32 @!p1 $0x0  }
0x14: {  	s2 =	sld [smem:$0x3F8B];
	s0 =	simm.s32 @p1 $0x1  }
0x15: {  	[smem:$0x3FA8] =	sst s0;
	s0 =	simm.s32 @!p2 $0x0  }
0x16: {  	s3 =	sld [smem:$0x3FDB];
	s0 =	simm.s32 @p2 $0x1  }
0x17: {  	s4 =	simm.s32 $0x1BF5;
	[smem:$0x3FAA] =	sst s0  }
0x18: {  	s0 =	sld [smem:$0x3F8D];
	_ =	swait.ge [sflag:s4], $0x0  }
0x19: {  	s7 =	sld [smem:$0x3F8E]  }
0x1a: {  	s8 =	sadd.s32 $0xFFFFE003, lr  }
0x1b: {  	s9 =	sadd.s32 $0xFFFFFEF7, lr;
	s5 =	simm.s32 $0xFFFFFFFF;
	p2 =	slt.u32 s8, $0xFFFFF086  }
0x1c: {  	p1 =	slt.u32 s9, $0xF7A;
	s5 =	simm.s32 @!p2 $0x0  }
0x1d: {  	s5 =	simm.s32 @p1 $0x1;
	p0 =	seq.s32 s7, s2  }
0x1e: {  	s7 =	smul.u32 @!p0 $0xF7A, s2;
	p2 =	seq.s32 @!p0 s5, $0x0  }
0x1f: {  	s9 =	smul.u32 $0xF7A, s1;
	s8 =	simm.s32 @!p0 $0x1BF5;
	p2 =	por !p2, p0  }
0x20: {  	[sflag:s8] =	ssyncset.s32 @!p0 $0xFFFFF086;
	s6 =	sadd.s32 @!p0 s3, s7;
	s7 =	simm.s32 @!p0 $0x108  }
0x21: {  	s3 =	sadd.s32 s3, s9;
	s6 =	sadd.s32 @!p0 $0x88, s6;
	s7 =	simm.s32 @p2 $0x1082  }
0x22: {  	[simem:s7], [sflag:s8] =	dma.local @!p0 [hbm:s6], $0xF7A  }
0x23: {  	s9 =	sor.u32 $0xD0000000, s2;
	s6 =	simm.s32 $0x108;
	_ =	swait.ge @!p0 [sflag:s8], $0x0  }
0x24: {  	s3 =	sadd.s32 $0x88, s3;
	s6 =	simm.s32 @!p1 $0x1082;
	[sflag:s4] =	ssyncset.s32 $0xFFFFF086  }
0x25: {  	[simem:s6], [sflag:s4] =	dma.local [hbm:s3], $0xF7A  }
0x26: {  	[smem:$0x3F8E] =	sst s1;
	(tag) =	ssettag s2;
	_ =	strace s9  }
0x27: {  	s1 =	sld [smem:$0x3F9E]  }
0x28: {  	s2 =	sld [smem:$0x3F9F]  }
0x29: {  	s4 =	sld [smem:$0x3FA1]  }
0x2a: {  	p0 =	seq.s32 s5, $0x0;
	s5 =	sld [smem:$0x3FA2]  }
0x2b: {  	s6 =	sld [smem:$0x3FA3]  }
0x2c: {  	s7 =	sld [smem:$0x3FA4]  }
0x2d: {  	s3 =	simm.s32 $0x108;
	s8 =	sld [smem:$0x3FA5]  }
0x2e: {  	s3 =	simm.s32 @!p0 $0x1082;
	s9 =	sld [smem:$0x3FA6]  }
0x2f: {  	lr =	sadd.s32 s0, s3;
	s0 =	sld [smem:$0x3F9D]  }
0x30: {  	s3 =	sld [smem:$0x3FA0]  }
0x31: {  	[smem:$0x3FA9] =	sst s10  }
0x32: {  	s10 =	sld [smem:$0x3FA7];
	_ =	sdelay $0x3  }
0x33: {  	p0 =	seq.s32 s10, $0x1;
	s10 =	sld [smem:$0x3FA9];
	_ =	sdelay $0x3  }
0x34: {  	[smem:$0x3FA9] =	sst s10  }
0x35: {  	s10 =	sld [smem:$0x3FA8];
	_ =	sdelay $0x3  }
0x36: {  	p1 =	seq.s32 s10, $0x1;
	s10 =	sld [smem:$0x3FA9];
	_ =	sdelay $0x3  }
0x37: {  	[smem:$0x3FA9] =	sst s10  }
0x38: {  	s10 =	sld [smem:$0x3FAA]  }
0x39: {  	_ = 	snop;
	(pc) =	sbr.ind lr, $3  }
0x3a: {  	_ = 	snop  }
0x3b: {  	_ = 	snop  }
0x3c: {  	p2 =	seq.s32 s10, $0x1;
	s10 =	sld [smem:$0x3FA9]  }
0x3d: {  	_ =	shalt  }
0x3e: {  	_ =	shalt  }
0x3f: {  	_ =	shalt  }
0x40: {  	_ =	shalt  }
0x41: {  	_ =	shalt  }
0x42: {  	_ =	shalt  }
0x43: {  	_ =	shalt  }
0x44: {  	_ =	shalt  }
0x45: {  	_ =	shalt  }
0x46: {  	_ =	shalt  }
0x47: {  	_ =	shalt  }
0x48: {  	_ =	shalt  }
0x49: {  	_ =	shalt  }
0x4a: {  	_ =	shalt  }
0x4b: {  	_ =	shalt  }
0x4c: {  	_ =	shalt  }
0x4d: {  	_ =	shalt  }
0x4e: {  	_ =	shalt  }
0x4f: {  	_ =	shalt  }
0x50: {  	_ =	shalt  }
0x51: {  	_ =	shalt  }
0x52: {  	_ =	shalt  }
0x53: {  	_ =	shalt  }
0x54: {  	_ =	shalt  }
0x55: {  	_ =	shalt  }
0x56: {  	_ =	shalt  }
0x57: {  	_ =	shalt  }
0x58: {  	_ =	shalt  }
0x59: {  	_ =	shalt  }
0x5a: {  	_ =	shalt  }
0x5b: {  	_ =	shalt  }
0x5c: {  	_ =	shalt  }
0x5d: {  	_ =	shalt  }
0x5e: {  	_ =	shalt  }
0x5f: {  	_ =	shalt  }
0x60: {  	_ =	shalt  }
0x61: {  	_ =	shalt  }
0x62: {  	_ =	shalt  }
0x63: {  	_ =	shalt  }
0x64: {  	_ =	shalt  }
0x65: {  	_ =	shalt  }
0x66: {  	_ =	shalt  }
0x67: {  	_ =	shalt  }
0x68: {  	_ =	shalt  }
0x69: {  	_ =	shalt  }
0x6a: {  	_ =	shalt  }
0x6b: {  	_ =	shalt  }
0x6c: {  	_ =	shalt  }
0x6d: {  	_ =	shalt  }
0x6e: {  	_ =	shalt  }
0x6f: {  	_ =	shalt  }
0x70: {  	_ =	shalt  }
0x71: {  	_ =	shalt  }
0x72: {  	_ =	shalt  }
0x73: {  	_ =	shalt  }
0x74: {  	_ =	shalt  }
0x75: {  	_ =	shalt  }
0x76: {  	_ =	shalt  }
0x77: {  	_ =	shalt  }
0x78: {  	_ =	shalt  }
0x79: {  	_ =	shalt  }
0x7a: {  	_ =	shalt  }
0x7b: {  	_ =	shalt  }
0x7c: {  	_ =	shalt  }
0x7d: {  	_ =	shalt  }
0x7e: {  	_ =	shalt  }
0x7f: {  	_ =	shalt  }
0x80: {  	_ =	shalt  }
0x81: {  	_ =	shalt  }
0x82: {  	_ =	shalt  }
0x83: {  	_ =	shalt  }
0x84: {  	_ =	shalt  }
0x85: {  	_ =	shalt  }
0x86: {  	_ =	shalt  }
0x87: {  	_ =	shalt  }
.Lfunc_end0:
.L_simem_size_0:
called_computation.1_lowered:
.L_overlay_start_0:
0x88: {  	s2 =	sld [smem:$0x3FD9]  }
0x89: {  	s3 =	sld [smem:$0x3FFE];
	_ =	sdelay $0x1  }
0x8a: {  	s1 =	srdreg.scid  }
0x8b: {  	s0 =	sand.u32 $0x1, s1  }
0x8c: {  	s17 =	sshll.u32 s0, $0xA;
	s2 =	sadd.s32 s3, s2  }
0x8d: {  	s2 =	sadd.s32 s2, s17  }
0x8e: {  	[smem:$0x3FB5] =	sst s2  }
0x8f: {  	_ = 	snop  }
0x90: {  	s2 =	sld [smem:$0x3FD0];
	(tm) =	ssettm $0x1  }
0x91: {  	s18 =	sld [smem:$0x3FFB];
	_ =	sdelay $0x3  }
0x92: {  	_ =	strace s18  }
0x93: {  	s3 =	sld [smem:$0x3FFC];
	_ =	sdelay $0x3  }
0x94: {  	_ =	strace s3  }
0x95: {  	s3 =	sld [smem:$0x3FFD];
	_ =	sdelay $0x3  }
0x96: {  	_ =	strace s3  }
0x97: {  	_ =	strace $0x8FFFFFFF  }
0x98: {  	s19 =	sld [smem:$0x3FDB];
	_ =	sdelay $0x1  }
0x99: {  	s4 =	simm.s32 $_scs_section_size  }
0x9a: {  	s5 =	simm.s32 $_size__tile_overlayer_lowered;
	s6 =	simm.s32 $_tile_overlayer_lowered  }
0x9b: {  	s22 =	simm.s32 $0x1BFF;
	s21 =	sshll.u32 s6, $0x1;
	s3 =	sadd.s32 s4, s19  }
0x9c: {  	s7 =	simm.s32 $0x0;
	s20 =	sshll.u32 s5, $0x1;
	s5 =	sadd.s32 s21, s3  }
0x9d: {  	[timem:s7], [sflag:s22] =	dma.local [hbm:s5], s20  }
0x9e: {  	_ =	swait.ge [sflag:s22], s20  }
0x9f: {  	s4 =	ssub.s32 $0x0, s20;
	[sflag:s22] =	ssyncset.done $0x0  }
0xa0: {  	[sflag:s22] =	ssyncadd.s32 s4;
	_ =	sdelay $0x1  }
0xa1: {  	s23 =	simm.s32 $0x1B8B  }
0xa2: {  	_ =	swait.ge [sflag:s23], $0x1  }
0xa3: {  	[sflag:s23] =	ssyncset.done $0x0  }
0xa4: {  	s25 =	simm.s32 $0x1B8E;
	s24 =	sld [smem:$0x3FFE];
	[sflag:s23] =	ssyncadd.s32 $0xFFFFFFFF  }
0xa5: {  	s26 =	simm.s32 $execute0_lowered;
	[smem:$0x3FD2] =	sst s25  }
0xa6: {  	s5 =	sshll.u32 s26, $0x1;
	_ =	strace $0x8000004C;
	[dreg:$0x1] =	wrdreg $0xFFFFFFFF  }
0xa7: {  	s28 =	simm.s32 $_size_execute0_lowered;
	s3 =	sadd.s32 s3, s5;
	[dreg:$0x0] =	wrdreg $0x0  }
0xa8: {  	s5 =	sshll.u32 s28, $0x1;
	[dreg:$0x2] =	wrdreg s3  }
0xa9: {  	[dreg:$0x3] =	wrdreg s5  }
0xaa: {  	[dreg:$0x4] =	wrdreg $0xC0  }
0xab: {  	_ =	task [dreg:s7], $0x5FFFF  }
0xac: {  	[dreg:$0x1] =	wrdreg $0xFFFFFFFF  }
0xad: {  	[dreg:$0x0] =	wrdreg $0x60  }
0xae: {  	[dreg:$0x2] =	wrdreg s24  }
0xaf: {  	[dreg:$0x3] =	wrdreg s2  }
0xb0: {  	[dreg:$0x4] =	wrdreg $0x9  }
0xb1: {  	_ =	task.clear_ibuf [dreg:s7], $0x5FFFF;
	_ =	strace $0x9000004C  }
0xb2: {  	s29 =	simm.s32 $0x9;
	_ =	strace $0x8000004E  }
0xb3: {  	_ =	swait.ge [sflag:s29], $0x1  }
0xb4: {  	[sflag:s29] =	ssyncadd.s32 $0xFFFFFFFF  }
0xb5: {  	_ =	strace $0x9000004E  }
0xb6: {  	_ =	sfence  }
0xb7: {  	s30 =	sld [smem:$0x0];
	_ =	sdelay $0x2  }
0xb8: {  	s31 =	sshll.u32 s1, $0xD;
	s1 =	sshrl.u32 s1, $0x2  }
0xb9: {  	s3 =	sand.u32 $0x4000, s31;
	s1 =	sadd.s32 s1, s30  }
0xba: {  	s0 =	sor.u32 s3, s0;
	s1 =	sshll.u32 s1, $0x11  }
0xbb: {  	s0 =	sor.u32 s1, s0  }
0xbc: {  	s0 =	sadd.s32 $0x8F2B, s0  }
0xbd: {  	[sflag:s0] =	ssyncadd.remote.s32 $0x1  }
0xbe: {  	_ =	sfence.sel $0xFFFF  }
0xbf: {  	[dreg:$0x0] =	wrdreg $0xFFFFFFFF;
	(pc) =	sbr.abs _section_cstart, $3  }
0xc0: {  	[dreg:$0x1] =	wrdreg $0xFFFFFFFF  }
0xc1: {  	_ =	task.clear_ibuf [dreg:s7], $0x2FFFF;
	_ =	strace $0x9FFFFFFF  }
0xc2: {  	(tm) =	ssettm $0x7FFFFFFF  }
0xc3: {  	_ =	shalt  }
tec
execute0_lowered:
.L_overlay_start_1:
0x0: {  	(tag) =	ssettag $0x1  }
0x1: {  	s11 =	rddreg [dreg:$0x0]  }
0x2: {  	s1 =	rddreg [dreg:$0x1]  }
0x3: {  	s0 =	rddreg [dreg:$0x2];
	s2 =	simm.s32 $0x0  }
0x4: {  	s3 =	srdreg.scid;
	s15 =	simm.s32 $0x2;
	s16 =	simm.s32 $0x11000  }
0x5: {  	s17 =	simm.s32 $0x800;
	s18 =	simm.s32 $0x1000;
	s20 =	simm.s32 $0x1  }
0x6: {  	s21 =	simm.s32 $0x0;
	[smem:$0x7FF] =	sst s2;
	s4 =	sadd.s32 $0x376000, s11  }
0x7: {  	s5 =	sadd.s32 $0x3A8000, s11;
	s12 =	sand.u32 $0x1, s3;
	s6 =	sadd.s32 $0x1EC8E00, s11  }
0x8: {  	s3 =	stileid.u32;
	s7 =	sadd.s32 $0x1E000, s11;
	s19 =	smul.u32 $0xC800, s12  }
0x9: {  	s9 =	sadd.s32 $0x5000, s11;
	s13 =	ssub.s32 $0x2, s12;
	s8 =	smul.u32 $0xC800, s3  }
0xa: {  	s11 =	sadd.s32 $0x2B48E00, s11;
	s10 =	smul.u32 $0x6400000, s12;
	s14 =	sshrl.u32 s13, $0x1  }
0xb: {  	_ =	strace $0x8000004D;
	s12 =	smul.u32 $0x1900000, s12;
	s13 =	ssub.s32 s13, s14  }
0xc: {  	v1 =	vimm.bf16 $0.0e+00;
	s14 =	simm.s32 $0x19000;
	v0 =	vmov s19;
	s19 =	simm.s32 $0x9000;
	s13 =	smax.u32 s13, $0x1  }
.LBB2_1:
0xd: {  	[tilespmem:s14], [sflag:$0x2] =	stream.linear.gather [hbm4b:s1+s2], $0x10, $0x38;
	[tilespmem:$0x19010] =	vst v63  }
0xe: {  	_ =	swait.ge [sflag:s15], $0x10  }
0xf: {  	[sflag:s15] =	ssyncset.done $0x0  }
0x10: {  	[sflag:s15] =	ssyncadd.s32 $0xFFFFFFF0  }
0x11: {  	v2 =	vld [tilespmem:$0x19000];
	_ =	sdelay $0x4  }
0x12: {  	(xrf0) =	vadd.scan.msk.s32 $0xffff, v2;
	_ =	sdelay $0x5  }
0x13: {  	v2, _, _ =	vpop (xrf0)  }
0x14: {  	(v2sf) =	vpush v2, $0xF;
	_ =	sdelay $0xe  }
0x15: {  	s22 =	spop (v2sf)  }
0x16: {  	s22 =	smul.u32 $0x1900000, s22;
	_ =	sdelay $0x1  }
0x17: {  	s23 =	simm.s32 $0x0;
	s22 =	sadd.s32 s10, s22  }
.LBB2_2:
0x18: {  	s24 =	sshll.u32 s23, $0xB  }
0x19: {  	s25 =	sadd.s32 s8, s24  }
0x1a: {  	s24 =	sshll.u32 s25, $0x5  }
0x1b: {  	s26 =	sadd.s32 s24, s22  }
0x1c: {  	s26 =	sshrl.u32 s26, $0x4  }
0x1d: {  	s28 =	simm.s32 $0x0;
	s25 =	sshrl.u32 s25, $0x3;
	s26 =	sadd.s32 s6, s26  }
0x1e: {  	[tilespmem:s16], [sflag:$0x1] =	stream.linear.gather [hbm4b:s26+s28], $0x8000, $0x38;
	[tilespmem:$0x19010] =	vst v63  }
0x1f: {  	s31 =	sadd.s32 s7, s25  }
0x20: {  	[tilespmem:s28], [sflag:$0x2] =	stream.linear.gather [hbm4b:s31+s28], $0x800, $0x38;
	[tilespmem:$0x19010] =	vst v63  }
0x21: {  	_ =	swait.ge [sflag:s15], $0x800  }
0x22: {  	[sflag:s15] =	ssyncset.done $0x0  }
0x23: {  	s25 =	sadd.s32 s9, s25;
	[sflag:s15] =	ssyncadd.s32 $0xFFFFF800  }
0x24: {  	[tilespmem:s17], [sflag:$0x2] =	stream.linear.gather [hbm4b:s25+s28], $0x800, $0x38;
	[tilespmem:$0x19010] =	vst v63  }
0x25: {  	_ =	swait.ge [sflag:s15], $0x800  }
0x26: {  	[sflag:s15] =	ssyncset.done $0x0  }
0x27: {  	s25 =	simm.s32 $0x0;
	[sflag:s15] =	ssyncadd.s32 $0xFFFFF800  }
0x28: {  	s26 =	simm.s32 $0x40;
	v2 =	vld [tilespmem:s25+$0x0]  }
.LBB2_3:
0x29: {  	p0 =	sne.s32 s26, $0x1FC0;
	v3 =	vld [tilespmem:s25+$0x800];
	_ =	sdelay $0x1  }
.Ltmp0:
0x2a: {  	(pc) =	sbr.rel @p0 .LBB2_3-.Ltmp0, $4  }
0x2b: {  	_ = 	snop  }
0x2c: {  	v2 =	vadd.s32 v0, v2  }
0x2d: {  	s28 =	sshra.s32 s26, $0x2;
	[tilespmem:s25+$0x0] =	vst v2;
	v3 =	vadd.s32 v0, v3  }
0x2e: {  	s26 =	sadd.s32 $0x40, s26;
	v2 =	vld [tilespmem:s28+$0x0];
	[tilespmem:s25+$0x800] =	vst v3;
	s25 =	smov.u32 s28  }
0x2f: {  	v3 =	vld [tilespmem:s25+$0x800];
	_ =	sdelay $0x3  }
0x30: {  	v2 =	vadd.s32 v0, v2  }
0x31: {  	[tilespmem:s25+$0x0] =	vst v2;
	v2 =	vadd.s32 v0, v3  }
0x32: {  	s31 =	simm.s32 $0x0;
	[tilespmem:s25+$0x800] =	vst v2  }
0x33: {  	[tilespmem:s18], [sflag:$0x1] =	stream.indirect.gather [hbm4b:s4+s17], $0x10, s31, s17, $0xb8;
	[tilespmem:$0x19010] =	vst v63  }
0x34: {  	_ = 	snop  }
0x35: {  	[tilespmem:s19], [sflag:$0x1] =	stream.indirect.gather [hbm4b:s5+s17], $0x10, s17, s17, $0xb8;
	[tilespmem:$0x19010] =	vst v63  }
0x36: {  	_ =	swait.ge [sflag:s20], $0x8000  }
0x37: {  	[sflag:s20] =	ssyncset.done $0x0  }
0x38: {  	[sflag:s20] =	ssyncadd.s32 $0xFFFF8000  }
0x39: {  	_ =	swait.ge [sflag:s20], $0x8000  }
0x3a: {  	[sflag:s20] =	ssyncset.done $0x0  }
0x3b: {  	[sflag:s20] =	ssyncadd.s32 $0xFFFF8000  }
0x3c: {  	_ =	swait.ge [sflag:s20], $0x8000  }
0x3d: {  	[sflag:s20] =	ssyncset.done $0x0  }
0x3e: {  	s25 =	simm.s32 $0x0;
	[sflag:s20] =	ssyncadd.s32 $0xFFFF8000  }
0x3f: {  	v6 =	vld [tilespmem:s25+$0x11000]  }
0x40: {  	v7 =	vld [tilespmem:s25+$0x11010]  }
0x41: {  	v5 =	vld [tilespmem:s25+$0x11020]  }
0x42: {  	v4 =	vld [tilespmem:s25+$0x11030]  }
0x43: {  	v3 =	vld [tilespmem:s25+$0x11040]  }
0x44: {  	v2 =	vld [tilespmem:s25+$0x11050]  }
0x45: {  	v14 =	vld [tilespmem:s25+$0x9000]  }
0x46: {  	v19 =	vld [tilespmem:s25+$0x9010]  }
0x47: {  	v13 =	vld [tilespmem:s25+$0x9020]  }
0x48: {  	v12 =	vld [tilespmem:s25+$0x9030]  }
0x49: {  	v11 =	vld [tilespmem:s25+$0x9040]  }
0x4a: {  	v10 =	vld [tilespmem:s25+$0x9050]  }
0x4b: {  	v9 =	vld [tilespmem:s25+$0x9060]  }
0x4c: {  	v8 =	vld [tilespmem:s25+$0x9070]  }
0x4d: {  	v20 =	vld [tilespmem:s25+$0x1000]  }
0x4e: {  	v21 =	vld [tilespmem:s25+$0x1010]  }
0x4f: {  	v18 =	vld [tilespmem:s25+$0x1020]  }
0x50: {  	v17 =	vld [tilespmem:s25+$0x1030]  }
0x51: {  	v16 =	vld [tilespmem:s25+$0x1040]  }
0x52: {  	v15 =	vld [tilespmem:s25+$0x1050];
	v20 =	vadd.bf16 v14, v20  }
0x53: {  	s26 =	simm.s32 $0x200;
	v19 =	vadd.bf16 v19, v21;
	v14 =	vld [tilespmem:s25+$0x1060]  }
.LBB2_5:
0x54: {  	p0 =	sne.s32 s26, $0x1FE00;
	v6 =	vadd.bf16 v6, v20;
	v13 =	vadd.bf16 v13, v18;
	v18 =	vld [tilespmem:s25+$0x1070]  }
0x55: {  	v7 =	vadd.bf16 v7, v19;
	v12 =	vadd.bf16 v12, v17;
	v17 =	vld [tilespmem:s25+$0x11060]  }
0x56: {  	s28 =	sshra.s32 s26, $0x2;
	v19 =	vmax.bf16 v6, v1;
	v5 =	vadd.bf16 v5, v13;
	v11 =	vadd.bf16 v11, v16;
	v13 =	vld [tilespmem:s25+$0x11070]  }
0x57: {  	v6 =	vld [tilespmem:s28+$0x11000];
	[tilespmem:s25+$0x1000] =	vst v19;
	v16 =	vmax.bf16 v7, v1;
	v4 =	vadd.bf16 v4, v12;
	v10 =	vadd.bf16 v10, v15  }
0x58: {  	v7 =	vld [tilespmem:s28+$0x11010];
	[tilespmem:s25+$0x1010] =	vst v16;
	v12 =	vmax.bf16 v5, v1;
	v3 =	vadd.bf16 v3, v11;
	v9 =	vadd.bf16 v9, v14  }
0x59: {  	v5 =	vld [tilespmem:s28+$0x11020];
	[tilespmem:s25+$0x1020] =	vst v12;
	v11 =	vmax.bf16 v4, v1;
	v2 =	vadd.bf16 v2, v10;
	v8 =	vadd.bf16 v8, v18  }
0x5a: {  	v4 =	vld [tilespmem:s28+$0x11030];
	[tilespmem:s25+$0x1030] =	vst v11;
	v10 =	vmax.bf16 v3, v1;
	v9 =	vadd.bf16 v17, v9  }
0x5b: {  	v3 =	vld [tilespmem:s28+$0x11040];
	[tilespmem:s25+$0x1040] =	vst v10;
	v10 =	vmax.bf16 v2, v1;
	v8 =	vadd.bf16 v13, v8  }
0x5c: {  	v2 =	vld [tilespmem:s28+$0x11050];
	[tilespmem:s25+$0x1050] =	vst v10;
	v9 =	vmax.bf16 v9, v1  }
0x5d: {  	v14 =	vld [tilespmem:s28+$0x9000];
	[tilespmem:s25+$0x1060] =	vst v9;
	v8 =	vmax.bf16 v8, v1  }
0x5e: {  	v19 =	vld [tilespmem:s28+$0x9010];
	[tilespmem:s25+$0x1070] =	vst v8;
	s25 =	smov.u32 s28  }
0x5f: {  	v13 =	vld [tilespmem:s25+$0x9020]  }
0x60: {  	v12 =	vld [tilespmem:s25+$0x9030]  }
0x61: {  	v11 =	vld [tilespmem:s25+$0x9040]  }
0x62: {  	v10 =	vld [tilespmem:s25+$0x9050]  }
0x63: {  	v9 =	vld [tilespmem:s25+$0x9060]  }
0x64: {  	v8 =	vld [tilespmem:s25+$0x9070]  }
0x65: {  	v15 =	vld [tilespmem:s25+$0x1000]  }
0x66: {  	v21 =	vld [tilespmem:s25+$0x1010]  }
.Ltmp1:
0x67: {  	v18 =	vld [tilespmem:s25+$0x1020];
	(pc) =	sbr.rel @p0 .LBB2_5-.Ltmp1, $4  }
0x68: {  	v17 =	vld [tilespmem:s25+$0x1030]  }
0x69: {  	v16 =	vld [tilespmem:s25+$0x1040]  }
0x6a: {  	v20 =	vadd.bf16 v14, v15;
	v15 =	vld [tilespmem:s25+$0x1050]  }
0x6b: {  	s26 =	sadd.s32 $0x200, s26;
	v19 =	vadd.bf16 v19, v21;
	v14 =	vld [tilespmem:s25+$0x1060]  }
0x6c: {  	v6 =	vadd.bf16 v6, v20;
	v13 =	vadd.bf16 v13, v18;
	v56 =	vld [tilespmem:s25+$0x1070]  }
0x6d: {  	v57 =	vld [tilespmem:s25+$0x11060];
	v7 =	vadd.bf16 v7, v19;
	v12 =	vadd.bf16 v12, v17  }
0x6e: {  	v58 =	vld [tilespmem:s25+$0x11070];
	v6 =	vmax.bf16 v6, v1;
	v5 =	vadd.bf16 v5, v13;
	v11 =	vadd.bf16 v11, v16  }
0x6f: {  	[tilespmem:s25+$0x1000] =	vst v6;
	v59 =	vmax.bf16 v7, v1;
	v4 =	vadd.bf16 v4, v12;
	v60 =	vadd.bf16 v10, v15  }
0x70: {  	[tilespmem:s25+$0x1010] =	vst v59;
	v5 =	vmax.bf16 v5, v1;
	v3 =	vadd.bf16 v3, v11;
	v61 =	vadd.bf16 v9, v14  }
0x71: {  	[tilespmem:s25+$0x1020] =	vst v5;
	v4 =	vmax.bf16 v4, v1;
	v2 =	vadd.bf16 v2, v60;
	v62 =	vadd.bf16 v8, v56  }
0x72: {  	[tilespmem:s25+$0x1030] =	vst v4;
	v3 =	vmax.bf16 v3, v1;
	v63 =	vadd.bf16 v57, v61  }
0x73: {  	[tilespmem:s25+$0x1040] =	vst v3;
	v2 =	vmax.bf16 v2, v1;
	v3 =	vadd.bf16 v58, v62  }
0x74: {  	s24 =	sadd.s32 s12, s24;
	s23 =	sadd.s32 $0x1, s23;
	[tilespmem:s25+$0x1050] =	vst v2;
	v2 =	vmax.bf16 v63, v1  }
0x75: {  	s24 =	sshrl.u32 s24, $0x4;
	p0 =	sne.s32 s23, $0x19;
	[tilespmem:s25+$0x1060] =	vst v2;
	v2 =	vmax.bf16 v3, v1  }
.Ltmp2:
0x76: {  	s24 =	sadd.s32 s11, s24;
	[tilespmem:s25+$0x1070] =	vst v2;
	(pc) =	sbr.rel @p0 .LBB2_2-.Ltmp2, $4  }
0x77: {  	[hbm4b:s24+s2] =	stream.linear.scatter [tilespmem:s18], [sflag:$0x2], $0x8000, $0x38;
	[tilespmem:$0x19010] =	vst v63  }
0x78: {  	_ =	swait.ge [sflag:s15], $0x8000  }
0x79: {  	[sflag:s15] =	ssyncset.done $0x0  }
0x7a: {  	[sflag:s15] =	ssyncadd.s32 $0xFFFF8000  }
0x7b: {  	s21 =	sadd.s32 $0x1, s21  }
0x7c: {  	p0 =	sne.s32 s21, s13  }
.Ltmp3:
0x7d: {  	_ = 	snop;
	(pc) =	sbr.rel @p0 .LBB2_1-.Ltmp3, $1  }
0x7e: {  	_ =	sdelay $0x3  }
0x7f: {  	_ =	sfence.sel $0x180000  }
0x80: {  	[bflag:$0x0] =	sbarrier.arrive $0xFFFF  }
0x81: {  	p0 =	sne.s32 s3, $0x0;
	_ =	strace $0x9000004D  }
0x82: {  	s0 =	sadd.s32 @!p0 $0x100000, s0;
	[bflag:$0x2] =	sbarrier.arrive $0xFFFF  }
0x83: {  	[sflag:s0] =	ssyncadd.tile.s32 @!p0 $0x1;
	_ =	shalt  }
.Lfunc_end2:
_tile_overlayer_lowered:
.L_overlay_start_2:
0x84: {  	(tag) =	ssettag $0x2  }
0x85: {  	s0 =	rddreg [dreg:$0x0];
	s2 =	stileid.u32  }
0x86: {  	s1 =	rddreg [dreg:$0x1];
	p0 =	sne.s32 s2, $0x0  }
0x87: {  	s3 =	rddreg [dreg:$0x2];
	[bflag:$0x3] =	sbarrier.arrive $0xFFFF;
	s2 =	simm.s32 @!p0 $0x1C02  }
0x88: {  	[timem:s3], [sflag:s2] =	dma.local @!p0 [hbm:s0], s1  }
0x89: {  	s0 =	simm.s32 @!p0 $0x2  }
0x8a: {  	_ =	swait.ge @!p0 [sflag:s0], s1  }
0x8b: {  	s1 =	ssub.s32 @!p0 $0x0, s1;
	[sflag:s0] =	ssyncset.done @!p0 $0x0  }
0x8c: {  	[sflag:s0] =	ssyncadd.s32 @!p0 s1  }
0x8d: {  	[bflag:$0x3] =	sbarrier.arrive $0xFFFF  }
0x8e: {  	_ =	shalt  }

// kernel: closed_call.30.cloned.1.call-start
scs
__scs_entry_jumppad:
0x0: {  	(pc) =	sbr.rel $0x88, $3  }
0x1: {  	(tag) =	ssettag $0x0;
	lr =	simm.s32 $0x1  }
0x2: {  	[smem:$0x3F8E] =	sst lr;
	_ =	strace $0xD0000000  }
0x3: {  	_ = 	snop  }
0x4: {  	_ = 	snop  }
0x5: {  	_ = 	snop  }
0x6: {  	_ = 	snop  }
0x7: {  	_ = 	snop  }
__scs_overlays_trampoline_lowered:
0x8: {  	[smem:$0x3F9D] =	sst s0  }
0x9: {  	[smem:$0x3F9E] =	sst s1  }
0xa: {  	[smem:$0x3F9F] =	sst s2  }
0xb: {  	[smem:$0x3FA0] =	sst s3  }
0xc: {  	[smem:$0x3FA1] =	sst s4  }
0xd: {  	[smem:$0x3FA2] =	sst s5  }
0xe: {  	[smem:$0x3FA3] =	sst s6  }
0xf: {  	[smem:$0x3FA4] =	sst s7  }
0x10: {  	[smem:$0x3FA5] =	sst s8  }
0x11: {  	[smem:$0x3FA6] =	sst s9;
	s0 =	simm.s32 @!p0 $0x0  }
0x12: {  	s1 =	sld [smem:$0x3F8C];
	s0 =	simm.s32 @p0 $0x1  }
0x13: {  	[smem:$0x3FA7] =	sst s0;
	s0 =	simm.s32 @!p1 $0x0  }
0x14: {  	s2 =	sld [smem:$0x3F8B];
	s0 =	simm.s32 @p1 $0x1  }
0x15: {  	[smem:$0x3FA8] =	sst s0;
	s0 =	simm.s32 @!p2 $0x0  }
0x16: {  	s3 =	sld [smem:$0x3FDB];
	s0 =	simm.s32 @p2 $0x1  }
0x17: {  	s4 =	simm.s32 $0x1BF5;
	[smem:$0x3FAA] =	sst s0  }
0x18: {  	s0 =	sld [smem:$0x3F8D];
	_ =	swait.ge [sflag:s4], $0x0  }
0x19: {  	s7 =	sld [smem:$0x3F8E]  }
0x1a: {  	s8 =	sadd.s32 $0xFFFFE003, lr  }
0x1b: {  	s9 =	sadd.s32 $0xFFFFFEF7, lr;
	s5 =	simm.s32 $0xFFFFFFFF;
	p2 =	slt.u32 s8, $0xFFFFF086  }
0x1c: {  	p1 =	slt.u32 s9, $0xF7A;
	s5 =	simm.s32 @!p2 $0x0  }
0x1d: {  	s5 =	simm.s32 @p1 $0x1;
	p0 =	seq.s32 s7, s2  }
0x1e: {  	s7 =	smul.u32 @!p0 $0xF7A, s2;
	p2 =	seq.s32 @!p0 s5, $0x0  }
0x1f: {  	s9 =	smul.u32 $0xF7A, s1;
	s8 =	simm.s32 @!p0 $0x1BF5;
	p2 =	por !p2, p0  }
0x20: {  	[sflag:s8] =	ssyncset.s32 @!p0 $0xFFFFF086;
	s6 =	sadd.s32 @!p0 s3, s7;
	s7 =	simm.s32 @!p0 $0x108  }
0x21: {  	s3 =	sadd.s32 s3, s9;
	s6 =	sadd.s32 @!p0 $0x88, s6;
	s7 =	simm.s32 @p2 $0x1082  }
0x22: {  	[simem:s7], [sflag:s8] =	dma.local @!p0 [hbm:s6], $0xF7A  }
0x23: {  	s9 =	sor.u32 $0xD0000000, s2;
	s6 =	simm.s32 $0x108;
	_ =	swait.ge @!p0 [sflag:s8], $0x0  }
0x24: {  	s3 =	sadd.s32 $0x88, s3;
	s6 =	simm.s32 @!p1 $0x1082;
	[sflag:s4] =	ssyncset.s32 $0xFFFFF086  }
0x25: {  	[simem:s6], [sflag:s4] =	dma.local [hbm:s3], $0xF7A  }
0x26: {  	[smem:$0x3F8E] =	sst s1;
	(tag) =	ssettag s2;
	_ =	strace s9  }
0x27: {  	s1 =	sld [smem:$0x3F9E]  }
0x28: {  	s2 =	sld [smem:$0x3F9F]  }
0x29: {  	s4 =	sld [smem:$0x3FA1]  }
0x2a: {  	p0 =	seq.s32 s5, $0x0;
	s5 =	sld [smem:$0x3FA2]  }
0x2b: {  	s6 =	sld [smem:$0x3FA3]  }
0x2c: {  	s7 =	sld [smem:$0x3FA4]  }
0x2d: {  	s3 =	simm.s32 $0x108;
	s8 =	sld [smem:$0x3FA5]  }
0x2e: {  	s3 =	simm.s32 @!p0 $0x1082;
	s9 =	sld [smem:$0x3FA6]  }
0x2f: {  	lr =	sadd.s32 s0, s3;
	s0 =	sld [smem:$0x3F9D]  }
0x30: {  	s3 =	sld [smem:$0x3FA0]  }
0x31: {  	[smem:$0x3FA9] =	sst s10  }
0x32: {  	s10 =	sld [smem:$0x3FA7];
	_ =	sdelay $0x3  }
0x33: {  	p0 =	seq.s32 s10, $0x1;
	s10 =	sld [smem:$0x3FA9];
	_ =	sdelay $0x3  }
0x34: {  	[smem:$0x3FA9] =	sst s10  }
0x35: {  	s10 =	sld [smem:$0x3FA8];
	_ =	sdelay $0x3  }
0x36: {  	p1 =	seq.s32 s10, $0x1;
	s10 =	sld [smem:$0x3FA9];
	_ =	sdelay $0x3  }
0x37: {  	[smem:$0x3FA9] =	sst s10  }
0x38: {  	s10 =	sld [smem:$0x3FAA]  }
0x39: {  	_ = 	snop;
	(pc) =	sbr.ind lr, $3  }
0x3a: {  	_ = 	snop  }
0x3b: {  	_ = 	snop  }
0x3c: {  	p2 =	seq.s32 s10, $0x1;
	s10 =	sld [smem:$0x3FA9]  }
0x3d: {  	_ =	shalt  }
0x3e: {  	_ =	shalt  }
0x3f: {  	_ =	shalt  }
0x40: {  	_ =	shalt  }
0x41: {  	_ =	shalt  }
0x42: {  	_ =	shalt  }
0x43: {  	_ =	shalt  }
0x44: {  	_ =	shalt  }
0x45: {  	_ =	shalt  }
0x46: {  	_ =	shalt  }
0x47: {  	_ =	shalt  }
0x48: {  	_ =	shalt  }
0x49: {  	_ =	shalt  }
0x4a: {  	_ =	shalt  }
0x4b: {  	_ =	shalt  }
0x4c: {  	_ =	shalt  }
0x4d: {  	_ =	shalt  }
0x4e: {  	_ =	shalt  }
0x4f: {  	_ =	shalt  }
0x50: {  	_ =	shalt  }
0x51: {  	_ =	shalt  }
0x52: {  	_ =	shalt  }
0x53: {  	_ =	shalt  }
0x54: {  	_ =	shalt  }
0x55: {  	_ =	shalt  }
0x56: {  	_ =	shalt  }
0x57: {  	_ =	shalt  }
0x58: {  	_ =	shalt  }
0x59: {  	_ =	shalt  }
0x5a: {  	_ =	shalt  }
0x5b: {  	_ =	shalt  }
0x5c: {  	_ =	shalt  }
0x5d: {  	_ =	shalt  }
0x5e: {  	_ =	shalt  }
0x5f: {  	_ =	shalt  }
0x60: {  	_ =	shalt  }
0x61: {  	_ =	shalt  }
0x62: {  	_ =	shalt  }
0x63: {  	_ =	shalt  }
0x64: {  	_ =	shalt  }
0x65: {  	_ =	shalt  }
0x66: {  	_ =	shalt  }
0x67: {  	_ =	shalt  }
0x68: {  	_ =	shalt  }
0x69: {  	_ =	shalt  }
0x6a: {  	_ =	shalt  }
0x6b: {  	_ =	shalt  }
0x6c: {  	_ =	shalt  }
0x6d: {  	_ =	shalt  }
0x6e: {  	_ =	shalt  }
0x6f: {  	_ =	shalt  }
0x70: {  	_ =	shalt  }
0x71: {  	_ =	shalt  }
0x72: {  	_ =	shalt  }
0x73: {  	_ =	shalt  }
0x74: {  	_ =	shalt  }
0x75: {  	_ =	shalt  }
0x76: {  	_ =	shalt  }
0x77: {  	_ =	shalt  }
0x78: {  	_ =	shalt  }
0x79: {  	_ =	shalt  }
0x7a: {  	_ =	shalt  }
0x7b: {  	_ =	shalt  }
0x7c: {  	_ =	shalt  }
0x7d: {  	_ =	shalt  }
0x7e: {  	_ =	shalt  }
0x7f: {  	_ =	shalt  }
0x80: {  	_ =	shalt  }
0x81: {  	_ =	shalt  }
0x82: {  	_ =	shalt  }
0x83: {  	_ =	shalt  }
0x84: {  	_ =	shalt  }
0x85: {  	_ =	shalt  }
0x86: {  	_ =	shalt  }
0x87: {  	_ =	shalt  }
.Lfunc_end0:
.L_simem_size_0:
called_computation.2_lowered:
.L_overlay_start_0:
0x88: {  	s2 =	sld [smem:$0x3FD9]  }
0x89: {  	s3 =	sld [smem:$0x3FFE];
	_ =	sdelay $0x1  }
0x8a: {  	s1 =	srdreg.scid  }
0x8b: {  	s0 =	sand.u32 $0x1, s1  }
0x8c: {  	s16 =	sshll.u32 s0, $0xA;
	s2 =	sadd.s32 s3, s2  }
0x8d: {  	s2 =	sadd.s32 s2, s16  }
0x8e: {  	[smem:$0x3FB5] =	sst s2  }
0x8f: {  	_ = 	snop  }
0x90: {  	(tm) =	ssettm $0x1  }
0x91: {  	s17 =	sld [smem:$0x3FFB];
	_ =	sdelay $0x3  }
0x92: {  	_ =	strace s17  }
0x93: {  	s2 =	sld [smem:$0x3FFC];
	_ =	sdelay $0x3  }
0x94: {  	_ =	strace s2  }
0x95: {  	s2 =	sld [smem:$0x3FFD];
	_ =	sdelay $0x3  }
0x96: {  	_ =	strace s2  }
0x97: {  	_ =	strace $0x8FFFFFFF  }
0x98: {  	s18 =	sld [smem:$0x3FDB];
	_ =	sdelay $0x1  }
0x99: {  	s19 =	simm.s32 $_scs_section_size  }
0x9a: {  	s4 =	simm.s32 $_size__tile_overlayer_lowered;
	s5 =	simm.s32 $_tile_overlayer_lowered  }
0x9b: {  	s22 =	simm.s32 $0x1BFF;
	s21 =	sshll.u32 s5, $0x1;
	s2 =	sadd.s32 s19, s18  }
0x9c: {  	s6 =	simm.s32 $0x0;
	s20 =	sshll.u32 s4, $0x1;
	s4 =	sadd.s32 s21, s2  }
0x9d: {  	[timem:s6], [sflag:s22] =	dma.local [hbm:s4], s20  }
0x9e: {  	_ =	swait.ge [sflag:s22], s20  }
0x9f: {  	s3 =	ssub.s32 $0x0, s20;
	[sflag:s22] =	ssyncset.done $0x0  }
0xa0: {  	[sflag:s22] =	ssyncadd.s32 s3;
	_ =	sdelay $0x1  }
0xa1: {  	s23 =	simm.s32 $0x1B8B  }
0xa2: {  	_ =	swait.ge [sflag:s23], $0x1  }
0xa3: {  	[sflag:s23] =	ssyncset.done $0x0  }
0xa4: {  	s25 =	simm.s32 $0x1B8E;
	s24 =	sld [smem:$0x3FFE];
	[sflag:s23] =	ssyncadd.s32 $0xFFFFFFFF  }
0xa5: {  	s26 =	simm.s32 $execute0_lowered;
	[smem:$0x3FD2] =	sst s25  }
0xa6: {  	s4 =	sshll.u32 s26, $0x1;
	_ =	strace $0x8000004F;
	[dreg:$0x1] =	wrdreg $0xFFFFFFFF  }
0xa7: {  	s28 =	simm.s32 $_size_execute0_lowered;
	s2 =	sadd.s32 s2, s4;
	[dreg:$0x0] =	wrdreg $0x0  }
0xa8: {  	s4 =	sshll.u32 s28, $0x1;
	[dreg:$0x2] =	wrdreg s2  }
0xa9: {  	[dreg:$0x3] =	wrdreg s4  }
0xaa: {  	[dreg:$0x4] =	wrdreg $0xC0  }
0xab: {  	_ =	task [dreg:s6], $0x5FFFF  }
0xac: {  	[dreg:$0x1] =	wrdreg $0xFFFFFFFF  }
0xad: {  	[dreg:$0x0] =	wrdreg $0x60  }
0xae: {  	[dreg:$0x2] =	wrdreg s24  }
0xaf: {  	[dreg:$0x3] =	wrdreg $0xC2000  }
0xb0: {  	[dreg:$0x4] =	wrdreg $0x9  }
0xb1: {  	_ =	task.clear_ibuf [dreg:s6], $0x5FFFF;
	_ =	strace $0x9000004F  }
0xb2: {  	s29 =	simm.s32 $0x9;
	_ =	strace $0x80000051  }
0xb3: {  	_ =	swait.ge [sflag:s29], $0x1  }
0xb4: {  	[sflag:s29] =	ssyncadd.s32 $0xFFFFFFFF  }
0xb5: {  	_ =	strace $0x90000051  }
0xb6: {  	_ =	sfence  }
0xb7: {  	s30 =	sld [smem:$0x0];
	_ =	sdelay $0x2  }
0xb8: {  	s31 =	sshll.u32 s1, $0xD;
	s1 =	sshrl.u32 s1, $0x2  }
0xb9: {  	s3 =	sand.u32 $0x4000, s31;
	s1 =	sadd.s32 s1, s30  }
0xba: {  	s0 =	sor.u32 s3, s0;
	s1 =	sshll.u32 s1, $0x11  }
0xbb: {  	s0 =	sor.u32 s1, s0  }
0xbc: {  	s0 =	sadd.s32 $0x8F2B, s0  }
0xbd: {  	[sflag:s0] =	ssyncadd.remote.s32 $0x1  }
0xbe: {  	_ =	sfence.sel $0xFFFF  }
0xbf: {  	[dreg:$0x0] =	wrdreg $0xFFFFFFFF;
	(pc) =	sbr.abs _section_cstart, $3  }
0xc0: {  	[dreg:$0x1] =	wrdreg $0xFFFFFFFF  }
0xc1: {  	_ =	task.clear_ibuf [dreg:s6], $0x2FFFF;
	_ =	strace $0x9FFFFFFF  }
0xc2: {  	(tm) =	ssettm $0x7FFFFFFF  }
0xc3: {  	_ =	shalt  }
tec
execute0_lowered:
.L_overlay_start_1:
0x0: {  	(tag) =	ssettag $0x1  }
0x1: {  	s7 =	rddreg [dreg:$0x0];
	s1 =	srdreg.scid  }
0x2: {  	s0 =	stileid.u32;
	s2 =	rddreg [dreg:$0x1]  }
0x3: {  	s4 =	simm.s32 $0x0;
	s14 =	simm.s32 $0x2;
	s15 =	simm.s32 $0x1000  }
0x4: {  	s16 =	simm.s32 $0x1;
	s17 =	simm.s32 $0x800;
	s3 =	smul.u32 $0xC800, s0  }
0x5: {  	s9 =	sand.u32 $0x1, s1;
	s1 =	rddreg [dreg:$0x2];
	s10 =	smul.u32 $0x19000, s0  }
0x6: {  	[smem:$0x7FF] =	sst s4;
	s6 =	sadd.s32 $0x1E000, s7;
	s5 =	smul.u32 $0x190000, s9  }
0x7: {  	_ =	strace $0x80000050;
	s29 =	ssub.s32 $0x2, s9;
	s9 =	smul.u32 $0x1900000, s9  }
0x8: {  	s30 =	sshrl.u32 s10, $0x2;
	s31 =	sshrl.u32 s29, $0x1;
	s8 =	sadd.s32 s3, s5  }
0x9: {  	s12 =	sshrl.u32 s3, $0x1;
	s5 =	sadd.s32 $0x2B48E00, s7;
	s8 =	sshrl.u32 s8, $0x4  }
0xa: {  	s13 =	ssub.s32 s29, s31;
	s11 =	sadd.s32 s8, s7;
	s8 =	sadd.s32 s30, s2  }
0xb: {  	s7 =	sadd.s32 s12, s2;
	s12 =	smax.u32 s13, $0x1;
	s13 =	simm.s32 $0x9000  }
0xc: {  	v0 =	vimm.bf16 $0.0e+00;
	s8 =	sadd.s32 $0x3200, s8;
	s10 =	sadd.s32 $0x376000, s11;
	s11 =	sadd.s32 $0x382800, s11  }
.LBB2_1:
0xd: {  	s18 =	simm.s32 $0x40;
	s19 =	simm.s32 $0x0  }
.LBB2_2:
0xe: {  	p0 =	sne.s32 s18, $0xC7C0;
	[tilespmem:s19+$0x9000] =	vst v0;
	s19 =	smov.u32 s18;
	s18 =	sadd.s32 $0x40, s18  }
.Ltmp0:
0xf: {  	(pc) =	sbr.rel @p0 .LBB2_2-.Ltmp0, $2  }
0x10: {  	_ =	sdelay $0x2  }
0x11: {  	s19 =	sshra.s32 s19, $0x2  }
0x12: {  	[tilespmem:s19+$0x9000] =	vst v0  }
0x13: {  	[spmem:s7] =	stream.linear.scatter [tilespmem:s13], [sflag:$0x2], $0x3200, $0x38;
	[tilespmem:$0x12680] =	vst v63  }
0x14: {  	_ =	swait.ge [sflag:s14], $0x3200  }
0x15: {  	[sflag:s14] =	ssyncset.done $0x0  }
0x16: {  	[sflag:s14] =	ssyncadd.s32 $0xFFFFCE00  }
0x17: {  	[spmem:s8] =	stream.linear.scatter [tilespmem:s13], [sflag:$0x2], $0x3200, $0x38;
	[tilespmem:$0x12680] =	vst v63  }
0x18: {  	_ =	swait.ge [sflag:s14], $0x3200  }
0x19: {  	[sflag:s14] =	ssyncset.done $0x0  }
0x1a: {  	[sflag:s14] =	ssyncadd.s32 $0xFFFFCE00  }
0x1b: {  	s18 =	simm.s32 $0x0;
	s19 =	simm.s32 $0x0;
	[bflag:$0x0] =	sbarrier.arrive $0xFFFF  }
.LBB2_4:
0x1c: {  	s20 =	sshll.u32 s19, $0xB  }
0x1d: {  	s20 =	sadd.s32 s3, s20  }
0x1e: {  	s21 =	sshll.u32 s20, $0x5  }
0x1f: {  	s21 =	sadd.s32 s9, s21  }
0x20: {  	s21 =	sshrl.u32 s21, $0x4  }
0x21: {  	s20 =	sshrl.u32 s20, $0x3;
	s21 =	sadd.s32 s5, s21  }
0x22: {  	[tilespmem:s15], [sflag:$0x1] =	stream.linear.gather [hbm4b:s21+s18], $0x8000, $0x38;
	[tilespmem:$0x12680] =	vst v63  }
0x23: {  	s20 =	sadd.s32 s6, s20  }
0x24: {  	[tilespmem:s18], [sflag:$0x2] =	stream.linear.gather [hbm4b:s20+s18], $0x800, $0x38;
	[tilespmem:$0x12680] =	vst v63  }
0x25: {  	_ =	swait.ge [sflag:s14], $0x800  }
0x26: {  	[sflag:s14] =	ssyncset.done $0x0  }
0x27: {  	s20 =	simm.s32 $0x0;
	[sflag:s14] =	ssyncadd.s32 $0xFFFFF800  }
0x28: {  	s21 =	simm.s32 $0x40;
	v1 =	vld [tilespmem:s20+$0x0]  }
.LBB2_5:
0x29: {  	p0 =	sne.s32 s21, $0x1FC0  }
.Ltmp1:
0x2a: {  	_ = 	snop;
	(pc) =	sbr.rel @p0 .LBB2_5-.Ltmp1, $3  }
0x2b: {  	_ =	sdelay $0x1  }
0x2c: {  	s22 =	sshra.s32 s21, $0x2;
	s21 =	sadd.s32 $0x40, s21;
	v2 =	vmin.u32 v1, $0x6400  }
0x2d: {  	v1 =	vld [tilespmem:s22+$0x0];
	[tilespmem:s20+$0x800] =	vst v2;
	s20 =	smov.u32 s22  }
0x2e: {  	_ =	sdelay $0x3  }
0x2f: {  	v1 =	vmin.u32 v1, $0x6400  }
0x30: {  	[tilespmem:s20+$0x800] =	vst v1  }
0x31: {  	s19 =	sadd.s32 $0x1, s19;
	_ =	swait.ge [sflag:s16], $0x8000  }
0x32: {  	p0 =	sne.s32 s19, $0x19;
	[sflag:s16] =	ssyncset.done $0x0  }
.Ltmp2:
0x33: {  	[sflag:s16] =	ssyncadd.s32 $0xFFFF8000;
	(pc) =	sbr.rel @p0 .LBB2_4-.Ltmp2, $4  }
0x34: {  	[spmem:s2] =	stream.indirect.scatter.add.bf16 [tilespmem:s15], [sflag:$0x2], $0x10, s17, s17, $0xb8;
	[tilespmem:$0x12680] =	vst v63  }
0x35: {  	_ =	swait.ge [sflag:s14], $0x8000  }
0x36: {  	[sflag:s14] =	ssyncset.done $0x0  }
0x37: {  	[sflag:s14] =	ssyncadd.s32 $0xFFFF8000  }
0x38: {  	s18 =	sshll.u32 s0, $0x6  }
0x39: {  	[bflag:$0x0] =	sbarrier.arrive $0xFFFF;
	s19 =	sshrl.u32 s7, $0x3;
	s18 =	sor.u32 $0x1C02, s18  }
0x3a: {  	[hbm:s10], [sflag:s18] =	dma.local [spmem:s19], $0xC80  }
0x3b: {  	_ =	swait.ge [sflag:s14], $0xC80  }
0x3c: {  	[sflag:s14] =	ssyncset.done $0x0  }
0x3d: {  	s20 =	simm.s32 $0x40;
	s21 =	simm.s32 $0x0;
	[sflag:s14] =	ssyncadd.s32 $0xFFFFF380  }
.LBB2_8:
0x3e: {  	p0 =	sne.s32 s20, $0xC7C0;
	[tilespmem:s21+$0x9000] =	vst v0;
	s21 =	smov.u32 s20;
	s20 =	sadd.s32 $0x40, s20  }
.Ltmp3:
0x3f: {  	(pc) =	sbr.rel @p0 .LBB2_8-.Ltmp3, $2  }
0x40: {  	_ =	sdelay $0x2  }
0x41: {  	s21 =	sshra.s32 s21, $0x2  }
0x42: {  	[tilespmem:s21+$0x9000] =	vst v0  }
0x43: {  	[spmem:s7] =	stream.linear.scatter [tilespmem:s13], [sflag:$0x2], $0x3200, $0x38;
	[tilespmem:$0x12680] =	vst v63  }
0x44: {  	_ =	swait.ge [sflag:s14], $0x3200  }
0x45: {  	[sflag:s14] =	ssyncset.done $0x0  }
0x46: {  	[sflag:s14] =	ssyncadd.s32 $0xFFFFCE00  }
0x47: {  	[spmem:s8] =	stream.linear.scatter [tilespmem:s13], [sflag:$0x2], $0x3200, $0x38;
	[tilespmem:$0x12680] =	vst v63  }
0x48: {  	_ =	swait.ge [sflag:s14], $0x3200  }
0x49: {  	[sflag:s14] =	ssyncset.done $0x0  }
0x4a: {  	[sflag:s14] =	ssyncadd.s32 $0xFFFFCE00  }
0x4b: {  	s20 =	simm.s32 $0x0;
	s21 =	simm.s32 $0x0;
	[bflag:$0x0] =	sbarrier.arrive $0xFFFF  }
.LBB2_10:
0x4c: {  	s22 =	sshll.u32 s21, $0xB  }
0x4d: {  	s22 =	sadd.s32 s3, s22  }
0x4e: {  	s23 =	sshll.u32 s22, $0x5  }
0x4f: {  	s23 =	sadd.s32 s9, s23  }
0x50: {  	s23 =	sshrl.u32 s23, $0x4  }
0x51: {  	s22 =	sshrl.u32 s22, $0x3;
	s23 =	sadd.s32 s5, s23  }
0x52: {  	[tilespmem:s15], [sflag:$0x1] =	stream.linear.gather [hbm4b:s23+s20], $0x8000, $0x38;
	[tilespmem:$0x12680] =	vst v63  }
0x53: {  	s22 =	sadd.s32 s6, s22  }
0x54: {  	[tilespmem:s20], [sflag:$0x2] =	stream.linear.gather [hbm4b:s22+s20], $0x800, $0x38;
	[tilespmem:$0x12680] =	vst v63  }
0x55: {  	_ =	swait.ge [sflag:s14], $0x800  }
0x56: {  	[sflag:s14] =	ssyncset.done $0x0  }
0x57: {  	s22 =	simm.s32 $0x0;
	[sflag:s14] =	ssyncadd.s32 $0xFFFFF800  }
0x58: {  	s23 =	simm.s32 $0x40;
	v1 =	vld [tilespmem:s22+$0x0]  }
.LBB2_11:
0x59: {  	_ =	sdelay $0x1  }
0x5a: {  	p0 =	sne.s32 s23, $0x1FC0  }
.Ltmp4:
0x5b: {  	_ = 	snop;
	(pc) =	sbr.rel @p0 .LBB2_11-.Ltmp4, $4  }
0x5c: {  	v2 =	vadd.s32 $0xFFFF3800, v1  }
0x5d: {  	v3 =	vadd.s32 $0xFFFF9C00, v1;
	vm0 =	vlt.u32 v2, $0xFFFF9C00  }
0x5e: {  	s24 =	sshra.s32 s23, $0x2;
	v2 =	vsel vm0, $0x6400, v3  }
0x5f: {  	s23 =	sadd.s32 $0x40, s23;
	v1 =	vld [tilespmem:s24+$0x0];
	[tilespmem:s22+$0x800] =	vst v2;
	s22 =	smov.u32 s24  }
0x60: {  	_ =	sdelay $0x3  }
0x61: {  	v2 =	vadd.s32 $0xFFFF3800, v1  }
0x62: {  	v1 =	vadd.s32 $0xFFFF9C00, v1;
	vm0 =	vlt.u32 v2, $0xFFFF9C00  }
0x63: {  	v1 =	vsel vm0, $0x6400, v1  }
0x64: {  	[tilespmem:s22+$0x800] =	vst v1  }
0x65: {  	s21 =	sadd.s32 $0x1, s21;
	_ =	swait.ge [sflag:s16], $0x8000  }
0x66: {  	p0 =	sne.s32 s21, $0x19;
	[sflag:s16] =	ssyncset.done $0x0  }
.Ltmp5:
0x67: {  	[sflag:s16] =	ssyncadd.s32 $0xFFFF8000;
	(pc) =	sbr.rel @p0 .LBB2_10-.Ltmp5, $4  }
0x68: {  	[spmem:s2] =	stream.indirect.scatter.add.bf16 [tilespmem:s15], [sflag:$0x2], $0x10, s17, s17, $0xb8;
	[tilespmem:$0x12680] =	vst v63  }
0x69: {  	_ =	swait.ge [sflag:s14], $0x8000  }
0x6a: {  	[sflag:s14] =	ssyncset.done $0x0  }
0x6b: {  	[sflag:s14] =	ssyncadd.s32 $0xFFFF8000  }
0x6c: {  	s4 =	sadd.s32 $0x1, s4  }
0x6d: {  	p0 =	sne.s32 s4, s12  }
.Ltmp6:
0x6e: {  	[bflag:$0x0] =	sbarrier.arrive $0xFFFF;
	(pc) =	sbr.rel @p0 .LBB2_1-.Ltmp6, $4  }
0x6f: {  	[hbm:s11], [sflag:s18] =	dma.local [spmem:s19], $0xC80  }
0x70: {  	_ =	swait.ge [sflag:s14], $0xC80  }
0x71: {  	[sflag:s14] =	ssyncset.done $0x0  }
0x72: {  	[sflag:s14] =	ssyncadd.s32 $0xFFFFF380  }
0x73: {  	_ =	sfence.sel $0x180000  }
0x74: {  	[bflag:$0x0] =	sbarrier.arrive $0xFFFF  }
0x75: {  	p0 =	sne.s32 s0, $0x0;
	_ =	strace $0x90000050  }
0x76: {  	s0 =	sadd.s32 @!p0 $0x100000, s1;
	[bflag:$0x2] =	sbarrier.arrive $0xFFFF  }
0x77: {  	[sflag:s0] =	ssyncadd.tile.s32 @!p0 $0x1;
	_ =	shalt  }
.Lfunc_end2:
_tile_overlayer_lowered:
.L_overlay_start_2:
0x78: {  	(tag) =	ssettag $0x2  }
0x79: {  	s0 =	rddreg [dreg:$0x0];
	s2 =	stileid.u32  }
0x7a: {  	s1 =	rddreg [dreg:$0x1];
	p0 =	sne.s32 s2, $0x0  }
0x7b: {  	s3 =	rddreg [dreg:$0x2];
	[bflag:$0x3] =	sbarrier.arrive $0xFFFF;
	s2 =	simm.s32 @!p0 $0x1C02  }
0x7c: {  	[timem:s3], [sflag:s2] =	dma.local @!p0 [hbm:s0], s1  }
0x7d: {  	s0 =	simm.s32 @!p0 $0x2  }
0x7e: {  	_ =	swait.ge @!p0 [sflag:s0], s1  }
0x7f: {  	s1 =	ssub.s32 @!p0 $0x0, s1;
	[sflag:s0] =	ssyncset.done @!p0 $0x0  }
0x80: {  	[sflag:s0] =	ssyncadd.s32 @!p0 s1  }
0x81: {  	[bflag:$0x3] =	sbarrier.arrive $0xFFFF  }
0x82: {  	_ =	shalt  }

// kernel: kernel.6.cloned.1.call-start
scs
__scs_entry_jumppad:
0x0: {  	(pc) =	sbr.rel $0x88, $3  }
0x1: {  	(tag) =	ssettag $0x0;
	lr =	simm.s32 $0x1  }
0x2: {  	[smem:$0x3F8E] =	sst lr;
	_ =	strace $0xD0000000  }
0x3: {  	_ = 	snop  }
0x4: {  	_ = 	snop  }
0x5: {  	_ = 	snop  }
0x6: {  	_ = 	snop  }
0x7: {  	_ = 	snop  }
__scs_overlays_trampoline_lowered:
0x8: {  	[smem:$0x3F9D] =	sst s0  }
0x9: {  	[smem:$0x3F9E] =	sst s1  }
0xa: {  	[smem:$0x3F9F] =	sst s2  }
0xb: {  	[smem:$0x3FA0] =	sst s3  }
0xc: {  	[smem:$0x3FA1] =	sst s4  }
0xd: {  	[smem:$0x3FA2] =	sst s5  }
0xe: {  	[smem:$0x3FA3] =	sst s6  }
0xf: {  	[smem:$0x3FA4] =	sst s7  }
0x10: {  	[smem:$0x3FA5] =	sst s8  }
0x11: {  	[smem:$0x3FA6] =	sst s9;
	s0 =	simm.s32 @!p0 $0x0  }
0x12: {  	s1 =	sld [smem:$0x3F8C];
	s0 =	simm.s32 @p0 $0x1  }
0x13: {  	[smem:$0x3FA7] =	sst s0;
	s0 =	simm.s32 @!p1 $0x0  }
0x14: {  	s2 =	sld [smem:$0x3F8B];
	s0 =	simm.s32 @p1 $0x1  }
0x15: {  	[smem:$0x3FA8] =	sst s0;
	s0 =	simm.s32 @!p2 $0x0  }
0x16: {  	s3 =	sld [smem:$0x3FDB];
	s0 =	simm.s32 @p2 $0x1  }
0x17: {  	s4 =	simm.s32 $0x1BF5;
	[smem:$0x3FAA] =	sst s0  }
0x18: {  	s0 =	sld [smem:$0x3F8D];
	_ =	swait.ge [sflag:s4], $0x0  }
0x19: {  	s7 =	sld [smem:$0x3F8E]  }
0x1a: {  	s8 =	sadd.s32 $0xFFFFE003, lr  }
0x1b: {  	s9 =	sadd.s32 $0xFFFFFEF7, lr;
	s5 =	simm.s32 $0xFFFFFFFF;
	p2 =	slt.u32 s8, $0xFFFFF086  }
0x1c: {  	p1 =	slt.u32 s9, $0xF7A;
	s5 =	simm.s32 @!p2 $0x0  }
0x1d: {  	s5 =	simm.s32 @p1 $0x1;
	p0 =	seq.s32 s7, s2  }
0x1e: {  	s7 =	smul.u32 @!p0 $0xF7A, s2;
	p2 =	seq.s32 @!p0 s5, $0x0  }
0x1f: {  	s9 =	smul.u32 $0xF7A, s1;
	s8 =	simm.s32 @!p0 $0x1BF5;
	p2 =	por !p2, p0  }
0x20: {  	[sflag:s8] =	ssyncset.s32 @!p0 $0xFFFFF086;
	s6 =	sadd.s32 @!p0 s3, s7;
	s7 =	simm.s32 @!p0 $0x108  }
0x21: {  	s3 =	sadd.s32 s3, s9;
	s6 =	sadd.s32 @!p0 $0x88, s6;
	s7 =	simm.s32 @p2 $0x1082  }
0x22: {  	[simem:s7], [sflag:s8] =	dma.local @!p0 [hbm:s6], $0xF7A  }
0x23: {  	s9 =	sor.u32 $0xD0000000, s2;
	s6 =	simm.s32 $0x108;
	_ =	swait.ge @!p0 [sflag:s8], $0x0  }
0x24: {  	s3 =	sadd.s32 $0x88, s3;
	s6 =	simm.s32 @!p1 $0x1082;
	[sflag:s4] =	ssyncset.s32 $0xFFFFF086  }
0x25: {  	[simem:s6], [sflag:s4] =	dma.local [hbm:s3], $0xF7A  }
0x26: {  	[smem:$0x3F8E] =	sst s1;
	(tag) =	ssettag s2;
	_ =	strace s9  }
0x27: {  	s1 =	sld [smem:$0x3F9E]  }
0x28: {  	s2 =	sld [smem:$0x3F9F]  }
0x29: {  	s4 =	sld [smem:$0x3FA1]  }
0x2a: {  	p0 =	seq.s32 s5, $0x0;
	s5 =	sld [smem:$0x3FA2]  }
0x2b: {  	s6 =	sld [smem:$0x3FA3]  }
0x2c: {  	s7 =	sld [smem:$0x3FA4]  }
0x2d: {  	s3 =	simm.s32 $0x108;
	s8 =	sld [smem:$0x3FA5]  }
0x2e: {  	s3 =	simm.s32 @!p0 $0x1082;
	s9 =	sld [smem:$0x3FA6]  }
0x2f: {  	lr =	sadd.s32 s0, s3;
	s0 =	sld [smem:$0x3F9D]  }
0x30: {  	s3 =	sld [smem:$0x3FA0]  }
0x31: {  	[smem:$0x3FA9] =	sst s10  }
0x32: {  	s10 =	sld [smem:$0x3FA7];
	_ =	sdelay $0x3  }
0x33: {  	p0 =	seq.s32 s10, $0x1;
	s10 =	sld [smem:$0x3FA9];
	_ =	sdelay $0x3  }
0x34: {  	[smem:$0x3FA9] =	sst s10  }
0x35: {  	s10 =	sld [smem:$0x3FA8];
	_ =	sdelay $0x3  }
0x36: {  	p1 =	seq.s32 s10, $0x1;
	s10 =	sld [smem:$0x3FA9];
	_ =	sdelay $0x3  }
0x37: {  	[smem:$0x3FA9] =	sst s10  }
0x38: {  	s10 =	sld [smem:$0x3FAA]  }
0x39: {  	_ = 	snop;
	(pc) =	sbr.ind lr, $3  }
0x3a: {  	_ = 	snop  }
0x3b: {  	_ = 	snop  }
0x3c: {  	p2 =	seq.s32 s10, $0x1;
	s10 =	sld [smem:$0x3FA9]  }
0x3d: {  	_ =	shalt  }
0x3e: {  	_ =	shalt  }
0x3f: {  	_ =	shalt  }
0x40: {  	_ =	shalt  }
0x41: {  	_ =	shalt  }
0x42: {  	_ =	shalt  }
0x43: {  	_ =	shalt  }
0x44: {  	_ =	shalt  }
0x45: {  	_ =	shalt  }
0x46: {  	_ =	shalt  }
0x47: {  	_ =	shalt  }
0x48: {  	_ =	shalt  }
0x49: {  	_ =	shalt  }
0x4a: {  	_ =	shalt  }
0x4b: {  	_ =	shalt  }
0x4c: {  	_ =	shalt  }
0x4d: {  	_ =	shalt  }
0x4e: {  	_ =	shalt  }
0x4f: {  	_ =	shalt  }
0x50: {  	_ =	shalt  }
0x51: {  	_ =	shalt  }
0x52: {  	_ =	shalt  }
0x53: {  	_ =	shalt  }
0x54: {  	_ =	shalt  }
0x55: {  	_ =	shalt  }
0x56: {  	_ =	shalt  }
0x57: {  	_ =	shalt  }
0x58: {  	_ =	shalt  }
0x59: {  	_ =	shalt  }
0x5a: {  	_ =	shalt  }
0x5b: {  	_ =	shalt  }
0x5c: {  	_ =	shalt  }
0x5d: {  	_ =	shalt  }
0x5e: {  	_ =	shalt  }
0x5f: {  	_ =	shalt  }
0x60: {  	_ =	shalt  }
0x61: {  	_ =	shalt  }
0x62: {  	_ =	shalt  }
0x63: {  	_ =	shalt  }
0x64: {  	_ =	shalt  }
0x65: {  	_ =	shalt  }
0x66: {  	_ =	shalt  }
0x67: {  	_ =	shalt  }
0x68: {  	_ =	shalt  }
0x69: {  	_ =	shalt  }
0x6a: {  	_ =	shalt  }
0x6b: {  	_ =	shalt  }
0x6c: {  	_ =	shalt  }
0x6d: {  	_ =	shalt  }
0x6e: {  	_ =	shalt  }
0x6f: {  	_ =	shalt  }
0x70: {  	_ =	shalt  }
0x71: {  	_ =	shalt  }
0x72: {  	_ =	shalt  }
0x73: {  	_ =	shalt  }
0x74: {  	_ =	shalt  }
0x75: {  	_ =	shalt  }
0x76: {  	_ =	shalt  }
0x77: {  	_ =	shalt  }
0x78: {  	_ =	shalt  }
0x79: {  	_ =	shalt  }
0x7a: {  	_ =	shalt  }
0x7b: {  	_ =	shalt  }
0x7c: {  	_ =	shalt  }
0x7d: {  	_ =	shalt  }
0x7e: {  	_ =	shalt  }
0x7f: {  	_ =	shalt  }
0x80: {  	_ =	shalt  }
0x81: {  	_ =	shalt  }
0x82: {  	_ =	shalt  }
0x83: {  	_ =	shalt  }
0x84: {  	_ =	shalt  }
0x85: {  	_ =	shalt  }
0x86: {  	_ =	shalt  }
0x87: {  	_ =	shalt  }
.Lfunc_end0:
.L_simem_size_0:
called_computation.3_lowered:
.L_overlay_start_0:
0x88: {  	s2 =	sld [smem:$0x3FD9]  }
0x89: {  	s3 =	sld [smem:$0x3FFE];
	_ =	sdelay $0x1  }
0x8a: {  	s1 =	srdreg.scid  }
0x8b: {  	s0 =	sand.u32 $0x1, s1  }
0x8c: {  	s17 =	sshll.u32 s0, $0xA;
	s2 =	sadd.s32 s3, s2  }
0x8d: {  	s2 =	sadd.s32 s2, s17  }
0x8e: {  	[smem:$0x3FB5] =	sst s2  }
0x8f: {  	_ = 	snop  }
0x90: {  	s2 =	sld [smem:$0x3FD0];
	(tm) =	ssettm $0x1  }
0x91: {  	s18 =	sld [smem:$0x3FFB];
	_ =	sdelay $0x3  }
0x92: {  	_ =	strace s18  }
0x93: {  	s3 =	sld [smem:$0x3FFC];
	_ =	sdelay $0x3  }
0x94: {  	_ =	strace s3  }
0x95: {  	s3 =	sld [smem:$0x3FFD];
	_ =	sdelay $0x3  }
0x96: {  	_ =	strace s3  }
0x97: {  	_ =	strace $0x8FFFFFFF  }
0x98: {  	s19 =	sld [smem:$0x3FDB];
	_ =	sdelay $0x1  }
0x99: {  	s4 =	simm.s32 $_scs_section_size  }
0x9a: {  	s5 =	simm.s32 $_size__tile_overlayer_lowered;
	s6 =	simm.s32 $_tile_overlayer_lowered  }
0x9b: {  	s22 =	simm.s32 $0x1BFF;
	s21 =	sshll.u32 s6, $0x1;
	s3 =	sadd.s32 s4, s19  }
0x9c: {  	s7 =	simm.s32 $0x0;
	s20 =	sshll.u32 s5, $0x1;
	s5 =	sadd.s32 s21, s3  }
0x9d: {  	[timem:s7], [sflag:s22] =	dma.local [hbm:s5], s20  }
0x9e: {  	_ =	swait.ge [sflag:s22], s20  }
0x9f: {  	s4 =	ssub.s32 $0x0, s20;
	[sflag:s22] =	ssyncset.done $0x0  }
0xa0: {  	[sflag:s22] =	ssyncadd.s32 s4;
	_ =	sdelay $0x1  }
0xa1: {  	s23 =	simm.s32 $0x1B8B  }
0xa2: {  	_ =	swait.ge [sflag:s23], $0x1  }
0xa3: {  	[sflag:s23] =	ssyncset.done $0x0  }
0xa4: {  	s25 =	simm.s32 $0x1B8E;
	s24 =	sld [smem:$0x3FFE];
	[sflag:s23] =	ssyncadd.s32 $0xFFFFFFFF  }
0xa5: {  	s26 =	simm.s32 $execute0_lowered;
	[smem:$0x3FD2] =	sst s25  }
0xa6: {  	s5 =	sshll.u32 s26, $0x1;
	_ =	strace $0x80000046;
	[dreg:$0x1] =	wrdreg $0xFFFFFFFF  }
0xa7: {  	s28 =	simm.s32 $_size_execute0_lowered;
	s3 =	sadd.s32 s3, s5;
	[dreg:$0x0] =	wrdreg $0x0  }
0xa8: {  	s5 =	sshll.u32 s28, $0x1;
	[dreg:$0x2] =	wrdreg s3  }
0xa9: {  	[dreg:$0x3] =	wrdreg s5  }
0xaa: {  	[dreg:$0x4] =	wrdreg $0xC0  }
0xab: {  	_ =	task [dreg:s7], $0x5FFFF  }
0xac: {  	[dreg:$0x1] =	wrdreg $0xFFFFFFFF  }
0xad: {  	[dreg:$0x0] =	wrdreg $0x60  }
0xae: {  	[dreg:$0x2] =	wrdreg s24  }
0xaf: {  	[dreg:$0x3] =	wrdreg s2  }
0xb0: {  	[dreg:$0x4] =	wrdreg $0xF5000  }
0xb1: {  	[dreg:$0x5] =	wrdreg $0x9  }
0xb2: {  	_ =	task.clear_ibuf [dreg:s7], $0x6FFFF;
	_ =	strace $0x90000046  }
0xb3: {  	s29 =	simm.s32 $0x9;
	_ =	strace $0x80000048  }
0xb4: {  	_ =	swait.ge [sflag:s29], $0x1  }
0xb5: {  	[sflag:s29] =	ssyncadd.s32 $0xFFFFFFFF  }
0xb6: {  	_ =	strace $0x90000048  }
0xb7: {  	_ =	sfence  }
0xb8: {  	s30 =	sld [smem:$0x0];
	_ =	sdelay $0x2  }
0xb9: {  	s31 =	sshll.u32 s1, $0xD;
	s1 =	sshrl.u32 s1, $0x2  }
0xba: {  	s3 =	sand.u32 $0x4000, s31;
	s1 =	sadd.s32 s1, s30  }
0xbb: {  	s0 =	sor.u32 s3, s0;
	s1 =	sshll.u32 s1, $0x11  }
0xbc: {  	s0 =	sor.u32 s1, s0  }
0xbd: {  	s0 =	sadd.s32 $0x8F2B, s0  }
0xbe: {  	[sflag:s0] =	ssyncadd.remote.s32 $0x1  }
0xbf: {  	_ =	sfence.sel $0xFFFF  }
0xc0: {  	[dreg:$0x0] =	wrdreg $0xFFFFFFFF;
	(pc) =	sbr.abs _section_cstart, $3  }
0xc1: {  	[dreg:$0x1] =	wrdreg $0xFFFFFFFF  }
0xc2: {  	_ =	task.clear_ibuf [dreg:s7], $0x2FFFF;
	_ =	strace $0x9FFFFFFF  }
0xc3: {  	(tm) =	ssettm $0x7FFFFFFF  }
tec
execute0_lowered:
.L_overlay_start_1:
0x0: {  	(tag) =	ssettag $0x1  }
0x1: {  	s0 =	rddreg [dreg:$0x0]  }
0x2: {  	s3 =	rddreg [dreg:$0x1]  }
0x3: {  	s1 =	rddreg [dreg:$0x2]  }
0x4: {  	s2 =	simm.s32 $0x0;
	s5 =	srdreg.scid;
	s14 =	stileid.u32  }
0x5: {  	s17 =	simm.s32 $0x2;
	s19 =	simm.s32 $0x80;
	s9 =	smul.u32 $0xC80, s14  }
0x6: {  	[smem:$0x7FF] =	sst s2;
	s4 =	sadd.s32 $0x37000, s0;
	s24 =	smul.u32 $0x64000, s14  }
0x7: {  	s5 =	sand.u32 $0x1, s5;
	s6 =	sadd.s32 $0x1E000, s0;
	s26 =	smul.u32 $0xC800, s14  }
0x8: {  	s10 =	sadd.s32 $0x5000, s0;
	s12 =	sadd.s32 $0x1E0000, s0;
	s21 =	smul.u32 $0xC800, s5  }
0x9: {  	s0 =	sadd.s32 $0x50000, s0;
	_ =	strace $0x80000047;
	s22 =	smul.u32 $0x640000, s5  }
0xa: {  	s7 =	sshll.u32 s5, $0x4;
	s8 =	ssub.s32 $0x2, s5;
	s5 =	smul.u32 $0xC8000, s5  }
0xb: {  	s7 =	sor.u32 s14, s7;
	s11 =	sshrl.u32 s8, $0x1;
	s15 =	sadd.s32 s9, s1  }
0xc: {  	s7 =	smul.u32 $0xC80, s7;
	s8 =	ssub.s32 s8, s11;
	s23 =	sadd.s32 s9, s21  }
0xd: {  	s25 =	sadd.s32 s24, s22;
	s29 =	sadd.s32 s5, s12;
	s21 =	simm.s32 $0xA800  }
0xe: {  	s9 =	simm.s32 $0xE800;
	[dreg:$0x4] =	wrdreg s15;
	s28 =	smax.u32 s8, $0x1  }
0xf: {  	s8 =	simm.s32 $0x1;
	s20 =	sadd.s32 s6, s7;
	[dreg:$0xa] =	wrdreg s28  }
0x10: {  	s13 =	sadd.s32 s10, s7;
	s7 =	sadd.s32 $0x680, s7;
	[dreg:$0x5] =	wrdreg s20  }
0x11: {  	[dreg:$0x6] =	wrdreg s13;
	s6 =	sadd.s32 s6, s7;
	s7 =	sadd.s32 s10, s7  }
0x12: {  	s20 =	simm.s32 $0x6800;
	[dreg:$0x7] =	wrdreg s6;
	s6 =	sshrl.u32 s23, $0x3  }
0x13: {  	[dreg:$0x8] =	wrdreg s7;
	s7 =	sadd.s32 s26, s29;
	s3 =	sadd.s32 s3, s6  }
0x14: {  	s31 =	sadd.s32 $0x6800, s7;
	[dreg:$0x9] =	wrdreg s3;
	s3 =	sshrl.u32 s25, $0x3  }
0x15: {  	[dreg:$0xd] =	wrdreg s31;
	s30 =	sadd.s32 s3, s0;
	s0 =	sadd.s32 s5, s0  }
0x16: {  	s3 =	sadd.s32 s3, s12;
	[dreg:$0xb] =	wrdreg s30;
	s0 =	sadd.s32 s26, s0  }
0x17: {  	s25 =	simm.s32 $0x7000;
	[dreg:$0xc] =	wrdreg s3;
	s0 =	sadd.s32 $0x6800, s0  }
0x18: {  	v0 =	vimm.f32 $0.0e+00;
	v1 =	vimm.f32 $1.000000000e+00;
	s26 =	simm.s32 $0xB000;
	[dreg:$0xe] =	wrdreg s0;
	s0 =	simm.s32 $0x0  }
.LBB2_1:
0x19: {  	[dreg:$0xf] =	wrdreg s0;
	s5 =	simm.s32 $0x40;
	s10 =	simm.s32 $0x0  }
.LBB2_2:
0x1a: {  	p0 =	sne.s32 s5, $0x31C0;
	[tilespmem:s10+$0xE880] =	vst v0;
	s10 =	smov.u32 s5;
	s5 =	sadd.s32 $0x40, s5  }
.Ltmp0:
0x1b: {  	(pc) =	sbr.rel @p0 .LBB2_2-.Ltmp0, $2  }
0x1c: {  	_ =	sdelay $0x2  }
0x1d: {  	s10 =	sshra.s32 s10, $0x2  }
0x1e: {  	[tilespmem:s10+$0xE880] =	vst v0;
	s5 =	simm.s32 $0xE880  }
0x1f: {  	[spmem:s15] =	stream.linear.scatter [tilespmem:s5], [sflag:$0x2], $0xC80, $0x38;
	[tilespmem:$0x10180] =	vst v63  }
0x20: {  	_ =	swait.ge [sflag:s17], $0xC80  }
0x21: {  	[sflag:s17] =	ssyncset.done $0x0  }
0x22: {  	[sflag:s17] =	ssyncadd.s32 $0xFFFFF380  }
0x23: {  	[tilespmem:$0xE800] =	vst v1  }
0x24: {  	[tilespmem:$0xE810] =	vst v1  }
0x25: {  	[tilespmem:$0xE820] =	vst v1  }
0x26: {  	[tilespmem:$0xE830] =	vst v1  }
0x27: {  	[tilespmem:$0xE840] =	vst v1  }
0x28: {  	[tilespmem:$0xE850] =	vst v1  }
0x29: {  	[tilespmem:$0xE860] =	vst v1  }
0x2a: {  	[tilespmem:$0xE870] =	vst v1  }
0x2b: {  	[bflag:$0x0] =	sbarrier.arrive $0xFFFF  }
0x2c: {  	s14 =	simm.s32 $0x0;
	s15 =	rddreg [dreg:$0x5]  }
0x2d: {  	[tilespmem:s14], [sflag:$0x2] =	stream.linear.gather [hbm4b:s15+s14], $0x3400, $0x38;
	[tilespmem:$0x10180] =	vst v63  }
0x2e: {  	_ =	swait.ge [sflag:s17], $0x3400  }
0x2f: {  	[sflag:s17] =	ssyncset.done $0x0  }
0x30: {  	s11 =	simm.s32 $0x3400;
	s16 =	rddreg [dreg:$0x6];
	[sflag:s17] =	ssyncadd.s32 $0xFFFFCC00  }
0x31: {  	[tilespmem:s11], [sflag:$0x2] =	stream.linear.gather [hbm4b:s16+s14], $0x3400, $0x38;
	[tilespmem:$0x10180] =	vst v63  }
0x32: {  	_ =	swait.ge [sflag:s17], $0x3400  }
0x33: {  	[sflag:s17] =	ssyncset.done $0x0  }
0x34: {  	s5 =	simm.s32 $0x0;
	[sflag:s17] =	ssyncadd.s32 $0xFFFFCC00  }
0x35: {  	[tilespmem:s20], [sflag:$0x1] =	stream.indirect.gather [hbm4b:s4+s19], $0x10, s5, s19, $0xb8;
	[tilespmem:$0x10180] =	vst v63  }
0x36: {  	s18 =	simm.s32 $0x3400  }
0x37: {  	[tilespmem:s21], [sflag:$0x1] =	stream.indirect.gather [hbm4b:s4+s19], $0x10, s18, s19, $0xb8;
	[tilespmem:$0x10180] =	vst v63  }
0x38: {  	s10 =	simm.s32 $0x80  }
0x39: {  	[tilespmem:s25], [sflag:$0x1] =	stream.indirect.gather [hbm4b:s4+s19], $0x10, s10, s19, $0xb8;
	[tilespmem:$0x10180] =	vst v63  }
0x3a: {  	s22 =	simm.s32 $0x3480  }
0x3b: {  	[tilespmem:s26], [sflag:$0x1] =	stream.indirect.gather [hbm4b:s4+s19], $0x10, s22, s19, $0xb8;
	[tilespmem:$0x10180] =	vst v63  }
0x3c: {  	s24 =	simm.s32 $0x7800;
	s11 =	simm.s32 $0x100  }
0x3d: {  	[tilespmem:s24], [sflag:$0x1] =	stream.indirect.gather [hbm4b:s4+s19], $0x10, s11, s19, $0xb8;
	[tilespmem:$0x10180] =	vst v63  }
0x3e: {  	s12 =	simm.s32 $0x3500;
	s0 =	simm.s32 $0xB800  }
0x3f: {  	[tilespmem:s0], [sflag:$0x1] =	stream.indirect.gather [hbm4b:s4+s19], $0x10, s12, s19, $0xb8;
	[tilespmem:$0x10180] =	vst v63  }
0x40: {  	s23 =	simm.s32 $0x8000;
	s12 =	simm.s32 $0x180  }
0x41: {  	[tilespmem:s23], [sflag:$0x1] =	stream.indirect.gather [hbm4b:s4+s19], $0x10, s12, s19, $0xb8;
	[tilespmem:$0x10180] =	vst v63  }
0x42: {  	s13 =	simm.s32 $0x3580;
	s3 =	simm.s32 $0xC000  }
0x43: {  	[tilespmem:s3], [sflag:$0x1] =	stream.indirect.gather [hbm4b:s4+s19], $0x10, s13, s19, $0xb8;
	[tilespmem:$0x10180] =	vst v63  }
0x44: {  	s6 =	simm.s32 $0x8800;
	s13 =	simm.s32 $0x200  }
0x45: {  	[tilespmem:s6], [sflag:$0x1] =	stream.indirect.gather [hbm4b:s4+s19], $0x10, s13, s19, $0xb8;
	[tilespmem:$0x10180] =	vst v63  }
0x46: {  	s7 =	simm.s32 $0xC800;
	s14 =	simm.s32 $0x3600  }
0x47: {  	[tilespmem:s7], [sflag:$0x1] =	stream.indirect.gather [hbm4b:s4+s19], $0x10, s14, s19, $0xb8;
	[tilespmem:$0x10180] =	vst v63  }
0x48: {  	s15 =	simm.s32 $0x9000;
	s14 =	simm.s32 $0x280  }
0x49: {  	[tilespmem:s15], [sflag:$0x1] =	stream.indirect.gather [hbm4b:s4+s19], $0x10, s14, s19, $0xb8;
	[tilespmem:$0x10180] =	vst v63  }
0x4a: {  	s16 =	simm.s32 $0x3680;
	s18 =	simm.s32 $0xD000  }
0x4b: {  	[tilespmem:s18], [sflag:$0x1] =	stream.indirect.gather [hbm4b:s4+s19], $0x10, s16, s19, $0xb8;
	[tilespmem:$0x10180] =	vst v63  }
0x4c: {  	s22 =	simm.s32 $0x9800;
	s15 =	simm.s32 $0x300  }
0x4d: {  	[tilespmem:s22], [sflag:$0x1] =	stream.indirect.gather [hbm4b:s4+s19], $0x10, s15, s19, $0xb8;
	[tilespmem:$0x10180] =	vst v63  }
0x4e: {  	s23 =	simm.s32 $0xD800;
	s18 =	simm.s32 $0x3700  }
0x4f: {  	[tilespmem:s23], [sflag:$0x1] =	stream.indirect.gather [hbm4b:s4+s19], $0x10, s18, s19, $0xb8;
	[tilespmem:$0x10180] =	vst v63  }
0x50: {  	s22 =	simm.s32 $0xA000;
	s18 =	simm.s32 $0x380  }
0x51: {  	[tilespmem:s22], [sflag:$0x1] =	stream.indirect.gather [hbm4b:s4+s19], $0x10, s18, s19, $0xb8;
	[tilespmem:$0x10180] =	vst v63  }
0x52: {  	s23 =	simm.s32 $0xE000;
	s22 =	simm.s32 $0x3780  }
0x53: {  	[tilespmem:s23], [sflag:$0x1] =	stream.indirect.gather [hbm4b:s4+s19], $0x10, s22, s19, $0xb8;
	[tilespmem:$0x10180] =	vst v63  }
0x54: {  	_ =	swait.ge [sflag:s8], $0x800  }
0x55: {  	[sflag:s8] =	ssyncset.done $0x0  }
0x56: {  	[sflag:s8] =	ssyncadd.s32 $0xFFFFF800  }
0x57: {  	_ =	swait.ge [sflag:s8], $0x800  }
0x58: {  	[sflag:s8] =	ssyncset.done $0x0  }
0x59: {  	[sflag:s8] =	ssyncadd.s32 $0xFFFFF800  }
0x5a: {  	_ =	swait.ge [sflag:s8], $0x800  }
0x5b: {  	[sflag:s8] =	ssyncset.done $0x0  }
0x5c: {  	[sflag:s8] =	ssyncadd.s32 $0xFFFFF800  }
0x5d: {  	_ =	swait.ge [sflag:s8], $0x800  }
0x5e: {  	[sflag:s8] =	ssyncset.done $0x0  }
0x5f: {  	[sflag:s8] =	ssyncadd.s32 $0xFFFFF800  }
0x60: {  	_ =	swait.ge [sflag:s8], $0x800  }
0x61: {  	[sflag:s8] =	ssyncset.done $0x0  }
0x62: {  	[sflag:s8] =	ssyncadd.s32 $0xFFFFF800  }
0x63: {  	_ =	swait.ge [sflag:s8], $0x800  }
0x64: {  	[sflag:s8] =	ssyncset.done $0x0  }
0x65: {  	[sflag:s8] =	ssyncadd.s32 $0xFFFFF800  }
0x66: {  	_ =	swait.ge [sflag:s8], $0x800  }
0x67: {  	[sflag:s8] =	ssyncset.done $0x0  }
0x68: {  	[sflag:s8] =	ssyncadd.s32 $0xFFFFF800  }
0x69: {  	_ =	swait.ge [sflag:s8], $0x800  }
0x6a: {  	[sflag:s8] =	ssyncset.done $0x0  }
0x6b: {  	[sflag:s8] =	ssyncadd.s32 $0xFFFFF800  }
0x6c: {  	_ =	swait.ge [sflag:s8], $0x800  }
0x6d: {  	[sflag:s8] =	ssyncset.done $0x0  }
0x6e: {  	[sflag:s8] =	ssyncadd.s32 $0xFFFFF800  }
0x6f: {  	_ =	swait.ge [sflag:s8], $0x800  }
0x70: {  	[sflag:s8] =	ssyncset.done $0x0  }
0x71: {  	[sflag:s8] =	ssyncadd.s32 $0xFFFFF800  }
0x72: {  	_ =	swait.ge [sflag:s8], $0x800  }
0x73: {  	[sflag:s8] =	ssyncset.done $0x0  }
0x74: {  	[sflag:s8] =	ssyncadd.s32 $0xFFFFF800  }
0x75: {  	_ =	swait.ge [sflag:s8], $0x800  }
0x76: {  	[sflag:s8] =	ssyncset.done $0x0  }
0x77: {  	[sflag:s8] =	ssyncadd.s32 $0xFFFFF800  }
0x78: {  	_ =	swait.ge [sflag:s8], $0x800  }
0x79: {  	[sflag:s8] =	ssyncset.done $0x0  }
0x7a: {  	[sflag:s8] =	ssyncadd.s32 $0xFFFFF800  }
0x7b: {  	_ =	swait.ge [sflag:s8], $0x800  }
0x7c: {  	[sflag:s8] =	ssyncset.done $0x0  }
0x7d: {  	[sflag:s8] =	ssyncadd.s32 $0xFFFFF800  }
0x7e: {  	_ =	swait.ge [sflag:s8], $0x800  }
0x7f: {  	[sflag:s8] =	ssyncset.done $0x0  }
0x80: {  	[sflag:s8] =	ssyncadd.s32 $0xFFFFF800  }
0x81: {  	_ =	swait.ge [sflag:s8], $0x800  }
0x82: {  	[sflag:s8] =	ssyncset.done $0x0  }
0x83: {  	s23 =	rddreg [dreg:$0xc];
	[sflag:s8] =	ssyncadd.s32 $0xFFFFF800  }
0x84: {  	[hbm4b:s23+s2] =	stream.linear.scatter [tilespmem:s20], [sflag:$0x2], $0x4000, $0x38;
	[tilespmem:$0x10180] =	vst v63  }
0x85: {  	_ =	swait.ge [sflag:s17], $0x4000  }
0x86: {  	[sflag:s17] =	ssyncset.done $0x0  }
0x87: {  	s22 =	rddreg [dreg:$0xb];
	[sflag:s17] =	ssyncadd.s32 $0xFFFFC000  }
0x88: {  	[hbm4b:s22+s2] =	stream.linear.scatter [tilespmem:s21], [sflag:$0x2], $0x4000, $0x38;
	[tilespmem:$0x10180] =	vst v63  }
0x89: {  	_ =	swait.ge [sflag:s17], $0x4000  }
0x8a: {  	[sflag:s17] =	ssyncset.done $0x0  }
0x8b: {  	[sflag:s17] =	ssyncadd.s32 $0xFFFFC000  }
0x8c: {  	[spmem:s1] =	stream.indirect.scatter.add.f32 [tilespmem:s9], [sflag:$0x2], $0x1, s5, s19, $0xb8;
	[tilespmem:$0x10180] =	vst v63  }
0x8d: {  	_ =	swait.ge [sflag:s17], $0x80  }
0x8e: {  	[sflag:s17] =	ssyncset.done $0x0  }
0x8f: {  	[sflag:s17] =	ssyncadd.s32 $0xFFFFFF80  }
0x90: {  	[spmem:s1] =	stream.indirect.scatter.add.f32 [tilespmem:s9], [sflag:$0x2], $0x1, s10, s19, $0xb8;
	[tilespmem:$0x10180] =	vst v63  }
0x91: {  	_ =	swait.ge [sflag:s17], $0x80  }
0x92: {  	[sflag:s17] =	ssyncset.done $0x0  }
0x93: {  	[sflag:s17] =	ssyncadd.s32 $0xFFFFFF80  }
0x94: {  	[spmem:s1] =	stream.indirect.scatter.add.f32 [tilespmem:s9], [sflag:$0x2], $0x1, s11, s19, $0xb8;
	[tilespmem:$0x10180] =	vst v63  }
0x95: {  	_ =	swait.ge [sflag:s17], $0x80  }
0x96: {  	[sflag:s17] =	ssyncset.done $0x0  }
0x97: {  	[sflag:s17] =	ssyncadd.s32 $0xFFFFFF80  }
0x98: {  	[spmem:s1] =	stream.indirect.scatter.add.f32 [tilespmem:s9], [sflag:$0x2], $0x1, s12, s19, $0xb8;
	[tilespmem:$0x10180] =	vst v63  }
0x99: {  	_ =	swait.ge [sflag:s17], $0x80  }
0x9a: {  	[sflag:s17] =	ssyncset.done $0x0  }
0x9b: {  	[sflag:s17] =	ssyncadd.s32 $0xFFFFFF80  }
0x9c: {  	[spmem:s1] =	stream.indirect.scatter.add.f32 [tilespmem:s9], [sflag:$0x2], $0x1, s13, s19, $0xb8;
	[tilespmem:$0x10180] =	vst v63  }
0x9d: {  	_ =	swait.ge [sflag:s17], $0x80  }
0x9e: {  	[sflag:s17] =	ssyncset.done $0x0  }
0x9f: {  	[sflag:s17] =	ssyncadd.s32 $0xFFFFFF80  }
0xa0: {  	[spmem:s1] =	stream.indirect.scatter.add.f32 [tilespmem:s9], [sflag:$0x2], $0x1, s14, s19, $0xb8;
	[tilespmem:$0x10180] =	vst v63  }
0xa1: {  	_ =	swait.ge [sflag:s17], $0x80  }
0xa2: {  	s31 =	simm.s32 $0xC000;
	[sflag:s17] =	ssyncset.done $0x0  }
0xa3: {  	s29 =	simm.s32 $0x8800;
	s28 =	simm.s32 $0x9000;
	[sflag:s17] =	ssyncadd.s32 $0xFFFFFF80  }
0xa4: {  	[spmem:s1] =	stream.indirect.scatter.add.f32 [tilespmem:s9], [sflag:$0x2], $0x1, s15, s19, $0xb8;
	[tilespmem:$0x10180] =	vst v63  }
0xa5: {  	s30 =	simm.s32 $0xE000;
	s0 =	simm.s32 $0xA000;
	_ =	swait.ge [sflag:s17], $0x80  }
0xa6: {  	s3 =	simm.s32 $0xC800;
	s6 =	simm.s32 $0xD000;
	[sflag:s17] =	ssyncset.done $0x0  }
0xa7: {  	s7 =	simm.s32 $0x9800;
	s16 =	simm.s32 $0xD800;
	[sflag:s17] =	ssyncadd.s32 $0xFFFFFF80  }
0xa8: {  	[spmem:s1] =	stream.indirect.scatter.add.f32 [tilespmem:s9], [sflag:$0x2], $0x1, s18, s19, $0xb8;
	[tilespmem:$0x10180] =	vst v63  }
0xa9: {  	s5 =	simm.s32 $0x1000;
	s10 =	sadd.s32 $0x800, s22;
	_ =	swait.ge [sflag:s17], $0x80  }
0xaa: {  	s11 =	sadd.s32 $0x800, s23;
	s14 =	simm.s32 $0x2000;
	[sflag:s17] =	ssyncset.done $0x0  }
.LBB2_4:
0xab: {  	s13 =	sshra.s32 s5, $0x2  }
0xac: {  	[sflag:s17] =	ssyncadd.s32 $0xFFFFFF80;
	s5 =	smov.u32 s14;
	s12 =	sadd.s32 $0x1000, s14  }
0xad: {  	[tilespmem:s20], [sflag:$0x1] =	stream.indirect.gather [hbm4b:s4+s19], $0x10, s13, s19, $0xb8;
	[tilespmem:$0x10180] =	vst v63  }
0xae: {  	p0 =	sne.s32 s14, $0xC000;
	s14 =	sadd.s32 $0x3400, s13  }
0xaf: {  	[tilespmem:s21], [sflag:$0x1] =	stream.indirect.gather [hbm4b:s4+s19], $0x10, s14, s19, $0xb8;
	[tilespmem:$0x10180] =	vst v63  }
0xb0: {  	s14 =	sadd.s32 $0x80, s13  }
0xb1: {  	[tilespmem:s25], [sflag:$0x1] =	stream.indirect.gather [hbm4b:s4+s19], $0x10, s14, s19, $0xb8;
	[tilespmem:$0x10180] =	vst v63  }
0xb2: {  	s15 =	sadd.s32 $0x3480, s13  }
0xb3: {  	[tilespmem:s26], [sflag:$0x1] =	stream.indirect.gather [hbm4b:s4+s19], $0x10, s15, s19, $0xb8;
	[tilespmem:$0x10180] =	vst v63  }
0xb4: {  	s15 =	sadd.s32 $0x100, s13  }
0xb5: {  	[tilespmem:s24], [sflag:$0x1] =	stream.indirect.gather [hbm4b:s4+s19], $0x10, s15, s19, $0xb8;
	[tilespmem:$0x10180] =	vst v63  }
0xb6: {  	s22 =	simm.s32 $0xB800;
	s18 =	sadd.s32 $0x3500, s13  }
0xb7: {  	[tilespmem:s22], [sflag:$0x1] =	stream.indirect.gather [hbm4b:s4+s19], $0x10, s18, s19, $0xb8;
	[tilespmem:$0x10180] =	vst v63  }
0xb8: {  	s18 =	sadd.s32 $0x180, s13;
	s22 =	simm.s32 $0x8000  }
0xb9: {  	[tilespmem:s22], [sflag:$0x1] =	stream.indirect.gather [hbm4b:s4+s19], $0x10, s18, s19, $0xb8;
	[tilespmem:$0x10180] =	vst v63  }
0xba: {  	s22 =	sadd.s32 $0x3580, s13  }
0xbb: {  	[tilespmem:s31], [sflag:$0x1] =	stream.indirect.gather [hbm4b:s4+s19], $0x10, s22, s19, $0xb8;
	[tilespmem:$0x10180] =	vst v63  }
0xbc: {  	s22 =	sadd.s32 $0x200, s13  }
0xbd: {  	[tilespmem:s29], [sflag:$0x1] =	stream.indirect.gather [hbm4b:s4+s19], $0x10, s22, s19, $0xb8;
	[tilespmem:$0x10180] =	vst v63  }
0xbe: {  	s23 =	sadd.s32 $0x3600, s13  }
0xbf: {  	[tilespmem:s3], [sflag:$0x1] =	stream.indirect.gather [hbm4b:s4+s19], $0x10, s23, s19, $0xb8;
	[tilespmem:$0x10180] =	vst v63  }
0xc0: {  	s23 =	sadd.s32 $0x280, s13  }
0xc1: {  	[tilespmem:s28], [sflag:$0x1] =	stream.indirect.gather [hbm4b:s4+s19], $0x10, s23, s19, $0xb8;
	[tilespmem:$0x10180] =	vst v63  }
0xc2: {  	s24 =	sadd.s32 $0x3680, s13  }
0xc3: {  	[tilespmem:s6], [sflag:$0x1] =	stream.indirect.gather [hbm4b:s4+s19], $0x10, s24, s19, $0xb8;
	[tilespmem:$0x10180] =	vst v63  }
0xc4: {  	s24 =	sadd.s32 $0x300, s13  }
0xc5: {  	[tilespmem:s7], [sflag:$0x1] =	stream.indirect.gather [hbm4b:s4+s19], $0x10, s24, s19, $0xb8;
	[tilespmem:$0x10180] =	vst v63  }
0xc6: {  	s25 =	sadd.s32 $0x3700, s13  }
0xc7: {  	[tilespmem:s16], [sflag:$0x1] =	stream.indirect.gather [hbm4b:s4+s19], $0x10, s25, s19, $0xb8;
	[tilespmem:$0x10180] =	vst v63  }
0xc8: {  	s25 =	sadd.s32 $0x380, s13  }
0xc9: {  	[tilespmem:s0], [sflag:$0x1] =	stream.indirect.gather [hbm4b:s4+s19], $0x10, s25, s19, $0xb8;
	[tilespmem:$0x10180] =	vst v63  }
0xca: {  	s26 =	sadd.s32 $0x3780, s13  }
0xcb: {  	[tilespmem:s30], [sflag:$0x1] =	stream.indirect.gather [hbm4b:s4+s19], $0x10, s26, s19, $0xb8;
	[tilespmem:$0x10180] =	vst v63  }
0xcc: {  	s26 =	simm.s32 $0xB000  }
0xcd: {  	_ =	swait.ge [sflag:s8], $0x800  }
0xce: {  	[sflag:s8] =	ssyncset.done $0x0  }
0xcf: {  	[sflag:s8] =	ssyncadd.s32 $0xFFFFF800  }
0xd0: {  	_ =	swait.ge [sflag:s8], $0x800  }
0xd1: {  	[sflag:s8] =	ssyncset.done $0x0  }
0xd2: {  	[sflag:s8] =	ssyncadd.s32 $0xFFFFF800  }
0xd3: {  	_ =	swait.ge [sflag:s8], $0x800  }
0xd4: {  	[sflag:s8] =	ssyncset.done $0x0  }
0xd5: {  	[sflag:s8] =	ssyncadd.s32 $0xFFFFF800  }
0xd6: {  	_ =	swait.ge [sflag:s8], $0x800  }
0xd7: {  	[sflag:s8] =	ssyncset.done $0x0  }
0xd8: {  	[sflag:s8] =	ssyncadd.s32 $0xFFFFF800  }
0xd9: {  	_ =	swait.ge [sflag:s8], $0x800  }
0xda: {  	[sflag:s8] =	ssyncset.done $0x0  }
0xdb: {  	[sflag:s8] =	ssyncadd.s32 $0xFFFFF800  }
0xdc: {  	_ =	swait.ge [sflag:s8], $0x800  }
0xdd: {  	[sflag:s8] =	ssyncset.done $0x0  }
0xde: {  	[sflag:s8] =	ssyncadd.s32 $0xFFFFF800  }
0xdf: {  	_ =	swait.ge [sflag:s8], $0x800  }
0xe0: {  	[sflag:s8] =	ssyncset.done $0x0  }
0xe1: {  	[sflag:s8] =	ssyncadd.s32 $0xFFFFF800  }
0xe2: {  	_ =	swait.ge [sflag:s8], $0x800  }
0xe3: {  	[sflag:s8] =	ssyncset.done $0x0  }
0xe4: {  	[sflag:s8] =	ssyncadd.s32 $0xFFFFF800  }
0xe5: {  	_ =	swait.ge [sflag:s8], $0x800  }
0xe6: {  	[sflag:s8] =	ssyncset.done $0x0  }
0xe7: {  	[sflag:s8] =	ssyncadd.s32 $0xFFFFF800  }
0xe8: {  	_ =	swait.ge [sflag:s8], $0x800  }
0xe9: {  	[sflag:s8] =	ssyncset.done $0x0  }
0xea: {  	[sflag:s8] =	ssyncadd.s32 $0xFFFFF800  }
0xeb: {  	_ =	swait.ge [sflag:s8], $0x800  }
0xec: {  	[sflag:s8] =	ssyncset.done $0x0  }
0xed: {  	[sflag:s8] =	ssyncadd.s32 $0xFFFFF800  }
0xee: {  	_ =	swait.ge [sflag:s8], $0x800  }
0xef: {  	[sflag:s8] =	ssyncset.done $0x0  }
0xf0: {  	[sflag:s8] =	ssyncadd.s32 $0xFFFFF800  }
0xf1: {  	_ =	swait.ge [sflag:s8], $0x800  }
0xf2: {  	[sflag:s8] =	ssyncset.done $0x0  }
0xf3: {  	[sflag:s8] =	ssyncadd.s32 $0xFFFFF800  }
0xf4: {  	_ =	swait.ge [sflag:s8], $0x800  }
0xf5: {  	[sflag:s8] =	ssyncset.done $0x0  }
0xf6: {  	[sflag:s8] =	ssyncadd.s32 $0xFFFFF800  }
0xf7: {  	_ =	swait.ge [sflag:s8], $0x800  }
0xf8: {  	[sflag:s8] =	ssyncset.done $0x0  }
0xf9: {  	[sflag:s8] =	ssyncadd.s32 $0xFFFFF800  }
0xfa: {  	_ =	swait.ge [sflag:s8], $0x800  }
0xfb: {  	[sflag:s8] =	ssyncset.done $0x0  }
0xfc: {  	[sflag:s8] =	ssyncadd.s32 $0xFFFFF800  }
0xfd: {  	[hbm4b:s11+s2] =	stream.linear.scatter [tilespmem:s20], [sflag:$0x2], $0x4000, $0x38;
	[tilespmem:$0x10180] =	vst v63  }
0xfe: {  	_ =	swait.ge [sflag:s17], $0x4000  }
0xff: {  	[sflag:s17] =	ssyncset.done $0x0  }
0x100: {  	[sflag:s17] =	ssyncadd.s32 $0xFFFFC000  }
0x101: {  	[hbm4b:s10+s2] =	stream.linear.scatter [tilespmem:s21], [sflag:$0x2], $0x4000, $0x38;
	[tilespmem:$0x10180] =	vst v63  }
0x102: {  	_ =	swait.ge [sflag:s17], $0x4000  }
0x103: {  	[sflag:s17] =	ssyncset.done $0x0  }
0x104: {  	[sflag:s17] =	ssyncadd.s32 $0xFFFFC000  }
0x105: {  	[spmem:s1] =	stream.indirect.scatter.add.f32 [tilespmem:s9], [sflag:$0x2], $0x1, s13, s19, $0xb8;
	[tilespmem:$0x10180] =	vst v63  }
0x106: {  	_ =	swait.ge [sflag:s17], $0x80  }
0x107: {  	[sflag:s17] =	ssyncset.done $0x0  }
0x108: {  	[sflag:s17] =	ssyncadd.s32 $0xFFFFFF80  }
0x109: {  	[spmem:s1] =	stream.indirect.scatter.add.f32 [tilespmem:s9], [sflag:$0x2], $0x1, s14, s19, $0xb8;
	[tilespmem:$0x10180] =	vst v63  }
0x10a: {  	_ =	swait.ge [sflag:s17], $0x80  }
0x10b: {  	[sflag:s17] =	ssyncset.done $0x0  }
0x10c: {  	[sflag:s17] =	ssyncadd.s32 $0xFFFFFF80  }
0x10d: {  	[spmem:s1] =	stream.indirect.scatter.add.f32 [tilespmem:s9], [sflag:$0x2], $0x1, s15, s19, $0xb8;
	[tilespmem:$0x10180] =	vst v63  }
0x10e: {  	_ =	swait.ge [sflag:s17], $0x80  }
0x10f: {  	[sflag:s17] =	ssyncset.done $0x0  }
0x110: {  	[sflag:s17] =	ssyncadd.s32 $0xFFFFFF80  }
0x111: {  	[spmem:s1] =	stream.indirect.scatter.add.f32 [tilespmem:s9], [sflag:$0x2], $0x1, s18, s19, $0xb8;
	[tilespmem:$0x10180] =	vst v63  }
0x112: {  	_ =	swait.ge [sflag:s17], $0x80  }
0x113: {  	[sflag:s17] =	ssyncset.done $0x0  }
0x114: {  	[sflag:s17] =	ssyncadd.s32 $0xFFFFFF80  }
0x115: {  	[spmem:s1] =	stream.indirect.scatter.add.f32 [tilespmem:s9], [sflag:$0x2], $0x1, s22, s19, $0xb8;
	[tilespmem:$0x10180] =	vst v63  }
0x116: {  	_ =	swait.ge [sflag:s17], $0x80  }
0x117: {  	[sflag:s17] =	ssyncset.done $0x0  }
0x118: {  	[sflag:s17] =	ssyncadd.s32 $0xFFFFFF80  }
0x119: {  	[spmem:s1] =	stream.indirect.scatter.add.f32 [tilespmem:s9], [sflag:$0x2], $0x1, s23, s19, $0xb8;
	[tilespmem:$0x10180] =	vst v63  }
0x11a: {  	_ =	swait.ge [sflag:s17], $0x80  }
0x11b: {  	[sflag:s17] =	ssyncset.done $0x0  }
0x11c: {  	[sflag:s17] =	ssyncadd.s32 $0xFFFFFF80  }
0x11d: {  	[spmem:s1] =	stream.indirect.scatter.add.f32 [tilespmem:s9], [sflag:$0x2], $0x1, s24, s19, $0xb8;
	[tilespmem:$0x10180] =	vst v63  }
0x11e: {  	s24 =	simm.s32 $0x7800  }
0x11f: {  	_ =	swait.ge [sflag:s17], $0x80  }
0x120: {  	[sflag:s17] =	ssyncset.done $0x0  }
.Ltmp1:
0x121: {  	[sflag:s17] =	ssyncadd.s32 $0xFFFFFF80;
	(pc) =	sbr.rel @p0 .LBB2_4-.Ltmp1, $4  }
0x122: {  	[spmem:s1] =	stream.indirect.scatter.add.f32 [tilespmem:s9], [sflag:$0x2], $0x1, s25, s19, $0xb8;
	[tilespmem:$0x10180] =	vst v63  }
0x123: {  	s25 =	simm.s32 $0x7000  }
0x124: {  	s11 =	sadd.s32 $0x800, s11;
	_ =	swait.ge [sflag:s17], $0x80  }
0x125: {  	s10 =	sadd.s32 $0x800, s10;
	s14 =	smov.u32 s12;
	[sflag:s17] =	ssyncset.done $0x0  }
0x126: {  	s5 =	sshra.s32 s5, $0x2;
	[sflag:s17] =	ssyncadd.s32 $0xFFFFFF80  }
0x127: {  	[tilespmem:s20], [sflag:$0x1] =	stream.indirect.gather [hbm4b:s4+s19], $0x10, s5, s19, $0xb8;
	[tilespmem:$0x10180] =	vst v63  }
0x128: {  	s12 =	sadd.s32 $0x3400, s5  }
0x129: {  	[tilespmem:s21], [sflag:$0x1] =	stream.indirect.gather [hbm4b:s4+s19], $0x10, s12, s19, $0xb8;
	[tilespmem:$0x10180] =	vst v63  }
0x12a: {  	s12 =	sadd.s32 $0x80, s5  }
0x12b: {  	[tilespmem:s25], [sflag:$0x1] =	stream.indirect.gather [hbm4b:s4+s19], $0x10, s12, s19, $0xb8;
	[tilespmem:$0x10180] =	vst v63  }
0x12c: {  	s13 =	sadd.s32 $0x3480, s5  }
0x12d: {  	[tilespmem:s26], [sflag:$0x1] =	stream.indirect.gather [hbm4b:s4+s19], $0x10, s13, s19, $0xb8;
	[tilespmem:$0x10180] =	vst v63  }
0x12e: {  	s13 =	sadd.s32 $0x100, s5  }
0x12f: {  	[tilespmem:s24], [sflag:$0x1] =	stream.indirect.gather [hbm4b:s4+s19], $0x10, s13, s19, $0xb8;
	[tilespmem:$0x10180] =	vst v63  }
0x130: {  	s3 =	simm.s32 $0xB800;
	s14 =	sadd.s32 $0x3500, s5  }
0x131: {  	[tilespmem:s3], [sflag:$0x1] =	stream.indirect.gather [hbm4b:s4+s19], $0x10, s14, s19, $0xb8;
	[tilespmem:$0x10180] =	vst v63  }
0x132: {  	s7 =	simm.s32 $0x8000;
	s14 =	sadd.s32 $0x180, s5  }
0x133: {  	[tilespmem:s7], [sflag:$0x1] =	stream.indirect.gather [hbm4b:s4+s19], $0x10, s14, s19, $0xb8;
	[tilespmem:$0x10180] =	vst v63  }
0x134: {  	s16 =	simm.s32 $0xC000;
	s15 =	sadd.s32 $0x3580, s5  }
0x135: {  	[tilespmem:s16], [sflag:$0x1] =	stream.indirect.gather [hbm4b:s4+s19], $0x10, s15, s19, $0xb8;
	[tilespmem:$0x10180] =	vst v63  }
0x136: {  	s28 =	simm.s32 $0x8800;
	s15 =	sadd.s32 $0x200, s5  }
0x137: {  	[tilespmem:s28], [sflag:$0x1] =	stream.indirect.gather [hbm4b:s4+s19], $0x10, s15, s19, $0xb8;
	[tilespmem:$0x10180] =	vst v63  }
0x138: {  	s0 =	simm.s32 $0xC800;
	s18 =	sadd.s32 $0x3600, s5  }
0x139: {  	[tilespmem:s0], [sflag:$0x1] =	stream.indirect.gather [hbm4b:s4+s19], $0x10, s18, s19, $0xb8;
	[tilespmem:$0x10180] =	vst v63  }
0x13a: {  	s6 =	simm.s32 $0x9000;
	s18 =	sadd.s32 $0x280, s5  }
0x13b: {  	[tilespmem:s6], [sflag:$0x1] =	stream.indirect.gather [hbm4b:s4+s19], $0x10, s18, s19, $0xb8;
	[tilespmem:$0x10180] =	vst v63  }
0x13c: {  	s23 =	simm.s32 $0xD000;
	s22 =	sadd.s32 $0x3680, s5  }
0x13d: {  	[tilespmem:s23], [sflag:$0x1] =	stream.indirect.gather [hbm4b:s4+s19], $0x10, s22, s19, $0xb8;
	[tilespmem:$0x10180] =	vst v63  }
0x13e: {  	s24 =	simm.s32 $0x9800;
	s22 =	sadd.s32 $0x300, s5  }
0x13f: {  	[tilespmem:s24], [sflag:$0x1] =	stream.indirect.gather [hbm4b:s4+s19], $0x10, s22, s19, $0xb8;
	[tilespmem:$0x10180] =	vst v63  }
0x140: {  	s23 =	sadd.s32 $0x3700, s5;
	s24 =	simm.s32 $0xD800  }
0x141: {  	[tilespmem:s24], [sflag:$0x1] =	stream.indirect.gather [hbm4b:s4+s19], $0x10, s23, s19, $0xb8;
	[tilespmem:$0x10180] =	vst v63  }
0x142: {  	s23 =	sadd.s32 $0x380, s5;
	s24 =	simm.s32 $0xA000  }
0x143: {  	[tilespmem:s24], [sflag:$0x1] =	stream.indirect.gather [hbm4b:s4+s19], $0x10, s23, s19, $0xb8;
	[tilespmem:$0x10180] =	vst v63  }
0x144: {  	s29 =	simm.s32 $0xE000;
	s24 =	sadd.s32 $0x3780, s5  }
0x145: {  	[tilespmem:s29], [sflag:$0x1] =	stream.indirect.gather [hbm4b:s4+s19], $0x10, s24, s19, $0xb8;
	[tilespmem:$0x10180] =	vst v63  }
0x146: {  	_ =	swait.ge [sflag:s8], $0x800  }
0x147: {  	[sflag:s8] =	ssyncset.done $0x0  }
0x148: {  	[sflag:s8] =	ssyncadd.s32 $0xFFFFF800  }
0x149: {  	_ =	swait.ge [sflag:s8], $0x800  }
0x14a: {  	[sflag:s8] =	ssyncset.done $0x0  }
0x14b: {  	[sflag:s8] =	ssyncadd.s32 $0xFFFFF800  }
0x14c: {  	_ =	swait.ge [sflag:s8], $0x800  }
0x14d: {  	[sflag:s8] =	ssyncset.done $0x0  }
0x14e: {  	[sflag:s8] =	ssyncadd.s32 $0xFFFFF800  }
0x14f: {  	_ =	swait.ge [sflag:s8], $0x800  }
0x150: {  	[sflag:s8] =	ssyncset.done $0x0  }
0x151: {  	[sflag:s8] =	ssyncadd.s32 $0xFFFFF800  }
0x152: {  	_ =	swait.ge [sflag:s8], $0x800  }
0x153: {  	[sflag:s8] =	ssyncset.done $0x0  }
0x154: {  	[sflag:s8] =	ssyncadd.s32 $0xFFFFF800  }
0x155: {  	_ =	swait.ge [sflag:s8], $0x800  }
0x156: {  	[sflag:s8] =	ssyncset.done $0x0  }
0x157: {  	[sflag:s8] =	ssyncadd.s32 $0xFFFFF800  }
0x158: {  	_ =	swait.ge [sflag:s8], $0x800  }
0x159: {  	[sflag:s8] =	ssyncset.done $0x0  }
0x15a: {  	[sflag:s8] =	ssyncadd.s32 $0xFFFFF800  }
0x15b: {  	_ =	swait.ge [sflag:s8], $0x800  }
0x15c: {  	[sflag:s8] =	ssyncset.done $0x0  }
0x15d: {  	[sflag:s8] =	ssyncadd.s32 $0xFFFFF800  }
0x15e: {  	_ =	swait.ge [sflag:s8], $0x800  }
0x15f: {  	[sflag:s8] =	ssyncset.done $0x0  }
0x160: {  	[sflag:s8] =	ssyncadd.s32 $0xFFFFF800  }
0x161: {  	_ =	swait.ge [sflag:s8], $0x800  }
0x162: {  	[sflag:s8] =	ssyncset.done $0x0  }
0x163: {  	[sflag:s8] =	ssyncadd.s32 $0xFFFFF800  }
0x164: {  	_ =	swait.ge [sflag:s8], $0x800  }
0x165: {  	[sflag:s8] =	ssyncset.done $0x0  }
0x166: {  	[sflag:s8] =	ssyncadd.s32 $0xFFFFF800  }
0x167: {  	_ =	swait.ge [sflag:s8], $0x800  }
0x168: {  	[sflag:s8] =	ssyncset.done $0x0  }
0x169: {  	[sflag:s8] =	ssyncadd.s32 $0xFFFFF800  }
0x16a: {  	_ =	swait.ge [sflag:s8], $0x800  }
0x16b: {  	[sflag:s8] =	ssyncset.done $0x0  }
0x16c: {  	[sflag:s8] =	ssyncadd.s32 $0xFFFFF800  }
0x16d: {  	_ =	swait.ge [sflag:s8], $0x800  }
0x16e: {  	[sflag:s8] =	ssyncset.done $0x0  }
0x16f: {  	[sflag:s8] =	ssyncadd.s32 $0xFFFFF800  }
0x170: {  	_ =	swait.ge [sflag:s8], $0x800  }
0x171: {  	[sflag:s8] =	ssyncset.done $0x0  }
0x172: {  	[sflag:s8] =	ssyncadd.s32 $0xFFFFF800  }
0x173: {  	_ =	swait.ge [sflag:s8], $0x800  }
0x174: {  	[sflag:s8] =	ssyncset.done $0x0  }
0x175: {  	[sflag:s8] =	ssyncadd.s32 $0xFFFFF800  }
0x176: {  	[hbm4b:s11+s2] =	stream.linear.scatter [tilespmem:s20], [sflag:$0x2], $0x4000, $0x38;
	[tilespmem:$0x10180] =	vst v63  }
0x177: {  	_ =	swait.ge [sflag:s17], $0x4000  }
0x178: {  	[sflag:s17] =	ssyncset.done $0x0  }
0x179: {  	[sflag:s17] =	ssyncadd.s32 $0xFFFFC000  }
0x17a: {  	[hbm4b:s10+s2] =	stream.linear.scatter [tilespmem:s21], [sflag:$0x2], $0x4000, $0x38;
	[tilespmem:$0x10180] =	vst v63  }
0x17b: {  	_ =	swait.ge [sflag:s17], $0x4000  }
0x17c: {  	[sflag:s17] =	ssyncset.done $0x0  }
0x17d: {  	[sflag:s17] =	ssyncadd.s32 $0xFFFFC000  }
0x17e: {  	[spmem:s1] =	stream.indirect.scatter.add.f32 [tilespmem:s9], [sflag:$0x2], $0x1, s5, s19, $0xb8;
	[tilespmem:$0x10180] =	vst v63  }
0x17f: {  	_ =	swait.ge [sflag:s17], $0x80  }
0x180: {  	[sflag:s17] =	ssyncset.done $0x0  }
0x181: {  	[sflag:s17] =	ssyncadd.s32 $0xFFFFFF80  }
0x182: {  	[spmem:s1] =	stream.indirect.scatter.add.f32 [tilespmem:s9], [sflag:$0x2], $0x1, s12, s19, $0xb8;
	[tilespmem:$0x10180] =	vst v63  }
0x183: {  	_ =	swait.ge [sflag:s17], $0x80  }
0x184: {  	[sflag:s17] =	ssyncset.done $0x0  }
0x185: {  	[sflag:s17] =	ssyncadd.s32 $0xFFFFFF80  }
0x186: {  	[spmem:s1] =	stream.indirect.scatter.add.f32 [tilespmem:s9], [sflag:$0x2], $0x1, s13, s19, $0xb8;
	[tilespmem:$0x10180] =	vst v63  }
0x187: {  	_ =	swait.ge [sflag:s17], $0x80  }
0x188: {  	[sflag:s17] =	ssyncset.done $0x0  }
0x189: {  	[sflag:s17] =	ssyncadd.s32 $0xFFFFFF80  }
0x18a: {  	[spmem:s1] =	stream.indirect.scatter.add.f32 [tilespmem:s9], [sflag:$0x2], $0x1, s14, s19, $0xb8;
	[tilespmem:$0x10180] =	vst v63  }
0x18b: {  	_ =	swait.ge [sflag:s17], $0x80  }
0x18c: {  	[sflag:s17] =	ssyncset.done $0x0  }
0x18d: {  	[sflag:s17] =	ssyncadd.s32 $0xFFFFFF80  }
0x18e: {  	[spmem:s1] =	stream.indirect.scatter.add.f32 [tilespmem:s9], [sflag:$0x2], $0x1, s15, s19, $0xb8;
	[tilespmem:$0x10180] =	vst v63  }
0x18f: {  	_ =	swait.ge [sflag:s17], $0x80  }
0x190: {  	[sflag:s17] =	ssyncset.done $0x0  }
0x191: {  	[sflag:s17] =	ssyncadd.s32 $0xFFFFFF80  }
0x192: {  	[spmem:s1] =	stream.indirect.scatter.add.f32 [tilespmem:s9], [sflag:$0x2], $0x1, s18, s19, $0xb8;
	[tilespmem:$0x10180] =	vst v63  }
0x193: {  	_ =	swait.ge [sflag:s17], $0x80  }
0x194: {  	[sflag:s17] =	ssyncset.done $0x0  }
0x195: {  	[sflag:s17] =	ssyncadd.s32 $0xFFFFFF80  }
0x196: {  	[spmem:s1] =	stream.indirect.scatter.add.f32 [tilespmem:s9], [sflag:$0x2], $0x1, s22, s19, $0xb8;
	[tilespmem:$0x10180] =	vst v63  }
0x197: {  	_ =	swait.ge [sflag:s17], $0x80  }
0x198: {  	[sflag:s17] =	ssyncset.done $0x0  }
0x199: {  	[sflag:s17] =	ssyncadd.s32 $0xFFFFFF80  }
0x19a: {  	[spmem:s1] =	stream.indirect.scatter.add.f32 [tilespmem:s9], [sflag:$0x2], $0x1, s23, s19, $0xb8;
	[tilespmem:$0x10180] =	vst v63  }
0x19b: {  	_ =	swait.ge [sflag:s17], $0x80  }
0x19c: {  	[sflag:s17] =	ssyncset.done $0x0  }
0x19d: {  	s15 =	simm.s32 $0x0;
	s18 =	rddreg [dreg:$0x7];
	[sflag:s17] =	ssyncadd.s32 $0xFFFFFF80  }
0x19e: {  	[tilespmem:s15], [sflag:$0x2] =	stream.linear.gather [hbm4b:s18+s15], $0x3000, $0x38;
	[tilespmem:$0x10180] =	vst v63  }
0x19f: {  	_ =	swait.ge [sflag:s17], $0x3000  }
0x1a0: {  	[sflag:s17] =	ssyncset.done $0x0  }
0x1a1: {  	s23 =	simm.s32 $0x3400;
	s22 =	rddreg [dreg:$0x8];
	[sflag:s17] =	ssyncadd.s32 $0xFFFFD000  }
0x1a2: {  	[tilespmem:s23], [sflag:$0x2] =	stream.linear.gather [hbm4b:s22+s15], $0x3000, $0x38;
	[tilespmem:$0x10180] =	vst v63  }
0x1a3: {  	_ =	swait.ge [sflag:s17], $0x3000  }
0x1a4: {  	[sflag:s17] =	ssyncset.done $0x0  }
0x1a5: {  	s5 =	simm.s32 $0x0;
	[sflag:s17] =	ssyncadd.s32 $0xFFFFD000  }
0x1a6: {  	[tilespmem:s20], [sflag:$0x1] =	stream.indirect.gather [hbm4b:s4+s19], $0x10, s5, s19, $0xb8;
	[tilespmem:$0x10180] =	vst v63  }
0x1a7: {  	s12 =	simm.s32 $0x3400  }
0x1a8: {  	[tilespmem:s21], [sflag:$0x1] =	stream.indirect.gather [hbm4b:s4+s19], $0x10, s12, s19, $0xb8;
	[tilespmem:$0x10180] =	vst v63  }
0x1a9: {  	s10 =	simm.s32 $0x80  }
0x1aa: {  	[tilespmem:s25], [sflag:$0x1] =	stream.indirect.gather [hbm4b:s4+s19], $0x10, s10, s19, $0xb8;
	[tilespmem:$0x10180] =	vst v63  }
0x1ab: {  	s13 =	simm.s32 $0x3480  }
0x1ac: {  	[tilespmem:s26], [sflag:$0x1] =	stream.indirect.gather [hbm4b:s4+s19], $0x10, s13, s19, $0xb8;
	[tilespmem:$0x10180] =	vst v63  }
0x1ad: {  	s24 =	simm.s32 $0x7800;
	s11 =	simm.s32 $0x100  }
0x1ae: {  	[tilespmem:s24], [sflag:$0x1] =	stream.indirect.gather [hbm4b:s4+s19], $0x10, s11, s19, $0xb8;
	[tilespmem:$0x10180] =	vst v63  }
0x1af: {  	s14 =	simm.s32 $0x3500  }
0x1b0: {  	[tilespmem:s3], [sflag:$0x1] =	stream.indirect.gather [hbm4b:s4+s19], $0x10, s14, s19, $0xb8;
	[tilespmem:$0x10180] =	vst v63  }
0x1b1: {  	s12 =	simm.s32 $0x180  }
0x1b2: {  	[tilespmem:s7], [sflag:$0x1] =	stream.indirect.gather [hbm4b:s4+s19], $0x10, s12, s19, $0xb8;
	[tilespmem:$0x10180] =	vst v63  }
0x1b3: {  	s15 =	simm.s32 $0x3580  }
0x1b4: {  	[tilespmem:s16], [sflag:$0x1] =	stream.indirect.gather [hbm4b:s4+s19], $0x10, s15, s19, $0xb8;
	[tilespmem:$0x10180] =	vst v63  }
0x1b5: {  	s13 =	simm.s32 $0x200  }
0x1b6: {  	[tilespmem:s28], [sflag:$0x1] =	stream.indirect.gather [hbm4b:s4+s19], $0x10, s13, s19, $0xb8;
	[tilespmem:$0x10180] =	vst v63  }
0x1b7: {  	s16 =	simm.s32 $0x3600  }
0x1b8: {  	[tilespmem:s0], [sflag:$0x1] =	stream.indirect.gather [hbm4b:s4+s19], $0x10, s16, s19, $0xb8;
	[tilespmem:$0x10180] =	vst v63  }
0x1b9: {  	s14 =	simm.s32 $0x280  }
0x1ba: {  	[tilespmem:s6], [sflag:$0x1] =	stream.indirect.gather [hbm4b:s4+s19], $0x10, s14, s19, $0xb8;
	[tilespmem:$0x10180] =	vst v63  }
0x1bb: {  	s18 =	simm.s32 $0x3680;
	s22 =	simm.s32 $0xD000  }
0x1bc: {  	[tilespmem:s22], [sflag:$0x1] =	stream.indirect.gather [hbm4b:s4+s19], $0x10, s18, s19, $0xb8;
	[tilespmem:$0x10180] =	vst v63  }
0x1bd: {  	s23 =	simm.s32 $0x9800;
	s15 =	simm.s32 $0x300  }
0x1be: {  	[tilespmem:s23], [sflag:$0x1] =	stream.indirect.gather [hbm4b:s4+s19], $0x10, s15, s19, $0xb8;
	[tilespmem:$0x10180] =	vst v63  }
0x1bf: {  	s0 =	simm.s32 $0x3700;
	s22 =	simm.s32 $0xD800  }
0x1c0: {  	[tilespmem:s22], [sflag:$0x1] =	stream.indirect.gather [hbm4b:s4+s19], $0x10, s0, s19, $0xb8;
	[tilespmem:$0x10180] =	vst v63  }
0x1c1: {  	s18 =	simm.s32 $0x380;
	s23 =	simm.s32 $0xA000  }
0x1c2: {  	[tilespmem:s23], [sflag:$0x1] =	stream.indirect.gather [hbm4b:s4+s19], $0x10, s18, s19, $0xb8;
	[tilespmem:$0x10180] =	vst v63  }
0x1c3: {  	s0 =	simm.s32 $0x3780;
	s23 =	simm.s32 $0xE000  }
0x1c4: {  	[tilespmem:s23], [sflag:$0x1] =	stream.indirect.gather [hbm4b:s4+s19], $0x10, s0, s19, $0xb8;
	[tilespmem:$0x10180] =	vst v63  }
0x1c5: {  	_ =	swait.ge [sflag:s8], $0x800  }
0x1c6: {  	[sflag:s8] =	ssyncset.done $0x0  }
0x1c7: {  	[sflag:s8] =	ssyncadd.s32 $0xFFFFF800  }
0x1c8: {  	_ =	swait.ge [sflag:s8], $0x800  }
0x1c9: {  	[sflag:s8] =	ssyncset.done $0x0  }
0x1ca: {  	[sflag:s8] =	ssyncadd.s32 $0xFFFFF800  }
0x1cb: {  	_ =	swait.ge [sflag:s8], $0x800  }
0x1cc: {  	[sflag:s8] =	ssyncset.done $0x0  }
0x1cd: {  	[sflag:s8] =	ssyncadd.s32 $0xFFFFF800  }
0x1ce: {  	_ =	swait.ge [sflag:s8], $0x800  }
0x1cf: {  	[sflag:s8] =	ssyncset.done $0x0  }
0x1d0: {  	[sflag:s8] =	ssyncadd.s32 $0xFFFFF800  }
0x1d1: {  	_ =	swait.ge [sflag:s8], $0x800  }
0x1d2: {  	[sflag:s8] =	ssyncset.done $0x0  }
0x1d3: {  	[sflag:s8] =	ssyncadd.s32 $0xFFFFF800  }
0x1d4: {  	_ =	swait.ge [sflag:s8], $0x800  }
0x1d5: {  	[sflag:s8] =	ssyncset.done $0x0  }
0x1d6: {  	[sflag:s8] =	ssyncadd.s32 $0xFFFFF800  }
0x1d7: {  	_ =	swait.ge [sflag:s8], $0x800  }
0x1d8: {  	[sflag:s8] =	ssyncset.done $0x0  }
0x1d9: {  	[sflag:s8] =	ssyncadd.s32 $0xFFFFF800  }
0x1da: {  	_ =	swait.ge [sflag:s8], $0x800  }
0x1db: {  	[sflag:s8] =	ssyncset.done $0x0  }
0x1dc: {  	[sflag:s8] =	ssyncadd.s32 $0xFFFFF800  }
0x1dd: {  	_ =	swait.ge [sflag:s8], $0x800  }
0x1de: {  	[sflag:s8] =	ssyncset.done $0x0  }
0x1df: {  	[sflag:s8] =	ssyncadd.s32 $0xFFFFF800  }
0x1e0: {  	_ =	swait.ge [sflag:s8], $0x800  }
0x1e1: {  	[sflag:s8] =	ssyncset.done $0x0  }
0x1e2: {  	[sflag:s8] =	ssyncadd.s32 $0xFFFFF800  }
0x1e3: {  	_ =	swait.ge [sflag:s8], $0x800  }
0x1e4: {  	[sflag:s8] =	ssyncset.done $0x0  }
0x1e5: {  	[sflag:s8] =	ssyncadd.s32 $0xFFFFF800  }
0x1e6: {  	_ =	swait.ge [sflag:s8], $0x800  }
0x1e7: {  	[sflag:s8] =	ssyncset.done $0x0  }
0x1e8: {  	[sflag:s8] =	ssyncadd.s32 $0xFFFFF800  }
0x1e9: {  	_ =	swait.ge [sflag:s8], $0x800  }
0x1ea: {  	[sflag:s8] =	ssyncset.done $0x0  }
0x1eb: {  	[sflag:s8] =	ssyncadd.s32 $0xFFFFF800  }
0x1ec: {  	_ =	swait.ge [sflag:s8], $0x800  }
0x1ed: {  	[sflag:s8] =	ssyncset.done $0x0  }
0x1ee: {  	[sflag:s8] =	ssyncadd.s32 $0xFFFFF800  }
0x1ef: {  	_ =	swait.ge [sflag:s8], $0x800  }
0x1f0: {  	[sflag:s8] =	ssyncset.done $0x0  }
0x1f1: {  	[sflag:s8] =	ssyncadd.s32 $0xFFFFF800  }
0x1f2: {  	_ =	swait.ge [sflag:s8], $0x800  }
0x1f3: {  	[sflag:s8] =	ssyncset.done $0x0  }
0x1f4: {  	s23 =	rddreg [dreg:$0xd];
	[sflag:s8] =	ssyncadd.s32 $0xFFFFF800  }
0x1f5: {  	[hbm4b:s23+s2] =	stream.linear.scatter [tilespmem:s20], [sflag:$0x2], $0x4000, $0x38;
	[tilespmem:$0x10180] =	vst v63  }
0x1f6: {  	_ =	swait.ge [sflag:s17], $0x4000  }
0x1f7: {  	[sflag:s17] =	ssyncset.done $0x0  }
0x1f8: {  	s0 =	rddreg [dreg:$0xe];
	[sflag:s17] =	ssyncadd.s32 $0xFFFFC000  }
0x1f9: {  	[hbm4b:s0+s2] =	stream.linear.scatter [tilespmem:s21], [sflag:$0x2], $0x4000, $0x38;
	[tilespmem:$0x10180] =	vst v63  }
0x1fa: {  	_ =	swait.ge [sflag:s17], $0x4000  }
0x1fb: {  	[sflag:s17] =	ssyncset.done $0x0  }
0x1fc: {  	[sflag:s17] =	ssyncadd.s32 $0xFFFFC000  }
0x1fd: {  	[spmem:s1] =	stream.indirect.scatter.add.f32 [tilespmem:s9], [sflag:$0x2], $0x1, s5, s19, $0xb8;
	[tilespmem:$0x10180] =	vst v63  }
0x1fe: {  	_ =	swait.ge [sflag:s17], $0x80  }
0x1ff: {  	[sflag:s17] =	ssyncset.done $0x0  }
0x200: {  	[sflag:s17] =	ssyncadd.s32 $0xFFFFFF80  }
0x201: {  	[spmem:s1] =	stream.indirect.scatter.add.f32 [tilespmem:s9], [sflag:$0x2], $0x1, s10, s19, $0xb8;
	[tilespmem:$0x10180] =	vst v63  }
0x202: {  	_ =	swait.ge [sflag:s17], $0x80  }
0x203: {  	[sflag:s17] =	ssyncset.done $0x0  }
0x204: {  	[sflag:s17] =	ssyncadd.s32 $0xFFFFFF80  }
0x205: {  	[spmem:s1] =	stream.indirect.scatter.add.f32 [tilespmem:s9], [sflag:$0x2], $0x1, s11, s19, $0xb8;
	[tilespmem:$0x10180] =	vst v63  }
0x206: {  	_ =	swait.ge [sflag:s17], $0x80  }
0x207: {  	[sflag:s17] =	ssyncset.done $0x0  }
0x208: {  	[sflag:s17] =	ssyncadd.s32 $0xFFFFFF80  }
0x209: {  	[spmem:s1] =	stream.indirect.scatter.add.f32 [tilespmem:s9], [sflag:$0x2], $0x1, s12, s19, $0xb8;
	[tilespmem:$0x10180] =	vst v63  }
0x20a: {  	_ =	swait.ge [sflag:s17], $0x80  }
0x20b: {  	[sflag:s17] =	ssyncset.done $0x0  }
0x20c: {  	[sflag:s17] =	ssyncadd.s32 $0xFFFFFF80  }
0x20d: {  	[spmem:s1] =	stream.indirect.scatter.add.f32 [tilespmem:s9], [sflag:$0x2], $0x1, s13, s19, $0xb8;
	[tilespmem:$0x10180] =	vst v63  }
0x20e: {  	_ =	swait.ge [sflag:s17], $0x80  }
0x20f: {  	[sflag:s17] =	ssyncset.done $0x0  }
0x210: {  	[sflag:s17] =	ssyncadd.s32 $0xFFFFFF80  }
0x211: {  	[spmem:s1] =	stream.indirect.scatter.add.f32 [tilespmem:s9], [sflag:$0x2], $0x1, s14, s19, $0xb8;
	[tilespmem:$0x10180] =	vst v63  }
0x212: {  	_ =	swait.ge [sflag:s17], $0x80  }
0x213: {  	[sflag:s17] =	ssyncset.done $0x0  }
0x214: {  	s30 =	simm.s32 $0x8000;
	s31 =	simm.s32 $0xC000;
	[sflag:s17] =	ssyncadd.s32 $0xFFFFFF80  }
0x215: {  	[spmem:s1] =	stream.indirect.scatter.add.f32 [tilespmem:s9], [sflag:$0x2], $0x1, s15, s19, $0xb8;
	[tilespmem:$0x10180] =	vst v63  }
0x216: {  	s29 =	simm.s32 $0xB800;
	s3 =	simm.s32 $0xC800;
	_ =	swait.ge [sflag:s17], $0x80  }
0x217: {  	s7 =	simm.s32 $0x9800;
	s28 =	simm.s32 $0x9000;
	[sflag:s17] =	ssyncset.done $0x0  }
0x218: {  	s16 =	simm.s32 $0xD800;
	s6 =	simm.s32 $0xD000;
	[sflag:s17] =	ssyncadd.s32 $0xFFFFFF80  }
0x219: {  	[spmem:s1] =	stream.indirect.scatter.add.f32 [tilespmem:s9], [sflag:$0x2], $0x1, s18, s19, $0xb8;
	[tilespmem:$0x10180] =	vst v63  }
0x21a: {  	s5 =	simm.s32 $0x1000;
	s10 =	sadd.s32 $0x800, s0;
	_ =	swait.ge [sflag:s17], $0x80  }
0x21b: {  	s11 =	sadd.s32 $0x800, s23;
	s14 =	simm.s32 $0x2000;
	[sflag:s17] =	ssyncset.done $0x0  }
.LBB2_6:
0x21c: {  	s13 =	sshra.s32 s5, $0x2  }
0x21d: {  	[sflag:s17] =	ssyncadd.s32 $0xFFFFFF80;
	s5 =	smov.u32 s14;
	s12 =	sadd.s32 $0x1000, s14  }
0x21e: {  	[tilespmem:s20], [sflag:$0x1] =	stream.indirect.gather [hbm4b:s4+s19], $0x10, s13, s19, $0xb8;
	[tilespmem:$0x10180] =	vst v63  }
0x21f: {  	p0 =	sne.s32 s14, $0xB000;
	s14 =	sadd.s32 $0x3400, s13  }
0x220: {  	[tilespmem:s21], [sflag:$0x1] =	stream.indirect.gather [hbm4b:s4+s19], $0x10, s14, s19, $0xb8;
	[tilespmem:$0x10180] =	vst v63  }
0x221: {  	s14 =	sadd.s32 $0x80, s13  }
0x222: {  	[tilespmem:s25], [sflag:$0x1] =	stream.indirect.gather [hbm4b:s4+s19], $0x10, s14, s19, $0xb8;
	[tilespmem:$0x10180] =	vst v63  }
0x223: {  	s15 =	sadd.s32 $0x3480, s13  }
0x224: {  	[tilespmem:s26], [sflag:$0x1] =	stream.indirect.gather [hbm4b:s4+s19], $0x10, s15, s19, $0xb8;
	[tilespmem:$0x10180] =	vst v63  }
0x225: {  	s15 =	sadd.s32 $0x100, s13  }
0x226: {  	[tilespmem:s24], [sflag:$0x1] =	stream.indirect.gather [hbm4b:s4+s19], $0x10, s15, s19, $0xb8;
	[tilespmem:$0x10180] =	vst v63  }
0x227: {  	s18 =	sadd.s32 $0x3500, s13  }
0x228: {  	[tilespmem:s29], [sflag:$0x1] =	stream.indirect.gather [hbm4b:s4+s19], $0x10, s18, s19, $0xb8;
	[tilespmem:$0x10180] =	vst v63  }
0x229: {  	s18 =	sadd.s32 $0x180, s13  }
0x22a: {  	[tilespmem:s30], [sflag:$0x1] =	stream.indirect.gather [hbm4b:s4+s19], $0x10, s18, s19, $0xb8;
	[tilespmem:$0x10180] =	vst v63  }
0x22b: {  	s22 =	sadd.s32 $0x3580, s13  }
0x22c: {  	[tilespmem:s31], [sflag:$0x1] =	stream.indirect.gather [hbm4b:s4+s19], $0x10, s22, s19, $0xb8;
	[tilespmem:$0x10180] =	vst v63  }
0x22d: {  	s23 =	simm.s32 $0x8800;
	s22 =	sadd.s32 $0x200, s13  }
0x22e: {  	[tilespmem:s23], [sflag:$0x1] =	stream.indirect.gather [hbm4b:s4+s19], $0x10, s22, s19, $0xb8;
	[tilespmem:$0x10180] =	vst v63  }
0x22f: {  	s23 =	sadd.s32 $0x3600, s13  }
0x230: {  	[tilespmem:s3], [sflag:$0x1] =	stream.indirect.gather [hbm4b:s4+s19], $0x10, s23, s19, $0xb8;
	[tilespmem:$0x10180] =	vst v63  }
0x231: {  	s23 =	sadd.s32 $0x280, s13  }
0x232: {  	[tilespmem:s28], [sflag:$0x1] =	stream.indirect.gather [hbm4b:s4+s19], $0x10, s23, s19, $0xb8;
	[tilespmem:$0x10180] =	vst v63  }
0x233: {  	s24 =	sadd.s32 $0x3680, s13  }
0x234: {  	[tilespmem:s6], [sflag:$0x1] =	stream.indirect.gather [hbm4b:s4+s19], $0x10, s24, s19, $0xb8;
	[tilespmem:$0x10180] =	vst v63  }
0x235: {  	s24 =	sadd.s32 $0x300, s13  }
0x236: {  	[tilespmem:s7], [sflag:$0x1] =	stream.indirect.gather [hbm4b:s4+s19], $0x10, s24, s19, $0xb8;
	[tilespmem:$0x10180] =	vst v63  }
0x237: {  	s25 =	sadd.s32 $0x3700, s13  }
0x238: {  	[tilespmem:s16], [sflag:$0x1] =	stream.indirect.gather [hbm4b:s4+s19], $0x10, s25, s19, $0xb8;
	[tilespmem:$0x10180] =	vst v63  }
0x239: {  	s0 =	simm.s32 $0xA000;
	s25 =	sadd.s32 $0x380, s13  }
0x23a: {  	[tilespmem:s0], [sflag:$0x1] =	stream.indirect.gather [hbm4b:s4+s19], $0x10, s25, s19, $0xb8;
	[tilespmem:$0x10180] =	vst v63  }
0x23b: {  	s26 =	sadd.s32 $0x3780, s13;
	s0 =	simm.s32 $0xE000  }
0x23c: {  	[tilespmem:s0], [sflag:$0x1] =	stream.indirect.gather [hbm4b:s4+s19], $0x10, s26, s19, $0xb8;
	[tilespmem:$0x10180] =	vst v63  }
0x23d: {  	s26 =	simm.s32 $0xB000  }
0x23e: {  	_ =	swait.ge [sflag:s8], $0x800  }
0x23f: {  	[sflag:s8] =	ssyncset.done $0x0  }
0x240: {  	[sflag:s8] =	ssyncadd.s32 $0xFFFFF800  }
0x241: {  	_ =	swait.ge [sflag:s8], $0x800  }
0x242: {  	[sflag:s8] =	ssyncset.done $0x0  }
0x243: {  	[sflag:s8] =	ssyncadd.s32 $0xFFFFF800  }
0x244: {  	_ =	swait.ge [sflag:s8], $0x800  }
0x245: {  	[sflag:s8] =	ssyncset.done $0x0  }
0x246: {  	[sflag:s8] =	ssyncadd.s32 $0xFFFFF800  }
0x247: {  	_ =	swait.ge [sflag:s8], $0x800  }
0x248: {  	[sflag:s8] =	ssyncset.done $0x0  }
0x249: {  	[sflag:s8] =	ssyncadd.s32 $0xFFFFF800  }
0x24a: {  	_ =	swait.ge [sflag:s8], $0x800  }
0x24b: {  	[sflag:s8] =	ssyncset.done $0x0  }
0x24c: {  	[sflag:s8] =	ssyncadd.s32 $0xFFFFF800  }
0x24d: {  	_ =	swait.ge [sflag:s8], $0x800  }
0x24e: {  	[sflag:s8] =	ssyncset.done $0x0  }
0x24f: {  	[sflag:s8] =	ssyncadd.s32 $0xFFFFF800  }
0x250: {  	_ =	swait.ge [sflag:s8], $0x800  }
0x251: {  	[sflag:s8] =	ssyncset.done $0x0  }
0x252: {  	[sflag:s8] =	ssyncadd.s32 $0xFFFFF800  }
0x253: {  	_ =	swait.ge [sflag:s8], $0x800  }
0x254: {  	[sflag:s8] =	ssyncset.done $0x0  }
0x255: {  	[sflag:s8] =	ssyncadd.s32 $0xFFFFF800  }
0x256: {  	_ =	swait.ge [sflag:s8], $0x800  }
0x257: {  	[sflag:s8] =	ssyncset.done $0x0  }
0x258: {  	[sflag:s8] =	ssyncadd.s32 $0xFFFFF800  }
0x259: {  	_ =	swait.ge [sflag:s8], $0x800  }
0x25a: {  	[sflag:s8] =	ssyncset.done $0x0  }
0x25b: {  	[sflag:s8] =	ssyncadd.s32 $0xFFFFF800  }
0x25c: {  	_ =	swait.ge [sflag:s8], $0x800  }
0x25d: {  	[sflag:s8] =	ssyncset.done $0x0  }
0x25e: {  	[sflag:s8] =	ssyncadd.s32 $0xFFFFF800  }
0x25f: {  	_ =	swait.ge [sflag:s8], $0x800  }
0x260: {  	[sflag:s8] =	ssyncset.done $0x0  }
0x261: {  	[sflag:s8] =	ssyncadd.s32 $0xFFFFF800  }
0x262: {  	_ =	swait.ge [sflag:s8], $0x800  }
0x263: {  	[sflag:s8] =	ssyncset.done $0x0  }
0x264: {  	[sflag:s8] =	ssyncadd.s32 $0xFFFFF800  }
0x265: {  	_ =	swait.ge [sflag:s8], $0x800  }
0x266: {  	[sflag:s8] =	ssyncset.done $0x0  }
0x267: {  	[sflag:s8] =	ssyncadd.s32 $0xFFFFF800  }
0x268: {  	_ =	swait.ge [sflag:s8], $0x800  }
0x269: {  	[sflag:s8] =	ssyncset.done $0x0  }
0x26a: {  	[sflag:s8] =	ssyncadd.s32 $0xFFFFF800  }
0x26b: {  	_ =	swait.ge [sflag:s8], $0x800  }
0x26c: {  	[sflag:s8] =	ssyncset.done $0x0  }
0x26d: {  	[sflag:s8] =	ssyncadd.s32 $0xFFFFF800  }
0x26e: {  	[hbm4b:s11+s2] =	stream.linear.scatter [tilespmem:s20], [sflag:$0x2], $0x4000, $0x38;
	[tilespmem:$0x10180] =	vst v63  }
0x26f: {  	_ =	swait.ge [sflag:s17], $0x4000  }
0x270: {  	[sflag:s17] =	ssyncset.done $0x0  }
0x271: {  	[sflag:s17] =	ssyncadd.s32 $0xFFFFC000  }
0x272: {  	[hbm4b:s10+s2] =	stream.linear.scatter [tilespmem:s21], [sflag:$0x2], $0x4000, $0x38;
	[tilespmem:$0x10180] =	vst v63  }
0x273: {  	_ =	swait.ge [sflag:s17], $0x4000  }
0x274: {  	[sflag:s17] =	ssyncset.done $0x0  }
0x275: {  	[sflag:s17] =	ssyncadd.s32 $0xFFFFC000  }
0x276: {  	[spmem:s1] =	stream.indirect.scatter.add.f32 [tilespmem:s9], [sflag:$0x2], $0x1, s13, s19, $0xb8;
	[tilespmem:$0x10180] =	vst v63  }
0x277: {  	_ =	swait.ge [sflag:s17], $0x80  }
0x278: {  	[sflag:s17] =	ssyncset.done $0x0  }
0x279: {  	[sflag:s17] =	ssyncadd.s32 $0xFFFFFF80  }
0x27a: {  	[spmem:s1] =	stream.indirect.scatter.add.f32 [tilespmem:s9], [sflag:$0x2], $0x1, s14, s19, $0xb8;
	[tilespmem:$0x10180] =	vst v63  }
0x27b: {  	_ =	swait.ge [sflag:s17], $0x80  }
0x27c: {  	[sflag:s17] =	ssyncset.done $0x0  }
0x27d: {  	[sflag:s17] =	ssyncadd.s32 $0xFFFFFF80  }
0x27e: {  	[spmem:s1] =	stream.indirect.scatter.add.f32 [tilespmem:s9], [sflag:$0x2], $0x1, s15, s19, $0xb8;
	[tilespmem:$0x10180] =	vst v63  }
0x27f: {  	_ =	swait.ge [sflag:s17], $0x80  }
0x280: {  	[sflag:s17] =	ssyncset.done $0x0  }
0x281: {  	[sflag:s17] =	ssyncadd.s32 $0xFFFFFF80  }
0x282: {  	[spmem:s1] =	stream.indirect.scatter.add.f32 [tilespmem:s9], [sflag:$0x2], $0x1, s18, s19, $0xb8;
	[tilespmem:$0x10180] =	vst v63  }
0x283: {  	_ =	swait.ge [sflag:s17], $0x80  }
0x284: {  	[sflag:s17] =	ssyncset.done $0x0  }
0x285: {  	[sflag:s17] =	ssyncadd.s32 $0xFFFFFF80  }
0x286: {  	[spmem:s1] =	stream.indirect.scatter.add.f32 [tilespmem:s9], [sflag:$0x2], $0x1, s22, s19, $0xb8;
	[tilespmem:$0x10180] =	vst v63  }
0x287: {  	_ =	swait.ge [sflag:s17], $0x80  }
0x288: {  	[sflag:s17] =	ssyncset.done $0x0  }
0x289: {  	[sflag:s17] =	ssyncadd.s32 $0xFFFFFF80  }
0x28a: {  	[spmem:s1] =	stream.indirect.scatter.add.f32 [tilespmem:s9], [sflag:$0x2], $0x1, s23, s19, $0xb8;
	[tilespmem:$0x10180] =	vst v63  }
0x28b: {  	_ =	swait.ge [sflag:s17], $0x80  }
0x28c: {  	[sflag:s17] =	ssyncset.done $0x0  }
0x28d: {  	[sflag:s17] =	ssyncadd.s32 $0xFFFFFF80  }
0x28e: {  	[spmem:s1] =	stream.indirect.scatter.add.f32 [tilespmem:s9], [sflag:$0x2], $0x1, s24, s19, $0xb8;
	[tilespmem:$0x10180] =	vst v63  }
0x28f: {  	s24 =	simm.s32 $0x7800  }
0x290: {  	_ =	swait.ge [sflag:s17], $0x80  }
0x291: {  	[sflag:s17] =	ssyncset.done $0x0  }
.Ltmp2:
0x292: {  	[sflag:s17] =	ssyncadd.s32 $0xFFFFFF80;
	(pc) =	sbr.rel @p0 .LBB2_6-.Ltmp2, $4  }
0x293: {  	[spmem:s1] =	stream.indirect.scatter.add.f32 [tilespmem:s9], [sflag:$0x2], $0x1, s25, s19, $0xb8;
	[tilespmem:$0x10180] =	vst v63  }
0x294: {  	s25 =	simm.s32 $0x7000  }
0x295: {  	s11 =	sadd.s32 $0x800, s11;
	_ =	swait.ge [sflag:s17], $0x80  }
0x296: {  	s10 =	sadd.s32 $0x800, s10;
	s14 =	smov.u32 s12;
	[sflag:s17] =	ssyncset.done $0x0  }
0x297: {  	s5 =	sshra.s32 s5, $0x2;
	[sflag:s17] =	ssyncadd.s32 $0xFFFFFF80  }
0x298: {  	[tilespmem:s20], [sflag:$0x1] =	stream.indirect.gather [hbm4b:s4+s19], $0x10, s5, s19, $0xb8;
	[tilespmem:$0x10180] =	vst v63  }
0x299: {  	s12 =	sadd.s32 $0x3400, s5  }
0x29a: {  	[tilespmem:s21], [sflag:$0x1] =	stream.indirect.gather [hbm4b:s4+s19], $0x10, s12, s19, $0xb8;
	[tilespmem:$0x10180] =	vst v63  }
0x29b: {  	s12 =	sadd.s32 $0x80, s5  }
0x29c: {  	[tilespmem:s25], [sflag:$0x1] =	stream.indirect.gather [hbm4b:s4+s19], $0x10, s12, s19, $0xb8;
	[tilespmem:$0x10180] =	vst v63  }
0x29d: {  	s13 =	sadd.s32 $0x3480, s5  }
0x29e: {  	[tilespmem:s26], [sflag:$0x1] =	stream.indirect.gather [hbm4b:s4+s19], $0x10, s13, s19, $0xb8;
	[tilespmem:$0x10180] =	vst v63  }
0x29f: {  	s13 =	sadd.s32 $0x100, s5  }
0x2a0: {  	[tilespmem:s24], [sflag:$0x1] =	stream.indirect.gather [hbm4b:s4+s19], $0x10, s13, s19, $0xb8;
	[tilespmem:$0x10180] =	vst v63  }
0x2a1: {  	s14 =	sadd.s32 $0x3500, s5  }
0x2a2: {  	[tilespmem:s29], [sflag:$0x1] =	stream.indirect.gather [hbm4b:s4+s19], $0x10, s14, s19, $0xb8;
	[tilespmem:$0x10180] =	vst v63  }
0x2a3: {  	s14 =	sadd.s32 $0x180, s5  }
0x2a4: {  	[tilespmem:s30], [sflag:$0x1] =	stream.indirect.gather [hbm4b:s4+s19], $0x10, s14, s19, $0xb8;
	[tilespmem:$0x10180] =	vst v63  }
0x2a5: {  	s15 =	sadd.s32 $0x3580, s5  }
0x2a6: {  	[tilespmem:s31], [sflag:$0x1] =	stream.indirect.gather [hbm4b:s4+s19], $0x10, s15, s19, $0xb8;
	[tilespmem:$0x10180] =	vst v63  }
0x2a7: {  	s18 =	simm.s32 $0x8800;
	s29 =	sadd.s32 $0x200, s5  }
0x2a8: {  	[tilespmem:s18], [sflag:$0x1] =	stream.indirect.gather [hbm4b:s4+s19], $0x10, s29, s19, $0xb8;
	[tilespmem:$0x10180] =	vst v63  }
0x2a9: {  	s30 =	sadd.s32 $0x3600, s5  }
0x2aa: {  	[tilespmem:s3], [sflag:$0x1] =	stream.indirect.gather [hbm4b:s4+s19], $0x10, s30, s19, $0xb8;
	[tilespmem:$0x10180] =	vst v63  }
0x2ab: {  	s31 =	sadd.s32 $0x280, s5  }
0x2ac: {  	[tilespmem:s28], [sflag:$0x1] =	stream.indirect.gather [hbm4b:s4+s19], $0x10, s31, s19, $0xb8;
	[tilespmem:$0x10180] =	vst v63  }
0x2ad: {  	s22 =	sadd.s32 $0x3680, s5  }
0x2ae: {  	[tilespmem:s6], [sflag:$0x1] =	stream.indirect.gather [hbm4b:s4+s19], $0x10, s22, s19, $0xb8;
	[tilespmem:$0x10180] =	vst v63  }
0x2af: {  	s3 =	sadd.s32 $0x300, s5  }
0x2b0: {  	[tilespmem:s7], [sflag:$0x1] =	stream.indirect.gather [hbm4b:s4+s19], $0x10, s3, s19, $0xb8;
	[tilespmem:$0x10180] =	vst v63  }
0x2b1: {  	s23 =	sadd.s32 $0x3700, s5  }
0x2b2: {  	[tilespmem:s16], [sflag:$0x1] =	stream.indirect.gather [hbm4b:s4+s19], $0x10, s23, s19, $0xb8;
	[tilespmem:$0x10180] =	vst v63  }
0x2b3: {  	s0 =	simm.s32 $0xA000;
	s6 =	sadd.s32 $0x380, s5  }
0x2b4: {  	[tilespmem:s0], [sflag:$0x1] =	stream.indirect.gather [hbm4b:s4+s19], $0x10, s6, s19, $0xb8;
	[tilespmem:$0x10180] =	vst v63  }
0x2b5: {  	s7 =	sadd.s32 $0x3780, s5;
	s16 =	simm.s32 $0xE000  }
0x2b6: {  	[tilespmem:s16], [sflag:$0x1] =	stream.indirect.gather [hbm4b:s4+s19], $0x10, s7, s19, $0xb8;
	[tilespmem:$0x10180] =	vst v63  }
0x2b7: {  	_ =	swait.ge [sflag:s8], $0x800  }
0x2b8: {  	[sflag:s8] =	ssyncset.done $0x0  }
0x2b9: {  	[sflag:s8] =	ssyncadd.s32 $0xFFFFF800  }
0x2ba: {  	_ =	swait.ge [sflag:s8], $0x800  }
0x2bb: {  	[sflag:s8] =	ssyncset.done $0x0  }
0x2bc: {  	[sflag:s8] =	ssyncadd.s32 $0xFFFFF800  }
0x2bd: {  	_ =	swait.ge [sflag:s8], $0x800  }
0x2be: {  	[sflag:s8] =	ssyncset.done $0x0  }
0x2bf: {  	[sflag:s8] =	ssyncadd.s32 $0xFFFFF800  }
0x2c0: {  	_ =	swait.ge [sflag:s8], $0x800  }
0x2c1: {  	[sflag:s8] =	ssyncset.done $0x0  }
0x2c2: {  	[sflag:s8] =	ssyncadd.s32 $0xFFFFF800  }
0x2c3: {  	_ =	swait.ge [sflag:s8], $0x800  }
0x2c4: {  	[sflag:s8] =	ssyncset.done $0x0  }
0x2c5: {  	[sflag:s8] =	ssyncadd.s32 $0xFFFFF800  }
0x2c6: {  	_ =	swait.ge [sflag:s8], $0x800  }
0x2c7: {  	[sflag:s8] =	ssyncset.done $0x0  }
0x2c8: {  	[sflag:s8] =	ssyncadd.s32 $0xFFFFF800  }
0x2c9: {  	_ =	swait.ge [sflag:s8], $0x800  }
0x2ca: {  	[sflag:s8] =	ssyncset.done $0x0  }
0x2cb: {  	[sflag:s8] =	ssyncadd.s32 $0xFFFFF800  }
0x2cc: {  	_ =	swait.ge [sflag:s8], $0x800  }
0x2cd: {  	[sflag:s8] =	ssyncset.done $0x0  }
0x2ce: {  	[sflag:s8] =	ssyncadd.s32 $0xFFFFF800  }
0x2cf: {  	_ =	swait.ge [sflag:s8], $0x800  }
0x2d0: {  	[sflag:s8] =	ssyncset.done $0x0  }
0x2d1: {  	[sflag:s8] =	ssyncadd.s32 $0xFFFFF800  }
0x2d2: {  	_ =	swait.ge [sflag:s8], $0x800  }
0x2d3: {  	[sflag:s8] =	ssyncset.done $0x0  }
0x2d4: {  	[sflag:s8] =	ssyncadd.s32 $0xFFFFF800  }
0x2d5: {  	_ =	swait.ge [sflag:s8], $0x800  }
0x2d6: {  	[sflag:s8] =	ssyncset.done $0x0  }
0x2d7: {  	[sflag:s8] =	ssyncadd.s32 $0xFFFFF800  }
0x2d8: {  	_ =	swait.ge [sflag:s8], $0x800  }
0x2d9: {  	[sflag:s8] =	ssyncset.done $0x0  }
0x2da: {  	[sflag:s8] =	ssyncadd.s32 $0xFFFFF800  }
0x2db: {  	_ =	swait.ge [sflag:s8], $0x800  }
0x2dc: {  	[sflag:s8] =	ssyncset.done $0x0  }
0x2dd: {  	[sflag:s8] =	ssyncadd.s32 $0xFFFFF800  }
0x2de: {  	_ =	swait.ge [sflag:s8], $0x800  }
0x2df: {  	[sflag:s8] =	ssyncset.done $0x0  }
0x2e0: {  	[sflag:s8] =	ssyncadd.s32 $0xFFFFF800  }
0x2e1: {  	_ =	swait.ge [sflag:s8], $0x800  }
0x2e2: {  	[sflag:s8] =	ssyncset.done $0x0  }
0x2e3: {  	[sflag:s8] =	ssyncadd.s32 $0xFFFFF800  }
0x2e4: {  	_ =	swait.ge [sflag:s8], $0x800  }
0x2e5: {  	[sflag:s8] =	ssyncset.done $0x0  }
0x2e6: {  	[sflag:s8] =	ssyncadd.s32 $0xFFFFF800  }
0x2e7: {  	[hbm4b:s11+s2] =	stream.linear.scatter [tilespmem:s20], [sflag:$0x2], $0x4000, $0x38;
	[tilespmem:$0x10180] =	vst v63  }
0x2e8: {  	_ =	swait.ge [sflag:s17], $0x4000  }
0x2e9: {  	[sflag:s17] =	ssyncset.done $0x0  }
0x2ea: {  	[sflag:s17] =	ssyncadd.s32 $0xFFFFC000  }
0x2eb: {  	[hbm4b:s10+s2] =	stream.linear.scatter [tilespmem:s21], [sflag:$0x2], $0x4000, $0x38;
	[tilespmem:$0x10180] =	vst v63  }
0x2ec: {  	_ =	swait.ge [sflag:s17], $0x4000  }
0x2ed: {  	[sflag:s17] =	ssyncset.done $0x0  }
0x2ee: {  	[sflag:s17] =	ssyncadd.s32 $0xFFFFC000  }
0x2ef: {  	[spmem:s1] =	stream.indirect.scatter.add.f32 [tilespmem:s9], [sflag:$0x2], $0x1, s5, s19, $0xb8;
	[tilespmem:$0x10180] =	vst v63  }
0x2f0: {  	_ =	swait.ge [sflag:s17], $0x80  }
0x2f1: {  	[sflag:s17] =	ssyncset.done $0x0  }
0x2f2: {  	[sflag:s17] =	ssyncadd.s32 $0xFFFFFF80  }
0x2f3: {  	[spmem:s1] =	stream.indirect.scatter.add.f32 [tilespmem:s9], [sflag:$0x2], $0x1, s12, s19, $0xb8;
	[tilespmem:$0x10180] =	vst v63  }
0x2f4: {  	_ =	swait.ge [sflag:s17], $0x80  }
0x2f5: {  	[sflag:s17] =	ssyncset.done $0x0  }
0x2f6: {  	[sflag:s17] =	ssyncadd.s32 $0xFFFFFF80  }
0x2f7: {  	[spmem:s1] =	stream.indirect.scatter.add.f32 [tilespmem:s9], [sflag:$0x2], $0x1, s13, s19, $0xb8;
	[tilespmem:$0x10180] =	vst v63  }
0x2f8: {  	_ =	swait.ge [sflag:s17], $0x80  }
0x2f9: {  	[sflag:s17] =	ssyncset.done $0x0  }
0x2fa: {  	[sflag:s17] =	ssyncadd.s32 $0xFFFFFF80  }
0x2fb: {  	[spmem:s1] =	stream.indirect.scatter.add.f32 [tilespmem:s9], [sflag:$0x2], $0x1, s14, s19, $0xb8;
	[tilespmem:$0x10180] =	vst v63  }
0x2fc: {  	_ =	swait.ge [sflag:s17], $0x80  }
0x2fd: {  	[sflag:s17] =	ssyncset.done $0x0  }
0x2fe: {  	[sflag:s17] =	ssyncadd.s32 $0xFFFFFF80  }
0x2ff: {  	[spmem:s1] =	stream.indirect.scatter.add.f32 [tilespmem:s9], [sflag:$0x2], $0x1, s29, s19, $0xb8;
	[tilespmem:$0x10180] =	vst v63  }
0x300: {  	_ =	swait.ge [sflag:s17], $0x80  }
0x301: {  	[sflag:s17] =	ssyncset.done $0x0  }
0x302: {  	[sflag:s17] =	ssyncadd.s32 $0xFFFFFF80  }
0x303: {  	[spmem:s1] =	stream.indirect.scatter.add.f32 [tilespmem:s9], [sflag:$0x2], $0x1, s31, s19, $0xb8;
	[tilespmem:$0x10180] =	vst v63  }
0x304: {  	_ =	swait.ge [sflag:s17], $0x80  }
0x305: {  	[sflag:s17] =	ssyncset.done $0x0  }
0x306: {  	[sflag:s17] =	ssyncadd.s32 $0xFFFFFF80  }
0x307: {  	[spmem:s1] =	stream.indirect.scatter.add.f32 [tilespmem:s9], [sflag:$0x2], $0x1, s3, s19, $0xb8;
	[tilespmem:$0x10180] =	vst v63  }
0x308: {  	_ =	swait.ge [sflag:s17], $0x80  }
0x309: {  	[sflag:s17] =	ssyncset.done $0x0  }
0x30a: {  	[sflag:s17] =	ssyncadd.s32 $0xFFFFFF80  }
0x30b: {  	[spmem:s1] =	stream.indirect.scatter.add.f32 [tilespmem:s9], [sflag:$0x2], $0x1, s6, s19, $0xb8;
	[tilespmem:$0x10180] =	vst v63  }
0x30c: {  	_ =	swait.ge [sflag:s17], $0x80  }
0x30d: {  	[sflag:s17] =	ssyncset.done $0x0  }
0x30e: {  	[sflag:s17] =	ssyncadd.s32 $0xFFFFFF80  }
0x30f: {  	s24 =	stileid.u32;
	[bflag:$0x0] =	sbarrier.arrive $0xFFFF  }
0x310: {  	s5 =	sshll.u32 s24, $0x6;
	s15 =	rddreg [dreg:$0x4]  }
0x311: {  	s5 =	sor.u32 $0x1C02, s5;
	s29 =	rddreg [dreg:$0x9];
	s28 =	sshrl.u32 s15, $0x3  }
0x312: {  	[hbm:s29], [sflag:s5] =	dma.local [spmem:s28], $0x190  }
0x313: {  	_ =	swait.ge [sflag:s17], $0x190  }
0x314: {  	s30 =	rddreg [dreg:$0xf]  }
0x315: {  	s31 =	rddreg [dreg:$0xa];
	s0 =	sadd.s32 $0x1, s30  }
0x316: {  	p0 =	sne.s32 s0, s31  }
.Ltmp3:
0x317: {  	_ = 	snop;
	(pc) =	sbr.rel @p0 .LBB2_1-.Ltmp3, $3  }
0x318: {  	_ =	sdelay $0x1  }
0x319: {  	[sflag:s17] =	ssyncset.done $0x0  }
0x31a: {  	[sflag:s17] =	ssyncadd.s32 $0xFFFFFE70  }
0x31b: {  	_ =	sfence.sel $0x180000  }
0x31c: {  	[bflag:$0x0] =	sbarrier.arrive $0xFFFF  }
0x31d: {  	_ =	strace $0x90000047  }
0x31e: {  	s0 =	stileid.u32;
	[bflag:$0x2] =	sbarrier.arrive $0xFFFF  }
0x31f: {  	p0 =	sne.s32 s0, $0x0;
	s0 =	rddreg [dreg:$0x3]  }
0x320: {  	s0 =	sadd.s32 @!p0 $0x100000, s0  }
0x321: {  	[sflag:s0] =	ssyncadd.tile.s32 @!p0 $0x1;
	_ =	shalt  }
.Lfunc_end2:
_tile_overlayer_lowered:
.L_overlay_start_2:
0x322: {  	(tag) =	ssettag $0x2  }
0x323: {  	s0 =	rddreg [dreg:$0x0];
	s2 =	stileid.u32  }
0x324: {  	s1 =	rddreg [dreg:$0x1];
	p0 =	sne.s32 s2, $0x0  }
0x325: {  	s3 =	rddreg [dreg:$0x2];
	[bflag:$0x3] =	sbarrier.arrive $0xFFFF;
	s2 =	simm.s32 @!p0 $0x1C02  }
0x326: {  	[timem:s3], [sflag:s2] =	dma.local @!p0 [hbm:s0], s1  }
0x327: {  	s0 =	simm.s32 @!p0 $0x2  }
0x328: {  	_ =	swait.ge @!p0 [sflag:s0], s1  }
0x329: {  	s1 =	ssub.s32 @!p0 $0x0, s1;
	[sflag:s0] =	ssyncset.done @!p0 $0x0  }
0x32a: {  	[sflag:s0] =	ssyncadd.s32 @!p0 s1  }
0x32b: {  	[bflag:$0x3] =	sbarrier.arrive $0xFFFF  }
0x32c: {  	_ =	shalt  }

// kernel: sparse-core-data-format-call.cloned.1.call-start
scs
called_computation_lowered:
.L_overlay_start_0:
0x0: {  	s1 =	sld [smem:$0x3FD9]  }
0x1: {  	s2 =	sld [smem:$0x3FFE];
	_ =	sdelay $0x1  }
0x2: {  	s3 =	srdreg.scid  }
0x3: {  	s0 =	sand.u32 $0x1, s3  }
0x4: {  	s17 =	sshll.u32 s0, $0xA;
	s1 =	sadd.s32 s2, s1  }
0x5: {  	s1 =	sadd.s32 s1, s17  }
0x6: {  	[smem:$0x3FB5] =	sst s1  }
0x7: {  	_ = 	snop  }
0x8: {  	(tm) =	ssettm $0x1  }
0x9: {  	s18 =	sld [smem:$0x3FFB];
	_ =	sdelay $0x3  }
0xa: {  	_ =	strace s18  }
0xb: {  	s1 =	sld [smem:$0x3FFC];
	_ =	sdelay $0x3  }
0xc: {  	_ =	strace s1  }
0xd: {  	s1 =	sld [smem:$0x3FFD];
	_ =	sdelay $0x3  }
0xe: {  	_ =	strace s1  }
0xf: {  	_ =	strace $0x8FFFFFFF  }
0x10: {  	s19 =	sld [smem:$0x3FDB];
	_ =	sdelay $0x1  }
0x11: {  	s20 =	simm.s32 $_scs_section_size  }
0x12: {  	s4 =	simm.s32 $_size__tile_overlayer_lowered;
	s5 =	simm.s32 $_tile_overlayer_lowered  }
0x13: {  	s23 =	simm.s32 $0x1BFF;
	s22 =	sshll.u32 s5, $0x1;
	s1 =	sadd.s32 s20, s19  }
0x14: {  	s6 =	simm.s32 $0x0;
	s21 =	sshll.u32 s4, $0x1;
	s4 =	sadd.s32 s22, s1  }
0x15: {  	[timem:s6], [sflag:s23] =	dma.local [hbm:s4], s21  }
0x16: {  	_ =	swait.ge [sflag:s23], s21  }
0x17: {  	s2 =	ssub.s32 $0x0, s21;
	[sflag:s23] =	ssyncset.done $0x0  }
0x18: {  	[sflag:s23] =	ssyncadd.s32 s2;
	_ =	sdelay $0x1  }
0x19: {  	s24 =	simm.s32 $0x1B8B  }
0x1a: {  	_ =	swait.ge [sflag:s24], $0x1  }
0x1b: {  	[sflag:s24] =	ssyncset.done $0x0  }
0x1c: {  	s26 =	simm.s32 $0x1B8E;
	s25 =	sld [smem:$0x3FFE];
	[sflag:s24] =	ssyncadd.s32 $0xFFFFFFFF  }
0x1d: {  	s27 =	simm.s32 $execute0_lowered;
	[smem:$0x3FD2] =	sst s26  }
0x1e: {  	s4 =	sshll.u32 s27, $0x1;
	_ =	strace $0x80000049;
	[dreg:$0x1] =	wrdreg $0xFFFFFFFF  }
0x1f: {  	s28 =	simm.s32 $_size_execute0_lowered;
	s1 =	sadd.s32 s1, s4;
	[dreg:$0x0] =	wrdreg $0x0  }
0x20: {  	s4 =	sshll.u32 s28, $0x1;
	[dreg:$0x2] =	wrdreg s1  }
0x21: {  	[dreg:$0x3] =	wrdreg s4  }
0x22: {  	[dreg:$0x4] =	wrdreg $0xC0  }
0x23: {  	_ =	task [dreg:s6], $0x5FFFF  }
0x24: {  	[dreg:$0x1] =	wrdreg $0xFFFFFFFF  }
0x25: {  	[dreg:$0x0] =	wrdreg $0x60  }
0x26: {  	[dreg:$0x2] =	wrdreg s25  }
0x27: {  	[dreg:$0x3] =	wrdreg $0x9  }
0x28: {  	_ =	task.clear_ibuf [dreg:s6], $0x4FFFF;
	_ =	strace $0x90000049  }
0x29: {  	s29 =	simm.s32 $0x9;
	_ =	strace $0x8000004B  }
0x2a: {  	_ =	swait.ge [sflag:s29], $0x1  }
0x2b: {  	[sflag:s29] =	ssyncadd.s32 $0xFFFFFFFF  }
0x2c: {  	_ =	strace $0x9000004B  }
0x2d: {  	_ =	sfence  }
0x2e: {  	s30 =	sld [smem:$0x0];
	_ =	sdelay $0x2  }
0x2f: {  	s31 =	sshll.u32 s3, $0xD;
	s3 =	sshrl.u32 s3, $0x2  }
0x30: {  	s2 =	sand.u32 $0x4000, s31;
	s1 =	sadd.s32 s3, s30  }
0x31: {  	s0 =	sor.u32 s2, s0;
	s1 =	sshll.u32 s1, $0x11  }
0x32: {  	s0 =	sor.u32 s1, s0  }
0x33: {  	s0 =	sadd.s32 $0x8F2B, s0  }
0x34: {  	[sflag:s0] =	ssyncadd.remote.s32 $0x1  }
0x35: {  	_ =	sfence.sel $0xFFFF  }
0x36: {  	[dreg:$0x0] =	wrdreg $0xFFFFFFFF;
	(pc) =	sbr.abs _section_cstart, $3  }
0x37: {  	[dreg:$0x1] =	wrdreg $0xFFFFFFFF  }
0x38: {  	_ =	task.clear_ibuf [dreg:s6], $0x2FFFF;
	_ =	strace $0x9FFFFFFF  }
0x39: {  	(tm) =	ssettm $0x7FFFFFFF  }
tec
execute0_lowered:
.L_overlay_start_1:
0x0: {  	(tag) =	ssettag $0x1  }
0x1: {  	s0 =	srdreg.scid  }
0x2: {  	s1 =	sshll.u32 s0, $0x4  }
0x3: {  	s4 =	rddreg [dreg:$0x0];
	s0 =	stileid.u32;
	s1 =	sand.u32 $0x10, s1  }
0x4: {  	s7 =	simm.s32 $0x1;
	s8 =	simm.s32 $0x2;
	s2 =	sor.u32 s0, s1  }
0x5: {  	s9 =	simm.s32 $0x0;
	s12 =	simm.s32 $0x0;
	s2 =	sshll.u32 s2, $0x4  }
0x6: {  	s11 =	simm.s32 $0x0;
	s3 =	sadd.s32 $0x1248E00, s4;
	s6 =	ssub.s32 $0x19000, s2  }
.Ltmp0:
0x7: {  	s4 =	sadd.s32 $0x1EC8E00, s4;
	s5 =	sand.u32 $0x1F0, s6;
	(pc) =	sbr.rel .LBB1_1-.Ltmp0, $4  }
0x8: {  	s1 =	rddreg [dreg:$0x1];
	_ =	strace $0x8000004A;
	p0 =	sne.s32 s5, $0x0  }
0x9: {  	s6 =	sshrl.u32 s6, $0x9;
	s5 =	simm.s32 $0x1;
	s7 =	simm.s32 @!p0 $0x0  }
0xa: {  	s10 =	smov.u32 s2;
	[sflag:s5] =	ssyncpa.u1 $0x0;
	s6 =	sadd.s32 s7, s6  }
0xb: {  	[sflag:s8] =	ssyncpa.u1 $0x0;
	s8 =	simm.s32 $0x0;
	s7 =	sadd.s32 $0x1, s6  }
.LBB1_7:
0xc: {  	s14 =	sadd.s32 $0x200, s10  }
0xd: {  	p1 =	sgt.s32 s14, $0x18FFF  }
0xe: {  	s14 =	smov.u32 @p1 s2;
	p1 =	sne.s32 s11, s7  }
.Ltmp1:
0xf: {  	p0 =	slt.u32 s11, $0x2;
	(pc) =	sbr.rel @!p1 .LBB1_8-.Ltmp1, $4  }
0x10: {  	s13 =	simm.s32 @!p0 $0x2  }
0x11: {  	s15 =	sadd.s32 $0x1, s11;
	_ =	swait.ge @!p0 [sflag:s13], $0x4000  }
0x12: {  	s12 =	smov.u32 s10;
	s9 =	sadd.s32 $0x8000, s9;
	[sflag:s13] =	ssyncset.done @!p0 $0x0  }
0x13: {  	s11 =	smov.u32 s15;
	s10 =	smov.u32 s14;
	[sflag:s13] =	ssyncadd.s32 @!p0 $0xFFFFC000  }
.LBB1_1:
0x14: {  	p0 =	sge.u32 s11, s6  }
0x15: {  	s13 =	sxor.u32 @!p0 $0xFFFFFFFF, s11  }
0x16: {  	s31 =	sadd.s32 $0xFFFFFFFF, s11;
	s14 =	sshll.u32 @!p0 s10, $0x7;
	s13 =	sshll.u32 @!p0 s13, $0xE  }
0x17: {  	s15 =	simm.s32 @!p0 $0x0;
	s14 =	sadd.s32 @!p0 s3, s14;
	s13 =	sand.u32 @!p0 $0x4000, s13  }
0x18: {  	[tilespmem:s13], [sflag:$0x1] =	stream.linear.gather @!p0 [hbm4b:s14+s15], $0x4000, $0x38;
	[tilespmem:$0x10000] =	vst v63  }
0x19: {  	p0 =	sge.u32 s31, s6  }
.Ltmp2:
0x1a: {  	_ = 	snop;
	(pc) =	sbr.rel @p0 .LBB1_7-.Ltmp2, $1  }
0x1b: {  	_ =	sdelay $0x3  }
0x1c: {  	s13 =	sshrl.u32 s9, $0x1;
	_ =	swait.ge [sflag:s5], $0x4000  }
0x1d: {  	s15 =	sshll.u32 s11, $0xE;
	s16 =	simm.s32 $0x0;
	s14 =	sand.u32 $0x4000, s13  }
0x1e: {  	[sflag:s5] =	ssyncset.done $0x0;
	s15 =	sand.u32 $0x4000, s15;
	s13 =	sor.u32 $0x200, s14  }
0x1f: {  	s14 =	sor.u32 $0x8080, s14;
	[sflag:s5] =	ssyncadd.s32 $0xFFFFC000;
	s15 =	sor.u32 $0x8000, s15  }
.LBB1_3:
0x20: {  	v0 =	vld [tilespmem:s13+$0xFFFFFE70]  }
0x21: {  	v1 =	vld [tilespmem:s13+$0x70]  }
0x22: {  	v2 =	vld [tilespmem:s13+$0x0]  }
0x23: {  	v3 =	vld [tilespmem:s13+$0xFFFFFE10]  }
0x24: {  	v4 =	vld [tilespmem:s13+$0x10]  }
0x25: {  	v5 =	vld [tilespmem:s13+$0xFFFFFE20]  }
0x26: {  	v7 =	vld [tilespmem:s13+$0x20]  }
0x27: {  	v11 =	vld [tilespmem:s13+$0x30];
	v6 =	vunpack.i.l.s16.s32 v0;
	v8 =	vunpack.i.u.s16.s32 v0;
	v9 =	vunpack.i.u.s16.s32 v1  }
0x28: {  	v10 =	vunpack.i.l.s16.s32 v1;
	v0 =	vunpack.i.u.s16.s32 v2;
	v1 =	vunpack.i.l.s16.s32 v2;
	v2 =	vld [tilespmem:s13+$0xFFFFFE30]  }
0x29: {  	v8 =	vpack.i.b32.b16 v9, v8;
	v9 =	vunpack.i.u.s16.s32 v3;
	v3 =	vunpack.i.l.s16.s32 v3  }
0x2a: {  	v12 =	vld [tilespmem:s13+$0xFFFFFE40];
	v6 =	vpack.i.b32.b16 v10, v6;
	[tilespmem:s14+$0x70] =	vst v8;
	v8 =	vunpack.i.u.s16.s32 v4;
	v4 =	vunpack.i.l.s16.s32 v4  }
0x2b: {  	v13 =	vld [tilespmem:s13+$0x40];
	v10 =	vunpack.i.u.s16.s32 v5;
	v5 =	vunpack.i.l.s16.s32 v5;
	[tilespmem:s14+$0xFFFFFFF0] =	vst v6;
	v3 =	vpack.i.b32.b16 v4, v3  }
0x2c: {  	v6 =	vunpack.i.l.s16.s32 v7;
	v4 =	vld [tilespmem:s13+$0xFFFFFE50];
	[tilespmem:s14+$0xFFFFFF90] =	vst v3;
	v3 =	vpack.i.b32.b16 v8, v9;
	v8 =	vunpack.i.u.s16.s32 v7  }
0x2d: {  	v7 =	vunpack.i.l.s16.s32 v11;
	[tilespmem:s14+$0x10] =	vst v3;
	v3 =	vpack.i.b32.b16 v6, v5;
	v9 =	vunpack.i.u.s16.s32 v2;
	v6 =	vld [tilespmem:s13+$0x50]  }
0x2e: {  	v5 =	vunpack.i.l.s16.s32 v2;
	v2 =	vld [tilespmem:s13+$0xFFFFFE60];
	[tilespmem:s14+$0xFFFFFFA0] =	vst v3;
	v3 =	vpack.i.b32.b16 v8, v10;
	v10 =	vunpack.i.u.s16.s32 v11  }
0x2f: {  	s19 =	simm.s32 $0x0;
	v11 =	vpack.i.b32.b16 v7, v5;
	v7 =	vunpack.i.u.s16.s32 v12;
	v8 =	vunpack.i.l.s16.s32 v12;
	[tilespmem:s14+$0x20] =	vst v3;
	v3 =	vld [tilespmem:s13+$0x60]  }
0x30: {  	s20 =	sadd.s32 $0x80, s13;
	s18 =	smov.u32 s14;
	s17 =	smov.u32 s14;
	v5 =	vld [tilespmem:s13+$0xFFFFFE00];
	[tilespmem:s14+$0xFFFFFFB0] =	vst v11;
	v10 =	vpack.i.b32.b16 v10, v9;
	v9 =	vunpack.i.u.s16.s32 v13;
	v11 =	vunpack.i.l.s16.s32 v13  }
.LBB1_4:
0x31: {  	v12 =	vld [tilespmem:s20+$0xFFFFFE70];
	[tilespmem:s18+$0x30] =	vst v10;
	v8 =	vpack.i.b32.b16 v11, v8;
	v10 =	vunpack.i.u.s16.s32 v4;
	v4 =	vunpack.i.l.s16.s32 v4  }
0x32: {  	s19 =	sadd.s32 $0x2, s19;
	v7 =	vpack.i.b32.b16 v9, v7;
	v11 =	vld [tilespmem:s20+$0x70];
	[tilespmem:s18+$0xFFFFFFC0] =	vst v8;
	v8 =	vunpack.i.u.s16.s32 v6;
	v6 =	vunpack.i.l.s16.s32 v6  }
0x33: {  	p0 =	slt.u32 s19, $0x6;
	v9 =	vld [tilespmem:s20+$0x0];
	[tilespmem:s18+$0x40] =	vst v7;
	v4 =	vpack.i.b32.b16 v6, v4;
	v6 =	vunpack.i.u.s16.s32 v2;
	v2 =	vunpack.i.l.s16.s32 v2  }
0x34: {  	v7 =	vld [tilespmem:s20+$0xFFFFFE10];
	[tilespmem:s18+$0xFFFFFFD0] =	vst v4;
	v4 =	vpack.i.b32.b16 v8, v10;
	v8 =	vunpack.i.u.s16.s32 v3;
	v3 =	vunpack.i.l.s16.s32 v3  }
0x35: {  	v10 =	vld [tilespmem:s20+$0x10];
	v13 =	vunpack.i.u.s16.s32 v5;
	v5 =	vunpack.i.l.s16.s32 v5;
	[tilespmem:s18+$0x50] =	vst v4;
	v2 =	vpack.i.b32.b16 v3, v2  }
0x36: {  	v3 =	vld [tilespmem:s20+$0xFFFFFE20];
	v4 =	vunpack.i.l.s16.s32 v12;
	v1 =	vpack.i.b32.b16 v1, v5;
	v5 =	vpack.i.b32.b16 v0, v13;
	[tilespmem:s18+$0xFFFFFFE0] =	vst v2  }
0x37: {  	v12 =	vunpack.i.u.s16.s32 v12;
	v2 =	vld [tilespmem:s20+$0x20];
	v13 =	vunpack.i.u.s16.s32 v11;
	v11 =	vunpack.i.l.s16.s32 v11;
	[tilespmem:s18+$0xFFFFFF80] =	vst v1  }
0x38: {  	s18 =	sadd.s32 $0x100, s18;
	v0 =	vunpack.i.u.s16.s32 v9;
	v1 =	vunpack.i.l.s16.s32 v9;
	v9 =	vld [tilespmem:s20+$0xFFFFFE30];
	v12 =	vpack.i.b32.b16 v13, v12;
	[tilespmem:s17+$0x0] =	vst v5  }
0x39: {  	v6 =	vpack.i.b32.b16 v8, v6;
	v5 =	vunpack.i.u.s16.s32 v7;
	v7 =	vunpack.i.l.s16.s32 v7;
	v13 =	vld [tilespmem:s20+$0x30];
	[tilespmem:s18+$0x70] =	vst v12  }
0x3a: {  	v4 =	vpack.i.b32.b16 v11, v4;
	v8 =	vunpack.i.u.s16.s32 v10;
	v10 =	vunpack.i.l.s16.s32 v10;
	v12 =	vld [tilespmem:s20+$0xFFFFFE40];
	[tilespmem:s17+$0x60] =	vst v6;
	s17 =	smov.u32 s18  }
0x3b: {  	v6 =	vpack.i.b32.b16 v10, v7;
	v7 =	vunpack.i.u.s16.s32 v3;
	v3 =	vunpack.i.l.s16.s32 v3;
	v11 =	vld [tilespmem:s20+$0x40];
	[tilespmem:s18+$0xFFFFFFF0] =	vst v4  }
.Ltmp3:
0x3c: {  	v5 =	vpack.i.b32.b16 v8, v5;
	[tilespmem:s18+$0xFFFFFF90] =	vst v6;
	v8 =	vunpack.i.u.s16.s32 v2;
	v2 =	vunpack.i.l.s16.s32 v2;
	v4 =	vld [tilespmem:s20+$0xFFFFFE50];
	(pc) =	sbr.rel @p0 .LBB1_4-.Ltmp3, $4  }
0x3d: {  	[tilespmem:s18+$0x10] =	vst v5;
	v2 =	vpack.i.b32.b16 v2, v3;
	v10 =	vunpack.i.u.s16.s32 v9;
	v3 =	vunpack.i.l.s16.s32 v9;
	v6 =	vld [tilespmem:s20+$0x50]  }
0x3e: {  	v5 =	vpack.i.b32.b16 v8, v7;
	[tilespmem:s18+$0xFFFFFFA0] =	vst v2;
	v9 =	vunpack.i.u.s16.s32 v13;
	v7 =	vunpack.i.l.s16.s32 v13;
	v2 =	vld [tilespmem:s20+$0xFFFFFE60]  }
0x3f: {  	[tilespmem:s18+$0x20] =	vst v5;
	v13 =	vpack.i.b32.b16 v7, v3;
	v7 =	vunpack.i.u.s16.s32 v12;
	v8 =	vunpack.i.l.s16.s32 v12;
	v3 =	vld [tilespmem:s20+$0x60]  }
0x40: {  	v10 =	vpack.i.b32.b16 v9, v10;
	v5 =	vld [tilespmem:s20+$0xFFFFFE00];
	[tilespmem:s18+$0xFFFFFFB0] =	vst v13;
	v9 =	vunpack.i.u.s16.s32 v11;
	v11 =	vunpack.i.l.s16.s32 v11;
	s20 =	sadd.s32 $0x80, s20  }
0x41: {  	[tilespmem:s18+$0x30] =	vst v10;
	v8 =	vpack.i.b32.b16 v11, v8  }
0x42: {  	v51 =	vunpack.i.l.s16.s32 v4;
	v7 =	vpack.i.b32.b16 v9, v7;
	[tilespmem:s18+$0xFFFFFFC0] =	vst v8;
	v52 =	vunpack.i.l.s16.s32 v6  }
0x43: {  	v53 =	vunpack.i.u.s16.s32 v4;
	s16 =	sadd.s32 $0x1, s16;
	v54 =	vunpack.i.u.s16.s32 v6;
	[tilespmem:s18+$0x40] =	vst v7;
	v55 =	vpack.i.b32.b16 v52, v51  }
0x44: {  	p0 =	sne.s32 s16, $0x10;
	v56 =	vunpack.i.l.s16.s32 v2;
	v4 =	vpack.i.b32.b16 v54, v53;
	[tilespmem:s18+$0xFFFFFFD0] =	vst v55;
	v57 =	vunpack.i.l.s16.s32 v3  }
.Ltmp4:
0x45: {  	[tilespmem:s18+$0x50] =	vst v4;
	v58 =	vunpack.i.l.s16.s32 v5;
	v59 =	vpack.i.b32.b16 v57, v56;
	(pc) =	sbr.rel @p0 .LBB1_3-.Ltmp4, $4  }
0x46: {  	v61 =	vunpack.i.u.s16.s32 v2;
	v62 =	vunpack.i.u.s16.s32 v3;
	v1 =	vpack.i.b32.b16 v1, v58;
	[tilespmem:s18+$0xFFFFFFE0] =	vst v59  }
0x47: {  	v60 =	vunpack.i.u.s16.s32 v5;
	v63 =	vpack.i.b32.b16 v62, v61;
	[tilespmem:s18+$0xFFFFFF80] =	vst v1  }
0x48: {  	v0 =	vpack.i.b32.b16 v0, v60;
	[tilespmem:s17+$0x60] =	vst v63  }
0x49: {  	s13 =	sadd.s32 $0x400, s13;
	s14 =	sadd.s32 $0x400, s14;
	[tilespmem:s17+$0x0] =	vst v0  }
.Ltmp5:
0x4a: {  	(pc) =	sbr.rel .LBB1_7-.Ltmp5, $4  }
0x4b: {  	_ = 	snop  }
0x4c: {  	s12 =	sshll.u32 s12, $0x7  }
0x4d: {  	s12 =	sadd.s32 s4, s12  }
0x4e: {  	[hbm4b:s12+s8] =	stream.linear.scatter [tilespmem:s15], [sflag:$0x2], $0x4000, $0x38;
	[tilespmem:$0x10000] =	vst v63  }
.LBB1_8:
0x4f: {  	_ =	sfence.sel $0x180000  }
0x50: {  	s2 =	simm.s32 $0x1;
	[bflag:$0x0] =	sbarrier.arrive $0xFFFF  }
0x51: {  	s31 =	simm.s32 $0x2;
	[sflag:s2] =	ssyncpa.u1 $0x1  }
0x52: {  	[sflag:s31] =	ssyncpa.u1 $0x1  }
0x53: {  	p0 =	sne.s32 s0, $0x0;
	_ =	strace $0x9000004A  }
0x54: {  	s0 =	sadd.s32 @!p0 $0x100000, s1;
	[bflag:$0x2] =	sbarrier.arrive $0xFFFF  }
0x55: {  	[sflag:s0] =	ssyncadd.tile.s32 @!p0 $0x1;
	_ =	shalt  }
.Lfunc_end1:
_tile_overlayer_lowered:
.L_overlay_start_2:
0x56: {  	(tag) =	ssettag $0x2  }
0x57: {  	s0 =	rddreg [dreg:$0x0];
	s2 =	stileid.u32  }
0x58: {  	s1 =	rddreg [dreg:$0x1];
	p0 =	sne.s32 s2, $0x0  }
0x59: {  	s3 =	rddreg [dreg:$0x2];
	[bflag:$0x3] =	sbarrier.arrive $0xFFFF;
	s2 =	simm.s32 @!p0 $0x1C01  }
0x5a: {  	[timem:s3], [sflag:s2] =	dma.local @!p0 [hbm:s0], s1  }
0x5b: {  	s0 =	simm.s32 @!p0 $0x1  }
0x5c: {  	_ =	swait.ge @!p0 [sflag:s0], s1  }
0x5d: {  	s1 =	ssub.s32 @!p0 $0x0, s1;
	[sflag:s0] =	ssyncset.done @!p0 $0x0  }
0x5e: {  	[sflag:s0] =	ssyncadd.s32 @!p0 s1  }
0x5f: {  	[bflag:$0x3] =	sbarrier.arrive $0xFFFF  }
0x60: {  	_ =	shalt  }

</sc_bundles>
